<compile_context>
chip_gen: v7x
topology: tpu7x:2x2x1
jax: 0.10.2.dev20260603
libtpu: 0.0.44.dev20260713+nightly
codegen_flags: <defaults>
</compile_context>

<pallas_src>
import functools

import jax
import jax.numpy as jnp
from jax import lax
from jax.experimental import pallas as pl
from jax.experimental.pallas import tpu as pltpu
from jax.experimental.pallas import tpu_sc as plsc

_K = 1024
_C = 64
_N = 16384
_COMMIT = 0.25

_BLK = 4096
_NB = _N // _BLK
_R = 128

_NC = 2
_NS = 16
_NW = _NC * _NS
_BPW = _N // _NW
_CHUNK = 128
_NCHUNK = _BPW // _CHUNK

_CPAD = 128


def _dist_kernel(flat_ref, w_ref, sw_ref, idx_ref, loss_ref):
    flat = flat_ref[:]
    sx = jnp.sum(flat ** 2, axis=1, keepdims=True)
    m = lax.dot_general(flat * 2.0, w_ref[:], (((1,), (1,)), ((), ())),
                        preferred_element_type=jnp.float32)
    kio = lax.broadcasted_iota(jnp.int32, (_R, 128), 1)
    kios = [kio + c * 128 for c in range(_K // 128)]
    total = jnp.float32(0.0)
    for r0 in range(0, _BLK, _R):
        sxr = jnp.broadcast_to(sx[r0:r0 + _R], (_R, 128))
        mv = sxr - m[r0:r0 + _R, 0:128] + sw_ref[:, 0:128]
        mi = kios[0]
        for c in range(1, _K // 128):
            d = sxr - m[r0:r0 + _R, c * 128:(c + 1) * 128] \
                + sw_ref[:, c * 128:(c + 1) * 128]
            lt = d < mv
            mv = jnp.where(lt, d, mv)
            mi = jnp.where(lt, kios[c], mi)
        dmin = jnp.min(mv, axis=1, keepdims=True)
        idx_ref[0, 0, r0:r0 + _R] = jnp.min(
            jnp.where(mv == dmin, mi, _K), axis=1)
        total += jnp.sum(dmin)

    @pl.when(pl.program_id(0) == 0)
    def _init():
        loss_ref[0, 0] = 0.0

    loss_ref[0, 0] += total


def _argmin_loss(flat, emb_weight, sw):
    return pl.pallas_call(
        _dist_kernel,
        grid=(_NB,),
        in_specs=[
            pl.BlockSpec((_BLK, _C), lambda i: (i, 0)),
            pl.BlockSpec((_K, _C), lambda i: (0, 0)),
            pl.BlockSpec((1, _K), lambda i: (0, 0)),
        ],
        out_specs=[
            pl.BlockSpec((1, 1, _BLK), lambda i: (i, 0, 0)),
            pl.BlockSpec(memory_space=pltpu.SMEM),
        ],
        out_shape=[
            jax.ShapeDtypeStruct((_NB, 1, _BLK), jnp.int32),
            jax.ShapeDtypeStruct((1, 1), jnp.float32),
        ],
    )(flat, emb_weight, sw)


_sc_mesh = plsc.VectorSubcoreMesh(core_axis_name="c", subcore_axis_name="s")


@functools.partial(
    pl.kernel,
    mesh=_sc_mesh,
    out_type=jax.ShapeDtypeStruct((_N, _CPAD), jnp.float32),
    scratch_types=[
        pltpu.VMEM((_CHUNK,), jnp.int32),
        pltpu.VMEM((_CHUNK, _CPAD), jnp.float32),
        pltpu.SemaphoreType.DMA,
    ],
)
def _gather_rows(table_hbm, idx_hbm, out_hbm, idx_v, rows_v, sem):
    wid = lax.axis_index("s") * _NC + lax.axis_index("c")
    base = wid * _BPW
    for c in range(_NCHUNK):
        off = base + c * _CHUNK
        pltpu.sync_copy(idx_hbm.at[pl.ds(off, _CHUNK)], idx_v)
        pltpu.async_copy(table_hbm.at[idx_v], rows_v, sem).wait()
        pltpu.sync_copy(rows_v, out_hbm.at[pl.ds(off, _CHUNK)])


def kernel(x, emb_weight):
    B, C, H, W, D = x.shape
    flat = jnp.transpose(x, (0, 2, 3, 4, 1)).reshape(-1, C)
    sw = jnp.sum(emb_weight ** 2, axis=1).reshape(1, _K)
    idx3, loss_sum = _argmin_loss(flat, emb_weight, sw)
    idx = idx3.reshape(_N)
    table = emb_weight.astype(jnp.bfloat16).astype(jnp.float32)
    table = jnp.pad(table, ((0, 0), (0, _CPAD - _C)))
    quant_flat = _gather_rows(table, idx)[:, :_C]
    quant = jnp.transpose(quant_flat.reshape(B, H, W, D, C), (0, 4, 1, 2, 3))
    quant_st = x + (quant - x)
    mean = loss_sum[0, 0] / jnp.float32(_N * _C)
    loss = mean + jnp.float32(_COMMIT) * mean
    return (quant_st, loss)

# --- scband reference (transcript-rebuilt; emitter-appended) ---
"""Pipeline reference for scband-vector-quantizer-25374666785027 (READ-ONLY COPY).

The authoritative reference and input builder live on the scoring server;
editing this copy changes nothing except your own understanding.
"""

import jax, jax.numpy as jnp
import numpy as np

NUM_EMBEDDINGS = 1024
EMBEDDING_DIM = 64
COMMITMENT_COST = 0.25


def setup_inputs(seed: int = 0) -> dict:
    key = jax.random.key(seed)
    k_x, k_w = jax.random.split(key)
    x = jax.random.normal(k_x, (4, 64, 16, 16, 16), dtype=jnp.float32)
    emb_weight = jax.random.uniform(
        k_w, (NUM_EMBEDDINGS, EMBEDDING_DIM), dtype=jnp.float32,
        minval=-1.0 / NUM_EMBEDDINGS, maxval=1.0 / NUM_EMBEDDINGS)
    return {"x": x, "emb_weight": emb_weight}


def reference(x, emb_weight):
    B, C, H, W, D = x.shape
    K = emb_weight.shape[0]
    flat = jnp.transpose(x, (0, 2, 3, 4, 1)).reshape(-1, C)
    dist = (jnp.sum(flat ** 2, axis=1, keepdims=True)
            - 2.0 * flat @ emb_weight.T
            + jnp.sum(emb_weight ** 2, axis=1))
    idx = jnp.argmin(dist, axis=1)
    n = idx.shape[0]
    enc = jnp.zeros((n, K), dtype=x.dtype).at[jnp.arange(n), idx].set(1.0)
    quant_flat = enc @ emb_weight
    quant = jnp.transpose(quant_flat.reshape(B, H, W, D, C), (0, 4, 1, 2, 3))
    e_loss = jnp.mean((jax.lax.stop_gradient(quant) - x) ** 2)
    q_loss = jnp.mean((quant - jax.lax.stop_gradient(x)) ** 2)
    loss = q_loss + COMMITMENT_COST * e_loss
    quant_st = x + jax.lax.stop_gradient(quant - x)
    return (quant_st, loss)

if __name__ == "__main__":
    import jax
    _d = setup_inputs()
    print(jax.jit(kernel)(*tuple(_d.values())))

</pallas_src>

<mosaic_0001>
#map = affine_map<(d0, d1) -> (0, 0)>
#map1 = affine_map<(d0, d1) -> (0)>
module attributes {stable_mosaic.version = 14 : i64} {
  func.func @_gather_rows(%arg0: i32, %arg1: i32, %arg2: memref<1024x128xf32, #tpu.memory_space<hbm>>, %arg3: memref<16384xi32, #tpu.memory_space<hbm>>, %arg4: memref<16384x128xf32, #tpu.memory_space<hbm>>, %arg5: memref<128xi32, #tpu.memory_space<vmem>>, %arg6: memref<128x128xf32, #tpu.memory_space<vmem>>, %arg7: memref<!tpu.dma_semaphore, #tpu.memory_space<semaphore_mem>>) attributes {dimension_semantics = [#tpu.dimension_semantics<core_parallel>, #tpu.dimension_semantics<subcore_parallel>], iteration_bounds = array<i64: 2, 16>, scalar_prefetch = 0 : i64, scratch_operands = 3 : i64, tpu.core_type = #tpu.core_type<sc_vector_subcore>, window_params = [{transform_indices = #map}, {transform_indices = #map1}, {transform_indices = #map}]} {
    %mul3A = arith.constant 2 : i32
    %mul3A_0 = arith.muli %arg1, %mul3A : i32
    %add3A = arith.addi %mul3A_0, %arg0 : i32
    %mul3A_1 = arith.constant 512 : i32
    %mul3A_2 = arith.muli %add3A, %mul3A_1 : i32
    %add3A_3 = arith.constant 0 : i32
    %add3A_4 = arith.addi %mul3A_2, %add3A_3 : i32
    "tpu.region"() ({
      %run_scoped3A = tpu.sem_alloc : memref<!tpu.dma_semaphore, #tpu.memory_space<semaphore_mem>>
      %dma_start3A_33 = tpu.memref_slice %arg3[%add3A_4] : memref<16384xi32, #tpu.memory_space<hbm>> -> memref<128xi32, #tpu.memory_space<hbm>>
      %dma_start3A_34 = tpu.memref_slice %arg3[%add3A_4] : memref<16384xi32, #tpu.memory_space<hbm>> -> memref<128xi32, #tpu.memory_space<hbm>>
      tpu.enqueue_dma source(%dma_start3A_34 : memref<128xi32, #tpu.memory_space<hbm>>) target(%arg5 : memref<128xi32, #tpu.memory_space<vmem>>) target_semaphore(%run_scoped3A : memref<!tpu.dma_semaphore, #tpu.memory_space<semaphore_mem>>)
      %dma_wait3A_35 = tpu.memref_slice %arg3[%add3A_4] : memref<16384xi32, #tpu.memory_space<hbm>> -> memref<128xi32, #tpu.memory_space<hbm>>
      %dma_wait3A_36 = tpu.memref_slice %arg3[%add3A_4] : memref<16384xi32, #tpu.memory_space<hbm>> -> memref<128xi32, #tpu.memory_space<hbm>>
      tpu.wait_dma2 semaphore(%run_scoped3A : memref<!tpu.dma_semaphore, #tpu.memory_space<semaphore_mem>>) src(%dma_wait3A_36 : memref<128xi32, #tpu.memory_space<hbm>>) dst(%arg5 : memref<128xi32, #tpu.memory_space<vmem>>)
      tpu.yield
    }) : () -> ()
    %dma_start3A = arith.constant 0 : i32
    %dma_start3A_5 = arith.constant 0 : i32
    %dma_start3A_6 = tpu.memref_slice %arg2[%dma_start3A, %dma_start3A_5] : memref<1024x128xf32, #tpu.memory_space<hbm>> -> memref<1024x128xf32, #tpu.memory_space<hbm>>
    tpu.enqueue_indirect_dma source(%dma_start3A_6 : memref<1024x128xf32, #tpu.memory_space<hbm>>) target(%arg6 : memref<128x128xf32, #tpu.memory_space<vmem>>) offsets(%arg5 : memref<128xi32, #tpu.memory_space<vmem>>) semaphore(%arg7 : memref<!tpu.dma_semaphore, #tpu.memory_space<semaphore_mem>>)
    %dma_wait3A = arith.constant 0 : i32
    %dma_wait3A_7 = arith.constant 0 : i32
    %dma_wait3A_8 = tpu.memref_slice %arg2[%dma_wait3A, %dma_wait3A_7] : memref<1024x128xf32, #tpu.memory_space<hbm>> -> memref<1024x128xf32, #tpu.memory_space<hbm>>
    tpu.wait_indirect_dma semaphore(%arg7 : memref<!tpu.dma_semaphore, #tpu.memory_space<semaphore_mem>>) src(%dma_wait3A_8 : memref<1024x128xf32, #tpu.memory_space<hbm>>) dst(%arg6 : memref<128x128xf32, #tpu.memory_space<vmem>>)
    "tpu.region"() ({
      %run_scoped3A = tpu.sem_alloc : memref<!tpu.dma_semaphore, #tpu.memory_space<semaphore_mem>>
      %dma_start3A_33 = arith.constant 0 : i32
      %dma_start3A_34 = tpu.memref_slice %arg4[%add3A_4, %dma_start3A_33] : memref<16384x128xf32, #tpu.memory_space<hbm>> -> memref<128x128xf32, #tpu.memory_space<hbm>>
      %dma_start3A_35 = arith.constant 0 : i32
      %dma_start3A_36 = tpu.memref_slice %arg4[%add3A_4, %dma_start3A_35] : memref<16384x128xf32, #tpu.memory_space<hbm>> -> memref<128x128xf32, #tpu.memory_space<hbm>>
      tpu.enqueue_dma source(%arg6 : memref<128x128xf32, #tpu.memory_space<vmem>>) target(%dma_start3A_36 : memref<128x128xf32, #tpu.memory_space<hbm>>) target_semaphore(%run_scoped3A : memref<!tpu.dma_semaphore, #tpu.memory_space<semaphore_mem>>)
      %dma_wait3A_37 = arith.constant 0 : i32
      %dma_wait3A_38 = tpu.memref_slice %arg4[%add3A_4, %dma_wait3A_37] : memref<16384x128xf32, #tpu.memory_space<hbm>> -> memref<128x128xf32, #tpu.memory_space<hbm>>
      %dma_wait3A_39 = arith.constant 0 : i32
      %dma_wait3A_40 = tpu.memref_slice %arg4[%add3A_4, %dma_wait3A_39] : memref<16384x128xf32, #tpu.memory_space<hbm>> -> memref<128x128xf32, #tpu.memory_space<hbm>>
      tpu.wait_dma2 semaphore(%run_scoped3A : memref<!tpu.dma_semaphore, #tpu.memory_space<semaphore_mem>>) src(%arg6 : memref<128x128xf32, #tpu.memory_space<vmem>>) dst(%dma_wait3A_40 : memref<128x128xf32, #tpu.memory_space<hbm>>)
      tpu.yield
    }) : () -> ()
    %add3A_9 = arith.constant 128 : i32
    %add3A_10 = arith.addi %mul3A_2, %add3A_9 : i32
    "tpu.region"() ({
      %run_scoped3A = tpu.sem_alloc : memref<!tpu.dma_semaphore, #tpu.memory_space<semaphore_mem>>
      %dma_start3A_33 = tpu.memref_slice %arg3[%add3A_10] : memref<16384xi32, #tpu.memory_space<hbm>> -> memref<128xi32, #tpu.memory_space<hbm>>
      %dma_start3A_34 = tpu.memref_slice %arg3[%add3A_10] : memref<16384xi32, #tpu.memory_space<hbm>> -> memref<128xi32, #tpu.memory_space<hbm>>
      tpu.enqueue_dma source(%dma_start3A_34 : memref<128xi32, #tpu.memory_space<hbm>>) target(%arg5 : memref<128xi32, #tpu.memory_space<vmem>>) target_semaphore(%run_scoped3A : memref<!tpu.dma_semaphore, #tpu.memory_space<semaphore_mem>>)
      %dma_wait3A_35 = tpu.memref_slice %arg3[%add3A_10] : memref<16384xi32, #tpu.memory_space<hbm>> -> memref<128xi32, #tpu.memory_space<hbm>>
      %dma_wait3A_36 = tpu.memref_slice %arg3[%add3A_10] : memref<16384xi32, #tpu.memory_space<hbm>> -> memref<128xi32, #tpu.memory_space<hbm>>
      tpu.wait_dma2 semaphore(%run_scoped3A : memref<!tpu.dma_semaphore, #tpu.memory_space<semaphore_mem>>) src(%dma_wait3A_36 : memref<128xi32, #tpu.memory_space<hbm>>) dst(%arg5 : memref<128xi32, #tpu.memory_space<vmem>>)
      tpu.yield
    }) : () -> ()
    %dma_start3A_11 = arith.constant 0 : i32
    %dma_start3A_12 = arith.constant 0 : i32
    %dma_start3A_13 = tpu.memref_slice %arg2[%dma_start3A_11, %dma_start3A_12] : memref<1024x128xf32, #tpu.memory_space<hbm>> -> memref<1024x128xf32, #tpu.memory_space<hbm>>
    tpu.enqueue_indirect_dma source(%dma_start3A_13 : memref<1024x128xf32, #tpu.memory_space<hbm>>) target(%arg6 : memref<128x128xf32, #tpu.memory_space<vmem>>) offsets(%arg5 : memref<128xi32, #tpu.memory_space<vmem>>) semaphore(%arg7 : memref<!tpu.dma_semaphore, #tpu.memory_space<semaphore_mem>>)
    %dma_wait3A_14 = arith.constant 0 : i32
    %dma_wait3A_15 = arith.constant 0 : i32
    %dma_wait3A_16 = tpu.memref_slice %arg2[%dma_wait3A_14, %dma_wait3A_15] : memref<1024x128xf32, #tpu.memory_space<hbm>> -> memref<1024x128xf32, #tpu.memory_space<hbm>>
    tpu.wait_indirect_dma semaphore(%arg7 : memref<!tpu.dma_semaphore, #tpu.memory_space<semaphore_mem>>) src(%dma_wait3A_16 : memref<1024x128xf32, #tpu.memory_space<hbm>>) dst(%arg6 : memref<128x128xf32, #tpu.memory_space<vmem>>)
    "tpu.region"() ({
      %run_scoped3A = tpu.sem_alloc : memref<!tpu.dma_semaphore, #tpu.memory_space<semaphore_mem>>
      %dma_start3A_33 = arith.constant 0 : i32
      %dma_start3A_34 = tpu.memref_slice %arg4[%add3A_10, %dma_start3A_33] : memref<16384x128xf32, #tpu.memory_space<hbm>> -> memref<128x128xf32, #tpu.memory_space<hbm>>
      %dma_start3A_35 = arith.constant 0 : i32
      %dma_start3A_36 = tpu.memref_slice %arg4[%add3A_10, %dma_start3A_35] : memref<16384x128xf32, #tpu.memory_space<hbm>> -> memref<128x128xf32, #tpu.memory_space<hbm>>
      tpu.enqueue_dma source(%arg6 : memref<128x128xf32, #tpu.memory_space<vmem>>) target(%dma_start3A_36 : memref<128x128xf32, #tpu.memory_space<hbm>>) target_semaphore(%run_scoped3A : memref<!tpu.dma_semaphore, #tpu.memory_space<semaphore_mem>>)
      %dma_wait3A_37 = arith.constant 0 : i32
      %dma_wait3A_38 = tpu.memref_slice %arg4[%add3A_10, %dma_wait3A_37] : memref<16384x128xf32, #tpu.memory_space<hbm>> -> memref<128x128xf32, #tpu.memory_space<hbm>>
      %dma_wait3A_39 = arith.constant 0 : i32
      %dma_wait3A_40 = tpu.memref_slice %arg4[%add3A_10, %dma_wait3A_39] : memref<16384x128xf32, #tpu.memory_space<hbm>> -> memref<128x128xf32, #tpu.memory_space<hbm>>
      tpu.wait_dma2 semaphore(%run_scoped3A : memref<!tpu.dma_semaphore, #tpu.memory_space<semaphore_mem>>) src(%arg6 : memref<128x128xf32, #tpu.memory_space<vmem>>) dst(%dma_wait3A_40 : memref<128x128xf32, #tpu.memory_space<hbm>>)
      tpu.yield
    }) : () -> ()
    %add3A_17 = arith.constant 256 : i32
    %add3A_18 = arith.addi %mul3A_2, %add3A_17 : i32
    "tpu.region"() ({
      %run_scoped3A = tpu.sem_alloc : memref<!tpu.dma_semaphore, #tpu.memory_space<semaphore_mem>>
      %dma_start3A_33 = tpu.memref_slice %arg3[%add3A_18] : memref<16384xi32, #tpu.memory_space<hbm>> -> memref<128xi32, #tpu.memory_space<hbm>>
      %dma_start3A_34 = tpu.memref_slice %arg3[%add3A_18] : memref<16384xi32, #tpu.memory_space<hbm>> -> memref<128xi32, #tpu.memory_space<hbm>>
      tpu.enqueue_dma source(%dma_start3A_34 : memref<128xi32, #tpu.memory_space<hbm>>) target(%arg5 : memref<128xi32, #tpu.memory_space<vmem>>) target_semaphore(%run_scoped3A : memref<!tpu.dma_semaphore, #tpu.memory_space<semaphore_mem>>)
      %dma_wait3A_35 = tpu.memref_slice %arg3[%add3A_18] : memref<16384xi32, #tpu.memory_space<hbm>> -> memref<128xi32, #tpu.memory_space<hbm>>
      %dma_wait3A_36 = tpu.memref_slice %arg3[%add3A_18] : memref<16384xi32, #tpu.memory_space<hbm>> -> memref<128xi32, #tpu.memory_space<hbm>>
      tpu.wait_dma2 semaphore(%run_scoped3A : memref<!tpu.dma_semaphore, #tpu.memory_space<semaphore_mem>>) src(%dma_wait3A_36 : memref<128xi32, #tpu.memory_space<hbm>>) dst(%arg5 : memref<128xi32, #tpu.memory_space<vmem>>)
      tpu.yield
    }) : () -> ()
    %dma_start3A_19 = arith.constant 0 : i32
    %dma_start3A_20 = arith.constant 0 : i32
    %dma_start3A_21 = tpu.memref_slice %arg2[%dma_start3A_19, %dma_start3A_20] : memref<1024x128xf32, #tpu.memory_space<hbm>> -> memref<1024x128xf32, #tpu.memory_space<hbm>>
    tpu.enqueue_indirect_dma source(%dma_start3A_21 : memref<1024x128xf32, #tpu.memory_space<hbm>>) target(%arg6 : memref<128x128xf32, #tpu.memory_space<vmem>>) offsets(%arg5 : memref<128xi32, #tpu.memory_space<vmem>>) semaphore(%arg7 : memref<!tpu.dma_semaphore, #tpu.memory_space<semaphore_mem>>)
    %dma_wait3A_22 = arith.constant 0 : i32
    %dma_wait3A_23 = arith.constant 0 : i32
    %dma_wait3A_24 = tpu.memref_slice %arg2[%dma_wait3A_22, %dma_wait3A_23] : memref<1024x128xf32, #tpu.memory_space<hbm>> -> memref<1024x128xf32, #tpu.memory_space<hbm>>
    tpu.wait_indirect_dma semaphore(%arg7 : memref<!tpu.dma_semaphore, #tpu.memory_space<semaphore_mem>>) src(%dma_wait3A_24 : memref<1024x128xf32, #tpu.memory_space<hbm>>) dst(%arg6 : memref<128x128xf32, #tpu.memory_space<vmem>>)
    "tpu.region"() ({
      %run_scoped3A = tpu.sem_alloc : memref<!tpu.dma_semaphore, #tpu.memory_space<semaphore_mem>>
      %dma_start3A_33 = arith.constant 0 : i32
      %dma_start3A_34 = tpu.memref_slice %arg4[%add3A_18, %dma_start3A_33] : memref<16384x128xf32, #tpu.memory_space<hbm>> -> memref<128x128xf32, #tpu.memory_space<hbm>>
      %dma_start3A_35 = arith.constant 0 : i32
      %dma_start3A_36 = tpu.memref_slice %arg4[%add3A_18, %dma_start3A_35] : memref<16384x128xf32, #tpu.memory_space<hbm>> -> memref<128x128xf32, #tpu.memory_space<hbm>>
      tpu.enqueue_dma source(%arg6 : memref<128x128xf32, #tpu.memory_space<vmem>>) target(%dma_start3A_36 : memref<128x128xf32, #tpu.memory_space<hbm>>) target_semaphore(%run_scoped3A : memref<!tpu.dma_semaphore, #tpu.memory_space<semaphore_mem>>)
      %dma_wait3A_37 = arith.constant 0 : i32
      %dma_wait3A_38 = tpu.memref_slice %arg4[%add3A_18, %dma_wait3A_37] : memref<16384x128xf32, #tpu.memory_space<hbm>> -> memref<128x128xf32, #tpu.memory_space<hbm>>
      %dma_wait3A_39 = arith.constant 0 : i32
      %dma_wait3A_40 = tpu.memref_slice %arg4[%add3A_18, %dma_wait3A_39] : memref<16384x128xf32, #tpu.memory_space<hbm>> -> memref<128x128xf32, #tpu.memory_space<hbm>>
      tpu.wait_dma2 semaphore(%run_scoped3A : memref<!tpu.dma_semaphore, #tpu.memory_space<semaphore_mem>>) src(%arg6 : memref<128x128xf32, #tpu.memory_space<vmem>>) dst(%dma_wait3A_40 : memref<128x128xf32, #tpu.memory_space<hbm>>)
      tpu.yield
    }) : () -> ()
    %add3A_25 = arith.constant 384 : i32
    %add3A_26 = arith.addi %mul3A_2, %add3A_25 : i32
    "tpu.region"() ({
      %run_scoped3A = tpu.sem_alloc : memref<!tpu.dma_semaphore, #tpu.memory_space<semaphore_mem>>
      %dma_start3A_33 = tpu.memref_slice %arg3[%add3A_26] : memref<16384xi32, #tpu.memory_space<hbm>> -> memref<128xi32, #tpu.memory_space<hbm>>
      %dma_start3A_34 = tpu.memref_slice %arg3[%add3A_26] : memref<16384xi32, #tpu.memory_space<hbm>> -> memref<128xi32, #tpu.memory_space<hbm>>
      tpu.enqueue_dma source(%dma_start3A_34 : memref<128xi32, #tpu.memory_space<hbm>>) target(%arg5 : memref<128xi32, #tpu.memory_space<vmem>>) target_semaphore(%run_scoped3A : memref<!tpu.dma_semaphore, #tpu.memory_space<semaphore_mem>>)
      %dma_wait3A_35 = tpu.memref_slice %arg3[%add3A_26] : memref<16384xi32, #tpu.memory_space<hbm>> -> memref<128xi32, #tpu.memory_space<hbm>>
      %dma_wait3A_36 = tpu.memref_slice %arg3[%add3A_26] : memref<16384xi32, #tpu.memory_space<hbm>> -> memref<128xi32, #tpu.memory_space<hbm>>
      tpu.wait_dma2 semaphore(%run_scoped3A : memref<!tpu.dma_semaphore, #tpu.memory_space<semaphore_mem>>) src(%dma_wait3A_36 : memref<128xi32, #tpu.memory_space<hbm>>) dst(%arg5 : memref<128xi32, #tpu.memory_space<vmem>>)
      tpu.yield
    }) : () -> ()
    %dma_start3A_27 = arith.constant 0 : i32
    %dma_start3A_28 = arith.constant 0 : i32
    %dma_start3A_29 = tpu.memref_slice %arg2[%dma_start3A_27, %dma_start3A_28] : memref<1024x128xf32, #tpu.memory_space<hbm>> -> memref<1024x128xf32, #tpu.memory_space<hbm>>
    tpu.enqueue_indirect_dma source(%dma_start3A_29 : memref<1024x128xf32, #tpu.memory_space<hbm>>) target(%arg6 : memref<128x128xf32, #tpu.memory_space<vmem>>) offsets(%arg5 : memref<128xi32, #tpu.memory_space<vmem>>) semaphore(%arg7 : memref<!tpu.dma_semaphore, #tpu.memory_space<semaphore_mem>>)
    %dma_wait3A_30 = arith.constant 0 : i32
    %dma_wait3A_31 = arith.constant 0 : i32
    %dma_wait3A_32 = tpu.memref_slice %arg2[%dma_wait3A_30, %dma_wait3A_31] : memref<1024x128xf32, #tpu.memory_space<hbm>> -> memref<1024x128xf32, #tpu.memory_space<hbm>>
    tpu.wait_indirect_dma semaphore(%arg7 : memref<!tpu.dma_semaphore, #tpu.memory_space<semaphore_mem>>) src(%dma_wait3A_32 : memref<1024x128xf32, #tpu.memory_space<hbm>>) dst(%arg6 : memref<128x128xf32, #tpu.memory_space<vmem>>)
    "tpu.region"() ({
      %run_scoped3A = tpu.sem_alloc : memref<!tpu.dma_semaphore, #tpu.memory_space<semaphore_mem>>
      %dma_start3A_33 = arith.constant 0 : i32
      %dma_start3A_34 = tpu.memref_slice %arg4[%add3A_26, %dma_start3A_33] : memref<16384x128xf32, #tpu.memory_space<hbm>> -> memref<128x128xf32, #tpu.memory_space<hbm>>
      %dma_start3A_35 = arith.constant 0 : i32
      %dma_start3A_36 = tpu.memref_slice %arg4[%add3A_26, %dma_start3A_35] : memref<16384x128xf32, #tpu.memory_space<hbm>> -> memref<128x128xf32, #tpu.memory_space<hbm>>
      tpu.enqueue_dma source(%arg6 : memref<128x128xf32, #tpu.memory_space<vmem>>) target(%dma_start3A_36 : memref<128x128xf32, #tpu.memory_space<hbm>>) target_semaphore(%run_scoped3A : memref<!tpu.dma_semaphore, #tpu.memory_space<semaphore_mem>>)
      %dma_wait3A_37 = arith.constant 0 : i32
      %dma_wait3A_38 = tpu.memref_slice %arg4[%add3A_26, %dma_wait3A_37] : memref<16384x128xf32, #tpu.memory_space<hbm>> -> memref<128x128xf32, #tpu.memory_space<hbm>>
      %dma_wait3A_39 = arith.constant 0 : i32
      %dma_wait3A_40 = tpu.memref_slice %arg4[%add3A_26, %dma_wait3A_39] : memref<16384x128xf32, #tpu.memory_space<hbm>> -> memref<128x128xf32, #tpu.memory_space<hbm>>
      tpu.wait_dma2 semaphore(%run_scoped3A : memref<!tpu.dma_semaphore, #tpu.memory_space<semaphore_mem>>) src(%arg6 : memref<128x128xf32, #tpu.memory_space<vmem>>) dst(%dma_wait3A_40 : memref<128x128xf32, #tpu.memory_space<hbm>>)
      tpu.yield
    }) : () -> ()
    return
  }
}

module attributes {stable_mosaic.version = 14 : i64} {
  func.func @_dist_kernel(%arg0: i32, %arg1: memref<4096x64xf32, #tpu.memory_space<vmem>>, %arg2: memref<1024x64xf32, #tpu.memory_space<vmem>>, %arg3: memref<1x1024xf32, #tpu.memory_space<vmem>>, %arg4: memref<1x1x4096xi32, #tpu.memory_space<vmem>>, %arg5: memref<1x1xf32, #tpu.memory_space<smem>>) attributes {dimension_semantics = [#tpu.dimension_semantics<arbitrary>], iteration_bounds = array<i64: 4>, scalar_prefetch = 0 : i64, scratch_operands = 0 : i64, tpu.core_type = #tpu.core_type<tc>, window_params = [{transform_indices = @transform_0, window_bounds = array<i64: 4096, 64>}, {pipeline_mode = #tpu.pipeline_mode<synchronous>, transform_indices = @transform_1, window_bounds = array<i64: 1024, 64>}, {pipeline_mode = #tpu.pipeline_mode<synchronous>, transform_indices = @transform_2, window_bounds = array<i64: 1, 1024>}, {transform_indices = @transform_3, window_bounds = array<i64: 1, 1, 4096>}, {transform_indices = @transform_4, window_bounds = array<i64: 1, 1>}]} {
    %get3A = arith.constant 0 : index
    %get3A_0 = arith.constant 0 : index
    %get3A_1 = vector.load %arg1[%get3A, %get3A_0] : memref<4096x64xf32, #tpu.memory_space<vmem>>, vector<4096x64xf32>
    %integer_pow3A = arith.mulf %get3A_1, %get3A_1 : vector<4096x64xf32>
    %reduce_sum3A = arith.constant dense<0.000000e+00> : vector<4096xf32>
    %reduce_sum3A_2 = vector.multi_reduction <add>, %integer_pow3A, %reduce_sum3A [1] : vector<4096x64xf32> to vector<4096xf32>
    %broadcast_in_dim3A = vector.shape_cast %reduce_sum3A_2 : vector<4096xf32> to vector<4096x1xf32>
    %mul3A = arith.constant 2.000000e+00 : f32
    %mul3A_3 = vector.broadcast %mul3A : f32 to vector<4096x64xf32>
    %mul3A_4 = arith.mulf %get3A_1, %mul3A_3 : vector<4096x64xf32>
    %get3A_5 = arith.constant 0 : index
    %get3A_6 = arith.constant 0 : index
    %get3A_7 = vector.load %arg2[%get3A_5, %get3A_6] : memref<1024x64xf32, #tpu.memory_space<vmem>>, vector<1024x64xf32>
    %dot_general3A = arith.constant dense<0.000000e+00> : vector<4096x1024xf32>
    %dot_general3A_8 = tpu.matmul %mul3A_4, %get3A_7, %dot_general3A {dimension_numbers = #tpu.dot_dimension_numbers<[1], [1], [0], [0], [0, 0, 1, 0], [], []>, transpose_lhs_hint = false} : vector<4096x64xf32>, vector<1024x64xf32>, vector<4096x1024xf32> -> vector<4096x1024xf32>
    %iota3A = tpu.iota {dimensions = array<i32: 1>} : vector<128x128xi32>
    %add3A = arith.constant 0 : i32
    %add3A_9 = vector.broadcast %add3A : i32 to vector<128x128xi32>
    %add3A_10 = arith.addi %iota3A, %add3A_9 : vector<128x128xi32>
    %add3A_11 = arith.constant 128 : i32
    %add3A_12 = vector.broadcast %add3A_11 : i32 to vector<128x128xi32>
    %add3A_13 = arith.addi %iota3A, %add3A_12 : vector<128x128xi32>
    %add3A_14 = arith.constant 256 : i32
    %add3A_15 = vector.broadcast %add3A_14 : i32 to vector<128x128xi32>
    %add3A_16 = arith.addi %iota3A, %add3A_15 : vector<128x128xi32>
    %add3A_17 = arith.constant 384 : i32
    %add3A_18 = vector.broadcast %add3A_17 : i32 to vector<128x128xi32>
    %add3A_19 = arith.addi %iota3A, %add3A_18 : vector<128x128xi32>
    %add3A_20 = arith.constant 512 : i32
    %add3A_21 = vector.broadcast %add3A_20 : i32 to vector<128x128xi32>
    %add3A_22 = arith.addi %iota3A, %add3A_21 : vector<128x128xi32>
    %add3A_23 = arith.constant 640 : i32
    %add3A_24 = vector.broadcast %add3A_23 : i32 to vector<128x128xi32>
    %add3A_25 = arith.addi %iota3A, %add3A_24 : vector<128x128xi32>
    %add3A_26 = arith.constant 768 : i32
    %add3A_27 = vector.broadcast %add3A_26 : i32 to vector<128x128xi32>
    %add3A_28 = arith.addi %iota3A, %add3A_27 : vector<128x128xi32>
    %add3A_29 = arith.constant 896 : i32
    %add3A_30 = vector.broadcast %add3A_29 : i32 to vector<128x128xi32>
    %add3A_31 = arith.addi %iota3A, %add3A_30 : vector<128x128xi32>
    %slice3A = vector.extract_strided_slice %broadcast_in_dim3A {offsets = [0, 0], sizes = [128, 1], strides = [1, 1]} : vector<4096x1xf32> to vector<128x1xf32>
    %broadcast_in_dim3A_32 = vector.shape_cast %slice3A : vector<128x1xf32> to vector<128x1xf32>
    %broadcast_in_dim3A_33 = vector.broadcast %broadcast_in_dim3A_32 : vector<128x1xf32> to vector<128x128xf32>
    %slice3A_34 = vector.extract_strided_slice %dot_general3A_8 {offsets = [0, 0], sizes = [128, 128], strides = [1, 1]} : vector<4096x1024xf32> to vector<128x128xf32>
    %sub3A = arith.subf %broadcast_in_dim3A_33, %slice3A_34 : vector<128x128xf32>
    %get3A_35 = arith.constant 0 : index
    %get3A_36 = arith.constant 0 : index
    %get3A_37 = vector.load %arg3[%get3A_35, %get3A_36] : memref<1x1024xf32, #tpu.memory_space<vmem>>, vector<1x128xf32>
    %add3A_38 = vector.broadcast %get3A_37 : vector<1x128xf32> to vector<128x128xf32>
    %add3A_39 = arith.addf %sub3A, %add3A_38 : vector<128x128xf32>
    %slice3A_40 = vector.extract_strided_slice %dot_general3A_8 {offsets = [0, 128], sizes = [128, 128], strides = [1, 1]} : vector<4096x1024xf32> to vector<128x128xf32>
    %sub3A_41 = arith.subf %broadcast_in_dim3A_33, %slice3A_40 : vector<128x128xf32>
    %get3A_42 = arith.constant 0 : index
    %get3A_43 = arith.constant 128 : index
    %get3A_44 = vector.load %arg3[%get3A_42, %get3A_43] : memref<1x1024xf32, #tpu.memory_space<vmem>>, vector<1x128xf32>
    %add3A_45 = vector.broadcast %get3A_44 : vector<1x128xf32> to vector<128x128xf32>
    %add3A_46 = arith.addf %sub3A_41, %add3A_45 : vector<128x128xf32>
    %lt3A = arith.cmpf olt, %add3A_46, %add3A_39 : vector<128x128xf32>
    %select_n3A = arith.select %lt3A, %add3A_46, %add3A_39 : vector<128x128xi1>, vector<128x128xf32>
    %select_n3A_47 = arith.select %lt3A, %add3A_13, %add3A_10 : vector<128x128xi1>, vector<128x128xi32>
    %slice3A_48 = vector.extract_strided_slice %dot_general3A_8 {offsets = [0, 256], sizes = [128, 128], strides = [1, 1]} : vector<4096x1024xf32> to vector<128x128xf32>
    %sub3A_49 = arith.subf %broadcast_in_dim3A_33, %slice3A_48 : vector<128x128xf32>
    %get3A_50 = arith.constant 0 : index
    %get3A_51 = arith.constant 256 : index
    %get3A_52 = vector.load %arg3[%get3A_50, %get3A_51] : memref<1x1024xf32, #tpu.memory_space<vmem>>, vector<1x128xf32>
    %add3A_53 = vector.broadcast %get3A_52 : vector<1x128xf32> to vector<128x128xf32>
    %add3A_54 = arith.addf %sub3A_49, %add3A_53 : vector<128x128xf32>
    %lt3A_55 = arith.cmpf olt, %add3A_54, %select_n3A : vector<128x128xf32>
    %select_n3A_56 = arith.select %lt3A_55, %add3A_54, %select_n3A : vector<128x128xi1>, vector<128x128xf32>
    %select_n3A_57 = arith.select %lt3A_55, %add3A_16, %select_n3A_47 : vector<128x128xi1>, vector<128x128xi32>
    %slice3A_58 = vector.extract_strided_slice %dot_general3A_8 {offsets = [0, 384], sizes = [128, 128], strides = [1, 1]} : vector<4096x1024xf32> to vector<128x128xf32>
    %sub3A_59 = arith.subf %broadcast_in_dim3A_33, %slice3A_58 : vector<128x128xf32>
    %get3A_60 = arith.constant 0 : index
    %get3A_61 = arith.constant 384 : index
    %get3A_62 = vector.load %arg3[%get3A_60, %get3A_61] : memref<1x1024xf32, #tpu.memory_space<vmem>>, vector<1x128xf32>
    %add3A_63 = vector.broadcast %get3A_62 : vector<1x128xf32> to vector<128x128xf32>
    %add3A_64 = arith.addf %sub3A_59, %add3A_63 : vector<128x128xf32>
    %lt3A_65 = arith.cmpf olt, %add3A_64, %select_n3A_56 : vector<128x128xf32>
    %select_n3A_66 = arith.select %lt3A_65, %add3A_64, %select_n3A_56 : vector<128x128xi1>, vector<128x128xf32>
    %select_n3A_67 = arith.select %lt3A_65, %add3A_19, %select_n3A_57 : vector<128x128xi1>, vector<128x128xi32>
    %slice3A_68 = vector.extract_strided_slice %dot_general3A_8 {offsets = [0, 512], sizes = [128, 128], strides = [1, 1]} : vector<4096x1024xf32> to vector<128x128xf32>
    %sub3A_69 = arith.subf %broadcast_in_dim3A_33, %slice3A_68 : vector<128x128xf32>
    %get3A_70 = arith.constant 0 : index
    %get3A_71 = arith.constant 512 : index
    %get3A_72 = vector.load %arg3[%get3A_70, %get3A_71] : memref<1x1024xf32, #tpu.memory_space<vmem>>, vector<1x128xf32>
    %add3A_73 = vector.broadcast %get3A_72 : vector<1x128xf32> to vector<128x128xf32>
    %add3A_74 = arith.addf %sub3A_69, %add3A_73 : vector<128x128xf32>
    %lt3A_75 = arith.cmpf olt, %add3A_74, %select_n3A_66 : vector<128x128xf32>
    %select_n3A_76 = arith.select %lt3A_75, %add3A_74, %select_n3A_66 : vector<128x128xi1>, vector<128x128xf32>
    %select_n3A_77 = arith.select %lt3A_75, %add3A_22, %select_n3A_67 : vector<128x128xi1>, vector<128x128xi32>
    %slice3A_78 = vector.extract_strided_slice %dot_general3A_8 {offsets = [0, 640], sizes = [128, 128], strides = [1, 1]} : vector<4096x1024xf32> to vector<128x128xf32>
    %sub3A_79 = arith.subf %broadcast_in_dim3A_33, %slice3A_78 : vector<128x128xf32>
    %get3A_80 = arith.constant 0 : index
    %get3A_81 = arith.constant 640 : index
    %get3A_82 = vector.load %arg3[%get3A_80, %get3A_81] : memref<1x1024xf32, #tpu.memory_space<vmem>>, vector<1x128xf32>
    %add3A_83 = vector.broadcast %get3A_82 : vector<1x128xf32> to vector<128x128xf32>
    %add3A_84 = arith.addf %sub3A_79, %add3A_83 : vector<128x128xf32>
    %lt3A_85 = arith.cmpf olt, %add3A_84, %select_n3A_76 : vector<128x128xf32>
    %select_n3A_86 = arith.select %lt3A_85, %add3A_84, %select_n3A_76 : vector<128x128xi1>, vector<128x128xf32>
    %select_n3A_87 = arith.select %lt3A_85, %add3A_25, %select_n3A_77 : vector<128x128xi1>, vector<128x128xi32>
    %slice3A_88 = vector.extract_strided_slice %dot_general3A_8 {offsets = [0, 768], sizes = [128, 128], strides = [1, 1]} : vector<4096x1024xf32> to vector<128x128xf32>
    %sub3A_89 = arith.subf %broadcast_in_dim3A_33, %slice3A_88 : vector<128x128xf32>
    %get3A_90 = arith.constant 0 : index
    %get3A_91 = arith.constant 768 : index
    %get3A_92 = vector.load %arg3[%get3A_90, %get3A_91] : memref<1x1024xf32, #tpu.memory_space<vmem>>, vector<1x128xf32>
    %add3A_93 = vector.broadcast %get3A_92 : vector<1x128xf32> to vector<128x128xf32>
    %add3A_94 = arith.addf %sub3A_89, %add3A_93 : vector<128x128xf32>
    %lt3A_95 = arith.cmpf olt, %add3A_94, %select_n3A_86 : vector<128x128xf32>
    %select_n3A_96 = arith.select %lt3A_95, %add3A_94, %select_n3A_86 : vector<128x128xi1>, vector<128x128xf32>
    %select_n3A_97 = arith.select %lt3A_95, %add3A_28, %select_n3A_87 : vector<128x128xi1>, vector<128x128xi32>
    %slice3A_98 = vector.extract_strided_slice %dot_general3A_8 {offsets = [0, 896], sizes = [128, 128], strides = [1, 1]} : vector<4096x1024xf32> to vector<128x128xf32>
    %sub3A_99 = arith.subf %broadcast_in_dim3A_33, %slice3A_98 : vector<128x128xf32>
    %get3A_100 = arith.constant 0 : index
    %get3A_101 = arith.constant 896 : index
    %get3A_102 = vector.load %arg3[%get3A_100, %get3A_101] : memref<1x1024xf32, #tpu.memory_space<vmem>>, vector<1x128xf32>
    %add3A_103 = vector.broadcast %get3A_102 : vector<1x128xf32> to vector<128x128xf32>
    %add3A_104 = arith.addf %sub3A_99, %add3A_103 : vector<128x128xf32>
    %lt3A_105 = arith.cmpf olt, %add3A_104, %select_n3A_96 : vector<128x128xf32>
    %select_n3A_106 = arith.select %lt3A_105, %add3A_104, %select_n3A_96 : vector<128x128xi1>, vector<128x128xf32>
    %select_n3A_107 = arith.select %lt3A_105, %add3A_31, %select_n3A_97 : vector<128x128xi1>, vector<128x128xi32>
    %reduce_min3A = arith.constant dense<0x7F800000> : vector<128xf32>
    %reduce_min3A_108 = vector.multi_reduction <minimumf>, %select_n3A_106, %reduce_min3A [1] : vector<128x128xf32> to vector<128xf32>
    %broadcast_in_dim3A_109 = vector.shape_cast %reduce_min3A_108 : vector<128xf32> to vector<128x1xf32>
    %eq3A = vector.broadcast %broadcast_in_dim3A_109 : vector<128x1xf32> to vector<128x128xf32>
    %eq3A_110 = arith.cmpf oeq, %select_n3A_106, %eq3A : vector<128x128xf32>
    %jit3A = arith.constant 1024 : i32
    %broadcast_in_dim3A_111 = vector.broadcast %jit3A : i32 to vector<128x128xi32>
    %select_n3A_112 = arith.select %eq3A_110, %select_n3A_107, %broadcast_in_dim3A_111 : vector<128x128xi1>, vector<128x128xi32>
    %reduce_min3A_113 = arith.constant dense<2147483647> : vector<128xi32>
    %reduce_min3A_114 = vector.multi_reduction <minsi>, %select_n3A_112, %reduce_min3A_113 [1] : vector<128x128xi32> to vector<128xi32>
    %swap3A = arith.constant 0 : index
    %swap3A_115 = arith.constant 0 : index
    %swap3A_116 = arith.constant 0 : index
    %swap3A_117 = vector.load %arg4[%swap3A, %swap3A_115, %swap3A_116] : memref<1x1x4096xi32, #tpu.memory_space<vmem>>, vector<1x1x128xi32>
    %swap3A_118 = vector.shape_cast %swap3A_117 : vector<1x1x128xi32> to vector<128xi32>
    %swap3A_119 = vector.shape_cast %reduce_min3A_114 : vector<128xi32> to vector<1x1x128xi32>
    tpu.vector_store %arg4[%swap3A, %swap3A_115, %swap3A_116], %swap3A_119 {strides = array<i32>} : memref<1x1x4096xi32, #tpu.memory_space<vmem>>, vector<1x1x128xi32>,
    %reduce_sum3A_120 = vector.shape_cast %broadcast_in_dim3A_109 : vector<128x1xf32> to vector<1x128x1xf32>
    %reduce_sum3A_121 = arith.constant dense<0.000000e+00> : vector<1xf32>
    %reduce_sum3A_122 = vector.multi_reduction <add>, %reduce_sum3A_120, %reduce_sum3A_121 [1, 2] : vector<1x128x1xf32> to vector<1xf32>
    %reduce_sum3A_123 = vector.shape_cast %reduce_sum3A_122 : vector<1xf32> to vector<1x1x1xf32>
    %reduce_sum3A_124 = vector.extract %reduce_sum3A_123[0, 0, 0] : f32 from vector<1x1x1xf32>
    %add3A_125 = arith.constant 0.000000e+00 : f32
    %add3A_126 = arith.addf %add3A_125, %reduce_sum3A_124 : f32
    %slice3A_127 = vector.extract_strided_slice %broadcast_in_dim3A {offsets = [128, 0], sizes = [128, 1], strides = [1, 1]} : vector<4096x1xf32> to vector<128x1xf32>
    %broadcast_in_dim3A_128 = vector.shape_cast %slice3A_127 : vector<128x1xf32> to vector<128x1xf32>
    %broadcast_in_dim3A_129 = vector.broadcast %broadcast_in_dim3A_128 : vector<128x1xf32> to vector<128x128xf32>
    %slice3A_130 = vector.extract_strided_slice %dot_general3A_8 {offsets = [128, 0], sizes = [128, 128], strides = [1, 1]} : vector<4096x1024xf32> to vector<128x128xf32>
    %sub3A_131 = arith.subf %broadcast_in_dim3A_129, %slice3A_130 : vector<128x128xf32>
    %get3A_132 = arith.constant 0 : index
    %get3A_133 = arith.constant 0 : index
    %get3A_134 = vector.load %arg3[%get3A_132, %get3A_133] : memref<1x1024xf32, #tpu.memory_space<vmem>>, vector<1x128xf32>
    %add3A_135 = vector.broadcast %get3A_134 : vector<1x128xf32> to vector<128x128xf32>
    %add3A_136 = arith.addf %sub3A_131, %add3A_135 : vector<128x128xf32>
    %slice3A_137 = vector.extract_strided_slice %dot_general3A_8 {offsets = [128, 128], sizes = [128, 128], strides = [1, 1]} : vector<4096x1024xf32> to vector<128x128xf32>
    %sub3A_138 = arith.subf %broadcast_in_dim3A_129, %slice3A_137 : vector<128x128xf32>
    %get3A_139 = arith.constant 0 : index
    %get3A_140 = arith.constant 128 : index
    %get3A_141 = vector.load %arg3[%get3A_139, %get3A_140] : memref<1x1024xf32, #tpu.memory_space<vmem>>, vector<1x128xf32>
    %add3A_142 = vector.broadcast %get3A_141 : vector<1x128xf32> to vector<128x128xf32>
    %add3A_143 = arith.addf %sub3A_138, %add3A_142 : vector<128x128xf32>
    %lt3A_144 = arith.cmpf olt, %add3A_143, %add3A_136 : vector<128x128xf32>
    %select_n3A_145 = arith.select %lt3A_144, %add3A_143, %add3A_136 : vector<128x128xi1>, vector<128x128xf32>
    %select_n3A_146 = arith.select %lt3A_144, %add3A_13, %add3A_10 : vector<128x128xi1>, vector<128x128xi32>
    %slice3A_147 = vector.extract_strided_slice %dot_general3A_8 {offsets = [128, 256], sizes = [128, 128], strides = [1, 1]} : vector<4096x1024xf32> to vector<128x128xf32>
    %sub3A_148 = arith.subf %broadcast_in_dim3A_129, %slice3A_147 : vector<128x128xf32>
    %get3A_149 = arith.constant 0 : index
    %get3A_150 = arith.constant 256 : index
    %get3A_151 = vector.load %arg3[%get3A_149, %get3A_150] : memref<1x1024xf32, #tpu.memory_space<vmem>>, vector<1x128xf32>
    %add3A_152 = vector.broadcast %get3A_151 : vector<1x128xf32> to vector<128x128xf32>
    %add3A_153 = arith.addf %sub3A_148, %add3A_152 : vector<128x128xf32>
    %lt3A_154 = arith.cmpf olt, %add3A_153, %select_n3A_145 : vector<128x128xf32>
    %select_n3A_155 = arith.select %lt3A_154, %add3A_153, %select_n3A_145 : vector<128x128xi1>, vector<128x128xf32>
    %select_n3A_156 = arith.select %lt3A_154, %add3A_16, %select_n3A_146 : vector<128x128xi1>, vector<128x128xi32>
    %slice3A_157 = vector.extract_strided_slice %dot_general3A_8 {offsets = [128, 384], sizes = [128, 128], strides = [1, 1]} : vector<4096x1024xf32> to vector<128x128xf32>
    %sub3A_158 = arith.subf %broadcast_in_dim3A_129, %slice3A_157 : vector<128x128xf32>
    %get3A_159 = arith.constant 0 : index
    %get3A_160 = arith.constant 384 : index
    %get3A_161 = vector.load %arg3[%get3A_159, %get3A_160] : memref<1x1024xf32, #tpu.memory_space<vmem>>, vector<1x128xf32>
    %add3A_162 = vector.broadcast %get3A_161 : vector<1x128xf32> to vector<128x128xf32>
    %add3A_163 = arith.addf %sub3A_158, %add3A_162 : vector<128x128xf32>
    %lt3A_164 = arith.cmpf olt, %add3A_163, %select_n3A_155 : vector<128x128xf32>
    %select_n3A_165 = arith.select %lt3A_164, %add3A_163, %select_n3A_155 : vector<128x128xi1>, vector<128x128xf32>
    %select_n3A_166 = arith.select %lt3A_164, %add3A_19, %select_n3A_156 : vector<128x128xi1>, vector<128x128xi32>
    %slice3A_167 = vector.extract_strided_slice %dot_general3A_8 {offsets = [128, 512], sizes = [128, 128], strides = [1, 1]} : vector<4096x1024xf32> to vector<128x128xf32>
    %sub3A_168 = arith.subf %broadcast_in_dim3A_129, %slice3A_167 : vector<128x128xf32>
    %get3A_169 = arith.constant 0 : index
    %get3A_170 = arith.constant 512 : index
    %get3A_171 = vector.load %arg3[%get3A_169, %get3A_170] : memref<1x1024xf32, #tpu.memory_space<vmem>>, vector<1x128xf32>
    %add3A_172 = vector.broadcast %get3A_171 : vector<1x128xf32> to vector<128x128xf32>
    %add3A_173 = arith.addf %sub3A_168, %add3A_172 : vector<128x128xf32>
    %lt3A_174 = arith.cmpf olt, %add3A_173, %select_n3A_165 : vector<128x128xf32>
    %select_n3A_175 = arith.select %lt3A_174, %add3A_173, %select_n3A_165 : vector<128x128xi1>, vector<128x128xf32>
    %select_n3A_176 = arith.select %lt3A_174, %add3A_22, %select_n3A_166 : vector<128x128xi1>, vector<128x128xi32>
    %slice3A_177 = vector.extract_strided_slice %dot_general3A_8 {offsets = [128, 640], sizes = [128, 128], strides = [1, 1]} : vector<4096x1024xf32> to vector<128x128xf32>
    %sub3A_178 = arith.subf %broadcast_in_dim3A_129, %slice3A_177 : vector<128x128xf32>
    %get3A_179 = arith.constant 0 : index
    %get3A_180 = arith.constant 640 : index
    %get3A_181 = vector.load %arg3[%get3A_179, %get3A_180] : memref<1x1024xf32, #tpu.memory_space<vmem>>, vector<1x128xf32>
    %add3A_182 = vector.broadcast %get3A_181 : vector<1x128xf32> to vector<128x128xf32>
    %add3A_183 = arith.addf %sub3A_178, %add3A_182 : vector<128x128xf32>
    %lt3A_184 = arith.cmpf olt, %add3A_183, %select_n3A_175 : vector<128x128xf32>
    %select_n3A_185 = arith.select %lt3A_184, %add3A_183, %select_n3A_175 : vector<128x128xi1>, vector<128x128xf32>
    %select_n3A_186 = arith.select %lt3A_184, %add3A_25, %select_n3A_176 : vector<128x128xi1>, vector<128x128xi32>
    %slice3A_187 = vector.extract_strided_slice %dot_general3A_8 {offsets = [128, 768], sizes = [128, 128], strides = [1, 1]} : vector<4096x1024xf32> to vector<128x128xf32>
    %sub3A_188 = arith.subf %broadcast_in_dim3A_129, %slice3A_187 : vector<128x128xf32>
    %get3A_189 = arith.constant 0 : index
    %get3A_190 = arith.constant 768 : index
    %get3A_191 = vector.load %arg3[%get3A_189, %get3A_190] : memref<1x1024xf32, #tpu.memory_space<vmem>>, vector<1x128xf32>
    %add3A_192 = vector.broadcast %get3A_191 : vector<1x128xf32> to vector<128x128xf32>
    %add3A_193 = arith.addf %sub3A_188, %add3A_192 : vector<128x128xf32>
    %lt3A_194 = arith.cmpf olt, %add3A_193, %select_n3A_185 : vector<128x128xf32>
    %select_n3A_195 = arith.select %lt3A_194, %add3A_193, %select_n3A_185 : vector<128x128xi1>, vector<128x128xf32>
    %select_n3A_196 = arith.select %lt3A_194, %add3A_28, %select_n3A_186 : vector<128x128xi1>, vector<128x128xi32>
    %slice3A_197 = vector.extract_strided_slice %dot_general3A_8 {offsets = [128, 896], sizes = [128, 128], strides = [1, 1]} : vector<4096x1024xf32> to vector<128x128xf32>
    %sub3A_198 = arith.subf %broadcast_in_dim3A_129, %slice3A_197 : vector<128x128xf32>
    %get3A_199 = arith.constant 0 : index
    %get3A_200 = arith.constant 896 : index
    %get3A_201 = vector.load %arg3[%get3A_199, %get3A_200] : memref<1x1024xf32, #tpu.memory_space<vmem>>, vector<1x128xf32>
    %add3A_202 = vector.broadcast %get3A_201 : vector<1x128xf32> to vector<128x128xf32>
    %add3A_203 = arith.addf %sub3A_198, %add3A_202 : vector<128x128xf32>
    %lt3A_204 = arith.cmpf olt, %add3A_203, %select_n3A_195 : vector<128x128xf32>
    %select_n3A_205 = arith.select %lt3A_204, %add3A_203, %select_n3A_195 : vector<128x128xi1>, vector<128x128xf32>
    %select_n3A_206 = arith.select %lt3A_204, %add3A_31, %select_n3A_196 : vector<128x128xi1>, vector<128x128xi32>
    %reduce_min3A_207 = arith.constant dense<0x7F800000> : vector<128xf32>
    %reduce_min3A_208 = vector.multi_reduction <minimumf>, %select_n3A_205, %reduce_min3A_207 [1] : vector<128x128xf32> to vector<128xf32>
    %broadcast_in_dim3A_209 = vector.shape_cast %reduce_min3A_208 : vector<128xf32> to vector<128x1xf32>
    %eq3A_210 = vector.broadcast %broadcast_in_dim3A_209 : vector<128x1xf32> to vector<128x128xf32>
    %eq3A_211 = arith.cmpf oeq, %select_n3A_205, %eq3A_210 : vector<128x128xf32>
    %jit3A_212 = arith.constant 1024 : i32
    %broadcast_in_dim3A_213 = vector.broadcast %jit3A_212 : i32 to vector<128x128xi32>
    %select_n3A_214 = arith.select %eq3A_211, %select_n3A_206, %broadcast_in_dim3A_213 : vector<128x128xi1>, vector<128x128xi32>
    %reduce_min3A_215 = arith.constant dense<2147483647> : vector<128xi32>
    %reduce_min3A_216 = vector.multi_reduction <minsi>, %select_n3A_214, %reduce_min3A_215 [1] : vector<128x128xi32> to vector<128xi32>
    %swap3A_217 = arith.constant 0 : index
    %swap3A_218 = arith.constant 0 : index
    %swap3A_219 = arith.constant 128 : index
    %swap3A_220 = vector.load %arg4[%swap3A_217, %swap3A_218, %swap3A_219] : memref<1x1x4096xi32, #tpu.memory_space<vmem>>, vector<1x1x128xi32>
    %swap3A_221 = vector.shape_cast %swap3A_220 : vector<1x1x128xi32> to vector<128xi32>
    %swap3A_222 = vector.shape_cast %reduce_min3A_216 : vector<128xi32> to vector<1x1x128xi32>
    tpu.vector_store %arg4[%swap3A_217, %swap3A_218, %swap3A_219], %swap3A_222 {strides = array<i32>} : memref<1x1x4096xi32, #tpu.memory_space<vmem>>, vector<1x1x128xi32>,
    %reduce_sum3A_223 = vector.shape_cast %broadcast_in_dim3A_209 : vector<128x1xf32> to vector<1x128x1xf32>
    %reduce_sum3A_224 = arith.constant dense<0.000000e+00> : vector<1xf32>
    %reduce_sum3A_225 = vector.multi_reduction <add>, %reduce_sum3A_223, %reduce_sum3A_224 [1, 2] : vector<1x128x1xf32> to vector<1xf32>
    %reduce_sum3A_226 = vector.shape_cast %reduce_sum3A_225 : vector<1xf32> to vector<1x1x1xf32>
    %reduce_sum3A_227 = vector.extract %reduce_sum3A_226[0, 0, 0] : f32 from vector<1x1x1xf32>
    %add3A_228 = arith.addf %add3A_126, %reduce_sum3A_227 : f32
    %slice3A_229 = vector.extract_strided_slice %broadcast_in_dim3A {offsets = [256, 0], sizes = [128, 1], strides = [1, 1]} : vector<4096x1xf32> to vector<128x1xf32>
    %broadcast_in_dim3A_230 = vector.shape_cast %slice3A_229 : vector<128x1xf32> to vector<128x1xf32>
    %broadcast_in_dim3A_231 = vector.broadcast %broadcast_in_dim3A_230 : vector<128x1xf32> to vector<128x128xf32>
    %slice3A_232 = vector.extract_strided_slice %dot_general3A_8 {offsets = [256, 0], sizes = [128, 128], strides = [1, 1]} : vector<4096x1024xf32> to vector<128x128xf32>
    %sub3A_233 = arith.subf %broadcast_in_dim3A_231, %slice3A_232 : vector<128x128xf32>
    %get3A_234 = arith.constant 0 : index
    %get3A_235 = arith.constant 0 : index
    %get3A_236 = vector.load %arg3[%get3A_234, %get3A_235] : memref<1x1024xf32, #tpu.memory_space<vmem>>, vector<1x128xf32>
    %add3A_237 = vector.broadcast %get3A_236 : vector<1x128xf32> to vector<128x128xf32>
    %add3A_238 = arith.addf %sub3A_233, %add3A_237 : vector<128x128xf32>
    %slice3A_239 = vector.extract_strided_slice %dot_general3A_8 {offsets = [256, 128], sizes = [128, 128], strides = [1, 1]} : vector<4096x1024xf32> to vector<128x128xf32>
    %sub3A_240 = arith.subf %broadcast_in_dim3A_231, %slice3A_239 : vector<128x128xf32>
    %get3A_241 = arith.constant 0 : index
    %get3A_242 = arith.constant 128 : index
    %get3A_243 = vector.load %arg3[%get3A_241, %get3A_242] : memref<1x1024xf32, #tpu.memory_space<vmem>>, vector<1x128xf32>
    %add3A_244 = vector.broadcast %get3A_243 : vector<1x128xf32> to vector<128x128xf32>
    %add3A_245 = arith.addf %sub3A_240, %add3A_244 : vector<128x128xf32>
    %lt3A_246 = arith.cmpf olt, %add3A_245, %add3A_238 : vector<128x128xf32>
    %select_n3A_247 = arith.select %lt3A_246, %add3A_245, %add3A_238 : vector<128x128xi1>, vector<128x128xf32>
    %select_n3A_248 = arith.select %lt3A_246, %add3A_13, %add3A_10 : vector<128x128xi1>, vector<128x128xi32>
    %slice3A_249 = vector.extract_strided_slice %dot_general3A_8 {offsets = [256, 256], sizes = [128, 128], strides = [1, 1]} : vector<4096x1024xf32> to vector<128x128xf32>
    %sub3A_250 = arith.subf %broadcast_in_dim3A_231, %slice3A_249 : vector<128x128xf32>
    %get3A_251 = arith.constant 0 : index
    %get3A_252 = arith.constant 256 : index
    %get3A_253 = vector.load %arg3[%get3A_251, %get3A_252] : memref<1x1024xf32, #tpu.memory_space<vmem>>, vector<1x128xf32>
    %add3A_254 = vector.broadcast %get3A_253 : vector<1x128xf32> to vector<128x128xf32>
    %add3A_255 = arith.addf %sub3A_250, %add3A_254 : vector<128x128xf32>
    %lt3A_256 = arith.cmpf olt, %add3A_255, %select_n3A_247 : vector<128x128xf32>
    %select_n3A_257 = arith.select %lt3A_256, %add3A_255, %select_n3A_247 : vector<128x128xi1>, vector<128x128xf32>
    %select_n3A_258 = arith.select %lt3A_256, %add3A_16, %select_n3A_248 : vector<128x128xi1>, vector<128x128xi32>
    %slice3A_259 = vector.extract_strided_slice %dot_general3A_8 {offsets = [256, 384], sizes = [128, 128], strides = [1, 1]} : vector<4096x1024xf32> to vector<128x128xf32>
    %sub3A_260 = arith.subf %broadcast_in_dim3A_231, %slice3A_259 : vector<128x128xf32>
    %get3A_261 = arith.constant 0 : index
    %get3A_262 = arith.constant 384 : index
    %get3A_263 = vector.load %arg3[%get3A_261, %get3A_262] : memref<1x1024xf32, #tpu.memory_space<vmem>>, vector<1x128xf32>
    %add3A_264 = vector.broadcast %get3A_263 : vector<1x128xf32> to vector<128x128xf32>
    %add3A_265 = arith.addf %sub3A_260, %add3A_264 : vector<128x128xf32>
    %lt3A_266 = arith.cmpf olt, %add3A_265, %select_n3A_257 : vector<128x128xf32>
    %select_n3A_267 = arith.select %lt3A_266, %add3A_265, %select_n3A_257 : vector<128x128xi1>, vector<128x128xf32>
    %select_n3A_268 = arith.select %lt3A_266, %add3A_19, %select_n3A_258 : vector<128x128xi1>, vector<128x128xi32>
    %slice3A_269 = vector.extract_strided_slice %dot_general3A_8 {offsets = [256, 512], sizes = [128, 128], strides = [1, 1]} : vector<4096x1024xf32> to vector<128x128xf32>
    %sub3A_270 = arith.subf %broadcast_in_dim3A_231, %slice3A_269 : vector<128x128xf32>
    %get3A_271 = arith.constant 0 : index
    %get3A_272 = arith.constant 512 : index
    %get3A_273 = vector.load %arg3[%get3A_271, %get3A_272] : memref<1x1024xf32, #tpu.memory_space<vmem>>, vector<1x128xf32>
    %add3A_274 = vector.broadcast %get3A_273 : vector<1x128xf32> to vector<128x128xf32>
    %add3A_275 = arith.addf %sub3A_270, %add3A_274 : vector<128x128xf32>
    %lt3A_276 = arith.cmpf olt, %add3A_275, %select_n3A_267 : vector<128x128xf32>
    %select_n3A_277 = arith.select %lt3A_276, %add3A_275, %select_n3A_267 : vector<128x128xi1>, vector<128x128xf32>
    %select_n3A_278 = arith.select %lt3A_276, %add3A_22, %select_n3A_268 : vector<128x128xi1>, vector<128x128xi32>
    %slice3A_279 = vector.extract_strided_slice %dot_general3A_8 {offsets = [256, 640], sizes = [128, 128], strides = [1, 1]} : vector<4096x1024xf32> to vector<128x128xf32>
    %sub3A_280 = arith.subf %broadcast_in_dim3A_231, %slice3A_279 : vector<128x128xf32>
    %get3A_281 = arith.constant 0 : index
    %get3A_282 = arith.constant 640 : index
    %get3A_283 = vector.load %arg3[%get3A_281, %get3A_282] : memref<1x1024xf32, #tpu.memory_space<vmem>>, vector<1x128xf32>
    %add3A_284 = vector.broadcast %get3A_283 : vector<1x128xf32> to vector<128x128xf32>
    %add3A_285 = arith.addf %sub3A_280, %add3A_284 : vector<128x128xf32>
    %lt3A_286 = arith.cmpf olt, %add3A_285, %select_n3A_277 : vector<128x128xf32>
    %select_n3A_287 = arith.select %lt3A_286, %add3A_285, %select_n3A_277 : vector<128x128xi1>, vector<128x128xf32>
    %select_n3A_288 = arith.select %lt3A_286, %add3A_25, %select_n3A_278 : vector<128x128xi1>, vector<128x128xi32>
    %slice3A_289 = vector.extract_strided_slice %dot_general3A_8 {offsets = [256, 768], sizes = [128, 128], strides = [1, 1]} : vector<4096x1024xf32> to vector<128x128xf32>
    %sub3A_290 = arith.subf %broadcast_in_dim3A_231, %slice3A_289 : vector<128x128xf32>
    %get3A_291 = arith.constant 0 : index
    %get3A_292 = arith.constant 768 : index
    %get3A_293 = vector.load %arg3[%get3A_291, %get3A_292] : memref<1x1024xf32, #tpu.memory_space<vmem>>, vector<1x128xf32>
    %add3A_294 = vector.broadcast %get3A_293 : vector<1x128xf32> to vector<128x128xf32>
    %add3A_295 = arith.addf %sub3A_290, %add3A_294 : vector<128x128xf32>
    %lt3A_296 = arith.cmpf olt, %add3A_295, %select_n3A_287 : vector<128x128xf32>
    %select_n3A_297 = arith.select %lt3A_296, %add3A_295, %select_n3A_287 : vector<128x128xi1>, vector<128x128xf32>
    %select_n3A_298 = arith.select %lt3A_296, %add3A_28, %select_n3A_288 : vector<128x128xi1>, vector<128x128xi32>
    %slice3A_299 = vector.extract_strided_slice %dot_general3A_8 {offsets = [256, 896], sizes = [128, 128], strides = [1, 1]} : vector<4096x1024xf32> to vector<128x128xf32>
    %sub3A_300 = arith.subf %broadcast_in_dim3A_231, %slice3A_299 : vector<128x128xf32>
    %get3A_301 = arith.constant 0 : index
    %get3A_302 = arith.constant 896 : index
    %get3A_303 = vector.load %arg3[%get3A_301, %get3A_302] : memref<1x1024xf32, #tpu.memory_space<vmem>>, vector<1x128xf32>
    %add3A_304 = vector.broadcast %get3A_303 : vector<1x128xf32> to vector<128x128xf32>
    %add3A_305 = arith.addf %sub3A_300, %add3A_304 : vector<128x128xf32>
    %lt3A_306 = arith.cmpf olt, %add3A_305, %select_n3A_297 : vector<128x128xf32>
    %select_n3A_307 = arith.select %lt3A_306, %add3A_305, %select_n3A_297 : vector<128x128xi1>, vector<128x128xf32>
    %select_n3A_308 = arith.select %lt3A_306, %add3A_31, %select_n3A_298 : vector<128x128xi1>, vector<128x128xi32>
    %reduce_min3A_309 = arith.constant dense<0x7F800000> : vector<128xf32>
    %reduce_min3A_310 = vector.multi_reduction <minimumf>, %select_n3A_307, %reduce_min3A_309 [1] : vector<128x128xf32> to vector<128xf32>
    %broadcast_in_dim3A_311 = vector.shape_cast %reduce_min3A_310 : vector<128xf32> to vector<128x1xf32>
    %eq3A_312 = vector.broadcast %broadcast_in_dim3A_311 : vector<128x1xf32> to vector<128x128xf32>
    %eq3A_313 = arith.cmpf oeq, %select_n3A_307, %eq3A_312 : vector<128x128xf32>
    %jit3A_314 = arith.constant 1024 : i32
    %broadcast_in_dim3A_315 = vector.broadcast %jit3A_314 : i32 to vector<128x128xi32>
    %select_n3A_316 = arith.select %eq3A_313, %select_n3A_308, %broadcast_in_dim3A_315 : vector<128x128xi1>, vector<128x128xi32>
    %reduce_min3A_317 = arith.constant dense<2147483647> : vector<128xi32>
    %reduce_min3A_318 = vector.multi_reduction <minsi>, %select_n3A_316, %reduce_min3A_317 [1] : vector<128x128xi32> to vector<128xi32>
    %swap3A_319 = arith.constant 0 : index
    %swap3A_320 = arith.constant 0 : index
    %swap3A_321 = arith.constant 256 : index
    %swap3A_322 = vector.load %arg4[%swap3A_319, %swap3A_320, %swap3A_321] : memref<1x1x4096xi32, #tpu.memory_space<vmem>>, vector<1x1x128xi32>
    %swap3A_323 = vector.shape_cast %swap3A_322 : vector<1x1x128xi32> to vector<128xi32>
    %swap3A_324 = vector.shape_cast %reduce_min3A_318 : vector<128xi32> to vector<1x1x128xi32>
    tpu.vector_store %arg4[%swap3A_319, %swap3A_320, %swap3A_321], %swap3A_324 {strides = array<i32>} : memref<1x1x4096xi32, #tpu.memory_space<vmem>>, vector<1x1x128xi32>,
    %reduce_sum3A_325 = vector.shape_cast %broadcast_in_dim3A_311 : vector<128x1xf32> to vector<1x128x1xf32>
    %reduce_sum3A_326 = arith.constant dense<0.000000e+00> : vector<1xf32>
    %reduce_sum3A_327 = vector.multi_reduction <add>, %reduce_sum3A_325, %reduce_sum3A_326 [1, 2] : vector<1x128x1xf32> to vector<1xf32>
    %reduce_sum3A_328 = vector.shape_cast %reduce_sum3A_327 : vector<1xf32> to vector<1x1x1xf32>
    %reduce_sum3A_329 = vector.extract %reduce_sum3A_328[0, 0, 0] : f32 from vector<1x1x1xf32>
    %add3A_330 = arith.addf %add3A_228, %reduce_sum3A_329 : f32
    %slice3A_331 = vector.extract_strided_slice %broadcast_in_dim3A {offsets = [384, 0], sizes = [128, 1], strides = [1, 1]} : vector<4096x1xf32> to vector<128x1xf32>
    %broadcast_in_dim3A_332 = vector.shape_cast %slice3A_331 : vector<128x1xf32> to vector<128x1xf32>
    %broadcast_in_dim3A_333 = vector.broadcast %broadcast_in_dim3A_332 : vector<128x1xf32> to vector<128x128xf32>
    %slice3A_334 = vector.extract_strided_slice %dot_general3A_8 {offsets = [384, 0], sizes = [128, 128], strides = [1, 1]} : vector<4096x1024xf32> to vector<128x128xf32>
    %sub3A_335 = arith.subf %broadcast_in_dim3A_333, %slice3A_334 : vector<128x128xf32>
    %get3A_336 = arith.constant 0 : index
    %get3A_337 = arith.constant 0 : index
    %get3A_338 = vector.load %arg3[%get3A_336, %get3A_337] : memref<1x1024xf32, #tpu.memory_space<vmem>>, vector<1x128xf32>
    %add3A_339 = vector.broadcast %get3A_338 : vector<1x128xf32> to vector<128x128xf32>
    %add3A_340 = arith.addf %sub3A_335, %add3A_339 : vector<128x128xf32>
    %slice3A_341 = vector.extract_strided_slice %dot_general3A_8 {offsets = [384, 128], sizes = [128, 128], strides = [1, 1]} : vector<4096x1024xf32> to vector<128x128xf32>
    %sub3A_342 = arith.subf %broadcast_in_dim3A_333, %slice3A_341 : vector<128x128xf32>
    %get3A_343 = arith.constant 0 : index
    %get3A_344 = arith.constant 128 : index
    %get3A_345 = vector.load %arg3[%get3A_343, %get3A_344] : memref<1x1024xf32, #tpu.memory_space<vmem>>, vector<1x128xf32>
    %add3A_346 = vector.broadcast %get3A_345 : vector<1x128xf32> to vector<128x128xf32>
    %add3A_347 = arith.addf %sub3A_342, %add3A_346 : vector<128x128xf32>
    %lt3A_348 = arith.cmpf olt, %add3A_347, %add3A_340 : vector<128x128xf32>
    %select_n3A_349 = arith.select %lt3A_348, %add3A_347, %add3A_340 : vector<128x128xi1>, vector<128x128xf32>
    %select_n3A_350 = arith.select %lt3A_348, %add3A_13, %add3A_10 : vector<128x128xi1>, vector<128x128xi32>
    %slice3A_351 = vector.extract_strided_slice %dot_general3A_8 {offsets = [384, 256], sizes = [128, 128], strides = [1, 1]} : vector<4096x1024xf32> to vector<128x128xf32>
    %sub3A_352 = arith.subf %broadcast_in_dim3A_333, %slice3A_351 : vector<128x128xf32>
    %get3A_353 = arith.constant 0 : index
    %get3A_354 = arith.constant 256 : index
    %get3A_355 = vector.load %arg3[%get3A_353, %get3A_354] : memref<1x1024xf32, #tpu.memory_space<vmem>>, vector<1x128xf32>
    %add3A_356 = vector.broadcast %get3A_355 : vector<1x128xf32> to vector<128x128xf32>
    %add3A_357 = arith.addf %sub3A_352, %add3A_356 : vector<128x128xf32>
    %lt3A_358 = arith.cmpf olt, %add3A_357, %select_n3A_349 : vector<128x128xf32>
    %select_n3A_359 = arith.select %lt3A_358, %add3A_357, %select_n3A_349 : vector<128x128xi1>, vector<128x128xf32>
    %select_n3A_360 = arith.select %lt3A_358, %add3A_16, %select_n3A_350 : vector<128x128xi1>, vector<128x128xi32>
    %slice3A_361 = vector.extract_strided_slice %dot_general3A_8 {offsets = [384, 384], sizes = [128, 128], strides = [1, 1]} : vector<4096x1024xf32> to vector<128x128xf32>
    %sub3A_362 = arith.subf %broadcast_in_dim3A_333, %slice3A_361 : vector<128x128xf32>
    %get3A_363 = arith.constant 0 : index
    %get3A_364 = arith.constant 384 : index
    %get3A_365 = vector.load %arg3[%get3A_363, %get3A_364] : memref<1x1024xf32, #tpu.memory_space<vmem>>, vector<1x128xf32>
    %add3A_366 = vector.broadcast %get3A_365 : vector<1x128xf32> to vector<128x128xf32>
    %add3A_367 = arith.addf %sub3A_362, %add3A_366 : vector<128x128xf32>
    %lt3A_368 = arith.cmpf olt, %add3A_367, %select_n3A_359 : vector<128x128xf32>
    %select_n3A_369 = arith.select %lt3A_368, %add3A_367, %select_n3A_359 : vector<128x128xi1>, vector<128x128xf32>
    %select_n3A_370 = arith.select %lt3A_368, %add3A_19, %select_n3A_360 : vector<128x128xi1>, vector<128x128xi32>
    %slice3A_371 = vector.extract_strided_slice %dot_general3A_8 {offsets = [384, 512], sizes = [128, 128], strides = [1, 1]} : vector<4096x1024xf32> to vector<128x128xf32>
    %sub3A_372 = arith.subf %broadcast_in_dim3A_333, %slice3A_371 : vector<128x128xf32>
    %get3A_373 = arith.constant 0 : index
    %get3A_374 = arith.constant 512 : index
    %get3A_375 = vector.load %arg3[%get3A_373, %get3A_374] : memref<1x1024xf32, #tpu.memory_space<vmem>>, vector<1x128xf32>
    %add3A_376 = vector.broadcast %get3A_375 : vector<1x128xf32> to vector<128x128xf32>
    %add3A_377 = arith.addf %sub3A_372, %add3A_376 : vector<128x128xf32>
    %lt3A_378 = arith.cmpf olt, %add3A_377, %select_n3A_369 : vector<128x128xf32>
    %select_n3A_379 = arith.select %lt3A_378, %add3A_377, %select_n3A_369 : vector<128x128xi1>, vector<128x128xf32>
    %select_n3A_380 = arith.select %lt3A_378, %add3A_22, %select_n3A_370 : vector<128x128xi1>, vector<128x128xi32>
    %slice3A_381 = vector.extract_strided_slice %dot_general3A_8 {offsets = [384, 640], sizes = [128, 128], strides = [1, 1]} : vector<4096x1024xf32> to vector<128x128xf32>
    %sub3A_382 = arith.subf %broadcast_in_dim3A_333, %slice3A_381 : vector<128x128xf32>
    %get3A_383 = arith.constant 0 : index
    %get3A_384 = arith.constant 640 : index
    %get3A_385 = vector.load %arg3[%get3A_383, %get3A_384] : memref<1x1024xf32, #tpu.memory_space<vmem>>, vector<1x128xf32>
    %add3A_386 = vector.broadcast %get3A_385 : vector<1x128xf32> to vector<128x128xf32>
    %add3A_387 = arith.addf %sub3A_382, %add3A_386 : vector<128x128xf32>
    %lt3A_388 = arith.cmpf olt, %add3A_387, %select_n3A_379 : vector<128x128xf32>
    %select_n3A_389 = arith.select %lt3A_388, %add3A_387, %select_n3A_379 : vector<128x128xi1>, vector<128x128xf32>
    %select_n3A_390 = arith.select %lt3A_388, %add3A_25, %select_n3A_380 : vector<128x128xi1>, vector<128x128xi32>
    %slice3A_391 = vector.extract_strided_slice %dot_general3A_8 {offsets = [384, 768], sizes = [128, 128], strides = [1, 1]} : vector<4096x1024xf32> to vector<128x128xf32>
    %sub3A_392 = arith.subf %broadcast_in_dim3A_333, %slice3A_391 : vector<128x128xf32>
    %get3A_393 = arith.constant 0 : index
    %get3A_394 = arith.constant 768 : index
    %get3A_395 = vector.load %arg3[%get3A_393, %get3A_394] : memref<1x1024xf32, #tpu.memory_space<vmem>>, vector<1x128xf32>
    %add3A_396 = vector.broadcast %get3A_395 : vector<1x128xf32> to vector<128x128xf32>
    %add3A_397 = arith.addf %sub3A_392, %add3A_396 : vector<128x128xf32>
    %lt3A_398 = arith.cmpf olt, %add3A_397, %select_n3A_389 : vector<128x128xf32>
    %select_n3A_399 = arith.select %lt3A_398, %add3A_397, %select_n3A_389 : vector<128x128xi1>, vector<128x128xf32>
    %select_n3A_400 = arith.select %lt3A_398, %add3A_28, %select_n3A_390 : vector<128x128xi1>, vector<128x128xi32>
    %slice3A_401 = vector.extract_strided_slice %dot_general3A_8 {offsets = [384, 896], sizes = [128, 128], strides = [1, 1]} : vector<4096x1024xf32> to vector<128x128xf32>
    %sub3A_402 = arith.subf %broadcast_in_dim3A_333, %slice3A_401 : vector<128x128xf32>
    %get3A_403 = arith.constant 0 : index
    %get3A_404 = arith.constant 896 : index
    %get3A_405 = vector.load %arg3[%get3A_403, %get3A_404] : memref<1x1024xf32, #tpu.memory_space<vmem>>, vector<1x128xf32>
    %add3A_406 = vector.broadcast %get3A_405 : vector<1x128xf32> to vector<128x128xf32>
    %add3A_407 = arith.addf %sub3A_402, %add3A_406 : vector<128x128xf32>
    %lt3A_408 = arith.cmpf olt, %add3A_407, %select_n3A_399 : vector<128x128xf32>
    %select_n3A_409 = arith.select %lt3A_408, %add3A_407, %select_n3A_399 : vector<128x128xi1>, vector<128x128xf32>
    %select_n3A_410 = arith.select %lt3A_408, %add3A_31, %select_n3A_400 : vector<128x128xi1>, vector<128x128xi32>
    %reduce_min3A_411 = arith.constant dense<0x7F800000> : vector<128xf32>
    %reduce_min3A_412 = vector.multi_reduction <minimumf>, %select_n3A_409, %reduce_min3A_411 [1] : vector<128x128xf32> to vector<128xf32>
    %broadcast_in_dim3A_413 = vector.shape_cast %reduce_min3A_412 : vector<128xf32> to vector<128x1xf32>
    %eq3A_414 = vector.broadcast %broadcast_in_dim3A_413 : vector<128x1xf32> to vector<128x128xf32>
    %eq3A_415 = arith.cmpf oeq, %select_n3A_409, %eq3A_414 : vector<128x128xf32>
    %jit3A_416 = arith.constant 1024 : i32
    %broadcast_in_dim3A_417 = vector.broadcast %jit3A_416 : i32 to vector<128x128xi32>
    %select_n3A_418 = arith.select %eq3A_415, %select_n3A_410, %broadcast_in_dim3A_417 : vector<128x128xi1>, vector<128x128xi32>
    %reduce_min3A_419 = arith.constant dense<2147483647> : vector<128xi32>
    %reduce_min3A_420 = vector.multi_reduction <minsi>, %select_n3A_418, %reduce_min3A_419 [1] : vector<128x128xi32> to vector<128xi32>
    %swap3A_421 = arith.constant 0 : index
    %swap3A_422 = arith.constant 0 : index
    %swap3A_423 = arith.constant 384 : index
    %swap3A_424 = vector.load %arg4[%swap3A_421, %swap3A_422, %swap3A_423] : memref<1x1x4096xi32, #tpu.memory_space<vmem>>, vector<1x1x128xi32>
    %swap3A_425 = vector.shape_cast %swap3A_424 : vector<1x1x128xi32> to vector<128xi32>
    %swap3A_426 = vector.shape_cast %reduce_min3A_420 : vector<128xi32> to vector<1x1x128xi32>
    tpu.vector_store %arg4[%swap3A_421, %swap3A_422, %swap3A_423], %swap3A_426 {strides = array<i32>} : memref<1x1x4096xi32, #tpu.memory_space<vmem>>, vector<1x1x128xi32>,
    %reduce_sum3A_427 = vector.shape_cast %broadcast_in_dim3A_413 : vector<128x1xf32> to vector<1x128x1xf32>
    %reduce_sum3A_428 = arith.constant dense<0.000000e+00> : vector<1xf32>
    %reduce_sum3A_429 = vector.multi_reduction <add>, %reduce_sum3A_427, %reduce_sum3A_428 [1, 2] : vector<1x128x1xf32> to vector<1xf32>
    %reduce_sum3A_430 = vector.shape_cast %reduce_sum3A_429 : vector<1xf32> to vector<1x1x1xf32>
    %reduce_sum3A_431 = vector.extract %reduce_sum3A_430[0, 0, 0] : f32 from vector<1x1x1xf32>
    %add3A_432 = arith.addf %add3A_330, %reduce_sum3A_431 : f32
    %slice3A_433 = vector.extract_strided_slice %broadcast_in_dim3A {offsets = [512, 0], sizes = [128, 1], strides = [1, 1]} : vector<4096x1xf32> to vector<128x1xf32>
    %broadcast_in_dim3A_434 = vector.shape_cast %slice3A_433 : vector<128x1xf32> to vector<128x1xf32>
    %broadcast_in_dim3A_435 = vector.broadcast %broadcast_in_dim3A_434 : vector<128x1xf32> to vector<128x128xf32>
    %slice3A_436 = vector.extract_strided_slice %dot_general3A_8 {offsets = [512, 0], sizes = [128, 128], strides = [1, 1]} : vector<4096x1024xf32> to vector<128x128xf32>
    %sub3A_437 = arith.subf %broadcast_in_dim3A_435, %slice3A_436 : vector<128x128xf32>
    %get3A_438 = arith.constant 0 : index
    %get3A_439 = arith.constant 0 : index
    %get3A_440 = vector.load %arg3[%get3A_438, %get3A_439] : memref<1x1024xf32, #tpu.memory_space<vmem>>, vector<1x128xf32>
    %add3A_441 = vector.broadcast %get3A_440 : vector<1x128xf32> to vector<128x128xf32>
    %add3A_442 = arith.addf %sub3A_437, %add3A_441 : vector<128x128xf32>
    %slice3A_443 = vector.extract_strided_slice %dot_general3A_8 {offsets = [512, 128], sizes = [128, 128], strides = [1, 1]} : vector<4096x1024xf32> to vector<128x128xf32>
    %sub3A_444 = arith.subf %broadcast_in_dim3A_435, %slice3A_443 : vector<128x128xf32>
    %get3A_445 = arith.constant 0 : index
    %get3A_446 = arith.constant 128 : index
    %get3A_447 = vector.load %arg3[%get3A_445, %get3A_446] : memref<1x1024xf32, #tpu.memory_space<vmem>>, vector<1x128xf32>
    %add3A_448 = vector.broadcast %get3A_447 : vector<1x128xf32> to vector<128x128xf32>
    %add3A_449 = arith.addf %sub3A_444, %add3A_448 : vector<128x128xf32>
    %lt3A_450 = arith.cmpf olt, %add3A_449, %add3A_442 : vector<128x128xf32>
    %select_n3A_451 = arith.select %lt3A_450, %add3A_449, %add3A_442 : vector<128x128xi1>, vector<128x128xf32>
    %select_n3A_452 = arith.select %lt3A_450, %add3A_13, %add3A_10 : vector<128x128xi1>, vector<128x128xi32>
    %slice3A_453 = vector.extract_strided_slice %dot_general3A_8 {offsets = [512, 256], sizes = [128, 128], strides = [1, 1]} : vector<4096x1024xf32> to vector<128x128xf32>
    %sub3A_454 = arith.subf %broadcast_in_dim3A_435, %slice3A_453 : vector<128x128xf32>
    %get3A_455 = arith.constant 0 : index
    %get3A_456 = arith.constant 256 : index
    %get3A_457 = vector.load %arg3[%get3A_455, %get3A_456] : memref<1x1024xf32, #tpu.memory_space<vmem>>, vector<1x128xf32>
    %add3A_458 = vector.broadcast %get3A_457 : vector<1x128xf32> to vector<128x128xf32>
    %add3A_459 = arith.addf %sub3A_454, %add3A_458 : vector<128x128xf32>
    %lt3A_460 = arith.cmpf olt, %add3A_459, %select_n3A_451 : vector<128x128xf32>
    %select_n3A_461 = arith.select %lt3A_460, %add3A_459, %select_n3A_451 : vector<128x128xi1>, vector<128x128xf32>
    %select_n3A_462 = arith.select %lt3A_460, %add3A_16, %select_n3A_452 : vector<128x128xi1>, vector<128x128xi32>
    %slice3A_463 = vector.extract_strided_slice %dot_general3A_8 {offsets = [512, 384], sizes = [128, 128], strides = [1, 1]} : vector<4096x1024xf32> to vector<128x128xf32>
    %sub3A_464 = arith.subf %broadcast_in_dim3A_435, %slice3A_463 : vector<128x128xf32>
    %get3A_465 = arith.constant 0 : index
    %get3A_466 = arith.constant 384 : index
    %get3A_467 = vector.load %arg3[%get3A_465, %get3A_466] : memref<1x1024xf32, #tpu.memory_space<vmem>>, vector<1x128xf32>
    %add3A_468 = vector.broadcast %get3A_467 : vector<1x128xf32> to vector<128x128xf32>
    %add3A_469 = arith.addf %sub3A_464, %add3A_468 : vector<128x128xf32>
    %lt3A_470 = arith.cmpf olt, %add3A_469, %select_n3A_461 : vector<128x128xf32>
    %select_n3A_471 = arith.select %lt3A_470, %add3A_469, %select_n3A_461 : vector<128x128xi1>, vector<128x128xf32>
    %select_n3A_472 = arith.select %lt3A_470, %add3A_19, %select_n3A_462 : vector<128x128xi1>, vector<128x128xi32>
    %slice3A_473 = vector.extract_strided_slice %dot_general3A_8 {offsets = [512, 512], sizes = [128, 128], strides = [1, 1]} : vector<4096x1024xf32> to vector<128x128xf32>
    %sub3A_474 = arith.subf %broadcast_in_dim3A_435, %slice3A_473 : vector<128x128xf32>
    %get3A_475 = arith.constant 0 : index
    %get3A_476 = arith.constant 512 : index
    %get3A_477 = vector.load %arg3[%get3A_475, %get3A_476] : memref<1x1024xf32, #tpu.memory_space<vmem>>, vector<1x128xf32>
    %add3A_478 = vector.broadcast %get3A_477 : vector<1x128xf32> to vector<128x128xf32>
    %add3A_479 = arith.addf %sub3A_474, %add3A_478 : vector<128x128xf32>
    %lt3A_480 = arith.cmpf olt, %add3A_479, %select_n3A_471 : vector<128x128xf32>
    %select_n3A_481 = arith.select %lt3A_480, %add3A_479, %select_n3A_471 : vector<128x128xi1>, vector<128x128xf32>
    %select_n3A_482 = arith.select %lt3A_480, %add3A_22, %select_n3A_472 : vector<128x128xi1>, vector<128x128xi32>
    %slice3A_483 = vector.extract_strided_slice %dot_general3A_8 {offsets = [512, 640], sizes = [128, 128], strides = [1, 1]} : vector<4096x1024xf32> to vector<128x128xf32>
    %sub3A_484 = arith.subf %broadcast_in_dim3A_435, %slice3A_483 : vector<128x128xf32>
    %get3A_485 = arith.constant 0 : index
    %get3A_486 = arith.constant 640 : index
    %get3A_487 = vector.load %arg3[%get3A_485, %get3A_486] : memref<1x1024xf32, #tpu.memory_space<vmem>>, vector<1x128xf32>
    %add3A_488 = vector.broadcast %get3A_487 : vector<1x128xf32> to vector<128x128xf32>
    %add3A_489 = arith.addf %sub3A_484, %add3A_488 : vector<128x128xf32>
    %lt3A_490 = arith.cmpf olt, %add3A_489, %select_n3A_481 : vector<128x128xf32>
    %select_n3A_491 = arith.select %lt3A_490, %add3A_489, %select_n3A_481 : vector<128x128xi1>, vector<128x128xf32>
    %select_n3A_492 = arith.select %lt3A_490, %add3A_25, %select_n3A_482 : vector<128x128xi1>, vector<128x128xi32>
    %slice3A_493 = vector.extract_strided_slice %dot_general3A_8 {offsets = [512, 768], sizes = [128, 128], strides = [1, 1]} : vector<4096x1024xf32> to vector<128x128xf32>
    %sub3A_494 = arith.subf %broadcast_in_dim3A_435, %slice3A_493 : vector<128x128xf32>
    %get3A_495 = arith.constant 0 : index
    %get3A_496 = arith.constant 768 : index
    %get3A_497 = vector.load %arg3[%get3A_495, %get3A_496] : memref<1x1024xf32, #tpu.memory_space<vmem>>, vector<1x128xf32>
    %add3A_498 = vector.broadcast %get3A_497 : vector<1x128xf32> to vector<128x128xf32>
    %add3A_499 = arith.addf %sub3A_494, %add3A_498 : vector<128x128xf32>
    %lt3A_500 = arith.cmpf olt, %add3A_499, %select_n3A_491 : vector<128x128xf32>
    %select_n3A_501 = arith.select %lt3A_500, %add3A_499, %select_n3A_491 : vector<128x128xi1>, vector<128x128xf32>
    %select_n3A_502 = arith.select %lt3A_500, %add3A_28, %select_n3A_492 : vector<128x128xi1>, vector<128x128xi32>
    %slice3A_503 = vector.extract_strided_slice %dot_general3A_8 {offsets = [512, 896], sizes = [128, 128], strides = [1, 1]} : vector<4096x1024xf32> to vector<128x128xf32>
    %sub3A_504 = arith.subf %broadcast_in_dim3A_435, %slice3A_503 : vector<128x128xf32>
    %get3A_505 = arith.constant 0 : index
    %get3A_506 = arith.constant 896 : index
    %get3A_507 = vector.load %arg3[%get3A_505, %get3A_506] : memref<1x1024xf32, #tpu.memory_space<vmem>>, vector<1x128xf32>
    %add3A_508 = vector.broadcast %get3A_507 : vector<1x128xf32> to vector<128x128xf32>
    %add3A_509 = arith.addf %sub3A_504, %add3A_508 : vector<128x128xf32>
    %lt3A_510 = arith.cmpf olt, %add3A_509, %select_n3A_501 : vector<128x128xf32>
    %select_n3A_511 = arith.select %lt3A_510, %add3A_509, %select_n3A_501 : vector<128x128xi1>, vector<128x128xf32>
    %select_n3A_512 = arith.select %lt3A_510, %add3A_31, %select_n3A_502 : vector<128x128xi1>, vector<128x128xi32>
    %reduce_min3A_513 = arith.constant dense<0x7F800000> : vector<128xf32>
    %reduce_min3A_514 = vector.multi_reduction <minimumf>, %select_n3A_511, %reduce_min3A_513 [1] : vector<128x128xf32> to vector<128xf32>
    %broadcast_in_dim3A_515 = vector.shape_cast %reduce_min3A_514 : vector<128xf32> to vector<128x1xf32>
    %eq3A_516 = vector.broadcast %broadcast_in_dim3A_515 : vector<128x1xf32> to vector<128x128xf32>
    %eq3A_517 = arith.cmpf oeq, %select_n3A_511, %eq3A_516 : vector<128x128xf32>
    %jit3A_518 = arith.constant 1024 : i32
    %broadcast_in_dim3A_519 = vector.broadcast %jit3A_518 : i32 to vector<128x128xi32>
    %select_n3A_520 = arith.select %eq3A_517, %select_n3A_512, %broadcast_in_dim3A_519 : vector<128x128xi1>, vector<128x128xi32>
    %reduce_min3A_521 = arith.constant dense<2147483647> : vector<128xi32>
    %reduce_min3A_522 = vector.multi_reduction <minsi>, %select_n3A_520, %reduce_min3A_521 [1] : vector<128x128xi32> to vector<128xi32>
    %swap3A_523 = arith.constant 0 : index
    %swap3A_524 = arith.constant 0 : index
    %swap3A_525 = arith.constant 512 : index
    %swap3A_526 = vector.load %arg4[%swap3A_523, %swap3A_524, %swap3A_525] : memref<1x1x4096xi32, #tpu.memory_space<vmem>>, vector<1x1x128xi32>
    %swap3A_527 = vector.shape_cast %swap3A_526 : vector<1x1x128xi32> to vector<128xi32>
    %swap3A_528 = vector.shape_cast %reduce_min3A_522 : vector<128xi32> to vector<1x1x128xi32>
    tpu.vector_store %arg4[%swap3A_523, %swap3A_524, %swap3A_525], %swap3A_528 {strides = array<i32>} : memref<1x1x4096xi32, #tpu.memory_space<vmem>>, vector<1x1x128xi32>,
    %reduce_sum3A_529 = vector.shape_cast %broadcast_in_dim3A_515 : vector<128x1xf32> to vector<1x128x1xf32>
    %reduce_sum3A_530 = arith.constant dense<0.000000e+00> : vector<1xf32>
    %reduce_sum3A_531 = vector.multi_reduction <add>, %reduce_sum3A_529, %reduce_sum3A_530 [1, 2] : vector<1x128x1xf32> to vector<1xf32>
    %reduce_sum3A_532 = vector.shape_cast %reduce_sum3A_531 : vector<1xf32> to vector<1x1x1xf32>
    %reduce_sum3A_533 = vector.extract %reduce_sum3A_532[0, 0, 0] : f32 from vector<1x1x1xf32>
    %add3A_534 = arith.addf %add3A_432, %reduce_sum3A_533 : f32
    %slice3A_535 = vector.extract_strided_slice %broadcast_in_dim3A {offsets = [640, 0], sizes = [128, 1], strides = [1, 1]} : vector<4096x1xf32> to vector<128x1xf32>
    %broadcast_in_dim3A_536 = vector.shape_cast %slice3A_535 : vector<128x1xf32> to vector<128x1xf32>
    %broadcast_in_dim3A_537 = vector.broadcast %broadcast_in_dim3A_536 : vector<128x1xf32> to vector<128x128xf32>
    %slice3A_538 = vector.extract_strided_slice %dot_general3A_8 {offsets = [640, 0], sizes = [128, 128], strides = [1, 1]} : vector<4096x1024xf32> to vector<128x128xf32>
    %sub3A_539 = arith.subf %broadcast_in_dim3A_537, %slice3A_538 : vector<128x128xf32>
    %get3A_540 = arith.constant 0 : index
    %get3A_541 = arith.constant 0 : index
    %get3A_542 = vector.load %arg3[%get3A_540, %get3A_541] : memref<1x1024xf32, #tpu.memory_space<vmem>>, vector<1x128xf32>
    %add3A_543 = vector.broadcast %get3A_542 : vector<1x128xf32> to vector<128x128xf32>
    %add3A_544 = arith.addf %sub3A_539, %add3A_543 : vector<128x128xf32>
    %slice3A_545 = vector.extract_strided_slice %dot_general3A_8 {offsets = [640, 128], sizes = [128, 128], strides = [1, 1]} : vector<4096x1024xf32> to vector<128x128xf32>
    %sub3A_546 = arith.subf %broadcast_in_dim3A_537, %slice3A_545 : vector<128x128xf32>
    %get3A_547 = arith.constant 0 : index
    %get3A_548 = arith.constant 128 : index
    %get3A_549 = vector.load %arg3[%get3A_547, %get3A_548] : memref<1x1024xf32, #tpu.memory_space<vmem>>, vector<1x128xf32>
    %add3A_550 = vector.broadcast %get3A_549 : vector<1x128xf32> to vector<128x128xf32>
    %add3A_551 = arith.addf %sub3A_546, %add3A_550 : vector<128x128xf32>
    %lt3A_552 = arith.cmpf olt, %add3A_551, %add3A_544 : vector<128x128xf32>
    %select_n3A_553 = arith.select %lt3A_552, %add3A_551, %add3A_544 : vector<128x128xi1>, vector<128x128xf32>
    %select_n3A_554 = arith.select %lt3A_552, %add3A_13, %add3A_10 : vector<128x128xi1>, vector<128x128xi32>
    %slice3A_555 = vector.extract_strided_slice %dot_general3A_8 {offsets = [640, 256], sizes = [128, 128], strides = [1, 1]} : vector<4096x1024xf32> to vector<128x128xf32>
    %sub3A_556 = arith.subf %broadcast_in_dim3A_537, %slice3A_555 : vector<128x128xf32>
    %get3A_557 = arith.constant 0 : index
    %get3A_558 = arith.constant 256 : index
    %get3A_559 = vector.load %arg3[%get3A_557, %get3A_558] : memref<1x1024xf32, #tpu.memory_space<vmem>>, vector<1x128xf32>
    %add3A_560 = vector.broadcast %get3A_559 : vector<1x128xf32> to vector<128x128xf32>
    %add3A_561 = arith.addf %sub3A_556, %add3A_560 : vector<128x128xf32>
    %lt3A_562 = arith.cmpf olt, %add3A_561, %select_n3A_553 : vector<128x128xf32>
    %select_n3A_563 = arith.select %lt3A_562, %add3A_561, %select_n3A_553 : vector<128x128xi1>, vector<128x128xf32>
    %select_n3A_564 = arith.select %lt3A_562, %add3A_16, %select_n3A_554 : vector<128x128xi1>, vector<128x128xi32>
    %slice3A_565 = vector.extract_strided_slice %dot_general3A_8 {offsets = [640, 384], sizes = [128, 128], strides = [1, 1]} : vector<4096x1024xf32> to vector<128x128xf32>
    %sub3A_566 = arith.subf %broadcast_in_dim3A_537, %slice3A_565 : vector<128x128xf32>
    %get3A_567 = arith.constant 0 : index
    %get3A_568 = arith.constant 384 : index
    %get3A_569 = vector.load %arg3[%get3A_567, %get3A_568] : memref<1x1024xf32, #tpu.memory_space<vmem>>, vector<1x128xf32>
    %add3A_570 = vector.broadcast %get3A_569 : vector<1x128xf32> to vector<128x128xf32>
    %add3A_571 = arith.addf %sub3A_566, %add3A_570 : vector<128x128xf32>
    %lt3A_572 = arith.cmpf olt, %add3A_571, %select_n3A_563 : vector<128x128xf32>
    %select_n3A_573 = arith.select %lt3A_572, %add3A_571, %select_n3A_563 : vector<128x128xi1>, vector<128x128xf32>
    %select_n3A_574 = arith.select %lt3A_572, %add3A_19, %select_n3A_564 : vector<128x128xi1>, vector<128x128xi32>
    %slice3A_575 = vector.extract_strided_slice %dot_general3A_8 {offsets = [640, 512], sizes = [128, 128], strides = [1, 1]} : vector<4096x1024xf32> to vector<128x128xf32>
    %sub3A_576 = arith.subf %broadcast_in_dim3A_537, %slice3A_575 : vector<128x128xf32>
    %get3A_577 = arith.constant 0 : index
    %get3A_578 = arith.constant 512 : index
    %get3A_579 = vector.load %arg3[%get3A_577, %get3A_578] : memref<1x1024xf32, #tpu.memory_space<vmem>>, vector<1x128xf32>
    %add3A_580 = vector.broadcast %get3A_579 : vector<1x128xf32> to vector<128x128xf32>
    %add3A_581 = arith.addf %sub3A_576, %add3A_580 : vector<128x128xf32>
    %lt3A_582 = arith.cmpf olt, %add3A_581, %select_n3A_573 : vector<128x128xf32>
    %select_n3A_583 = arith.select %lt3A_582, %add3A_581, %select_n3A_573 : vector<128x128xi1>, vector<128x128xf32>
    %select_n3A_584 = arith.select %lt3A_582, %add3A_22, %select_n3A_574 : vector<128x128xi1>, vector<128x128xi32>
    %slice3A_585 = vector.extract_strided_slice %dot_general3A_8 {offsets = [640, 640], sizes = [128, 128], strides = [1, 1]} : vector<4096x1024xf32> to vector<128x128xf32>
    %sub3A_586 = arith.subf %broadcast_in_dim3A_537, %slice3A_585 : vector<128x128xf32>
    %get3A_587 = arith.constant 0 : index
    %get3A_588 = arith.constant 640 : index
    %get3A_589 = vector.load %arg3[%get3A_587, %get3A_588] : memref<1x1024xf32, #tpu.memory_space<vmem>>, vector<1x128xf32>
    %add3A_590 = vector.broadcast %get3A_589 : vector<1x128xf32> to vector<128x128xf32>
    %add3A_591 = arith.addf %sub3A_586, %add3A_590 : vector<128x128xf32>
    %lt3A_592 = arith.cmpf olt, %add3A_591, %select_n3A_583 : vector<128x128xf32>
    %select_n3A_593 = arith.select %lt3A_592, %add3A_591, %select_n3A_583 : vector<128x128xi1>, vector<128x128xf32>
    %select_n3A_594 = arith.select %lt3A_592, %add3A_25, %select_n3A_584 : vector<128x128xi1>, vector<128x128xi32>
    %slice3A_595 = vector.extract_strided_slice %dot_general3A_8 {offsets = [640, 768], sizes = [128, 128], strides = [1, 1]} : vector<4096x1024xf32> to vector<128x128xf32>
    %sub3A_596 = arith.subf %broadcast_in_dim3A_537, %slice3A_595 : vector<128x128xf32>
    %get3A_597 = arith.constant 0 : index
    %get3A_598 = arith.constant 768 : index
    %get3A_599 = vector.load %arg3[%get3A_597, %get3A_598] : memref<1x1024xf32, #tpu.memory_space<vmem>>, vector<1x128xf32>
    %add3A_600 = vector.broadcast %get3A_599 : vector<1x128xf32> to vector<128x128xf32>
    %add3A_601 = arith.addf %sub3A_596, %add3A_600 : vector<128x128xf32>
    %lt3A_602 = arith.cmpf olt, %add3A_601, %select_n3A_593 : vector<128x128xf32>
    %select_n3A_603 = arith.select %lt3A_602, %add3A_601, %select_n3A_593 : vector<128x128xi1>, vector<128x128xf32>
    %select_n3A_604 = arith.select %lt3A_602, %add3A_28, %select_n3A_594 : vector<128x128xi1>, vector<128x128xi32>
    %slice3A_605 = vector.extract_strided_slice %dot_general3A_8 {offsets = [640, 896], sizes = [128, 128], strides = [1, 1]} : vector<4096x1024xf32> to vector<128x128xf32>
    %sub3A_606 = arith.subf %broadcast_in_dim3A_537, %slice3A_605 : vector<128x128xf32>
    %get3A_607 = arith.constant 0 : index
    %get3A_608 = arith.constant 896 : index
    %get3A_609 = vector.load %arg3[%get3A_607, %get3A_608] : memref<1x1024xf32, #tpu.memory_space<vmem>>, vector<1x128xf32>
    %add3A_610 = vector.broadcast %get3A_609 : vector<1x128xf32> to vector<128x128xf32>
    %add3A_611 = arith.addf %sub3A_606, %add3A_610 : vector<128x128xf32>
    %lt3A_612 = arith.cmpf olt, %add3A_611, %select_n3A_603 : vector<128x128xf32>
    %select_n3A_613 = arith.select %lt3A_612, %add3A_611, %select_n3A_603 : vector<128x128xi1>, vector<128x128xf32>
    %select_n3A_614 = arith.select %lt3A_612, %add3A_31, %select_n3A_604 : vector<128x128xi1>, vector<128x128xi32>
    %reduce_min3A_615 = arith.constant dense<0x7F800000> : vector<128xf32>
    %reduce_min3A_616 = vector.multi_reduction <minimumf>, %select_n3A_613, %reduce_min3A_615 [1] : vector<128x128xf32> to vector<128xf32>
    %broadcast_in_dim3A_617 = vector.shape_cast %reduce_min3A_616 : vector<128xf32> to vector<128x1xf32>
    %eq3A_618 = vector.broadcast %broadcast_in_dim3A_617 : vector<128x1xf32> to vector<128x128xf32>
    %eq3A_619 = arith.cmpf oeq, %select_n3A_613, %eq3A_618 : vector<128x128xf32>
    %jit3A_620 = arith.constant 1024 : i32
    %broadcast_in_dim3A_621 = vector.broadcast %jit3A_620 : i32 to vector<128x128xi32>
    %select_n3A_622 = arith.select %eq3A_619, %select_n3A_614, %broadcast_in_dim3A_621 : vector<128x128xi1>, vector<128x128xi32>
    %reduce_min3A_623 = arith.constant dense<2147483647> : vector<128xi32>
    %reduce_min3A_624 = vector.multi_reduction <minsi>, %select_n3A_622, %reduce_min3A_623 [1] : vector<128x128xi32> to vector<128xi32>
    %swap3A_625 = arith.constant 0 : index
    %swap3A_626 = arith.constant 0 : index
    %swap3A_627 = arith.constant 640 : index
    %swap3A_628 = vector.load %arg4[%swap3A_625, %swap3A_626, %swap3A_627] : memref<1x1x4096xi32, #tpu.memory_space<vmem>>, vector<1x1x128xi32>
    %swap3A_629 = vector.shape_cast %swap3A_628 : vector<1x1x128xi32> to vector<128xi32>
    %swap3A_630 = vector.shape_cast %reduce_min3A_624 : vector<128xi32> to vector<1x1x128xi32>
    tpu.vector_store %arg4[%swap3A_625, %swap3A_626, %swap3A_627], %swap3A_630 {strides = array<i32>} : memref<1x1x4096xi32, #tpu.memory_space<vmem>>, vector<1x1x128xi32>,
    %reduce_sum3A_631 = vector.shape_cast %broadcast_in_dim3A_617 : vector<128x1xf32> to vector<1x128x1xf32>
    %reduce_sum3A_632 = arith.constant dense<0.000000e+00> : vector<1xf32>
    %reduce_sum3A_633 = vector.multi_reduction <add>, %reduce_sum3A_631, %reduce_sum3A_632 [1, 2] : vector<1x128x1xf32> to vector<1xf32>
    %reduce_sum3A_634 = vector.shape_cast %reduce_sum3A_633 : vector<1xf32> to vector<1x1x1xf32>
    %reduce_sum3A_635 = vector.extract %reduce_sum3A_634[0, 0, 0] : f32 from vector<1x1x1xf32>
    %add3A_636 = arith.addf %add3A_534, %reduce_sum3A_635 : f32
    %slice3A_637 = vector.extract_strided_slice %broadcast_in_dim3A {offsets = [768, 0], sizes = [128, 1], strides = [1, 1]} : vector<4096x1xf32> to vector<128x1xf32>
    %broadcast_in_dim3A_638 = vector.shape_cast %slice3A_637 : vector<128x1xf32> to vector<128x1xf32>
    %broadcast_in_dim3A_639 = vector.broadcast %broadcast_in_dim3A_638 : vector<128x1xf32> to vector<128x128xf32>
    %slice3A_640 = vector.extract_strided_slice %dot_general3A_8 {offsets = [768, 0], sizes = [128, 128], strides = [1, 1]} : vector<4096x1024xf32> to vector<128x128xf32>
    %sub3A_641 = arith.subf %broadcast_in_dim3A_639, %slice3A_640 : vector<128x128xf32>
    %get3A_642 = arith.constant 0 : index
    %get3A_643 = arith.constant 0 : index
    %get3A_644 = vector.load %arg3[%get3A_642, %get3A_643] : memref<1x1024xf32, #tpu.memory_space<vmem>>, vector<1x128xf32>
    %add3A_645 = vector.broadcast %get3A_644 : vector<1x128xf32> to vector<128x128xf32>
    %add3A_646 = arith.addf %sub3A_641, %add3A_645 : vector<128x128xf32>
    %slice3A_647 = vector.extract_strided_slice %dot_general3A_8 {offsets = [768, 128], sizes = [128, 128], strides = [1, 1]} : vector<4096x1024xf32> to vector<128x128xf32>
    %sub3A_648 = arith.subf %broadcast_in_dim3A_639, %slice3A_647 : vector<128x128xf32>
    %get3A_649 = arith.constant 0 : index
    %get3A_650 = arith.constant 128 : index
    %get3A_651 = vector.load %arg3[%get3A_649, %get3A_650] : memref<1x1024xf32, #tpu.memory_space<vmem>>, vector<1x128xf32>
    %add3A_652 = vector.broadcast %get3A_651 : vector<1x128xf32> to vector<128x128xf32>
    %add3A_653 = arith.addf %sub3A_648, %add3A_652 : vector<128x128xf32>
    %lt3A_654 = arith.cmpf olt, %add3A_653, %add3A_646 : vector<128x128xf32>
    %select_n3A_655 = arith.select %lt3A_654, %add3A_653, %add3A_646 : vector<128x128xi1>, vector<128x128xf32>
    %select_n3A_656 = arith.select %lt3A_654, %add3A_13, %add3A_10 : vector<128x128xi1>, vector<128x128xi32>
    %slice3A_657 = vector.extract_strided_slice %dot_general3A_8 {offsets = [768, 256], sizes = [128, 128], strides = [1, 1]} : vector<4096x1024xf32> to vector<128x128xf32>
    %sub3A_658 = arith.subf %broadcast_in_dim3A_639, %slice3A_657 : vector<128x128xf32>
    %get3A_659 = arith.constant 0 : index
    %get3A_660 = arith.constant 256 : index
    %get3A_661 = vector.load %arg3[%get3A_659, %get3A_660] : memref<1x1024xf32, #tpu.memory_space<vmem>>, vector<1x128xf32>
    %add3A_662 = vector.broadcast %get3A_661 : vector<1x128xf32> to vector<128x128xf32>
    %add3A_663 = arith.addf %sub3A_658, %add3A_662 : vector<128x128xf32>
    %lt3A_664 = arith.cmpf olt, %add3A_663, %select_n3A_655 : vector<128x128xf32>
    %select_n3A_665 = arith.select %lt3A_664, %add3A_663, %select_n3A_655 : vector<128x128xi1>, vector<128x128xf32>
    %select_n3A_666 = arith.select %lt3A_664, %add3A_16, %select_n3A_656 : vector<128x128xi1>, vector<128x128xi32>
    %slice3A_667 = vector.extract_strided_slice %dot_general3A_8 {offsets = [768, 384], sizes = [128, 128], strides = [1, 1]} : vector<4096x1024xf32> to vector<128x128xf32>
    %sub3A_668 = arith.subf %broadcast_in_dim3A_639, %slice3A_667 : vector<128x128xf32>
    %get3A_669 = arith.constant 0 : index
    %get3A_670 = arith.constant 384 : index
    %get3A_671 = vector.load %arg3[%get3A_669, %get3A_670] : memref<1x1024xf32, #tpu.memory_space<vmem>>, vector<1x128xf32>
    %add3A_672 = vector.broadcast %get3A_671 : vector<1x128xf32> to vector<128x128xf32>
    %add3A_673 = arith.addf %sub3A_668, %add3A_672 : vector<128x128xf32>
    %lt3A_674 = arith.cmpf olt, %add3A_673, %select_n3A_665 : vector<128x128xf32>
    %select_n3A_675 = arith.select %lt3A_674, %add3A_673, %select_n3A_665 : vector<128x128xi1>, vector<128x128xf32>
    %select_n3A_676 = arith.select %lt3A_674, %add3A_19, %select_n3A_666 : vector<128x128xi1>, vector<128x128xi32>
    %slice3A_677 = vector.extract_strided_slice %dot_general3A_8 {offsets = [768, 512], sizes = [128, 128], strides = [1, 1]} : vector<4096x1024xf32> to vector<128x128xf32>
    %sub3A_678 = arith.subf %broadcast_in_dim3A_639, %slice3A_677 : vector<128x128xf32>
    %get3A_679 = arith.constant 0 : index
    %get3A_680 = arith.constant 512 : index
    %get3A_681 = vector.load %arg3[%get3A_679, %get3A_680] : memref<1x1024xf32, #tpu.memory_space<vmem>>, vector<1x128xf32>
    %add3A_682 = vector.broadcast %get3A_681 : vector<1x128xf32> to vector<128x128xf32>
    %add3A_683 = arith.addf %sub3A_678, %add3A_682 : vector<128x128xf32>
    %lt3A_684 = arith.cmpf olt, %add3A_683, %select_n3A_675 : vector<128x128xf32>
    %select_n3A_685 = arith.select %lt3A_684, %add3A_683, %select_n3A_675 : vector<128x128xi1>, vector<128x128xf32>
    %select_n3A_686 = arith.select %lt3A_684, %add3A_22, %select_n3A_676 : vector<128x128xi1>, vector<128x128xi32>
    %slice3A_687 = vector.extract_strided_slice %dot_general3A_8 {offsets = [768, 640], sizes = [128, 128], strides = [1, 1]} : vector<4096x1024xf32> to vector<128x128xf32>
    %sub3A_688 = arith.subf %broadcast_in_dim3A_639, %slice3A_687 : vector<128x128xf32>
    %get3A_689 = arith.constant 0 : index
    %get3A_690 = arith.constant 640 : index
    %get3A_691 = vector.load %arg3[%get3A_689, %get3A_690] : memref<1x1024xf32, #tpu.memory_space<vmem>>, vector<1x128xf32>
    %add3A_692 = vector.broadcast %get3A_691 : vector<1x128xf32> to vector<128x128xf32>
    %add3A_693 = arith.addf %sub3A_688, %add3A_692 : vector<128x128xf32>
    %lt3A_694 = arith.cmpf olt, %add3A_693, %select_n3A_685 : vector<128x128xf32>
    %select_n3A_695 = arith.select %lt3A_694, %add3A_693, %select_n3A_685 : vector<128x128xi1>, vector<128x128xf32>
    %select_n3A_696 = arith.select %lt3A_694, %add3A_25, %select_n3A_686 : vector<128x128xi1>, vector<128x128xi32>
    %slice3A_697 = vector.extract_strided_slice %dot_general3A_8 {offsets = [768, 768], sizes = [128, 128], strides = [1, 1]} : vector<4096x1024xf32> to vector<128x128xf32>
    %sub3A_698 = arith.subf %broadcast_in_dim3A_639, %slice3A_697 : vector<128x128xf32>
    %get3A_699 = arith.constant 0 : index
    %get3A_700 = arith.constant 768 : index
    %get3A_701 = vector.load %arg3[%get3A_699, %get3A_700] : memref<1x1024xf32, #tpu.memory_space<vmem>>, vector<1x128xf32>
    %add3A_702 = vector.broadcast %get3A_701 : vector<1x128xf32> to vector<128x128xf32>
    %add3A_703 = arith.addf %sub3A_698, %add3A_702 : vector<128x128xf32>
    %lt3A_704 = arith.cmpf olt, %add3A_703, %select_n3A_695 : vector<128x128xf32>
    %select_n3A_705 = arith.select %lt3A_704, %add3A_703, %select_n3A_695 : vector<128x128xi1>, vector<128x128xf32>
    %select_n3A_706 = arith.select %lt3A_704, %add3A_28, %select_n3A_696 : vector<128x128xi1>, vector<128x128xi32>
    %slice3A_707 = vector.extract_strided_slice %dot_general3A_8 {offsets = [768, 896], sizes = [128, 128], strides = [1, 1]} : vector<4096x1024xf32> to vector<128x128xf32>
    %sub3A_708 = arith.subf %broadcast_in_dim3A_639, %slice3A_707 : vector<128x128xf32>
    %get3A_709 = arith.constant 0 : index
    %get3A_710 = arith.constant 896 : index
    %get3A_711 = vector.load %arg3[%get3A_709, %get3A_710] : memref<1x1024xf32, #tpu.memory_space<vmem>>, vector<1x128xf32>
    %add3A_712 = vector.broadcast %get3A_711 : vector<1x128xf32> to vector<128x128xf32>
    %add3A_713 = arith.addf %sub3A_708, %add3A_712 : vector<128x128xf32>
    %lt3A_714 = arith.cmpf olt, %add3A_713, %select_n3A_705 : vector<128x128xf32>
    %select_n3A_715 = arith.select %lt3A_714, %add3A_713, %select_n3A_705 : vector<128x128xi1>, vector<128x128xf32>
    %select_n3A_716 = arith.select %lt3A_714, %add3A_31, %select_n3A_706 : vector<128x128xi1>, vector<128x128xi32>
    %reduce_min3A_717 = arith.constant dense<0x7F800000> : vector<128xf32>
    %reduce_min3A_718 = vector.multi_reduction <minimumf>, %select_n3A_715, %reduce_min3A_717 [1] : vector<128x128xf32> to vector<128xf32>
    %broadcast_in_dim3A_719 = vector.shape_cast %reduce_min3A_718 : vector<128xf32> to vector<128x1xf32>
    %eq3A_720 = vector.broadcast %broadcast_in_dim3A_719 : vector<128x1xf32> to vector<128x128xf32>
    %eq3A_721 = arith.cmpf oeq, %select_n3A_715, %eq3A_720 : vector<128x128xf32>
    %jit3A_722 = arith.constant 1024 : i32
    %broadcast_in_dim3A_723 = vector.broadcast %jit3A_722 : i32 to vector<128x128xi32>
    %select_n3A_724 = arith.select %eq3A_721, %select_n3A_716, %broadcast_in_dim3A_723 : vector<128x128xi1>, vector<128x128xi32>
    %reduce_min3A_725 = arith.constant dense<2147483647> : vector<128xi32>
    %reduce_min3A_726 = vector.multi_reduction <minsi>, %select_n3A_724, %reduce_min3A_725 [1] : vector<128x128xi32> to vector<128xi32>
    %swap3A_727 = arith.constant 0 : index
    %swap3A_728 = arith.constant 0 : index
    %swap3A_729 = arith.constant 768 : index
    %swap3A_730 = vector.load %arg4[%swap3A_727, %swap3A_728, %swap3A_729] : memref<1x1x4096xi32, #tpu.memory_space<vmem>>, vector<1x1x128xi32>
    %swap3A_731 = vector.shape_cast %swap3A_730 : vector<1x1x128xi32> to vector<128xi32>
    %swap3A_732 = vector.shape_cast %reduce_min3A_726 : vector<128xi32> to vector<1x1x128xi32>
    tpu.vector_store %arg4[%swap3A_727, %swap3A_728, %swap3A_729], %swap3A_732 {strides = array<i32>} : memref<1x1x4096xi32, #tpu.memory_space<vmem>>, vector<1x1x128xi32>,
    %reduce_sum3A_733 = vector.shape_cast %broadcast_in_dim3A_719 : vector<128x1xf32> to vector<1x128x1xf32>
    %reduce_sum3A_734 = arith.constant dense<0.000000e+00> : vector<1xf32>
    %reduce_sum3A_735 = vector.multi_reduction <add>, %reduce_sum3A_733, %reduce_sum3A_734 [1, 2] : vector<1x128x1xf32> to vector<1xf32>
    %reduce_sum3A_736 = vector.shape_cast %reduce_sum3A_735 : vector<1xf32> to vector<1x1x1xf32>
    %reduce_sum3A_737 = vector.extract %reduce_sum3A_736[0, 0, 0] : f32 from vector<1x1x1xf32>
    %add3A_738 = arith.addf %add3A_636, %reduce_sum3A_737 : f32
    %slice3A_739 = vector.extract_strided_slice %broadcast_in_dim3A {offsets = [896, 0], sizes = [128, 1], strides = [1, 1]} : vector<4096x1xf32> to vector<128x1xf32>
    %broadcast_in_dim3A_740 = vector.shape_cast %slice3A_739 : vector<128x1xf32> to vector<128x1xf32>
    %broadcast_in_dim3A_741 = vector.broadcast %broadcast_in_dim3A_740 : vector<128x1xf32> to vector<128x128xf32>
    %slice3A_742 = vector.extract_strided_slice %dot_general3A_8 {offsets = [896, 0], sizes = [128, 128], strides = [1, 1]} : vector<4096x1024xf32> to vector<128x128xf32>
    %sub3A_743 = arith.subf %broadcast_in_dim3A_741, %slice3A_742 : vector<128x128xf32>
    %get3A_744 = arith.constant 0 : index
    %get3A_745 = arith.constant 0 : index
    %get3A_746 = vector.load %arg3[%get3A_744, %get3A_745] : memref<1x1024xf32, #tpu.memory_space<vmem>>, vector<1x128xf32>
    %add3A_747 = vector.broadcast %get3A_746 : vector<1x128xf32> to vector<128x128xf32>
    %add3A_748 = arith.addf %sub3A_743, %add3A_747 : vector<128x128xf32>
    %slice3A_749 = vector.extract_strided_slice %dot_general3A_8 {offsets = [896, 128], sizes = [128, 128], strides = [1, 1]} : vector<4096x1024xf32> to vector<128x128xf32>
    %sub3A_750 = arith.subf %broadcast_in_dim3A_741, %slice3A_749 : vector<128x128xf32>
    %get3A_751 = arith.constant 0 : index
    %get3A_752 = arith.constant 128 : index
    %get3A_753 = vector.load %arg3[%get3A_751, %get3A_752] : memref<1x1024xf32, #tpu.memory_space<vmem>>, vector<1x128xf32>
    %add3A_754 = vector.broadcast %get3A_753 : vector<1x128xf32> to vector<128x128xf32>
    %add3A_755 = arith.addf %sub3A_750, %add3A_754 : vector<128x128xf32>
    %lt3A_756 = arith.cmpf olt, %add3A_755, %add3A_748 : vector<128x128xf32>
    %select_n3A_757 = arith.select %lt3A_756, %add3A_755, %add3A_748 : vector<128x128xi1>, vector<128x128xf32>
    %select_n3A_758 = arith.select %lt3A_756, %add3A_13, %add3A_10 : vector<128x128xi1>, vector<128x128xi32>
    %slice3A_759 = vector.extract_strided_slice %dot_general3A_8 {offsets = [896, 256], sizes = [128, 128], strides = [1, 1]} : vector<4096x1024xf32> to vector<128x128xf32>
    %sub3A_760 = arith.subf %broadcast_in_dim3A_741, %slice3A_759 : vector<128x128xf32>
    %get3A_761 = arith.constant 0 : index
    %get3A_762 = arith.constant 256 : index
    %get3A_763 = vector.load %arg3[%get3A_761, %get3A_762] : memref<1x1024xf32, #tpu.memory_space<vmem>>, vector<1x128xf32>
    %add3A_764 = vector.broadcast %get3A_763 : vector<1x128xf32> to vector<128x128xf32>
    %add3A_765 = arith.addf %sub3A_760, %add3A_764 : vector<128x128xf32>
    %lt3A_766 = arith.cmpf olt, %add3A_765, %select_n3A_757 : vector<128x128xf32>
    %select_n3A_767 = arith.select %lt3A_766, %add3A_765, %select_n3A_757 : vector<128x128xi1>, vector<128x128xf32>
    %select_n3A_768 = arith.select %lt3A_766, %add3A_16, %select_n3A_758 : vector<128x128xi1>, vector<128x128xi32>
    %slice3A_769 = vector.extract_strided_slice %dot_general3A_8 {offsets = [896, 384], sizes = [128, 128], strides = [1, 1]} : vector<4096x1024xf32> to vector<128x128xf32>
    %sub3A_770 = arith.subf %broadcast_in_dim3A_741, %slice3A_769 : vector<128x128xf32>
    %get3A_771 = arith.constant 0 : index
    %get3A_772 = arith.constant 384 : index
    %get3A_773 = vector.load %arg3[%get3A_771, %get3A_772] : memref<1x1024xf32, #tpu.memory_space<vmem>>, vector<1x128xf32>
    %add3A_774 = vector.broadcast %get3A_773 : vector<1x128xf32> to vector<128x128xf32>
    %add3A_775 = arith.addf %sub3A_770, %add3A_774 : vector<128x128xf32>
    %lt3A_776 = arith.cmpf olt, %add3A_775, %select_n3A_767 : vector<128x128xf32>
    %select_n3A_777 = arith.select %lt3A_776, %add3A_775, %select_n3A_767 : vector<128x128xi1>, vector<128x128xf32>
    %select_n3A_778 = arith.select %lt3A_776, %add3A_19, %select_n3A_768 : vector<128x128xi1>, vector<128x128xi32>
    %slice3A_779 = vector.extract_strided_slice %dot_general3A_8 {offsets = [896, 512], sizes = [128, 128], strides = [1, 1]} : vector<4096x1024xf32> to vector<128x128xf32>
    %sub3A_780 = arith.subf %broadcast_in_dim3A_741, %slice3A_779 : vector<128x128xf32>
    %get3A_781 = arith.constant 0 : index
    %get3A_782 = arith.constant 512 : index
    %get3A_783 = vector.load %arg3[%get3A_781, %get3A_782] : memref<1x1024xf32, #tpu.memory_space<vmem>>, vector<1x128xf32>
    %add3A_784 = vector.broadcast %get3A_783 : vector<1x128xf32> to vector<128x128xf32>
    %add3A_785 = arith.addf %sub3A_780, %add3A_784 : vector<128x128xf32>
    %lt3A_786 = arith.cmpf olt, %add3A_785, %select_n3A_777 : vector<128x128xf32>
    %select_n3A_787 = arith.select %lt3A_786, %add3A_785, %select_n3A_777 : vector<128x128xi1>, vector<128x128xf32>
    %select_n3A_788 = arith.select %lt3A_786, %add3A_22, %select_n3A_778 : vector<128x128xi1>, vector<128x128xi32>
    %slice3A_789 = vector.extract_strided_slice %dot_general3A_8 {offsets = [896, 640], sizes = [128, 128], strides = [1, 1]} : vector<4096x1024xf32> to vector<128x128xf32>
    %sub3A_790 = arith.subf %broadcast_in_dim3A_741, %slice3A_789 : vector<128x128xf32>
    %get3A_791 = arith.constant 0 : index
    %get3A_792 = arith.constant 640 : index
    %get3A_793 = vector.load %arg3[%get3A_791, %get3A_792] : memref<1x1024xf32, #tpu.memory_space<vmem>>, vector<1x128xf32>
    %add3A_794 = vector.broadcast %get3A_793 : vector<1x128xf32> to vector<128x128xf32>
    %add3A_795 = arith.addf %sub3A_790, %add3A_794 : vector<128x128xf32>
    %lt3A_796 = arith.cmpf olt, %add3A_795, %select_n3A_787 : vector<128x128xf32>
    %select_n3A_797 = arith.select %lt3A_796, %add3A_795, %select_n3A_787 : vector<128x128xi1>, vector<128x128xf32>
    %select_n3A_798 = arith.select %lt3A_796, %add3A_25, %select_n3A_788 : vector<128x128xi1>, vector<128x128xi32>
    %slice3A_799 = vector.extract_strided_slice %dot_general3A_8 {offsets = [896, 768], sizes = [128, 128], strides = [1, 1]} : vector<4096x1024xf32> to vector<128x128xf32>
    %sub3A_800 = arith.subf %broadcast_in_dim3A_741, %slice3A_799 : vector<128x128xf32>
    %get3A_801 = arith.constant 0 : index
    %get3A_802 = arith.constant 768 : index
    %get3A_803 = vector.load %arg3[%get3A_801, %get3A_802] : memref<1x1024xf32, #tpu.memory_space<vmem>>, vector<1x128xf32>
    %add3A_804 = vector.broadcast %get3A_803 : vector<1x128xf32> to vector<128x128xf32>
    %add3A_805 = arith.addf %sub3A_800, %add3A_804 : vector<128x128xf32>
    %lt3A_806 = arith.cmpf olt, %add3A_805, %select_n3A_797 : vector<128x128xf32>
    %select_n3A_807 = arith.select %lt3A_806, %add3A_805, %select_n3A_797 : vector<128x128xi1>, vector<128x128xf32>
    %select_n3A_808 = arith.select %lt3A_806, %add3A_28, %select_n3A_798 : vector<128x128xi1>, vector<128x128xi32>
    %slice3A_809 = vector.extract_strided_slice %dot_general3A_8 {offsets = [896, 896], sizes = [128, 128], strides = [1, 1]} : vector<4096x1024xf32> to vector<128x128xf32>
    %sub3A_810 = arith.subf %broadcast_in_dim3A_741, %slice3A_809 : vector<128x128xf32>
    %get3A_811 = arith.constant 0 : index
    %get3A_812 = arith.constant 896 : index
    %get3A_813 = vector.load %arg3[%get3A_811, %get3A_812] : memref<1x1024xf32, #tpu.memory_space<vmem>>, vector<1x128xf32>
    %add3A_814 = vector.broadcast %get3A_813 : vector<1x128xf32> to vector<128x128xf32>
    %add3A_815 = arith.addf %sub3A_810, %add3A_814 : vector<128x128xf32>
    %lt3A_816 = arith.cmpf olt, %add3A_815, %select_n3A_807 : vector<128x128xf32>
    %select_n3A_817 = arith.select %lt3A_816, %add3A_815, %select_n3A_807 : vector<128x128xi1>, vector<128x128xf32>
    %select_n3A_818 = arith.select %lt3A_816, %add3A_31, %select_n3A_808 : vector<128x128xi1>, vector<128x128xi32>
    %reduce_min3A_819 = arith.constant dense<0x7F800000> : vector<128xf32>
    %reduce_min3A_820 = vector.multi_reduction <minimumf>, %select_n3A_817, %reduce_min3A_819 [1] : vector<128x128xf32> to vector<128xf32>
    %broadcast_in_dim3A_821 = vector.shape_cast %reduce_min3A_820 : vector<128xf32> to vector<128x1xf32>
    %eq3A_822 = vector.broadcast %broadcast_in_dim3A_821 : vector<128x1xf32> to vector<128x128xf32>
    %eq3A_823 = arith.cmpf oeq, %select_n3A_817, %eq3A_822 : vector<128x128xf32>
    %jit3A_824 = arith.constant 1024 : i32
    %broadcast_in_dim3A_825 = vector.broadcast %jit3A_824 : i32 to vector<128x128xi32>
    %select_n3A_826 = arith.select %eq3A_823, %select_n3A_818, %broadcast_in_dim3A_825 : vector<128x128xi1>, vector<128x128xi32>
    %reduce_min3A_827 = arith.constant dense<2147483647> : vector<128xi32>
    %reduce_min3A_828 = vector.multi_reduction <minsi>, %select_n3A_826, %reduce_min3A_827 [1] : vector<128x128xi32> to vector<128xi32>
    %swap3A_829 = arith.constant 0 : index
    %swap3A_830 = arith.constant 0 : index
    %swap3A_831 = arith.constant 896 : index
    %swap3A_832 = vector.load %arg4[%swap3A_829, %swap3A_830, %swap3A_831] : memref<1x1x4096xi32, #tpu.memory_space<vmem>>, vector<1x1x128xi32>
    %swap3A_833 = vector.shape_cast %swap3A_832 : vector<1x1x128xi32> to vector<128xi32>
    %swap3A_834 = vector.shape_cast %reduce_min3A_828 : vector<128xi32> to vector<1x1x128xi32>
    tpu.vector_store %arg4[%swap3A_829, %swap3A_830, %swap3A_831], %swap3A_834 {strides = array<i32>} : memref<1x1x4096xi32, #tpu.memory_space<vmem>>, vector<1x1x128xi32>,
    %reduce_sum3A_835 = vector.shape_cast %broadcast_in_dim3A_821 : vector<128x1xf32> to vector<1x128x1xf32>
    %reduce_sum3A_836 = arith.constant dense<0.000000e+00> : vector<1xf32>
    %reduce_sum3A_837 = vector.multi_reduction <add>, %reduce_sum3A_835, %reduce_sum3A_836 [1, 2] : vector<1x128x1xf32> to vector<1xf32>
    %reduce_sum3A_838 = vector.shape_cast %reduce_sum3A_837 : vector<1xf32> to vector<1x1x1xf32>
    %reduce_sum3A_839 = vector.extract %reduce_sum3A_838[0, 0, 0] : f32 from vector<1x1x1xf32>
    %add3A_840 = arith.addf %add3A_738, %reduce_sum3A_839 : f32
    %slice3A_841 = vector.extract_strided_slice %broadcast_in_dim3A {offsets = [1024, 0], sizes = [128, 1], strides = [1, 1]} : vector<4096x1xf32> to vector<128x1xf32>
    %broadcast_in_dim3A_842 = vector.shape_cast %slice3A_841 : vector<128x1xf32> to vector<128x1xf32>
    %broadcast_in_dim3A_843 = vector.broadcast %broadcast_in_dim3A_842 : vector<128x1xf32> to vector<128x128xf32>
    %slice3A_844 = vector.extract_strided_slice %dot_general3A_8 {offsets = [1024, 0], sizes = [128, 128], strides = [1, 1]} : vector<4096x1024xf32> to vector<128x128xf32>
    %sub3A_845 = arith.subf %broadcast_in_dim3A_843, %slice3A_844 : vector<128x128xf32>
    %get3A_846 = arith.constant 0 : index
    %get3A_847 = arith.constant 0 : index
    %get3A_848 = vector.load %arg3[%get3A_846, %get3A_847] : memref<1x1024xf32, #tpu.memory_space<vmem>>, vector<1x128xf32>
    %add3A_849 = vector.broadcast %get3A_848 : vector<1x128xf32> to vector<128x128xf32>
    %add3A_850 = arith.addf %sub3A_845, %add3A_849 : vector<128x128xf32>
    %slice3A_851 = vector.extract_strided_slice %dot_general3A_8 {offsets = [1024, 128], sizes = [128, 128], strides = [1, 1]} : vector<4096x1024xf32> to vector<128x128xf32>
    %sub3A_852 = arith.subf %broadcast_in_dim3A_843, %slice3A_851 : vector<128x128xf32>
    %get3A_853 = arith.constant 0 : index
    %get3A_854 = arith.constant 128 : index
    %get3A_855 = vector.load %arg3[%get3A_853, %get3A_854] : memref<1x1024xf32, #tpu.memory_space<vmem>>, vector<1x128xf32>
    %add3A_856 = vector.broadcast %get3A_855 : vector<1x128xf32> to vector<128x128xf32>
    %add3A_857 = arith.addf %sub3A_852, %add3A_856 : vector<128x128xf32>
    %lt3A_858 = arith.cmpf olt, %add3A_857, %add3A_850 : vector<128x128xf32>
    %select_n3A_859 = arith.select %lt3A_858, %add3A_857, %add3A_850 : vector<128x128xi1>, vector<128x128xf32>
    %select_n3A_860 = arith.select %lt3A_858, %add3A_13, %add3A_10 : vector<128x128xi1>, vector<128x128xi32>
    %slice3A_861 = vector.extract_strided_slice %dot_general3A_8 {offsets = [1024, 256], sizes = [128, 128], strides = [1, 1]} : vector<4096x1024xf32> to vector<128x128xf32>
    %sub3A_862 = arith.subf %broadcast_in_dim3A_843, %slice3A_861 : vector<128x128xf32>
    %get3A_863 = arith.constant 0 : index
    %get3A_864 = arith.constant 256 : index
    %get3A_865 = vector.load %arg3[%get3A_863, %get3A_864] : memref<1x1024xf32, #tpu.memory_space<vmem>>, vector<1x128xf32>
    %add3A_866 = vector.broadcast %get3A_865 : vector<1x128xf32> to vector<128x128xf32>
    %add3A_867 = arith.addf %sub3A_862, %add3A_866 : vector<128x128xf32>
    %lt3A_868 = arith.cmpf olt, %add3A_867, %select_n3A_859 : vector<128x128xf32>
    %select_n3A_869 = arith.select %lt3A_868, %add3A_867, %select_n3A_859 : vector<128x128xi1>, vector<128x128xf32>
    %select_n3A_870 = arith.select %lt3A_868, %add3A_16, %select_n3A_860 : vector<128x128xi1>, vector<128x128xi32>
    %slice3A_871 = vector.extract_strided_slice %dot_general3A_8 {offsets = [1024, 384], sizes = [128, 128], strides = [1, 1]} : vector<4096x1024xf32> to vector<128x128xf32>
    %sub3A_872 = arith.subf %broadcast_in_dim3A_843, %slice3A_871 : vector<128x128xf32>
    %get3A_873 = arith.constant 0 : index
    %get3A_874 = arith.constant 384 : index
    %get3A_875 = vector.load %arg3[%get3A_873, %get3A_874] : memref<1x1024xf32, #tpu.memory_space<vmem>>, vector<1x128xf32>
    %add3A_876 = vector.broadcast %get3A_875 : vector<1x128xf32> to vector<128x128xf32>
    %add3A_877 = arith.addf %sub3A_872, %add3A_876 : vector<128x128xf32>
    %lt3A_878 = arith.cmpf olt, %add3A_877, %select_n3A_869 : vector<128x128xf32>
    %select_n3A_879 = arith.select %lt3A_878, %add3A_877, %select_n3A_869 : vector<128x128xi1>, vector<128x128xf32>
    %select_n3A_880 = arith.select %lt3A_878, %add3A_19, %select_n3A_870 : vector<128x128xi1>, vector<128x128xi32>
    %slice3A_881 = vector.extract_strided_slice %dot_general3A_8 {offsets = [1024, 512], sizes = [128, 128], strides = [1, 1]} : vector<4096x1024xf32> to vector<128x128xf32>
    %sub3A_882 = arith.subf %broadcast_in_dim3A_843, %slice3A_881 : vector<128x128xf32>
    %get3A_883 = arith.constant 0 : index
    %get3A_884 = arith.constant 512 : index
    %get3A_885 = vector.load %arg3[%get3A_883, %get3A_884] : memref<1x1024xf32, #tpu.memory_space<vmem>>, vector<1x128xf32>
    %add3A_886 = vector.broadcast %get3A_885 : vector<1x128xf32> to vector<128x128xf32>
    %add3A_887 = arith.addf %sub3A_882, %add3A_886 : vector<128x128xf32>
    %lt3A_888 = arith.cmpf olt, %add3A_887, %select_n3A_879 : vector<128x128xf32>
    %select_n3A_889 = arith.select %lt3A_888, %add3A_887, %select_n3A_879 : vector<128x128xi1>, vector<128x128xf32>
    %select_n3A_890 = arith.select %lt3A_888, %add3A_22, %select_n3A_880 : vector<128x128xi1>, vector<128x128xi32>
    %slice3A_891 = vector.extract_strided_slice %dot_general3A_8 {offsets = [1024, 640], sizes = [128, 128], strides = [1, 1]} : vector<4096x1024xf32> to vector<128x128xf32>
    %sub3A_892 = arith.subf %broadcast_in_dim3A_843, %slice3A_891 : vector<128x128xf32>
    %get3A_893 = arith.constant 0 : index
    %get3A_894 = arith.constant 640 : index
    %get3A_895 = vector.load %arg3[%get3A_893, %get3A_894] : memref<1x1024xf32, #tpu.memory_space<vmem>>, vector<1x128xf32>
    %add3A_896 = vector.broadcast %get3A_895 : vector<1x128xf32> to vector<128x128xf32>
    %add3A_897 = arith.addf %sub3A_892, %add3A_896 : vector<128x128xf32>
    %lt3A_898 = arith.cmpf olt, %add3A_897, %select_n3A_889 : vector<128x128xf32>
    %select_n3A_899 = arith.select %lt3A_898, %add3A_897, %select_n3A_889 : vector<128x128xi1>, vector<128x128xf32>
    %select_n3A_900 = arith.select %lt3A_898, %add3A_25, %select_n3A_890 : vector<128x128xi1>, vector<128x128xi32>
    %slice3A_901 = vector.extract_strided_slice %dot_general3A_8 {offsets = [1024, 768], sizes = [128, 128], strides = [1, 1]} : vector<4096x1024xf32> to vector<128x128xf32>
    %sub3A_902 = arith.subf %broadcast_in_dim3A_843, %slice3A_901 : vector<128x128xf32>
    %get3A_903 = arith.constant 0 : index
    %get3A_904 = arith.constant 768 : index
    %get3A_905 = vector.load %arg3[%get3A_903, %get3A_904] : memref<1x1024xf32, #tpu.memory_space<vmem>>, vector<1x128xf32>
    %add3A_906 = vector.broadcast %get3A_905 : vector<1x128xf32> to vector<128x128xf32>
    %add3A_907 = arith.addf %sub3A_902, %add3A_906 : vector<128x128xf32>
    %lt3A_908 = arith.cmpf olt, %add3A_907, %select_n3A_899 : vector<128x128xf32>
    %select_n3A_909 = arith.select %lt3A_908, %add3A_907, %select_n3A_899 : vector<128x128xi1>, vector<128x128xf32>
    %select_n3A_910 = arith.select %lt3A_908, %add3A_28, %select_n3A_900 : vector<128x128xi1>, vector<128x128xi32>
    %slice3A_911 = vector.extract_strided_slice %dot_general3A_8 {offsets = [1024, 896], sizes = [128, 128], strides = [1, 1]} : vector<4096x1024xf32> to vector<128x128xf32>
    %sub3A_912 = arith.subf %broadcast_in_dim3A_843, %slice3A_911 : vector<128x128xf32>
    %get3A_913 = arith.constant 0 : index
    %get3A_914 = arith.constant 896 : index
    %get3A_915 = vector.load %arg3[%get3A_913, %get3A_914] : memref<1x1024xf32, #tpu.memory_space<vmem>>, vector<1x128xf32>
    %add3A_916 = vector.broadcast %get3A_915 : vector<1x128xf32> to vector<128x128xf32>
    %add3A_917 = arith.addf %sub3A_912, %add3A_916 : vector<128x128xf32>
    %lt3A_918 = arith.cmpf olt, %add3A_917, %select_n3A_909 : vector<128x128xf32>
    %select_n3A_919 = arith.select %lt3A_918, %add3A_917, %select_n3A_909 : vector<128x128xi1>, vector<128x128xf32>
    %select_n3A_920 = arith.select %lt3A_918, %add3A_31, %select_n3A_910 : vector<128x128xi1>, vector<128x128xi32>
    %reduce_min3A_921 = arith.constant dense<0x7F800000> : vector<128xf32>
    %reduce_min3A_922 = vector.multi_reduction <minimumf>, %select_n3A_919, %reduce_min3A_921 [1] : vector<128x128xf32> to vector<128xf32>
    %broadcast_in_dim3A_923 = vector.shape_cast %reduce_min3A_922 : vector<128xf32> to vector<128x1xf32>
    %eq3A_924 = vector.broadcast %broadcast_in_dim3A_923 : vector<128x1xf32> to vector<128x128xf32>
    %eq3A_925 = arith.cmpf oeq, %select_n3A_919, %eq3A_924 : vector<128x128xf32>
    %jit3A_926 = arith.constant 1024 : i32
    %broadcast_in_dim3A_927 = vector.broadcast %jit3A_926 : i32 to vector<128x128xi32>
    %select_n3A_928 = arith.select %eq3A_925, %select_n3A_920, %broadcast_in_dim3A_927 : vector<128x128xi1>, vector<128x128xi32>
    %reduce_min3A_929 = arith.constant dense<2147483647> : vector<128xi32>
    %reduce_min3A_930 = vector.multi_reduction <minsi>, %select_n3A_928, %reduce_min3A_929 [1] : vector<128x128xi32> to vector<128xi32>
    %swap3A_931 = arith.constant 0 : index
    %swap3A_932 = arith.constant 0 : index
    %swap3A_933 = arith.constant 1024 : index
    %swap3A_934 = vector.load %arg4[%swap3A_931, %swap3A_932, %swap3A_933] : memref<1x1x4096xi32, #tpu.memory_space<vmem>>, vector<1x1x128xi32>
    %swap3A_935 = vector.shape_cast %swap3A_934 : vector<1x1x128xi32> to vector<128xi32>
    %swap3A_936 = vector.shape_cast %reduce_min3A_930 : vector<128xi32> to vector<1x1x128xi32>
    tpu.vector_store %arg4[%swap3A_931, %swap3A_932, %swap3A_933], %swap3A_936 {strides = array<i32>} : memref<1x1x4096xi32, #tpu.memory_space<vmem>>, vector<1x1x128xi32>,
    %reduce_sum3A_937 = vector.shape_cast %broadcast_in_dim3A_923 : vector<128x1xf32> to vector<1x128x1xf32>
    %reduce_sum3A_938 = arith.constant dense<0.000000e+00> : vector<1xf32>
    %reduce_sum3A_939 = vector.multi_reduction <add>, %reduce_sum3A_937, %reduce_sum3A_938 [1, 2] : vector<1x128x1xf32> to vector<1xf32>
    %reduce_sum3A_940 = vector.shape_cast %reduce_sum3A_939 : vector<1xf32> to vector<1x1x1xf32>
    %reduce_sum3A_941 = vector.extract %reduce_sum3A_940[0, 0, 0] : f32 from vector<1x1x1xf32>
    %add3A_942 = arith.addf %add3A_840, %reduce_sum3A_941 : f32
    %slice3A_943 = vector.extract_strided_slice %broadcast_in_dim3A {offsets = [1152, 0], sizes = [128, 1], strides = [1, 1]} : vector<4096x1xf32> to vector<128x1xf32>
    %broadcast_in_dim3A_944 = vector.shape_cast %slice3A_943 : vector<128x1xf32> to vector<128x1xf32>
    %broadcast_in_dim3A_945 = vector.broadcast %broadcast_in_dim3A_944 : vector<128x1xf32> to vector<128x128xf32>
    %slice3A_946 = vector.extract_strided_slice %dot_general3A_8 {offsets = [1152, 0], sizes = [128, 128], strides = [1, 1]} : vector<4096x1024xf32> to vector<128x128xf32>
    %sub3A_947 = arith.subf %broadcast_in_dim3A_945, %slice3A_946 : vector<128x128xf32>
    %get3A_948 = arith.constant 0 : index
    %get3A_949 = arith.constant 0 : index
    %get3A_950 = vector.load %arg3[%get3A_948, %get3A_949] : memref<1x1024xf32, #tpu.memory_space<vmem>>, vector<1x128xf32>
    %add3A_951 = vector.broadcast %get3A_950 : vector<1x128xf32> to vector<128x128xf32>
    %add3A_952 = arith.addf %sub3A_947, %add3A_951 : vector<128x128xf32>
    %slice3A_953 = vector.extract_strided_slice %dot_general3A_8 {offsets = [1152, 128], sizes = [128, 128], strides = [1, 1]} : vector<4096x1024xf32> to vector<128x128xf32>
    %sub3A_954 = arith.subf %broadcast_in_dim3A_945, %slice3A_953 : vector<128x128xf32>
    %get3A_955 = arith.constant 0 : index
    %get3A_956 = arith.constant 128 : index
    %get3A_957 = vector.load %arg3[%get3A_955, %get3A_956] : memref<1x1024xf32, #tpu.memory_space<vmem>>, vector<1x128xf32>
    %add3A_958 = vector.broadcast %get3A_957 : vector<1x128xf32> to vector<128x128xf32>
    %add3A_959 = arith.addf %sub3A_954, %add3A_958 : vector<128x128xf32>
    %lt3A_960 = arith.cmpf olt, %add3A_959, %add3A_952 : vector<128x128xf32>
    %select_n3A_961 = arith.select %lt3A_960, %add3A_959, %add3A_952 : vector<128x128xi1>, vector<128x128xf32>
    %select_n3A_962 = arith.select %lt3A_960, %add3A_13, %add3A_10 : vector<128x128xi1>, vector<128x128xi32>
    %slice3A_963 = vector.extract_strided_slice %dot_general3A_8 {offsets = [1152, 256], sizes = [128, 128], strides = [1, 1]} : vector<4096x1024xf32> to vector<128x128xf32>
    %sub3A_964 = arith.subf %broadcast_in_dim3A_945, %slice3A_963 : vector<128x128xf32>
    %get3A_965 = arith.constant 0 : index
    %get3A_966 = arith.constant 256 : index
    %get3A_967 = vector.load %arg3[%get3A_965, %get3A_966] : memref<1x1024xf32, #tpu.memory_space<vmem>>, vector<1x128xf32>
    %add3A_968 = vector.broadcast %get3A_967 : vector<1x128xf32> to vector<128x128xf32>
    %add3A_969 = arith.addf %sub3A_964, %add3A_968 : vector<128x128xf32>
    %lt3A_970 = arith.cmpf olt, %add3A_969, %select_n3A_961 : vector<128x128xf32>
    %select_n3A_971 = arith.select %lt3A_970, %add3A_969, %select_n3A_961 : vector<128x128xi1>, vector<128x128xf32>
    %select_n3A_972 = arith.select %lt3A_970, %add3A_16, %select_n3A_962 : vector<128x128xi1>, vector<128x128xi32>
    %slice3A_973 = vector.extract_strided_slice %dot_general3A_8 {offsets = [1152, 384], sizes = [128, 128], strides = [1, 1]} : vector<4096x1024xf32> to vector<128x128xf32>
    %sub3A_974 = arith.subf %broadcast_in_dim3A_945, %slice3A_973 : vector<128x128xf32>
    %get3A_975 = arith.constant 0 : index
    %get3A_976 = arith.constant 384 : index
    %get3A_977 = vector.load %arg3[%get3A_975, %get3A_976] : memref<1x1024xf32, #tpu.memory_space<vmem>>, vector<1x128xf32>
    %add3A_978 = vector.broadcast %get3A_977 : vector<1x128xf32> to vector<128x128xf32>
    %add3A_979 = arith.addf %sub3A_974, %add3A_978 : vector<128x128xf32>
    %lt3A_980 = arith.cmpf olt, %add3A_979, %select_n3A_971 : vector<128x128xf32>
    %select_n3A_981 = arith.select %lt3A_980, %add3A_979, %select_n3A_971 : vector<128x128xi1>, vector<128x128xf32>
    %select_n3A_982 = arith.select %lt3A_980, %add3A_19, %select_n3A_972 : vector<128x128xi1>, vector<128x128xi32>
    %slice3A_983 = vector.extract_strided_slice %dot_general3A_8 {offsets = [1152, 512], sizes = [128, 128], strides = [1, 1]} : vector<4096x1024xf32> to vector<128x128xf32>
    %sub3A_984 = arith.subf %broadcast_in_dim3A_945, %slice3A_983 : vector<128x128xf32>
    %get3A_985 = arith.constant 0 : index
    %get3A_986 = arith.constant 512 : index
    %get3A_987 = vector.load %arg3[%get3A_985, %get3A_986] : memref<1x1024xf32, #tpu.memory_space<vmem>>, vector<1x128xf32>
    %add3A_988 = vector.broadcast %get3A_987 : vector<1x128xf32> to vector<128x128xf32>
    %add3A_989 = arith.addf %sub3A_984, %add3A_988 : vector<128x128xf32>
    %lt3A_990 = arith.cmpf olt, %add3A_989, %select_n3A_981 : vector<128x128xf32>
    %select_n3A_991 = arith.select %lt3A_990, %add3A_989, %select_n3A_981 : vector<128x128xi1>, vector<128x128xf32>
    %select_n3A_992 = arith.select %lt3A_990, %add3A_22, %select_n3A_982 : vector<128x128xi1>, vector<128x128xi32>
    %slice3A_993 = vector.extract_strided_slice %dot_general3A_8 {offsets = [1152, 640], sizes = [128, 128], strides = [1, 1]} : vector<4096x1024xf32> to vector<128x128xf32>
    %sub3A_994 = arith.subf %broadcast_in_dim3A_945, %slice3A_993 : vector<128x128xf32>
    %get3A_995 = arith.constant 0 : index
    %get3A_996 = arith.constant 640 : index
    %get3A_997 = vector.load %arg3[%get3A_995, %get3A_996] : memref<1x1024xf32, #tpu.memory_space<vmem>>, vector<1x128xf32>
    %add3A_998 = vector.broadcast %get3A_997 : vector<1x128xf32> to vector<128x128xf32>
    %add3A_999 = arith.addf %sub3A_994, %add3A_998 : vector<128x128xf32>
    %lt3A_1000 = arith.cmpf olt, %add3A_999, %select_n3A_991 : vector<128x128xf32>
    %select_n3A_1001 = arith.select %lt3A_1000, %add3A_999, %select_n3A_991 : vector<128x128xi1>, vector<128x128xf32>
    %select_n3A_1002 = arith.select %lt3A_1000, %add3A_25, %select_n3A_992 : vector<128x128xi1>, vector<128x128xi32>
    %slice3A_1003 = vector.extract_strided_slice %dot_general3A_8 {offsets = [1152, 768], sizes = [128, 128], strides = [1, 1]} : vector<4096x1024xf32> to vector<128x128xf32>
    %sub3A_1004 = arith.subf %broadcast_in_dim3A_945, %slice3A_1003 : vector<128x128xf32>
    %get3A_1005 = arith.constant 0 : index
    %get3A_1006 = arith.constant 768 : index
    %get3A_1007 = vector.load %arg3[%get3A_1005, %get3A_1006] : memref<1x1024xf32, #tpu.memory_space<vmem>>, vector<1x128xf32>
    %add3A_1008 = vector.broadcast %get3A_1007 : vector<1x128xf32> to vector<128x128xf32>
    %add3A_1009 = arith.addf %sub3A_1004, %add3A_1008 : vector<128x128xf32>
    %lt3A_1010 = arith.cmpf olt, %add3A_1009, %select_n3A_1001 : vector<128x128xf32>
    %select_n3A_1011 = arith.select %lt3A_1010, %add3A_1009, %select_n3A_1001 : vector<128x128xi1>, vector<128x128xf32>
    %select_n3A_1012 = arith.select %lt3A_1010, %add3A_28, %select_n3A_1002 : vector<128x128xi1>, vector<128x128xi32>
    %slice3A_1013 = vector.extract_strided_slice %dot_general3A_8 {offsets = [1152, 896], sizes = [128, 128], strides = [1, 1]} : vector<4096x1024xf32> to vector<128x128xf32>
    %sub3A_1014 = arith.subf %broadcast_in_dim3A_945, %slice3A_1013 : vector<128x128xf32>
    %get3A_1015 = arith.constant 0 : index
    %get3A_1016 = arith.constant 896 : index
    %get3A_1017 = vector.load %arg3[%get3A_1015, %get3A_1016] : memref<1x1024xf32, #tpu.memory_space<vmem>>, vector<1x128xf32>
    %add3A_1018 = vector.broadcast %get3A_1017 : vector<1x128xf32> to vector<128x128xf32>
    %add3A_1019 = arith.addf %sub3A_1014, %add3A_1018 : vector<128x128xf32>
    %lt3A_1020 = arith.cmpf olt, %add3A_1019, %select_n3A_1011 : vector<128x128xf32>
    %select_n3A_1021 = arith.select %lt3A_1020, %add3A_1019, %select_n3A_1011 : vector<128x128xi1>, vector<128x128xf32>
    %select_n3A_1022 = arith.select %lt3A_1020, %add3A_31, %select_n3A_1012 : vector<128x128xi1>, vector<128x128xi32>
    %reduce_min3A_1023 = arith.constant dense<0x7F800000> : vector<128xf32>
    %reduce_min3A_1024 = vector.multi_reduction <minimumf>, %select_n3A_1021, %reduce_min3A_1023 [1] : vector<128x128xf32> to vector<128xf32>
    %broadcast_in_dim3A_1025 = vector.shape_cast %reduce_min3A_1024 : vector<128xf32> to vector<128x1xf32>
    %eq3A_1026 = vector.broadcast %broadcast_in_dim3A_1025 : vector<128x1xf32> to vector<128x128xf32>
    %eq3A_1027 = arith.cmpf oeq, %select_n3A_1021, %eq3A_1026 : vector<128x128xf32>
    %jit3A_1028 = arith.constant 1024 : i32
    %broadcast_in_dim3A_1029 = vector.broadcast %jit3A_1028 : i32 to vector<128x128xi32>
    %select_n3A_1030 = arith.select %eq3A_1027, %select_n3A_1022, %broadcast_in_dim3A_1029 : vector<128x128xi1>, vector<128x128xi32>
    %reduce_min3A_1031 = arith.constant dense<2147483647> : vector<128xi32>
    %reduce_min3A_1032 = vector.multi_reduction <minsi>, %select_n3A_1030, %reduce_min3A_1031 [1] : vector<128x128xi32> to vector<128xi32>
    %swap3A_1033 = arith.constant 0 : index
    %swap3A_1034 = arith.constant 0 : index
    %swap3A_1035 = arith.constant 1152 : index
    %swap3A_1036 = vector.load %arg4[%swap3A_1033, %swap3A_1034, %swap3A_1035] : memref<1x1x4096xi32, #tpu.memory_space<vmem>>, vector<1x1x128xi32>
    %swap3A_1037 = vector.shape_cast %swap3A_1036 : vector<1x1x128xi32> to vector<128xi32>
    %swap3A_1038 = vector.shape_cast %reduce_min3A_1032 : vector<128xi32> to vector<1x1x128xi32>
    tpu.vector_store %arg4[%swap3A_1033, %swap3A_1034, %swap3A_1035], %swap3A_1038 {strides = array<i32>} : memref<1x1x4096xi32, #tpu.memory_space<vmem>>, vector<1x1x128xi32>,
    %reduce_sum3A_1039 = vector.shape_cast %broadcast_in_dim3A_1025 : vector<128x1xf32> to vector<1x128x1xf32>
    %reduce_sum3A_1040 = arith.constant dense<0.000000e+00> : vector<1xf32>
    %reduce_sum3A_1041 = vector.multi_reduction <add>, %reduce_sum3A_1039, %reduce_sum3A_1040 [1, 2] : vector<1x128x1xf32> to vector<1xf32>
    %reduce_sum3A_1042 = vector.shape_cast %reduce_sum3A_1041 : vector<1xf32> to vector<1x1x1xf32>
    %reduce_sum3A_1043 = vector.extract %reduce_sum3A_1042[0, 0, 0] : f32 from vector<1x1x1xf32>
    %add3A_1044 = arith.addf %add3A_942, %reduce_sum3A_1043 : f32
    %slice3A_1045 = vector.extract_strided_slice %broadcast_in_dim3A {offsets = [1280, 0], sizes = [128, 1], strides = [1, 1]} : vector<4096x1xf32> to vector<128x1xf32>
    %broadcast_in_dim3A_1046 = vector.shape_cast %slice3A_1045 : vector<128x1xf32> to vector<128x1xf32>
    %broadcast_in_dim3A_1047 = vector.broadcast %broadcast_in_dim3A_1046 : vector<128x1xf32> to vector<128x128xf32>
    %slice3A_1048 = vector.extract_strided_slice %dot_general3A_8 {offsets = [1280, 0], sizes = [128, 128], strides = [1, 1]} : vector<4096x1024xf32> to vector<128x128xf32>
    %sub3A_1049 = arith.subf %broadcast_in_dim3A_1047, %slice3A_1048 : vector<128x128xf32>
    %get3A_1050 = arith.constant 0 : index
    %get3A_1051 = arith.constant 0 : index
    %get3A_1052 = vector.load %arg3[%get3A_1050, %get3A_1051] : memref<1x1024xf32, #tpu.memory_space<vmem>>, vector<1x128xf32>
    %add3A_1053 = vector.broadcast %get3A_1052 : vector<1x128xf32> to vector<128x128xf32>
    %add3A_1054 = arith.addf %sub3A_1049, %add3A_1053 : vector<128x128xf32>
    %slice3A_1055 = vector.extract_strided_slice %dot_general3A_8 {offsets = [1280, 128], sizes = [128, 128], strides = [1, 1]} : vector<4096x1024xf32> to vector<128x128xf32>
    %sub3A_1056 = arith.subf %broadcast_in_dim3A_1047, %slice3A_1055 : vector<128x128xf32>
    %get3A_1057 = arith.constant 0 : index
    %get3A_1058 = arith.constant 128 : index
    %get3A_1059 = vector.load %arg3[%get3A_1057, %get3A_1058] : memref<1x1024xf32, #tpu.memory_space<vmem>>, vector<1x128xf32>
    %add3A_1060 = vector.broadcast %get3A_1059 : vector<1x128xf32> to vector<128x128xf32>
    %add3A_1061 = arith.addf %sub3A_1056, %add3A_1060 : vector<128x128xf32>
    %lt3A_1062 = arith.cmpf olt, %add3A_1061, %add3A_1054 : vector<128x128xf32>
    %select_n3A_1063 = arith.select %lt3A_1062, %add3A_1061, %add3A_1054 : vector<128x128xi1>, vector<128x128xf32>
    %select_n3A_1064 = arith.select %lt3A_1062, %add3A_13, %add3A_10 : vector<128x128xi1>, vector<128x128xi32>
    %slice3A_1065 = vector.extract_strided_slice %dot_general3A_8 {offsets = [1280, 256], sizes = [128, 128], strides = [1, 1]} : vector<4096x1024xf32> to vector<128x128xf32>
    %sub3A_1066 = arith.subf %broadcast_in_dim3A_1047, %slice3A_1065 : vector<128x128xf32>
    %get3A_1067 = arith.constant 0 : index
    %get3A_1068 = arith.constant 256 : index
    %get3A_1069 = vector.load %arg3[%get3A_1067, %get3A_1068] : memref<1x1024xf32, #tpu.memory_space<vmem>>, vector<1x128xf32>
    %add3A_1070 = vector.broadcast %get3A_1069 : vector<1x128xf32> to vector<128x128xf32>
    %add3A_1071 = arith.addf %sub3A_1066, %add3A_1070 : vector<128x128xf32>
    %lt3A_1072 = arith.cmpf olt, %add3A_1071, %select_n3A_1063 : vector<128x128xf32>
    %select_n3A_1073 = arith.select %lt3A_1072, %add3A_1071, %select_n3A_1063 : vector<128x128xi1>, vector<128x128xf32>
    %select_n3A_1074 = arith.select %lt3A_1072, %add3A_16, %select_n3A_1064 : vector<128x128xi1>, vector<128x128xi32>
    %slice3A_1075 = vector.extract_strided_slice %dot_general3A_8 {offsets = [1280, 384], sizes = [128, 128], strides = [1, 1]} : vector<4096x1024xf32> to vector<128x128xf32>
    %sub3A_1076 = arith.subf %broadcast_in_dim3A_1047, %slice3A_1075 : vector<128x128xf32>
    %get3A_1077 = arith.constant 0 : index
    %get3A_1078 = arith.constant 384 : index
    %get3A_1079 = vector.load %arg3[%get3A_1077, %get3A_1078] : memref<1x1024xf32, #tpu.memory_space<vmem>>, vector<1x128xf32>
    %add3A_1080 = vector.broadcast %get3A_1079 : vector<1x128xf32> to vector<128x128xf32>
    %add3A_1081 = arith.addf %sub3A_1076, %add3A_1080 : vector<128x128xf32>
    %lt3A_1082 = arith.cmpf olt, %add3A_1081, %select_n3A_1073 : vector<128x128xf32>
    %select_n3A_1083 = arith.select %lt3A_1082, %add3A_1081, %select_n3A_1073 : vector<128x128xi1>, vector<128x128xf32>
    %select_n3A_1084 = arith.select %lt3A_1082, %add3A_19, %select_n3A_1074 : vector<128x128xi1>, vector<128x128xi32>
    %slice3A_1085 = vector.extract_strided_slice %dot_general3A_8 {offsets = [1280, 512], sizes = [128, 128], strides = [1, 1]} : vector<4096x1024xf32> to vector<128x128xf32>
    %sub3A_1086 = arith.subf %broadcast_in_dim3A_1047, %slice3A_1085 : vector<128x128xf32>
    %get3A_1087 = arith.constant 0 : index
    %get3A_1088 = arith.constant 512 : index
    %get3A_1089 = vector.load %arg3[%get3A_1087, %get3A_1088] : memref<1x1024xf32, #tpu.memory_space<vmem>>, vector<1x128xf32>
    %add3A_1090 = vector.broadcast %get3A_1089 : vector<1x128xf32> to vector<128x128xf32>
    %add3A_1091 = arith.addf %sub3A_1086, %add3A_1090 : vector<128x128xf32>
    %lt3A_1092 = arith.cmpf olt, %add3A_1091, %select_n3A_1083 : vector<128x128xf32>
    %select_n3A_1093 = arith.select %lt3A_1092, %add3A_1091, %select_n3A_1083 : vector<128x128xi1>, vector<128x128xf32>
    %select_n3A_1094 = arith.select %lt3A_1092, %add3A_22, %select_n3A_1084 : vector<128x128xi1>, vector<128x128xi32>
    %slice3A_1095 = vector.extract_strided_slice %dot_general3A_8 {offsets = [1280, 640], sizes = [128, 128], strides = [1, 1]} : vector<4096x1024xf32> to vector<128x128xf32>
    %sub3A_1096 = arith.subf %broadcast_in_dim3A_1047, %slice3A_1095 : vector<128x128xf32>
    %get3A_1097 = arith.constant 0 : index
    %get3A_1098 = arith.constant 640 : index
    %get3A_1099 = vector.load %arg3[%get3A_1097, %get3A_1098] : memref<1x1024xf32, #tpu.memory_space<vmem>>, vector<1x128xf32>
    %add3A_1100 = vector.broadcast %get3A_1099 : vector<1x128xf32> to vector<128x128xf32>
    %add3A_1101 = arith.addf %sub3A_1096, %add3A_1100 : vector<128x128xf32>
    %lt3A_1102 = arith.cmpf olt, %add3A_1101, %select_n3A_1093 : vector<128x128xf32>
    %select_n3A_1103 = arith.select %lt3A_1102, %add3A_1101, %select_n3A_1093 : vector<128x128xi1>, vector<128x128xf32>
    %select_n3A_1104 = arith.select %lt3A_1102, %add3A_25, %select_n3A_1094 : vector<128x128xi1>, vector<128x128xi32>
    %slice3A_1105 = vector.extract_strided_slice %dot_general3A_8 {offsets = [1280, 768], sizes = [128, 128], strides = [1, 1]} : vector<4096x1024xf32> to vector<128x128xf32>
    %sub3A_1106 = arith.subf %broadcast_in_dim3A_1047, %slice3A_1105 : vector<128x128xf32>
    %get3A_1107 = arith.constant 0 : index
    %get3A_1108 = arith.constant 768 : index
    %get3A_1109 = vector.load %arg3[%get3A_1107, %get3A_1108] : memref<1x1024xf32, #tpu.memory_space<vmem>>, vector<1x128xf32>
    %add3A_1110 = vector.broadcast %get3A_1109 : vector<1x128xf32> to vector<128x128xf32>
    %add3A_1111 = arith.addf %sub3A_1106, %add3A_1110 : vector<128x128xf32>
    %lt3A_1112 = arith.cmpf olt, %add3A_1111, %select_n3A_1103 : vector<128x128xf32>
    %select_n3A_1113 = arith.select %lt3A_1112, %add3A_1111, %select_n3A_1103 : vector<128x128xi1>, vector<128x128xf32>
    %select_n3A_1114 = arith.select %lt3A_1112, %add3A_28, %select_n3A_1104 : vector<128x128xi1>, vector<128x128xi32>
    %slice3A_1115 = vector.extract_strided_slice %dot_general3A_8 {offsets = [1280, 896], sizes = [128, 128], strides = [1, 1]} : vector<4096x1024xf32> to vector<128x128xf32>
    %sub3A_1116 = arith.subf %broadcast_in_dim3A_1047, %slice3A_1115 : vector<128x128xf32>
    %get3A_1117 = arith.constant 0 : index
    %get3A_1118 = arith.constant 896 : index
    %get3A_1119 = vector.load %arg3[%get3A_1117, %get3A_1118] : memref<1x1024xf32, #tpu.memory_space<vmem>>, vector<1x128xf32>
    %add3A_1120 = vector.broadcast %get3A_1119 : vector<1x128xf32> to vector<128x128xf32>
    %add3A_1121 = arith.addf %sub3A_1116, %add3A_1120 : vector<128x128xf32>
    %lt3A_1122 = arith.cmpf olt, %add3A_1121, %select_n3A_1113 : vector<128x128xf32>
    %select_n3A_1123 = arith.select %lt3A_1122, %add3A_1121, %select_n3A_1113 : vector<128x128xi1>, vector<128x128xf32>
    %select_n3A_1124 = arith.select %lt3A_1122, %add3A_31, %select_n3A_1114 : vector<128x128xi1>, vector<128x128xi32>
    %reduce_min3A_1125 = arith.constant dense<0x7F800000> : vector<128xf32>
    %reduce_min3A_1126 = vector.multi_reduction <minimumf>, %select_n3A_1123, %reduce_min3A_1125 [1] : vector<128x128xf32> to vector<128xf32>
    %broadcast_in_dim3A_1127 = vector.shape_cast %reduce_min3A_1126 : vector<128xf32> to vector<128x1xf32>
    %eq3A_1128 = vector.broadcast %broadcast_in_dim3A_1127 : vector<128x1xf32> to vector<128x128xf32>
    %eq3A_1129 = arith.cmpf oeq, %select_n3A_1123, %eq3A_1128 : vector<128x128xf32>
    %jit3A_1130 = arith.constant 1024 : i32
    %broadcast_in_dim3A_1131 = vector.broadcast %jit3A_1130 : i32 to vector<128x128xi32>
    %select_n3A_1132 = arith.select %eq3A_1129, %select_n3A_1124, %broadcast_in_dim3A_1131 : vector<128x128xi1>, vector<128x128xi32>
    %reduce_min3A_1133 = arith.constant dense<2147483647> : vector<128xi32>
    %reduce_min3A_1134 = vector.multi_reduction <minsi>, %select_n3A_1132, %reduce_min3A_1133 [1] : vector<128x128xi32> to vector<128xi32>
    %swap3A_1135 = arith.constant 0 : index
    %swap3A_1136 = arith.constant 0 : index
    %swap3A_1137 = arith.constant 1280 : index
    %swap3A_1138 = vector.load %arg4[%swap3A_1135, %swap3A_1136, %swap3A_1137] : memref<1x1x4096xi32, #tpu.memory_space<vmem>>, vector<1x1x128xi32>
    %swap3A_1139 = vector.shape_cast %swap3A_1138 : vector<1x1x128xi32> to vector<128xi32>
    %swap3A_1140 = vector.shape_cast %reduce_min3A_1134 : vector<128xi32> to vector<1x1x128xi32>
    tpu.vector_store %arg4[%swap3A_1135, %swap3A_1136, %swap3A_1137], %swap3A_1140 {strides = array<i32>} : memref<1x1x4096xi32, #tpu.memory_space<vmem>>, vector<1x1x128xi32>,
    %reduce_sum3A_1141 = vector.shape_cast %broadcast_in_dim3A_1127 : vector<128x1xf32> to vector<1x128x1xf32>
    %reduce_sum3A_1142 = arith.constant dense<0.000000e+00> : vector<1xf32>
    %reduce_sum3A_1143 = vector.multi_reduction <add>, %reduce_sum3A_1141, %reduce_sum3A_1142 [1, 2] : vector<1x128x1xf32> to vector<1xf32>
    %reduce_sum3A_1144 = vector.shape_cast %reduce_sum3A_1143 : vector<1xf32> to vector<1x1x1xf32>
    %reduce_sum3A_1145 = vector.extract %reduce_sum3A_1144[0, 0, 0] : f32 from vector<1x1x1xf32>
    %add3A_1146 = arith.addf %add3A_1044, %reduce_sum3A_1145 : f32
    %slice3A_1147 = vector.extract_strided_slice %broadcast_in_dim3A {offsets = [1408, 0], sizes = [128, 1], strides = [1, 1]} : vector<4096x1xf32> to vector<128x1xf32>
    %broadcast_in_dim3A_1148 = vector.shape_cast %slice3A_1147 : vector<128x1xf32> to vector<128x1xf32>
    %broadcast_in_dim3A_1149 = vector.broadcast %broadcast_in_dim3A_1148 : vector<128x1xf32> to vector<128x128xf32>
    %slice3A_1150 = vector.extract_strided_slice %dot_general3A_8 {offsets = [1408, 0], sizes = [128, 128], strides = [1, 1]} : vector<4096x1024xf32> to vector<128x128xf32>
    %sub3A_1151 = arith.subf %broadcast_in_dim3A_1149, %slice3A_1150 : vector<128x128xf32>
    %get3A_1152 = arith.constant 0 : index
    %get3A_1153 = arith.constant 0 : index
    %get3A_1154 = vector.load %arg3[%get3A_1152, %get3A_1153] : memref<1x1024xf32, #tpu.memory_space<vmem>>, vector<1x128xf32>
    %add3A_1155 = vector.broadcast %get3A_1154 : vector<1x128xf32> to vector<128x128xf32>
    %add3A_1156 = arith.addf %sub3A_1151, %add3A_1155 : vector<128x128xf32>
    %slice3A_1157 = vector.extract_strided_slice %dot_general3A_8 {offsets = [1408, 128], sizes = [128, 128], strides = [1, 1]} : vector<4096x1024xf32> to vector<128x128xf32>
    %sub3A_1158 = arith.subf %broadcast_in_dim3A_1149, %slice3A_1157 : vector<128x128xf32>
    %get3A_1159 = arith.constant 0 : index
    %get3A_1160 = arith.constant 128 : index
    %get3A_1161 = vector.load %arg3[%get3A_1159, %get3A_1160] : memref<1x1024xf32, #tpu.memory_space<vmem>>, vector<1x128xf32>
    %add3A_1162 = vector.broadcast %get3A_1161 : vector<1x128xf32> to vector<128x128xf32>
    %add3A_1163 = arith.addf %sub3A_1158, %add3A_1162 : vector<128x128xf32>
    %lt3A_1164 = arith.cmpf olt, %add3A_1163, %add3A_1156 : vector<128x128xf32>
    %select_n3A_1165 = arith.select %lt3A_1164, %add3A_1163, %add3A_1156 : vector<128x128xi1>, vector<128x128xf32>
    %select_n3A_1166 = arith.select %lt3A_1164, %add3A_13, %add3A_10 : vector<128x128xi1>, vector<128x128xi32>
    %slice3A_1167 = vector.extract_strided_slice %dot_general3A_8 {offsets = [1408, 256], sizes = [128, 128], strides = [1, 1]} : vector<4096x1024xf32> to vector<128x128xf32>
    %sub3A_1168 = arith.subf %broadcast_in_dim3A_1149, %slice3A_1167 : vector<128x128xf32>
    %get3A_1169 = arith.constant 0 : index
    %get3A_1170 = arith.constant 256 : index
    %get3A_1171 = vector.load %arg3[%get3A_1169, %get3A_1170] : memref<1x1024xf32, #tpu.memory_space<vmem>>, vector<1x128xf32>
    %add3A_1172 = vector.broadcast %get3A_1171 : vector<1x128xf32> to vector<128x128xf32>
    %add3A_1173 = arith.addf %sub3A_1168, %add3A_1172 : vector<128x128xf32>
    %lt3A_1174 = arith.cmpf olt, %add3A_1173, %select_n3A_1165 : vector<128x128xf32>
    %select_n3A_1175 = arith.select %lt3A_1174, %add3A_1173, %select_n3A_1165 : vector<128x128xi1>, vector<128x128xf32>
    %select_n3A_1176 = arith.select %lt3A_1174, %add3A_16, %select_n3A_1166 : vector<128x128xi1>, vector<128x128xi32>
    %slice3A_1177 = vector.extract_strided_slice %dot_general3A_8 {offsets = [1408, 384], sizes = [128, 128], strides = [1, 1]} : vector<4096x1024xf32> to vector<128x128xf32>
    %sub3A_1178 = arith.subf %broadcast_in_dim3A_1149, %slice3A_1177 : vector<128x128xf32>
    %get3A_1179 = arith.constant 0 : index
    %get3A_1180 = arith.constant 384 : index
    %get3A_1181 = vector.load %arg3[%get3A_1179, %get3A_1180] : memref<1x1024xf32, #tpu.memory_space<vmem>>, vector<1x128xf32>
    %add3A_1182 = vector.broadcast %get3A_1181 : vector<1x128xf32> to vector<128x128xf32>
    %add3A_1183 = arith.addf %sub3A_1178, %add3A_1182 : vector<128x128xf32>
    %lt3A_1184 = arith.cmpf olt, %add3A_1183, %select_n3A_1175 : vector<128x128xf32>
    %select_n3A_1185 = arith.select %lt3A_1184, %add3A_1183, %select_n3A_1175 : vector<128x128xi1>, vector<128x128xf32>
    %select_n3A_1186 = arith.select %lt3A_1184, %add3A_19, %select_n3A_1176 : vector<128x128xi1>, vector<128x128xi32>
    %slice3A_1187 = vector.extract_strided_slice %dot_general3A_8 {offsets = [1408, 512], sizes = [128, 128], strides = [1, 1]} : vector<4096x1024xf32> to vector<128x128xf32>
    %sub3A_1188 = arith.subf %broadcast_in_dim3A_1149, %slice3A_1187 : vector<128x128xf32>
    %get3A_1189 = arith.constant 0 : index
    %get3A_1190 = arith.constant 512 : index
    %get3A_1191 = vector.load %arg3[%get3A_1189, %get3A_1190] : memref<1x1024xf32, #tpu.memory_space<vmem>>, vector<1x128xf32>
    %add3A_1192 = vector.broadcast %get3A_1191 : vector<1x128xf32> to vector<128x128xf32>
    %add3A_1193 = arith.addf %sub3A_1188, %add3A_1192 : vector<128x128xf32>
    %lt3A_1194 = arith.cmpf olt, %add3A_1193, %select_n3A_1185 : vector<128x128xf32>
    %select_n3A_1195 = arith.select %lt3A_1194, %add3A_1193, %select_n3A_1185 : vector<128x128xi1>, vector<128x128xf32>
    %select_n3A_1196 = arith.select %lt3A_1194, %add3A_22, %select_n3A_1186 : vector<128x128xi1>, vector<128x128xi32>
    %slice3A_1197 = vector.extract_strided_slice %dot_general3A_8 {offsets = [1408, 640], sizes = [128, 128], strides = [1, 1]} : vector<4096x1024xf32> to vector<128x128xf32>
    %sub3A_1198 = arith.subf %broadcast_in_dim3A_1149, %slice3A_1197 : vector<128x128xf32>
    %get3A_1199 = arith.constant 0 : index
    %get3A_1200 = arith.constant 640 : index
    %get3A_1201 = vector.load %arg3[%get3A_1199, %get3A_1200] : memref<1x1024xf32, #tpu.memory_space<vmem>>, vector<1x128xf32>
    %add3A_1202 = vector.broadcast %get3A_1201 : vector<1x128xf32> to vector<128x128xf32>
    %add3A_1203 = arith.addf %sub3A_1198, %add3A_1202 : vector<128x128xf32>
    %lt3A_1204 = arith.cmpf olt, %add3A_1203, %select_n3A_1195 : vector<128x128xf32>
    %select_n3A_1205 = arith.select %lt3A_1204, %add3A_1203, %select_n3A_1195 : vector<128x128xi1>, vector<128x128xf32>
    %select_n3A_1206 = arith.select %lt3A_1204, %add3A_25, %select_n3A_1196 : vector<128x128xi1>, vector<128x128xi32>
    %slice3A_1207 = vector.extract_strided_slice %dot_general3A_8 {offsets = [1408, 768], sizes = [128, 128], strides = [1, 1]} : vector<4096x1024xf32> to vector<128x128xf32>
    %sub3A_1208 = arith.subf %broadcast_in_dim3A_1149, %slice3A_1207 : vector<128x128xf32>
    %get3A_1209 = arith.constant 0 : index
    %get3A_1210 = arith.constant 768 : index
    %get3A_1211 = vector.load %arg3[%get3A_1209, %get3A_1210] : memref<1x1024xf32, #tpu.memory_space<vmem>>, vector<1x128xf32>
    %add3A_1212 = vector.broadcast %get3A_1211 : vector<1x128xf32> to vector<128x128xf32>
    %add3A_1213 = arith.addf %sub3A_1208, %add3A_1212 : vector<128x128xf32>
    %lt3A_1214 = arith.cmpf olt, %add3A_1213, %select_n3A_1205 : vector<128x128xf32>
    %select_n3A_1215 = arith.select %lt3A_1214, %add3A_1213, %select_n3A_1205 : vector<128x128xi1>, vector<128x128xf32>
    %select_n3A_1216 = arith.select %lt3A_1214, %add3A_28, %select_n3A_1206 : vector<128x128xi1>, vector<128x128xi32>
    %slice3A_1217 = vector.extract_strided_slice %dot_general3A_8 {offsets = [1408, 896], sizes = [128, 128], strides = [1, 1]} : vector<4096x1024xf32> to vector<128x128xf32>
    %sub3A_1218 = arith.subf %broadcast_in_dim3A_1149, %slice3A_1217 : vector<128x128xf32>
    %get3A_1219 = arith.constant 0 : index
    %get3A_1220 = arith.constant 896 : index
    %get3A_1221 = vector.load %arg3[%get3A_1219, %get3A_1220] : memref<1x1024xf32, #tpu.memory_space<vmem>>, vector<1x128xf32>
    %add3A_1222 = vector.broadcast %get3A_1221 : vector<1x128xf32> to vector<128x128xf32>
    %add3A_1223 = arith.addf %sub3A_1218, %add3A_1222 : vector<128x128xf32>
    %lt3A_1224 = arith.cmpf olt, %add3A_1223, %select_n3A_1215 : vector<128x128xf32>
    %select_n3A_1225 = arith.select %lt3A_1224, %add3A_1223, %select_n3A_1215 : vector<128x128xi1>, vector<128x128xf32>
    %select_n3A_1226 = arith.select %lt3A_1224, %add3A_31, %select_n3A_1216 : vector<128x128xi1>, vector<128x128xi32>
    %reduce_min3A_1227 = arith.constant dense<0x7F800000> : vector<128xf32>
    %reduce_min3A_1228 = vector.multi_reduction <minimumf>, %select_n3A_1225, %reduce_min3A_1227 [1] : vector<128x128xf32> to vector<128xf32>
    %broadcast_in_dim3A_1229 = vector.shape_cast %reduce_min3A_1228 : vector<128xf32> to vector<128x1xf32>
    %eq3A_1230 = vector.broadcast %broadcast_in_dim3A_1229 : vector<128x1xf32> to vector<128x128xf32>
    %eq3A_1231 = arith.cmpf oeq, %select_n3A_1225, %eq3A_1230 : vector<128x128xf32>
    %jit3A_1232 = arith.constant 1024 : i32
    %broadcast_in_dim3A_1233 = vector.broadcast %jit3A_1232 : i32 to vector<128x128xi32>
    %select_n3A_1234 = arith.select %eq3A_1231, %select_n3A_1226, %broadcast_in_dim3A_1233 : vector<128x128xi1>, vector<128x128xi32>
    %reduce_min3A_1235 = arith.constant dense<2147483647> : vector<128xi32>
    %reduce_min3A_1236 = vector.multi_reduction <minsi>, %select_n3A_1234, %reduce_min3A_1235 [1] : vector<128x128xi32> to vector<128xi32>
    %swap3A_1237 = arith.constant 0 : index
    %swap3A_1238 = arith.constant 0 : index
    %swap3A_1239 = arith.constant 1408 : index
    %swap3A_1240 = vector.load %arg4[%swap3A_1237, %swap3A_1238, %swap3A_1239] : memref<1x1x4096xi32, #tpu.memory_space<vmem>>, vector<1x1x128xi32>
    %swap3A_1241 = vector.shape_cast %swap3A_1240 : vector<1x1x128xi32> to vector<128xi32>
    %swap3A_1242 = vector.shape_cast %reduce_min3A_1236 : vector<128xi32> to vector<1x1x128xi32>
    tpu.vector_store %arg4[%swap3A_1237, %swap3A_1238, %swap3A_1239], %swap3A_1242 {strides = array<i32>} : memref<1x1x4096xi32, #tpu.memory_space<vmem>>, vector<1x1x128xi32>,
    %reduce_sum3A_1243 = vector.shape_cast %broadcast_in_dim3A_1229 : vector<128x1xf32> to vector<1x128x1xf32>
    %reduce_sum3A_1244 = arith.constant dense<0.000000e+00> : vector<1xf32>
    %reduce_sum3A_1245 = vector.multi_reduction <add>, %reduce_sum3A_1243, %reduce_sum3A_1244 [1, 2] : vector<1x128x1xf32> to vector<1xf32>
    %reduce_sum3A_1246 = vector.shape_cast %reduce_sum3A_1245 : vector<1xf32> to vector<1x1x1xf32>
    %reduce_sum3A_1247 = vector.extract %reduce_sum3A_1246[0, 0, 0] : f32 from vector<1x1x1xf32>
    %add3A_1248 = arith.addf %add3A_1146, %reduce_sum3A_1247 : f32
    %slice3A_1249 = vector.extract_strided_slice %broadcast_in_dim3A {offsets = [1536, 0], sizes = [128, 1], strides = [1, 1]} : vector<4096x1xf32> to vector<128x1xf32>
    %broadcast_in_dim3A_1250 = vector.shape_cast %slice3A_1249 : vector<128x1xf32> to vector<128x1xf32>
    %broadcast_in_dim3A_1251 = vector.broadcast %broadcast_in_dim3A_1250 : vector<128x1xf32> to vector<128x128xf32>
    %slice3A_1252 = vector.extract_strided_slice %dot_general3A_8 {offsets = [1536, 0], sizes = [128, 128], strides = [1, 1]} : vector<4096x1024xf32> to vector<128x128xf32>
    %sub3A_1253 = arith.subf %broadcast_in_dim3A_1251, %slice3A_1252 : vector<128x128xf32>
    %get3A_1254 = arith.constant 0 : index
    %get3A_1255 = arith.constant 0 : index
    %get3A_1256 = vector.load %arg3[%get3A_1254, %get3A_1255] : memref<1x1024xf32, #tpu.memory_space<vmem>>, vector<1x128xf32>
    %add3A_1257 = vector.broadcast %get3A_1256 : vector<1x128xf32> to vector<128x128xf32>
    %add3A_1258 = arith.addf %sub3A_1253, %add3A_1257 : vector<128x128xf32>
    %slice3A_1259 = vector.extract_strided_slice %dot_general3A_8 {offsets = [1536, 128], sizes = [128, 128], strides = [1, 1]} : vector<4096x1024xf32> to vector<128x128xf32>
    %sub3A_1260 = arith.subf %broadcast_in_dim3A_1251, %slice3A_1259 : vector<128x128xf32>
    %get3A_1261 = arith.constant 0 : index
    %get3A_1262 = arith.constant 128 : index
    %get3A_1263 = vector.load %arg3[%get3A_1261, %get3A_1262] : memref<1x1024xf32, #tpu.memory_space<vmem>>, vector<1x128xf32>
    %add3A_1264 = vector.broadcast %get3A_1263 : vector<1x128xf32> to vector<128x128xf32>
    %add3A_1265 = arith.addf %sub3A_1260, %add3A_1264 : vector<128x128xf32>
    %lt3A_1266 = arith.cmpf olt, %add3A_1265, %add3A_1258 : vector<128x128xf32>
    %select_n3A_1267 = arith.select %lt3A_1266, %add3A_1265, %add3A_1258 : vector<128x128xi1>, vector<128x128xf32>
    %select_n3A_1268 = arith.select %lt3A_1266, %add3A_13, %add3A_10 : vector<128x128xi1>, vector<128x128xi32>
    %slice3A_1269 = vector.extract_strided_slice %dot_general3A_8 {offsets = [1536, 256], sizes = [128, 128], strides = [1, 1]} : vector<4096x1024xf32> to vector<128x128xf32>
    %sub3A_1270 = arith.subf %broadcast_in_dim3A_1251, %slice3A_1269 : vector<128x128xf32>
    %get3A_1271 = arith.constant 0 : index
    %get3A_1272 = arith.constant 256 : index
    %get3A_1273 = vector.load %arg3[%get3A_1271, %get3A_1272] : memref<1x1024xf32, #tpu.memory_space<vmem>>, vector<1x128xf32>
    %add3A_1274 = vector.broadcast %get3A_1273 : vector<1x128xf32> to vector<128x128xf32>
    %add3A_1275 = arith.addf %sub3A_1270, %add3A_1274 : vector<128x128xf32>
    %lt3A_1276 = arith.cmpf olt, %add3A_1275, %select_n3A_1267 : vector<128x128xf32>
    %select_n3A_1277 = arith.select %lt3A_1276, %add3A_1275, %select_n3A_1267 : vector<128x128xi1>, vector<128x128xf32>
    %select_n3A_1278 = arith.select %lt3A_1276, %add3A_16, %select_n3A_1268 : vector<128x128xi1>, vector<128x128xi32>
    %slice3A_1279 = vector.extract_strided_slice %dot_general3A_8 {offsets = [1536, 384], sizes = [128, 128], strides = [1, 1]} : vector<4096x1024xf32> to vector<128x128xf32>
    %sub3A_1280 = arith.subf %broadcast_in_dim3A_1251, %slice3A_1279 : vector<128x128xf32>
    %get3A_1281 = arith.constant 0 : index
    %get3A_1282 = arith.constant 384 : index
    %get3A_1283 = vector.load %arg3[%get3A_1281, %get3A_1282] : memref<1x1024xf32, #tpu.memory_space<vmem>>, vector<1x128xf32>
    %add3A_1284 = vector.broadcast %get3A_1283 : vector<1x128xf32> to vector<128x128xf32>
    %add3A_1285 = arith.addf %sub3A_1280, %add3A_1284 : vector<128x128xf32>
    %lt3A_1286 = arith.cmpf olt, %add3A_1285, %select_n3A_1277 : vector<128x128xf32>
    %select_n3A_1287 = arith.select %lt3A_1286, %add3A_1285, %select_n3A_1277 : vector<128x128xi1>, vector<128x128xf32>
    %select_n3A_1288 = arith.select %lt3A_1286, %add3A_19, %select_n3A_1278 : vector<128x128xi1>, vector<128x128xi32>
    %slice3A_1289 = vector.extract_strided_slice %dot_general3A_8 {offsets = [1536, 512], sizes = [128, 128], strides = [1, 1]} : vector<4096x1024xf32> to vector<128x128xf32>
    %sub3A_1290 = arith.subf %broadcast_in_dim3A_1251, %slice3A_1289 : vector<128x128xf32>
    %get3A_1291 = arith.constant 0 : index
    %get3A_1292 = arith.constant 512 : index
    %get3A_1293 = vector.load %arg3[%get3A_1291, %get3A_1292] : memref<1x1024xf32, #tpu.memory_space<vmem>>, vector<1x128xf32>
    %add3A_1294 = vector.broadcast %get3A_1293 : vector<1x128xf32> to vector<128x128xf32>
    %add3A_1295 = arith.addf %sub3A_1290, %add3A_1294 : vector<128x128xf32>
    %lt3A_1296 = arith.cmpf olt, %add3A_1295, %select_n3A_1287 : vector<128x128xf32>
    %select_n3A_1297 = arith.select %lt3A_1296, %add3A_1295, %select_n3A_1287 : vector<128x128xi1>, vector<128x128xf32>
    %select_n3A_1298 = arith.select %lt3A_1296, %add3A_22, %select_n3A_1288 : vector<128x128xi1>, vector<128x128xi32>
    %slice3A_1299 = vector.extract_strided_slice %dot_general3A_8 {offsets = [1536, 640], sizes = [128, 128], strides = [1, 1]} : vector<4096x1024xf32> to vector<128x128xf32>
    %sub3A_1300 = arith.subf %broadcast_in_dim3A_1251, %slice3A_1299 : vector<128x128xf32>
    %get3A_1301 = arith.constant 0 : index
    %get3A_1302 = arith.constant 640 : index
    %get3A_1303 = vector.load %arg3[%get3A_1301, %get3A_1302] : memref<1x1024xf32, #tpu.memory_space<vmem>>, vector<1x128xf32>
    %add3A_1304 = vector.broadcast %get3A_1303 : vector<1x128xf32> to vector<128x128xf32>
    %add3A_1305 = arith.addf %sub3A_1300, %add3A_1304 : vector<128x128xf32>
    %lt3A_1306 = arith.cmpf olt, %add3A_1305, %select_n3A_1297 : vector<128x128xf32>
    %select_n3A_1307 = arith.select %lt3A_1306, %add3A_1305, %select_n3A_1297 : vector<128x128xi1>, vector<128x128xf32>
    %select_n3A_1308 = arith.select %lt3A_1306, %add3A_25, %select_n3A_1298 : vector<128x128xi1>, vector<128x128xi32>
    %slice3A_1309 = vector.extract_strided_slice %dot_general3A_8 {offsets = [1536, 768], sizes = [128, 128], strides = [1, 1]} : vector<4096x1024xf32> to vector<128x128xf32>
    %sub3A_1310 = arith.subf %broadcast_in_dim3A_1251, %slice3A_1309 : vector<128x128xf32>
    %get3A_1311 = arith.constant 0 : index
    %get3A_1312 = arith.constant 768 : index
    %get3A_1313 = vector.load %arg3[%get3A_1311, %get3A_1312] : memref<1x1024xf32, #tpu.memory_space<vmem>>, vector<1x128xf32>
    %add3A_1314 = vector.broadcast %get3A_1313 : vector<1x128xf32> to vector<128x128xf32>
    %add3A_1315 = arith.addf %sub3A_1310, %add3A_1314 : vector<128x128xf32>
    %lt3A_1316 = arith.cmpf olt, %add3A_1315, %select_n3A_1307 : vector<128x128xf32>
    %select_n3A_1317 = arith.select %lt3A_1316, %add3A_1315, %select_n3A_1307 : vector<128x128xi1>, vector<128x128xf32>
    %select_n3A_1318 = arith.select %lt3A_1316, %add3A_28, %select_n3A_1308 : vector<128x128xi1>, vector<128x128xi32>
    %slice3A_1319 = vector.extract_strided_slice %dot_general3A_8 {offsets = [1536, 896], sizes = [128, 128], strides = [1, 1]} : vector<4096x1024xf32> to vector<128x128xf32>
    %sub3A_1320 = arith.subf %broadcast_in_dim3A_1251, %slice3A_1319 : vector<128x128xf32>
    %get3A_1321 = arith.constant 0 : index
    %get3A_1322 = arith.constant 896 : index
    %get3A_1323 = vector.load %arg3[%get3A_1321, %get3A_1322] : memref<1x1024xf32, #tpu.memory_space<vmem>>, vector<1x128xf32>
    %add3A_1324 = vector.broadcast %get3A_1323 : vector<1x128xf32> to vector<128x128xf32>
    %add3A_1325 = arith.addf %sub3A_1320, %add3A_1324 : vector<128x128xf32>
    %lt3A_1326 = arith.cmpf olt, %add3A_1325, %select_n3A_1317 : vector<128x128xf32>
    %select_n3A_1327 = arith.select %lt3A_1326, %add3A_1325, %select_n3A_1317 : vector<128x128xi1>, vector<128x128xf32>
    %select_n3A_1328 = arith.select %lt3A_1326, %add3A_31, %select_n3A_1318 : vector<128x128xi1>, vector<128x128xi32>
    %reduce_min3A_1329 = arith.constant dense<0x7F800000> : vector<128xf32>
    %reduce_min3A_1330 = vector.multi_reduction <minimumf>, %select_n3A_1327, %reduce_min3A_1329 [1] : vector<128x128xf32> to vector<128xf32>
    %broadcast_in_dim3A_1331 = vector.shape_cast %reduce_min3A_1330 : vector<128xf32> to vector<128x1xf32>
    %eq3A_1332 = vector.broadcast %broadcast_in_dim3A_1331 : vector<128x1xf32> to vector<128x128xf32>
    %eq3A_1333 = arith.cmpf oeq, %select_n3A_1327, %eq3A_1332 : vector<128x128xf32>
    %jit3A_1334 = arith.constant 1024 : i32
    %broadcast_in_dim3A_1335 = vector.broadcast %jit3A_1334 : i32 to vector<128x128xi32>
    %select_n3A_1336 = arith.select %eq3A_1333, %select_n3A_1328, %broadcast_in_dim3A_1335 : vector<128x128xi1>, vector<128x128xi32>
    %reduce_min3A_1337 = arith.constant dense<2147483647> : vector<128xi32>
    %reduce_min3A_1338 = vector.multi_reduction <minsi>, %select_n3A_1336, %reduce_min3A_1337 [1] : vector<128x128xi32> to vector<128xi32>
    %swap3A_1339 = arith.constant 0 : index
    %swap3A_1340 = arith.constant 0 : index
    %swap3A_1341 = arith.constant 1536 : index
    %swap3A_1342 = vector.load %arg4[%swap3A_1339, %swap3A_1340, %swap3A_1341] : memref<1x1x4096xi32, #tpu.memory_space<vmem>>, vector<1x1x128xi32>
    %swap3A_1343 = vector.shape_cast %swap3A_1342 : vector<1x1x128xi32> to vector<128xi32>
    %swap3A_1344 = vector.shape_cast %reduce_min3A_1338 : vector<128xi32> to vector<1x1x128xi32>
    tpu.vector_store %arg4[%swap3A_1339, %swap3A_1340, %swap3A_1341], %swap3A_1344 {strides = array<i32>} : memref<1x1x4096xi32, #tpu.memory_space<vmem>>, vector<1x1x128xi32>,
    %reduce_sum3A_1345 = vector.shape_cast %broadcast_in_dim3A_1331 : vector<128x1xf32> to vector<1x128x1xf32>
    %reduce_sum3A_1346 = arith.constant dense<0.000000e+00> : vector<1xf32>
    %reduce_sum3A_1347 = vector.multi_reduction <add>, %reduce_sum3A_1345, %reduce_sum3A_1346 [1, 2] : vector<1x128x1xf32> to vector<1xf32>
    %reduce_sum3A_1348 = vector.shape_cast %reduce_sum3A_1347 : vector<1xf32> to vector<1x1x1xf32>
    %reduce_sum3A_1349 = vector.extract %reduce_sum3A_1348[0, 0, 0] : f32 from vector<1x1x1xf32>
    %add3A_1350 = arith.addf %add3A_1248, %reduce_sum3A_1349 : f32
    %slice3A_1351 = vector.extract_strided_slice %broadcast_in_dim3A {offsets = [1664, 0], sizes = [128, 1], strides = [1, 1]} : vector<4096x1xf32> to vector<128x1xf32>
    %broadcast_in_dim3A_1352 = vector.shape_cast %slice3A_1351 : vector<128x1xf32> to vector<128x1xf32>
    %broadcast_in_dim3A_1353 = vector.broadcast %broadcast_in_dim3A_1352 : vector<128x1xf32> to vector<128x128xf32>
    %slice3A_1354 = vector.extract_strided_slice %dot_general3A_8 {offsets = [1664, 0], sizes = [128, 128], strides = [1, 1]} : vector<4096x1024xf32> to vector<128x128xf32>
    %sub3A_1355 = arith.subf %broadcast_in_dim3A_1353, %slice3A_1354 : vector<128x128xf32>
    %get3A_1356 = arith.constant 0 : index
    %get3A_1357 = arith.constant 0 : index
    %get3A_1358 = vector.load %arg3[%get3A_1356, %get3A_1357] : memref<1x1024xf32, #tpu.memory_space<vmem>>, vector<1x128xf32>
    %add3A_1359 = vector.broadcast %get3A_1358 : vector<1x128xf32> to vector<128x128xf32>
    %add3A_1360 = arith.addf %sub3A_1355, %add3A_1359 : vector<128x128xf32>
    %slice3A_1361 = vector.extract_strided_slice %dot_general3A_8 {offsets = [1664, 128], sizes = [128, 128], strides = [1, 1]} : vector<4096x1024xf32> to vector<128x128xf32>
    %sub3A_1362 = arith.subf %broadcast_in_dim3A_1353, %slice3A_1361 : vector<128x128xf32>
    %get3A_1363 = arith.constant 0 : index
    %get3A_1364 = arith.constant 128 : index
    %get3A_1365 = vector.load %arg3[%get3A_1363, %get3A_1364] : memref<1x1024xf32, #tpu.memory_space<vmem>>, vector<1x128xf32>
    %add3A_1366 = vector.broadcast %get3A_1365 : vector<1x128xf32> to vector<128x128xf32>
    %add3A_1367 = arith.addf %sub3A_1362, %add3A_1366 : vector<128x128xf32>
    %lt3A_1368 = arith.cmpf olt, %add3A_1367, %add3A_1360 : vector<128x128xf32>
    %select_n3A_1369 = arith.select %lt3A_1368, %add3A_1367, %add3A_1360 : vector<128x128xi1>, vector<128x128xf32>
    %select_n3A_1370 = arith.select %lt3A_1368, %add3A_13, %add3A_10 : vector<128x128xi1>, vector<128x128xi32>
    %slice3A_1371 = vector.extract_strided_slice %dot_general3A_8 {offsets = [1664, 256], sizes = [128, 128], strides = [1, 1]} : vector<4096x1024xf32> to vector<128x128xf32>
    %sub3A_1372 = arith.subf %broadcast_in_dim3A_1353, %slice3A_1371 : vector<128x128xf32>
    %get3A_1373 = arith.constant 0 : index
    %get3A_1374 = arith.constant 256 : index
    %get3A_1375 = vector.load %arg3[%get3A_1373, %get3A_1374] : memref<1x1024xf32, #tpu.memory_space<vmem>>, vector<1x128xf32>
    %add3A_1376 = vector.broadcast %get3A_1375 : vector<1x128xf32> to vector<128x128xf32>
    %add3A_1377 = arith.addf %sub3A_1372, %add3A_1376 : vector<128x128xf32>
    %lt3A_1378 = arith.cmpf olt, %add3A_1377, %select_n3A_1369 : vector<128x128xf32>
    %select_n3A_1379 = arith.select %lt3A_1378, %add3A_1377, %select_n3A_1369 : vector<128x128xi1>, vector<128x128xf32>
    %select_n3A_1380 = arith.select %lt3A_1378, %add3A_16, %select_n3A_1370 : vector<128x128xi1>, vector<128x128xi32>
    %slice3A_1381 = vector.extract_strided_slice %dot_general3A_8 {offsets = [1664, 384], sizes = [128, 128], strides = [1, 1]} : vector<4096x1024xf32> to vector<128x128xf32>
    %sub3A_1382 = arith.subf %broadcast_in_dim3A_1353, %slice3A_1381 : vector<128x128xf32>
    %get3A_1383 = arith.constant 0 : index
    %get3A_1384 = arith.constant 384 : index
    %get3A_1385 = vector.load %arg3[%get3A_1383, %get3A_1384] : memref<1x1024xf32, #tpu.memory_space<vmem>>, vector<1x128xf32>
    %add3A_1386 = vector.broadcast %get3A_1385 : vector<1x128xf32> to vector<128x128xf32>
    %add3A_1387 = arith.addf %sub3A_1382, %add3A_1386 : vector<128x128xf32>
    %lt3A_1388 = arith.cmpf olt, %add3A_1387, %select_n3A_1379 : vector<128x128xf32>
    %select_n3A_1389 = arith.select %lt3A_1388, %add3A_1387, %select_n3A_1379 : vector<128x128xi1>, vector<128x128xf32>
    %select_n3A_1390 = arith.select %lt3A_1388, %add3A_19, %select_n3A_1380 : vector<128x128xi1>, vector<128x128xi32>
    %slice3A_1391 = vector.extract_strided_slice %dot_general3A_8 {offsets = [1664, 512], sizes = [128, 128], strides = [1, 1]} : vector<4096x1024xf32> to vector<128x128xf32>
    %sub3A_1392 = arith.subf %broadcast_in_dim3A_1353, %slice3A_1391 : vector<128x128xf32>
    %get3A_1393 = arith.constant 0 : index
    %get3A_1394 = arith.constant 512 : index
    %get3A_1395 = vector.load %arg3[%get3A_1393, %get3A_1394] : memref<1x1024xf32, #tpu.memory_space<vmem>>, vector<1x128xf32>
    %add3A_1396 = vector.broadcast %get3A_1395 : vector<1x128xf32> to vector<128x128xf32>
    %add3A_1397 = arith.addf %sub3A_1392, %add3A_1396 : vector<128x128xf32>
    %lt3A_1398 = arith.cmpf olt, %add3A_1397, %select_n3A_1389 : vector<128x128xf32>
    %select_n3A_1399 = arith.select %lt3A_1398, %add3A_1397, %select_n3A_1389 : vector<128x128xi1>, vector<128x128xf32>
    %select_n3A_1400 = arith.select %lt3A_1398, %add3A_22, %select_n3A_1390 : vector<128x128xi1>, vector<128x128xi32>
    %slice3A_1401 = vector.extract_strided_slice %dot_general3A_8 {offsets = [1664, 640], sizes = [128, 128], strides = [1, 1]} : vector<4096x1024xf32> to vector<128x128xf32>
    %sub3A_1402 = arith.subf %broadcast_in_dim3A_1353, %slice3A_1401 : vector<128x128xf32>
    %get3A_1403 = arith.constant 0 : index
    %get3A_1404 = arith.constant 640 : index
    %get3A_1405 = vector.load %arg3[%get3A_1403, %get3A_1404] : memref<1x1024xf32, #tpu.memory_space<vmem>>, vector<1x128xf32>
    %add3A_1406 = vector.broadcast %get3A_1405 : vector<1x128xf32> to vector<128x128xf32>
    %add3A_1407 = arith.addf %sub3A_1402, %add3A_1406 : vector<128x128xf32>
    %lt3A_1408 = arith.cmpf olt, %add3A_1407, %select_n3A_1399 : vector<128x128xf32>
    %select_n3A_1409 = arith.select %lt3A_1408, %add3A_1407, %select_n3A_1399 : vector<128x128xi1>, vector<128x128xf32>
    %select_n3A_1410 = arith.select %lt3A_1408, %add3A_25, %select_n3A_1400 : vector<128x128xi1>, vector<128x128xi32>
    %slice3A_1411 = vector.extract_strided_slice %dot_general3A_8 {offsets = [1664, 768], sizes = [128, 128], strides = [1, 1]} : vector<4096x1024xf32> to vector<128x128xf32>
    %sub3A_1412 = arith.subf %broadcast_in_dim3A_1353, %slice3A_1411 : vector<128x128xf32>
    %get3A_1413 = arith.constant 0 : index
    %get3A_1414 = arith.constant 768 : index
    %get3A_1415 = vector.load %arg3[%get3A_1413, %get3A_1414] : memref<1x1024xf32, #tpu.memory_space<vmem>>, vector<1x128xf32>
    %add3A_1416 = vector.broadcast %get3A_1415 : vector<1x128xf32> to vector<128x128xf32>
    %add3A_1417 = arith.addf %sub3A_1412, %add3A_1416 : vector<128x128xf32>
    %lt3A_1418 = arith.cmpf olt, %add3A_1417, %select_n3A_1409 : vector<128x128xf32>
    %select_n3A_1419 = arith.select %lt3A_1418, %add3A_1417, %select_n3A_1409 : vector<128x128xi1>, vector<128x128xf32>
    %select_n3A_1420 = arith.select %lt3A_1418, %add3A_28, %select_n3A_1410 : vector<128x128xi1>, vector<128x128xi32>
    %slice3A_1421 = vector.extract_strided_slice %dot_general3A_8 {offsets = [1664, 896], sizes = [128, 128], strides = [1, 1]} : vector<4096x1024xf32> to vector<128x128xf32>
    %sub3A_1422 = arith.subf %broadcast_in_dim3A_1353, %slice3A_1421 : vector<128x128xf32>
    %get3A_1423 = arith.constant 0 : index
    %get3A_1424 = arith.constant 896 : index
    %get3A_1425 = vector.load %arg3[%get3A_1423, %get3A_1424] : memref<1x1024xf32, #tpu.memory_space<vmem>>, vector<1x128xf32>
    %add3A_1426 = vector.broadcast %get3A_1425 : vector<1x128xf32> to vector<128x128xf32>
    %add3A_1427 = arith.addf %sub3A_1422, %add3A_1426 : vector<128x128xf32>
    %lt3A_1428 = arith.cmpf olt, %add3A_1427, %select_n3A_1419 : vector<128x128xf32>
    %select_n3A_1429 = arith.select %lt3A_1428, %add3A_1427, %select_n3A_1419 : vector<128x128xi1>, vector<128x128xf32>
    %select_n3A_1430 = arith.select %lt3A_1428, %add3A_31, %select_n3A_1420 : vector<128x128xi1>, vector<128x128xi32>
    %reduce_min3A_1431 = arith.constant dense<0x7F800000> : vector<128xf32>
    %reduce_min3A_1432 = vector.multi_reduction <minimumf>, %select_n3A_1429, %reduce_min3A_1431 [1] : vector<128x128xf32> to vector<128xf32>
    %broadcast_in_dim3A_1433 = vector.shape_cast %reduce_min3A_1432 : vector<128xf32> to vector<128x1xf32>
    %eq3A_1434 = vector.broadcast %broadcast_in_dim3A_1433 : vector<128x1xf32> to vector<128x128xf32>
    %eq3A_1435 = arith.cmpf oeq, %select_n3A_1429, %eq3A_1434 : vector<128x128xf32>
    %jit3A_1436 = arith.constant 1024 : i32
    %broadcast_in_dim3A_1437 = vector.broadcast %jit3A_1436 : i32 to vector<128x128xi32>
    %select_n3A_1438 = arith.select %eq3A_1435, %select_n3A_1430, %broadcast_in_dim3A_1437 : vector<128x128xi1>, vector<128x128xi32>
    %reduce_min3A_1439 = arith.constant dense<2147483647> : vector<128xi32>
    %reduce_min3A_1440 = vector.multi_reduction <minsi>, %select_n3A_1438, %reduce_min3A_1439 [1] : vector<128x128xi32> to vector<128xi32>
    %swap3A_1441 = arith.constant 0 : index
    %swap3A_1442 = arith.constant 0 : index
    %swap3A_1443 = arith.constant 1664 : index
    %swap3A_1444 = vector.load %arg4[%swap3A_1441, %swap3A_1442, %swap3A_1443] : memref<1x1x4096xi32, #tpu.memory_space<vmem>>, vector<1x1x128xi32>
    %swap3A_1445 = vector.shape_cast %swap3A_1444 : vector<1x1x128xi32> to vector<128xi32>
    %swap3A_1446 = vector.shape_cast %reduce_min3A_1440 : vector<128xi32> to vector<1x1x128xi32>
    tpu.vector_store %arg4[%swap3A_1441, %swap3A_1442, %swap3A_1443], %swap3A_1446 {strides = array<i32>} : memref<1x1x4096xi32, #tpu.memory_space<vmem>>, vector<1x1x128xi32>,
    %reduce_sum3A_1447 = vector.shape_cast %broadcast_in_dim3A_1433 : vector<128x1xf32> to vector<1x128x1xf32>
    %reduce_sum3A_1448 = arith.constant dense<0.000000e+00> : vector<1xf32>
    %reduce_sum3A_1449 = vector.multi_reduction <add>, %reduce_sum3A_1447, %reduce_sum3A_1448 [1, 2] : vector<1x128x1xf32> to vector<1xf32>
    %reduce_sum3A_1450 = vector.shape_cast %reduce_sum3A_1449 : vector<1xf32> to vector<1x1x1xf32>
    %reduce_sum3A_1451 = vector.extract %reduce_sum3A_1450[0, 0, 0] : f32 from vector<1x1x1xf32>
    %add3A_1452 = arith.addf %add3A_1350, %reduce_sum3A_1451 : f32
    %slice3A_1453 = vector.extract_strided_slice %broadcast_in_dim3A {offsets = [1792, 0], sizes = [128, 1], strides = [1, 1]} : vector<4096x1xf32> to vector<128x1xf32>
    %broadcast_in_dim3A_1454 = vector.shape_cast %slice3A_1453 : vector<128x1xf32> to vector<128x1xf32>
    %broadcast_in_dim3A_1455 = vector.broadcast %broadcast_in_dim3A_1454 : vector<128x1xf32> to vector<128x128xf32>
    %slice3A_1456 = vector.extract_strided_slice %dot_general3A_8 {offsets = [1792, 0], sizes = [128, 128], strides = [1, 1]} : vector<4096x1024xf32> to vector<128x128xf32>
    %sub3A_1457 = arith.subf %broadcast_in_dim3A_1455, %slice3A_1456 : vector<128x128xf32>
    %get3A_1458 = arith.constant 0 : index
    %get3A_1459 = arith.constant 0 : index
    %get3A_1460 = vector.load %arg3[%get3A_1458, %get3A_1459] : memref<1x1024xf32, #tpu.memory_space<vmem>>, vector<1x128xf32>
    %add3A_1461 = vector.broadcast %get3A_1460 : vector<1x128xf32> to vector<128x128xf32>
    %add3A_1462 = arith.addf %sub3A_1457, %add3A_1461 : vector<128x128xf32>
    %slice3A_1463 = vector.extract_strided_slice %dot_general3A_8 {offsets = [1792, 128], sizes = [128, 128], strides = [1, 1]} : vector<4096x1024xf32> to vector<128x128xf32>
    %sub3A_1464 = arith.subf %broadcast_in_dim3A_1455, %slice3A_1463 : vector<128x128xf32>
    %get3A_1465 = arith.constant 0 : index
    %get3A_1466 = arith.constant 128 : index
    %get3A_1467 = vector.load %arg3[%get3A_1465, %get3A_1466] : memref<1x1024xf32, #tpu.memory_space<vmem>>, vector<1x128xf32>
    %add3A_1468 = vector.broadcast %get3A_1467 : vector<1x128xf32> to vector<128x128xf32>
    %add3A_1469 = arith.addf %sub3A_1464, %add3A_1468 : vector<128x128xf32>
    %lt3A_1470 = arith.cmpf olt, %add3A_1469, %add3A_1462 : vector<128x128xf32>
    %select_n3A_1471 = arith.select %lt3A_1470, %add3A_1469, %add3A_1462 : vector<128x128xi1>, vector<128x128xf32>
    %select_n3A_1472 = arith.select %lt3A_1470, %add3A_13, %add3A_10 : vector<128x128xi1>, vector<128x128xi32>
    %slice3A_1473 = vector.extract_strided_slice %dot_general3A_8 {offsets = [1792, 256], sizes = [128, 128], strides = [1, 1]} : vector<4096x1024xf32> to vector<128x128xf32>
    %sub3A_1474 = arith.subf %broadcast_in_dim3A_1455, %slice3A_1473 : vector<128x128xf32>
    %get3A_1475 = arith.constant 0 : index
    %get3A_1476 = arith.constant 256 : index
    %get3A_1477 = vector.load %arg3[%get3A_1475, %get3A_1476] : memref<1x1024xf32, #tpu.memory_space<vmem>>, vector<1x128xf32>
    %add3A_1478 = vector.broadcast %get3A_1477 : vector<1x128xf32> to vector<128x128xf32>
    %add3A_1479 = arith.addf %sub3A_1474, %add3A_1478 : vector<128x128xf32>
    %lt3A_1480 = arith.cmpf olt, %add3A_1479, %select_n3A_1471 : vector<128x128xf32>
    %select_n3A_1481 = arith.select %lt3A_1480, %add3A_1479, %select_n3A_1471 : vector<128x128xi1>, vector<128x128xf32>
    %select_n3A_1482 = arith.select %lt3A_1480, %add3A_16, %select_n3A_1472 : vector<128x128xi1>, vector<128x128xi32>
    %slice3A_1483 = vector.extract_strided_slice %dot_general3A_8 {offsets = [1792, 384], sizes = [128, 128], strides = [1, 1]} : vector<4096x1024xf32> to vector<128x128xf32>
    %sub3A_1484 = arith.subf %broadcast_in_dim3A_1455, %slice3A_1483 : vector<128x128xf32>
    %get3A_1485 = arith.constant 0 : index
    %get3A_1486 = arith.constant 384 : index
    %get3A_1487 = vector.load %arg3[%get3A_1485, %get3A_1486] : memref<1x1024xf32, #tpu.memory_space<vmem>>, vector<1x128xf32>
    %add3A_1488 = vector.broadcast %get3A_1487 : vector<1x128xf32> to vector<128x128xf32>
    %add3A_1489 = arith.addf %sub3A_1484, %add3A_1488 : vector<128x128xf32>
    %lt3A_1490 = arith.cmpf olt, %add3A_1489, %select_n3A_1481 : vector<128x128xf32>
    %select_n3A_1491 = arith.select %lt3A_1490, %add3A_1489, %select_n3A_1481 : vector<128x128xi1>, vector<128x128xf32>
    %select_n3A_1492 = arith.select %lt3A_1490, %add3A_19, %select_n3A_1482 : vector<128x128xi1>, vector<128x128xi32>
    %slice3A_1493 = vector.extract_strided_slice %dot_general3A_8 {offsets = [1792, 512], sizes = [128, 128], strides = [1, 1]} : vector<4096x1024xf32> to vector<128x128xf32>
    %sub3A_1494 = arith.subf %broadcast_in_dim3A_1455, %slice3A_1493 : vector<128x128xf32>
    %get3A_1495 = arith.constant 0 : index
    %get3A_1496 = arith.constant 512 : index
    %get3A_1497 = vector.load %arg3[%get3A_1495, %get3A_1496] : memref<1x1024xf32, #tpu.memory_space<vmem>>, vector<1x128xf32>
    %add3A_1498 = vector.broadcast %get3A_1497 : vector<1x128xf32> to vector<128x128xf32>
    %add3A_1499 = arith.addf %sub3A_1494, %add3A_1498 : vector<128x128xf32>
    %lt3A_1500 = arith.cmpf olt, %add3A_1499, %select_n3A_1491 : vector<128x128xf32>
    %select_n3A_1501 = arith.select %lt3A_1500, %add3A_1499, %select_n3A_1491 : vector<128x128xi1>, vector<128x128xf32>
    %select_n3A_1502 = arith.select %lt3A_1500, %add3A_22, %select_n3A_1492 : vector<128x128xi1>, vector<128x128xi32>
    %slice3A_1503 = vector.extract_strided_slice %dot_general3A_8 {offsets = [1792, 640], sizes = [128, 128], strides = [1, 1]} : vector<4096x1024xf32> to vector<128x128xf32>
    %sub3A_1504 = arith.subf %broadcast_in_dim3A_1455, %slice3A_1503 : vector<128x128xf32>
    %get3A_1505 = arith.constant 0 : index
    %get3A_1506 = arith.constant 640 : index
    %get3A_1507 = vector.load %arg3[%get3A_1505, %get3A_1506] : memref<1x1024xf32, #tpu.memory_space<vmem>>, vector<1x128xf32>
    %add3A_1508 = vector.broadcast %get3A_1507 : vector<1x128xf32> to vector<128x128xf32>
    %add3A_1509 = arith.addf %sub3A_1504, %add3A_1508 : vector<128x128xf32>
    %lt3A_1510 = arith.cmpf olt, %add3A_1509, %select_n3A_1501 : vector<128x128xf32>
    %select_n3A_1511 = arith.select %lt3A_1510, %add3A_1509, %select_n3A_1501 : vector<128x128xi1>, vector<128x128xf32>
    %select_n3A_1512 = arith.select %lt3A_1510, %add3A_25, %select_n3A_1502 : vector<128x128xi1>, vector<128x128xi32>
    %slice3A_1513 = vector.extract_strided_slice %dot_general3A_8 {offsets = [1792, 768], sizes = [128, 128], strides = [1, 1]} : vector<4096x1024xf32> to vector<128x128xf32>
    %sub3A_1514 = arith.subf %broadcast_in_dim3A_1455, %slice3A_1513 : vector<128x128xf32>
    %get3A_1515 = arith.constant 0 : index
    %get3A_1516 = arith.constant 768 : index
    %get3A_1517 = vector.load %arg3[%get3A_1515, %get3A_1516] : memref<1x1024xf32, #tpu.memory_space<vmem>>, vector<1x128xf32>
    %add3A_1518 = vector.broadcast %get3A_1517 : vector<1x128xf32> to vector<128x128xf32>
    %add3A_1519 = arith.addf %sub3A_1514, %add3A_1518 : vector<128x128xf32>
    %lt3A_1520 = arith.cmpf olt, %add3A_1519, %select_n3A_1511 : vector<128x128xf32>
    %select_n3A_1521 = arith.select %lt3A_1520, %add3A_1519, %select_n3A_1511 : vector<128x128xi1>, vector<128x128xf32>
    %select_n3A_1522 = arith.select %lt3A_1520, %add3A_28, %select_n3A_1512 : vector<128x128xi1>, vector<128x128xi32>
    %slice3A_1523 = vector.extract_strided_slice %dot_general3A_8 {offsets = [1792, 896], sizes = [128, 128], strides = [1, 1]} : vector<4096x1024xf32> to vector<128x128xf32>
    %sub3A_1524 = arith.subf %broadcast_in_dim3A_1455, %slice3A_1523 : vector<128x128xf32>
    %get3A_1525 = arith.constant 0 : index
    %get3A_1526 = arith.constant 896 : index
    %get3A_1527 = vector.load %arg3[%get3A_1525, %get3A_1526] : memref<1x1024xf32, #tpu.memory_space<vmem>>, vector<1x128xf32>
    %add3A_1528 = vector.broadcast %get3A_1527 : vector<1x128xf32> to vector<128x128xf32>
    %add3A_1529 = arith.addf %sub3A_1524, %add3A_1528 : vector<128x128xf32>
    %lt3A_1530 = arith.cmpf olt, %add3A_1529, %select_n3A_1521 : vector<128x128xf32>
    %select_n3A_1531 = arith.select %lt3A_1530, %add3A_1529, %select_n3A_1521 : vector<128x128xi1>, vector<128x128xf32>
    %select_n3A_1532 = arith.select %lt3A_1530, %add3A_31, %select_n3A_1522 : vector<128x128xi1>, vector<128x128xi32>
    %reduce_min3A_1533 = arith.constant dense<0x7F800000> : vector<128xf32>
    %reduce_min3A_1534 = vector.multi_reduction <minimumf>, %select_n3A_1531, %reduce_min3A_1533 [1] : vector<128x128xf32> to vector<128xf32>
    %broadcast_in_dim3A_1535 = vector.shape_cast %reduce_min3A_1534 : vector<128xf32> to vector<128x1xf32>
    %eq3A_1536 = vector.broadcast %broadcast_in_dim3A_1535 : vector<128x1xf32> to vector<128x128xf32>
    %eq3A_1537 = arith.cmpf oeq, %select_n3A_1531, %eq3A_1536 : vector<128x128xf32>
    %jit3A_1538 = arith.constant 1024 : i32
    %broadcast_in_dim3A_1539 = vector.broadcast %jit3A_1538 : i32 to vector<128x128xi32>
    %select_n3A_1540 = arith.select %eq3A_1537, %select_n3A_1532, %broadcast_in_dim3A_1539 : vector<128x128xi1>, vector<128x128xi32>
    %reduce_min3A_1541 = arith.constant dense<2147483647> : vector<128xi32>
    %reduce_min3A_1542 = vector.multi_reduction <minsi>, %select_n3A_1540, %reduce_min3A_1541 [1] : vector<128x128xi32> to vector<128xi32>
    %swap3A_1543 = arith.constant 0 : index
    %swap3A_1544 = arith.constant 0 : index
    %swap3A_1545 = arith.constant 1792 : index
    %swap3A_1546 = vector.load %arg4[%swap3A_1543, %swap3A_1544, %swap3A_1545] : memref<1x1x4096xi32, #tpu.memory_space<vmem>>, vector<1x1x128xi32>
    %swap3A_1547 = vector.shape_cast %swap3A_1546 : vector<1x1x128xi32> to vector<128xi32>
    %swap3A_1548 = vector.shape_cast %reduce_min3A_1542 : vector<128xi32> to vector<1x1x128xi32>
    tpu.vector_store %arg4[%swap3A_1543, %swap3A_1544, %swap3A_1545], %swap3A_1548 {strides = array<i32>} : memref<1x1x4096xi32, #tpu.memory_space<vmem>>, vector<1x1x128xi32>,
    %reduce_sum3A_1549 = vector.shape_cast %broadcast_in_dim3A_1535 : vector<128x1xf32> to vector<1x128x1xf32>
    %reduce_sum3A_1550 = arith.constant dense<0.000000e+00> : vector<1xf32>
    %reduce_sum3A_1551 = vector.multi_reduction <add>, %reduce_sum3A_1549, %reduce_sum3A_1550 [1, 2] : vector<1x128x1xf32> to vector<1xf32>
    %reduce_sum3A_1552 = vector.shape_cast %reduce_sum3A_1551 : vector<1xf32> to vector<1x1x1xf32>
    %reduce_sum3A_1553 = vector.extract %reduce_sum3A_1552[0, 0, 0] : f32 from vector<1x1x1xf32>
    %add3A_1554 = arith.addf %add3A_1452, %reduce_sum3A_1553 : f32
    %slice3A_1555 = vector.extract_strided_slice %broadcast_in_dim3A {offsets = [1920, 0], sizes = [128, 1], strides = [1, 1]} : vector<4096x1xf32> to vector<128x1xf32>
    %broadcast_in_dim3A_1556 = vector.shape_cast %slice3A_1555 : vector<128x1xf32> to vector<128x1xf32>
    %broadcast_in_dim3A_1557 = vector.broadcast %broadcast_in_dim3A_1556 : vector<128x1xf32> to vector<128x128xf32>
    %slice3A_1558 = vector.extract_strided_slice %dot_general3A_8 {offsets = [1920, 0], sizes = [128, 128], strides = [1, 1]} : vector<4096x1024xf32> to vector<128x128xf32>
    %sub3A_1559 = arith.subf %broadcast_in_dim3A_1557, %slice3A_1558 : vector<128x128xf32>
    %get3A_1560 = arith.constant 0 : index
    %get3A_1561 = arith.constant 0 : index
    %get3A_1562 = vector.load %arg3[%get3A_1560, %get3A_1561] : memref<1x1024xf32, #tpu.memory_space<vmem>>, vector<1x128xf32>
    %add3A_1563 = vector.broadcast %get3A_1562 : vector<1x128xf32> to vector<128x128xf32>
    %add3A_1564 = arith.addf %sub3A_1559, %add3A_1563 : vector<128x128xf32>
    %slice3A_1565 = vector.extract_strided_slice %dot_general3A_8 {offsets = [1920, 128], sizes = [128, 128], strides = [1, 1]} : vector<4096x1024xf32> to vector<128x128xf32>
    %sub3A_1566 = arith.subf %broadcast_in_dim3A_1557, %slice3A_1565 : vector<128x128xf32>
    %get3A_1567 = arith.constant 0 : index
    %get3A_1568 = arith.constant 128 : index
    %get3A_1569 = vector.load %arg3[%get3A_1567, %get3A_1568] : memref<1x1024xf32, #tpu.memory_space<vmem>>, vector<1x128xf32>
    %add3A_1570 = vector.broadcast %get3A_1569 : vector<1x128xf32> to vector<128x128xf32>
    %add3A_1571 = arith.addf %sub3A_1566, %add3A_1570 : vector<128x128xf32>
    %lt3A_1572 = arith.cmpf olt, %add3A_1571, %add3A_1564 : vector<128x128xf32>
    %select_n3A_1573 = arith.select %lt3A_1572, %add3A_1571, %add3A_1564 : vector<128x128xi1>, vector<128x128xf32>
    %select_n3A_1574 = arith.select %lt3A_1572, %add3A_13, %add3A_10 : vector<128x128xi1>, vector<128x128xi32>
    %slice3A_1575 = vector.extract_strided_slice %dot_general3A_8 {offsets = [1920, 256], sizes = [128, 128], strides = [1, 1]} : vector<4096x1024xf32> to vector<128x128xf32>
    %sub3A_1576 = arith.subf %broadcast_in_dim3A_1557, %slice3A_1575 : vector<128x128xf32>
    %get3A_1577 = arith.constant 0 : index
    %get3A_1578 = arith.constant 256 : index
    %get3A_1579 = vector.load %arg3[%get3A_1577, %get3A_1578] : memref<1x1024xf32, #tpu.memory_space<vmem>>, vector<1x128xf32>
    %add3A_1580 = vector.broadcast %get3A_1579 : vector<1x128xf32> to vector<128x128xf32>
    %add3A_1581 = arith.addf %sub3A_1576, %add3A_1580 : vector<128x128xf32>
    %lt3A_1582 = arith.cmpf olt, %add3A_1581, %select_n3A_1573 : vector<128x128xf32>
    %select_n3A_1583 = arith.select %lt3A_1582, %add3A_1581, %select_n3A_1573 : vector<128x128xi1>, vector<128x128xf32>
    %select_n3A_1584 = arith.select %lt3A_1582, %add3A_16, %select_n3A_1574 : vector<128x128xi1>, vector<128x128xi32>
    %slice3A_1585 = vector.extract_strided_slice %dot_general3A_8 {offsets = [1920, 384], sizes = [128, 128], strides = [1, 1]} : vector<4096x1024xf32> to vector<128x128xf32>
    %sub3A_1586 = arith.subf %broadcast_in_dim3A_1557, %slice3A_1585 : vector<128x128xf32>
    %get3A_1587 = arith.constant 0 : index
    %get3A_1588 = arith.constant 384 : index
    %get3A_1589 = vector.load %arg3[%get3A_1587, %get3A_1588] : memref<1x1024xf32, #tpu.memory_space<vmem>>, vector<1x128xf32>
    %add3A_1590 = vector.broadcast %get3A_1589 : vector<1x128xf32> to vector<128x128xf32>
    %add3A_1591 = arith.addf %sub3A_1586, %add3A_1590 : vector<128x128xf32>
    %lt3A_1592 = arith.cmpf olt, %add3A_1591, %select_n3A_1583 : vector<128x128xf32>
    %select_n3A_1593 = arith.select %lt3A_1592, %add3A_1591, %select_n3A_1583 : vector<128x128xi1>, vector<128x128xf32>
    %select_n3A_1594 = arith.select %lt3A_1592, %add3A_19, %select_n3A_1584 : vector<128x128xi1>, vector<128x128xi32>
    %slice3A_1595 = vector.extract_strided_slice %dot_general3A_8 {offsets = [1920, 512], sizes = [128, 128], strides = [1, 1]} : vector<4096x1024xf32> to vector<128x128xf32>
    %sub3A_1596 = arith.subf %broadcast_in_dim3A_1557, %slice3A_1595 : vector<128x128xf32>
    %get3A_1597 = arith.constant 0 : index
    %get3A_1598 = arith.constant 512 : index
    %get3A_1599 = vector.load %arg3[%get3A_1597, %get3A_1598] : memref<1x1024xf32, #tpu.memory_space<vmem>>, vector<1x128xf32>
    %add3A_1600 = vector.broadcast %get3A_1599 : vector<1x128xf32> to vector<128x128xf32>
    %add3A_1601 = arith.addf %sub3A_1596, %add3A_1600 : vector<128x128xf32>
    %lt3A_1602 = arith.cmpf olt, %add3A_1601, %select_n3A_1593 : vector<128x128xf32>
    %select_n3A_1603 = arith.select %lt3A_1602, %add3A_1601, %select_n3A_1593 : vector<128x128xi1>, vector<128x128xf32>
    %select_n3A_1604 = arith.select %lt3A_1602, %add3A_22, %select_n3A_1594 : vector<128x128xi1>, vector<128x128xi32>
    %slice3A_1605 = vector.extract_strided_slice %dot_general3A_8 {offsets = [1920, 640], sizes = [128, 128], strides = [1, 1]} : vector<4096x1024xf32> to vector<128x128xf32>
    %sub3A_1606 = arith.subf %broadcast_in_dim3A_1557, %slice3A_1605 : vector<128x128xf32>
    %get3A_1607 = arith.constant 0 : index
    %get3A_1608 = arith.constant 640 : index
    %get3A_1609 = vector.load %arg3[%get3A_1607, %get3A_1608] : memref<1x1024xf32, #tpu.memory_space<vmem>>, vector<1x128xf32>
    %add3A_1610 = vector.broadcast %get3A_1609 : vector<1x128xf32> to vector<128x128xf32>
    %add3A_1611 = arith.addf %sub3A_1606, %add3A_1610 : vector<128x128xf32>
    %lt3A_1612 = arith.cmpf olt, %add3A_1611, %select_n3A_1603 : vector<128x128xf32>
    %select_n3A_1613 = arith.select %lt3A_1612, %add3A_1611, %select_n3A_1603 : vector<128x128xi1>, vector<128x128xf32>
    %select_n3A_1614 = arith.select %lt3A_1612, %add3A_25, %select_n3A_1604 : vector<128x128xi1>, vector<128x128xi32>
    %slice3A_1615 = vector.extract_strided_slice %dot_general3A_8 {offsets = [1920, 768], sizes = [128, 128], strides = [1, 1]} : vector<4096x1024xf32> to vector<128x128xf32>
    %sub3A_1616 = arith.subf %broadcast_in_dim3A_1557, %slice3A_1615 : vector<128x128xf32>
    %get3A_1617 = arith.constant 0 : index
    %get3A_1618 = arith.constant 768 : index
    %get3A_1619 = vector.load %arg3[%get3A_1617, %get3A_1618] : memref<1x1024xf32, #tpu.memory_space<vmem>>, vector<1x128xf32>
    %add3A_1620 = vector.broadcast %get3A_1619 : vector<1x128xf32> to vector<128x128xf32>
    %add3A_1621 = arith.addf %sub3A_1616, %add3A_1620 : vector<128x128xf32>
    %lt3A_1622 = arith.cmpf olt, %add3A_1621, %select_n3A_1613 : vector<128x128xf32>
    %select_n3A_1623 = arith.select %lt3A_1622, %add3A_1621, %select_n3A_1613 : vector<128x128xi1>, vector<128x128xf32>
    %select_n3A_1624 = arith.select %lt3A_1622, %add3A_28, %select_n3A_1614 : vector<128x128xi1>, vector<128x128xi32>
    %slice3A_1625 = vector.extract_strided_slice %dot_general3A_8 {offsets = [1920, 896], sizes = [128, 128], strides = [1, 1]} : vector<4096x1024xf32> to vector<128x128xf32>
    %sub3A_1626 = arith.subf %broadcast_in_dim3A_1557, %slice3A_1625 : vector<128x128xf32>
    %get3A_1627 = arith.constant 0 : index
    %get3A_1628 = arith.constant 896 : index
    %get3A_1629 = vector.load %arg3[%get3A_1627, %get3A_1628] : memref<1x1024xf32, #tpu.memory_space<vmem>>, vector<1x128xf32>
    %add3A_1630 = vector.broadcast %get3A_1629 : vector<1x128xf32> to vector<128x128xf32>
    %add3A_1631 = arith.addf %sub3A_1626, %add3A_1630 : vector<128x128xf32>
    %lt3A_1632 = arith.cmpf olt, %add3A_1631, %select_n3A_1623 : vector<128x128xf32>
    %select_n3A_1633 = arith.select %lt3A_1632, %add3A_1631, %select_n3A_1623 : vector<128x128xi1>, vector<128x128xf32>
    %select_n3A_1634 = arith.select %lt3A_1632, %add3A_31, %select_n3A_1624 : vector<128x128xi1>, vector<128x128xi32>
    %reduce_min3A_1635 = arith.constant dense<0x7F800000> : vector<128xf32>
    %reduce_min3A_1636 = vector.multi_reduction <minimumf>, %select_n3A_1633, %reduce_min3A_1635 [1] : vector<128x128xf32> to vector<128xf32>
    %broadcast_in_dim3A_1637 = vector.shape_cast %reduce_min3A_1636 : vector<128xf32> to vector<128x1xf32>
    %eq3A_1638 = vector.broadcast %broadcast_in_dim3A_1637 : vector<128x1xf32> to vector<128x128xf32>
    %eq3A_1639 = arith.cmpf oeq, %select_n3A_1633, %eq3A_1638 : vector<128x128xf32>
    %jit3A_1640 = arith.constant 1024 : i32
    %broadcast_in_dim3A_1641 = vector.broadcast %jit3A_1640 : i32 to vector<128x128xi32>
    %select_n3A_1642 = arith.select %eq3A_1639, %select_n3A_1634, %broadcast_in_dim3A_1641 : vector<128x128xi1>, vector<128x128xi32>
    %reduce_min3A_1643 = arith.constant dense<2147483647> : vector<128xi32>
    %reduce_min3A_1644 = vector.multi_reduction <minsi>, %select_n3A_1642, %reduce_min3A_1643 [1] : vector<128x128xi32> to vector<128xi32>
    %swap3A_1645 = arith.constant 0 : index
    %swap3A_1646 = arith.constant 0 : index
    %swap3A_1647 = arith.constant 1920 : index
    %swap3A_1648 = vector.load %arg4[%swap3A_1645, %swap3A_1646, %swap3A_1647] : memref<1x1x4096xi32, #tpu.memory_space<vmem>>, vector<1x1x128xi32>
    %swap3A_1649 = vector.shape_cast %swap3A_1648 : vector<1x1x128xi32> to vector<128xi32>
    %swap3A_1650 = vector.shape_cast %reduce_min3A_1644 : vector<128xi32> to vector<1x1x128xi32>
    tpu.vector_store %arg4[%swap3A_1645, %swap3A_1646, %swap3A_1647], %swap3A_1650 {strides = array<i32>} : memref<1x1x4096xi32, #tpu.memory_space<vmem>>, vector<1x1x128xi32>,
    %reduce_sum3A_1651 = vector.shape_cast %broadcast_in_dim3A_1637 : vector<128x1xf32> to vector<1x128x1xf32>
    %reduce_sum3A_1652 = arith.constant dense<0.000000e+00> : vector<1xf32>
    %reduce_sum3A_1653 = vector.multi_reduction <add>, %reduce_sum3A_1651, %reduce_sum3A_1652 [1, 2] : vector<1x128x1xf32> to vector<1xf32>
    %reduce_sum3A_1654 = vector.shape_cast %reduce_sum3A_1653 : vector<1xf32> to vector<1x1x1xf32>
    %reduce_sum3A_1655 = vector.extract %reduce_sum3A_1654[0, 0, 0] : f32 from vector<1x1x1xf32>
    %add3A_1656 = arith.addf %add3A_1554, %reduce_sum3A_1655 : f32
    %slice3A_1657 = vector.extract_strided_slice %broadcast_in_dim3A {offsets = [2048, 0], sizes = [128, 1], strides = [1, 1]} : vector<4096x1xf32> to vector<128x1xf32>
    %broadcast_in_dim3A_1658 = vector.shape_cast %slice3A_1657 : vector<128x1xf32> to vector<128x1xf32>
    %broadcast_in_dim3A_1659 = vector.broadcast %broadcast_in_dim3A_1658 : vector<128x1xf32> to vector<128x128xf32>
    %slice3A_1660 = vector.extract_strided_slice %dot_general3A_8 {offsets = [2048, 0], sizes = [128, 128], strides = [1, 1]} : vector<4096x1024xf32> to vector<128x128xf32>
    %sub3A_1661 = arith.subf %broadcast_in_dim3A_1659, %slice3A_1660 : vector<128x128xf32>
    %get3A_1662 = arith.constant 0 : index
    %get3A_1663 = arith.constant 0 : index
    %get3A_1664 = vector.load %arg3[%get3A_1662, %get3A_1663] : memref<1x1024xf32, #tpu.memory_space<vmem>>, vector<1x128xf32>
    %add3A_1665 = vector.broadcast %get3A_1664 : vector<1x128xf32> to vector<128x128xf32>
    %add3A_1666 = arith.addf %sub3A_1661, %add3A_1665 : vector<128x128xf32>
    %slice3A_1667 = vector.extract_strided_slice %dot_general3A_8 {offsets = [2048, 128], sizes = [128, 128], strides = [1, 1]} : vector<4096x1024xf32> to vector<128x128xf32>
    %sub3A_1668 = arith.subf %broadcast_in_dim3A_1659, %slice3A_1667 : vector<128x128xf32>
    %get3A_1669 = arith.constant 0 : index
    %get3A_1670 = arith.constant 128 : index
    %get3A_1671 = vector.load %arg3[%get3A_1669, %get3A_1670] : memref<1x1024xf32, #tpu.memory_space<vmem>>, vector<1x128xf32>
    %add3A_1672 = vector.broadcast %get3A_1671 : vector<1x128xf32> to vector<128x128xf32>
    %add3A_1673 = arith.addf %sub3A_1668, %add3A_1672 : vector<128x128xf32>
    %lt3A_1674 = arith.cmpf olt, %add3A_1673, %add3A_1666 : vector<128x128xf32>
    %select_n3A_1675 = arith.select %lt3A_1674, %add3A_1673, %add3A_1666 : vector<128x128xi1>, vector<128x128xf32>
    %select_n3A_1676 = arith.select %lt3A_1674, %add3A_13, %add3A_10 : vector<128x128xi1>, vector<128x128xi32>
    %slice3A_1677 = vector.extract_strided_slice %dot_general3A_8 {offsets = [2048, 256], sizes = [128, 128], strides = [1, 1]} : vector<4096x1024xf32> to vector<128x128xf32>
    %sub3A_1678 = arith.subf %broadcast_in_dim3A_1659, %slice3A_1677 : vector<128x128xf32>
    %get3A_1679 = arith.constant 0 : index
    %get3A_1680 = arith.constant 256 : index
    %get3A_1681 = vector.load %arg3[%get3A_1679, %get3A_1680] : memref<1x1024xf32, #tpu.memory_space<vmem>>, vector<1x128xf32>
    %add3A_1682 = vector.broadcast %get3A_1681 : vector<1x128xf32> to vector<128x128xf32>
    %add3A_1683 = arith.addf %sub3A_1678, %add3A_1682 : vector<128x128xf32>
    %lt3A_1684 = arith.cmpf olt, %add3A_1683, %select_n3A_1675 : vector<128x128xf32>
    %select_n3A_1685 = arith.select %lt3A_1684, %add3A_1683, %select_n3A_1675 : vector<128x128xi1>, vector<128x128xf32>
    %select_n3A_1686 = arith.select %lt3A_1684, %add3A_16, %select_n3A_1676 : vector<128x128xi1>, vector<128x128xi32>
    %slice3A_1687 = vector.extract_strided_slice %dot_general3A_8 {offsets = [2048, 384], sizes = [128, 128], strides = [1, 1]} : vector<4096x1024xf32> to vector<128x128xf32>
    %sub3A_1688 = arith.subf %broadcast_in_dim3A_1659, %slice3A_1687 : vector<128x128xf32>
    %get3A_1689 = arith.constant 0 : index
    %get3A_1690 = arith.constant 384 : index
    %get3A_1691 = vector.load %arg3[%get3A_1689, %get3A_1690] : memref<1x1024xf32, #tpu.memory_space<vmem>>, vector<1x128xf32>
    %add3A_1692 = vector.broadcast %get3A_1691 : vector<1x128xf32> to vector<128x128xf32>
    %add3A_1693 = arith.addf %sub3A_1688, %add3A_1692 : vector<128x128xf32>
    %lt3A_1694 = arith.cmpf olt, %add3A_1693, %select_n3A_1685 : vector<128x128xf32>
    %select_n3A_1695 = arith.select %lt3A_1694, %add3A_1693, %select_n3A_1685 : vector<128x128xi1>, vector<128x128xf32>
    %select_n3A_1696 = arith.select %lt3A_1694, %add3A_19, %select_n3A_1686 : vector<128x128xi1>, vector<128x128xi32>
    %slice3A_1697 = vector.extract_strided_slice %dot_general3A_8 {offsets = [2048, 512], sizes = [128, 128], strides = [1, 1]} : vector<4096x1024xf32> to vector<128x128xf32>
    %sub3A_1698 = arith.subf %broadcast_in_dim3A_1659, %slice3A_1697 : vector<128x128xf32>
    %get3A_1699 = arith.constant 0 : index
    %get3A_1700 = arith.constant 512 : index
    %get3A_1701 = vector.load %arg3[%get3A_1699, %get3A_1700] : memref<1x1024xf32, #tpu.memory_space<vmem>>, vector<1x128xf32>
    %add3A_1702 = vector.broadcast %get3A_1701 : vector<1x128xf32> to vector<128x128xf32>
    %add3A_1703 = arith.addf %sub3A_1698, %add3A_1702 : vector<128x128xf32>
    %lt3A_1704 = arith.cmpf olt, %add3A_1703, %select_n3A_1695 : vector<128x128xf32>
    %select_n3A_1705 = arith.select %lt3A_1704, %add3A_1703, %select_n3A_1695 : vector<128x128xi1>, vector<128x128xf32>
    %select_n3A_1706 = arith.select %lt3A_1704, %add3A_22, %select_n3A_1696 : vector<128x128xi1>, vector<128x128xi32>
    %slice3A_1707 = vector.extract_strided_slice %dot_general3A_8 {offsets = [2048, 640], sizes = [128, 128], strides = [1, 1]} : vector<4096x1024xf32> to vector<128x128xf32>
    %sub3A_1708 = arith.subf %broadcast_in_dim3A_1659, %slice3A_1707 : vector<128x128xf32>
    %get3A_1709 = arith.constant 0 : index
    %get3A_1710 = arith.constant 640 : index
    %get3A_1711 = vector.load %arg3[%get3A_1709, %get3A_1710] : memref<1x1024xf32, #tpu.memory_space<vmem>>, vector<1x128xf32>
    %add3A_1712 = vector.broadcast %get3A_1711 : vector<1x128xf32> to vector<128x128xf32>
    %add3A_1713 = arith.addf %sub3A_1708, %add3A_1712 : vector<128x128xf32>
    %lt3A_1714 = arith.cmpf olt, %add3A_1713, %select_n3A_1705 : vector<128x128xf32>
    %select_n3A_1715 = arith.select %lt3A_1714, %add3A_1713, %select_n3A_1705 : vector<128x128xi1>, vector<128x128xf32>
    %select_n3A_1716 = arith.select %lt3A_1714, %add3A_25, %select_n3A_1706 : vector<128x128xi1>, vector<128x128xi32>
    %slice3A_1717 = vector.extract_strided_slice %dot_general3A_8 {offsets = [2048, 768], sizes = [128, 128], strides = [1, 1]} : vector<4096x1024xf32> to vector<128x128xf32>
    %sub3A_1718 = arith.subf %broadcast_in_dim3A_1659, %slice3A_1717 : vector<128x128xf32>
    %get3A_1719 = arith.constant 0 : index
    %get3A_1720 = arith.constant 768 : index
    %get3A_1721 = vector.load %arg3[%get3A_1719, %get3A_1720] : memref<1x1024xf32, #tpu.memory_space<vmem>>, vector<1x128xf32>
    %add3A_1722 = vector.broadcast %get3A_1721 : vector<1x128xf32> to vector<128x128xf32>
    %add3A_1723 = arith.addf %sub3A_1718, %add3A_1722 : vector<128x128xf32>
    %lt3A_1724 = arith.cmpf olt, %add3A_1723, %select_n3A_1715 : vector<128x128xf32>
    %select_n3A_1725 = arith.select %lt3A_1724, %add3A_1723, %select_n3A_1715 : vector<128x128xi1>, vector<128x128xf32>
    %select_n3A_1726 = arith.select %lt3A_1724, %add3A_28, %select_n3A_1716 : vector<128x128xi1>, vector<128x128xi32>
    %slice3A_1727 = vector.extract_strided_slice %dot_general3A_8 {offsets = [2048, 896], sizes = [128, 128], strides = [1, 1]} : vector<4096x1024xf32> to vector<128x128xf32>
    %sub3A_1728 = arith.subf %broadcast_in_dim3A_1659, %slice3A_1727 : vector<128x128xf32>
    %get3A_1729 = arith.constant 0 : index
    %get3A_1730 = arith.constant 896 : index
    %get3A_1731 = vector.load %arg3[%get3A_1729, %get3A_1730] : memref<1x1024xf32, #tpu.memory_space<vmem>>, vector<1x128xf32>
    %add3A_1732 = vector.broadcast %get3A_1731 : vector<1x128xf32> to vector<128x128xf32>
    %add3A_1733 = arith.addf %sub3A_1728, %add3A_1732 : vector<128x128xf32>
    %lt3A_1734 = arith.cmpf olt, %add3A_1733, %select_n3A_1725 : vector<128x128xf32>
    %select_n3A_1735 = arith.select %lt3A_1734, %add3A_1733, %select_n3A_1725 : vector<128x128xi1>, vector<128x128xf32>
    %select_n3A_1736 = arith.select %lt3A_1734, %add3A_31, %select_n3A_1726 : vector<128x128xi1>, vector<128x128xi32>
    %reduce_min3A_1737 = arith.constant dense<0x7F800000> : vector<128xf32>
    %reduce_min3A_1738 = vector.multi_reduction <minimumf>, %select_n3A_1735, %reduce_min3A_1737 [1] : vector<128x128xf32> to vector<128xf32>
    %broadcast_in_dim3A_1739 = vector.shape_cast %reduce_min3A_1738 : vector<128xf32> to vector<128x1xf32>
    %eq3A_1740 = vector.broadcast %broadcast_in_dim3A_1739 : vector<128x1xf32> to vector<128x128xf32>
    %eq3A_1741 = arith.cmpf oeq, %select_n3A_1735, %eq3A_1740 : vector<128x128xf32>
    %jit3A_1742 = arith.constant 1024 : i32
    %broadcast_in_dim3A_1743 = vector.broadcast %jit3A_1742 : i32 to vector<128x128xi32>
    %select_n3A_1744 = arith.select %eq3A_1741, %select_n3A_1736, %broadcast_in_dim3A_1743 : vector<128x128xi1>, vector<128x128xi32>
    %reduce_min3A_1745 = arith.constant dense<2147483647> : vector<128xi32>
    %reduce_min3A_1746 = vector.multi_reduction <minsi>, %select_n3A_1744, %reduce_min3A_1745 [1] : vector<128x128xi32> to vector<128xi32>
    %swap3A_1747 = arith.constant 0 : index
    %swap3A_1748 = arith.constant 0 : index
    %swap3A_1749 = arith.constant 2048 : index
    %swap3A_1750 = vector.load %arg4[%swap3A_1747, %swap3A_1748, %swap3A_1749] : memref<1x1x4096xi32, #tpu.memory_space<vmem>>, vector<1x1x128xi32>
    %swap3A_1751 = vector.shape_cast %swap3A_1750 : vector<1x1x128xi32> to vector<128xi32>
    %swap3A_1752 = vector.shape_cast %reduce_min3A_1746 : vector<128xi32> to vector<1x1x128xi32>
    tpu.vector_store %arg4[%swap3A_1747, %swap3A_1748, %swap3A_1749], %swap3A_1752 {strides = array<i32>} : memref<1x1x4096xi32, #tpu.memory_space<vmem>>, vector<1x1x128xi32>,
    %reduce_sum3A_1753 = vector.shape_cast %broadcast_in_dim3A_1739 : vector<128x1xf32> to vector<1x128x1xf32>
    %reduce_sum3A_1754 = arith.constant dense<0.000000e+00> : vector<1xf32>
    %reduce_sum3A_1755 = vector.multi_reduction <add>, %reduce_sum3A_1753, %reduce_sum3A_1754 [1, 2] : vector<1x128x1xf32> to vector<1xf32>
    %reduce_sum3A_1756 = vector.shape_cast %reduce_sum3A_1755 : vector<1xf32> to vector<1x1x1xf32>
    %reduce_sum3A_1757 = vector.extract %reduce_sum3A_1756[0, 0, 0] : f32 from vector<1x1x1xf32>
    %add3A_1758 = arith.addf %add3A_1656, %reduce_sum3A_1757 : f32
    %slice3A_1759 = vector.extract_strided_slice %broadcast_in_dim3A {offsets = [2176, 0], sizes = [128, 1], strides = [1, 1]} : vector<4096x1xf32> to vector<128x1xf32>
    %broadcast_in_dim3A_1760 = vector.shape_cast %slice3A_1759 : vector<128x1xf32> to vector<128x1xf32>
    %broadcast_in_dim3A_1761 = vector.broadcast %broadcast_in_dim3A_1760 : vector<128x1xf32> to vector<128x128xf32>
    %slice3A_1762 = vector.extract_strided_slice %dot_general3A_8 {offsets = [2176, 0], sizes = [128, 128], strides = [1, 1]} : vector<4096x1024xf32> to vector<128x128xf32>
    %sub3A_1763 = arith.subf %broadcast_in_dim3A_1761, %slice3A_1762 : vector<128x128xf32>
    %get3A_1764 = arith.constant 0 : index
    %get3A_1765 = arith.constant 0 : index
    %get3A_1766 = vector.load %arg3[%get3A_1764, %get3A_1765] : memref<1x1024xf32, #tpu.memory_space<vmem>>, vector<1x128xf32>
    %add3A_1767 = vector.broadcast %get3A_1766 : vector<1x128xf32> to vector<128x128xf32>
    %add3A_1768 = arith.addf %sub3A_1763, %add3A_1767 : vector<128x128xf32>
    %slice3A_1769 = vector.extract_strided_slice %dot_general3A_8 {offsets = [2176, 128], sizes = [128, 128], strides = [1, 1]} : vector<4096x1024xf32> to vector<128x128xf32>
    %sub3A_1770 = arith.subf %broadcast_in_dim3A_1761, %slice3A_1769 : vector<128x128xf32>
    %get3A_1771 = arith.constant 0 : index
    %get3A_1772 = arith.constant 128 : index
    %get3A_1773 = vector.load %arg3[%get3A_1771, %get3A_1772] : memref<1x1024xf32, #tpu.memory_space<vmem>>, vector<1x128xf32>
    %add3A_1774 = vector.broadcast %get3A_1773 : vector<1x128xf32> to vector<128x128xf32>
    %add3A_1775 = arith.addf %sub3A_1770, %add3A_1774 : vector<128x128xf32>
    %lt3A_1776 = arith.cmpf olt, %add3A_1775, %add3A_1768 : vector<128x128xf32>
    %select_n3A_1777 = arith.select %lt3A_1776, %add3A_1775, %add3A_1768 : vector<128x128xi1>, vector<128x128xf32>
    %select_n3A_1778 = arith.select %lt3A_1776, %add3A_13, %add3A_10 : vector<128x128xi1>, vector<128x128xi32>
    %slice3A_1779 = vector.extract_strided_slice %dot_general3A_8 {offsets = [2176, 256], sizes = [128, 128], strides = [1, 1]} : vector<4096x1024xf32> to vector<128x128xf32>
    %sub3A_1780 = arith.subf %broadcast_in_dim3A_1761, %slice3A_1779 : vector<128x128xf32>
    %get3A_1781 = arith.constant 0 : index
    %get3A_1782 = arith.constant 256 : index
    %get3A_1783 = vector.load %arg3[%get3A_1781, %get3A_1782] : memref<1x1024xf32, #tpu.memory_space<vmem>>, vector<1x128xf32>
    %add3A_1784 = vector.broadcast %get3A_1783 : vector<1x128xf32> to vector<128x128xf32>
    %add3A_1785 = arith.addf %sub3A_1780, %add3A_1784 : vector<128x128xf32>
    %lt3A_1786 = arith.cmpf olt, %add3A_1785, %select_n3A_1777 : vector<128x128xf32>
    %select_n3A_1787 = arith.select %lt3A_1786, %add3A_1785, %select_n3A_1777 : vector<128x128xi1>, vector<128x128xf32>
    %select_n3A_1788 = arith.select %lt3A_1786, %add3A_16, %select_n3A_1778 : vector<128x128xi1>, vector<128x128xi32>
    %slice3A_1789 = vector.extract_strided_slice %dot_general3A_8 {offsets = [2176, 384], sizes = [128, 128], strides = [1, 1]} : vector<4096x1024xf32> to vector<128x128xf32>
    %sub3A_1790 = arith.subf %broadcast_in_dim3A_1761, %slice3A_1789 : vector<128x128xf32>
    %get3A_1791 = arith.constant 0 : index
    %get3A_1792 = arith.constant 384 : index
    %get3A_1793 = vector.load %arg3[%get3A_1791, %get3A_1792] : memref<1x1024xf32, #tpu.memory_space<vmem>>, vector<1x128xf32>
    %add3A_1794 = vector.broadcast %get3A_1793 : vector<1x128xf32> to vector<128x128xf32>
    %add3A_1795 = arith.addf %sub3A_1790, %add3A_1794 : vector<128x128xf32>
    %lt3A_1796 = arith.cmpf olt, %add3A_1795, %select_n3A_1787 : vector<128x128xf32>
    %select_n3A_1797 = arith.select %lt3A_1796, %add3A_1795, %select_n3A_1787 : vector<128x128xi1>, vector<128x128xf32>
    %select_n3A_1798 = arith.select %lt3A_1796, %add3A_19, %select_n3A_1788 : vector<128x128xi1>, vector<128x128xi32>
    %slice3A_1799 = vector.extract_strided_slice %dot_general3A_8 {offsets = [2176, 512], sizes = [128, 128], strides = [1, 1]} : vector<4096x1024xf32> to vector<128x128xf32>
    %sub3A_1800 = arith.subf %broadcast_in_dim3A_1761, %slice3A_1799 : vector<128x128xf32>
    %get3A_1801 = arith.constant 0 : index
    %get3A_1802 = arith.constant 512 : index
    %get3A_1803 = vector.load %arg3[%get3A_1801, %get3A_1802] : memref<1x1024xf32, #tpu.memory_space<vmem>>, vector<1x128xf32>
    %add3A_1804 = vector.broadcast %get3A_1803 : vector<1x128xf32> to vector<128x128xf32>
    %add3A_1805 = arith.addf %sub3A_1800, %add3A_1804 : vector<128x128xf32>
    %lt3A_1806 = arith.cmpf olt, %add3A_1805, %select_n3A_1797 : vector<128x128xf32>
    %select_n3A_1807 = arith.select %lt3A_1806, %add3A_1805, %select_n3A_1797 : vector<128x128xi1>, vector<128x128xf32>
    %select_n3A_1808 = arith.select %lt3A_1806, %add3A_22, %select_n3A_1798 : vector<128x128xi1>, vector<128x128xi32>
    %slice3A_1809 = vector.extract_strided_slice %dot_general3A_8 {offsets = [2176, 640], sizes = [128, 128], strides = [1, 1]} : vector<4096x1024xf32> to vector<128x128xf32>
    %sub3A_1810 = arith.subf %broadcast_in_dim3A_1761, %slice3A_1809 : vector<128x128xf32>
    %get3A_1811 = arith.constant 0 : index
    %get3A_1812 = arith.constant 640 : index
    %get3A_1813 = vector.load %arg3[%get3A_1811, %get3A_1812] : memref<1x1024xf32, #tpu.memory_space<vmem>>, vector<1x128xf32>
    %add3A_1814 = vector.broadcast %get3A_1813 : vector<1x128xf32> to vector<128x128xf32>
    %add3A_1815 = arith.addf %sub3A_1810, %add3A_1814 : vector<128x128xf32>
    %lt3A_1816 = arith.cmpf olt, %add3A_1815, %select_n3A_1807 : vector<128x128xf32>
    %select_n3A_1817 = arith.select %lt3A_1816, %add3A_1815, %select_n3A_1807 : vector<128x128xi1>, vector<128x128xf32>
    %select_n3A_1818 = arith.select %lt3A_1816, %add3A_25, %select_n3A_1808 : vector<128x128xi1>, vector<128x128xi32>
    %slice3A_1819 = vector.extract_strided_slice %dot_general3A_8 {offsets = [2176, 768], sizes = [128, 128], strides = [1, 1]} : vector<4096x1024xf32> to vector<128x128xf32>
    %sub3A_1820 = arith.subf %broadcast_in_dim3A_1761, %slice3A_1819 : vector<128x128xf32>
    %get3A_1821 = arith.constant 0 : index
    %get3A_1822 = arith.constant 768 : index
    %get3A_1823 = vector.load %arg3[%get3A_1821, %get3A_1822] : memref<1x1024xf32, #tpu.memory_space<vmem>>, vector<1x128xf32>
    %add3A_1824 = vector.broadcast %get3A_1823 : vector<1x128xf32> to vector<128x128xf32>
    %add3A_1825 = arith.addf %sub3A_1820, %add3A_1824 : vector<128x128xf32>
    %lt3A_1826 = arith.cmpf olt, %add3A_1825, %select_n3A_1817 : vector<128x128xf32>
    %select_n3A_1827 = arith.select %lt3A_1826, %add3A_1825, %select_n3A_1817 : vector<128x128xi1>, vector<128x128xf32>
    %select_n3A_1828 = arith.select %lt3A_1826, %add3A_28, %select_n3A_1818 : vector<128x128xi1>, vector<128x128xi32>
    %slice3A_1829 = vector.extract_strided_slice %dot_general3A_8 {offsets = [2176, 896], sizes = [128, 128], strides = [1, 1]} : vector<4096x1024xf32> to vector<128x128xf32>
    %sub3A_1830 = arith.subf %broadcast_in_dim3A_1761, %slice3A_1829 : vector<128x128xf32>
    %get3A_1831 = arith.constant 0 : index
    %get3A_1832 = arith.constant 896 : index
    %get3A_1833 = vector.load %arg3[%get3A_1831, %get3A_1832] : memref<1x1024xf32, #tpu.memory_space<vmem>>, vector<1x128xf32>
    %add3A_1834 = vector.broadcast %get3A_1833 : vector<1x128xf32> to vector<128x128xf32>
    %add3A_1835 = arith.addf %sub3A_1830, %add3A_1834 : vector<128x128xf32>
    %lt3A_1836 = arith.cmpf olt, %add3A_1835, %select_n3A_1827 : vector<128x128xf32>
    %select_n3A_1837 = arith.select %lt3A_1836, %add3A_1835, %select_n3A_1827 : vector<128x128xi1>, vector<128x128xf32>
    %select_n3A_1838 = arith.select %lt3A_1836, %add3A_31, %select_n3A_1828 : vector<128x128xi1>, vector<128x128xi32>
    %reduce_min3A_1839 = arith.constant dense<0x7F800000> : vector<128xf32>
    %reduce_min3A_1840 = vector.multi_reduction <minimumf>, %select_n3A_1837, %reduce_min3A_1839 [1] : vector<128x128xf32> to vector<128xf32>
    %broadcast_in_dim3A_1841 = vector.shape_cast %reduce_min3A_1840 : vector<128xf32> to vector<128x1xf32>
    %eq3A_1842 = vector.broadcast %broadcast_in_dim3A_1841 : vector<128x1xf32> to vector<128x128xf32>
    %eq3A_1843 = arith.cmpf oeq, %select_n3A_1837, %eq3A_1842 : vector<128x128xf32>
    %jit3A_1844 = arith.constant 1024 : i32
    %broadcast_in_dim3A_1845 = vector.broadcast %jit3A_1844 : i32 to vector<128x128xi32>
    %select_n3A_1846 = arith.select %eq3A_1843, %select_n3A_1838, %broadcast_in_dim3A_1845 : vector<128x128xi1>, vector<128x128xi32>
    %reduce_min3A_1847 = arith.constant dense<2147483647> : vector<128xi32>
    %reduce_min3A_1848 = vector.multi_reduction <minsi>, %select_n3A_1846, %reduce_min3A_1847 [1] : vector<128x128xi32> to vector<128xi32>
    %swap3A_1849 = arith.constant 0 : index
    %swap3A_1850 = arith.constant 0 : index
    %swap3A_1851 = arith.constant 2176 : index
    %swap3A_1852 = vector.load %arg4[%swap3A_1849, %swap3A_1850, %swap3A_1851] : memref<1x1x4096xi32, #tpu.memory_space<vmem>>, vector<1x1x128xi32>
    %swap3A_1853 = vector.shape_cast %swap3A_1852 : vector<1x1x128xi32> to vector<128xi32>
    %swap3A_1854 = vector.shape_cast %reduce_min3A_1848 : vector<128xi32> to vector<1x1x128xi32>
    tpu.vector_store %arg4[%swap3A_1849, %swap3A_1850, %swap3A_1851], %swap3A_1854 {strides = array<i32>} : memref<1x1x4096xi32, #tpu.memory_space<vmem>>, vector<1x1x128xi32>,
    %reduce_sum3A_1855 = vector.shape_cast %broadcast_in_dim3A_1841 : vector<128x1xf32> to vector<1x128x1xf32>
    %reduce_sum3A_1856 = arith.constant dense<0.000000e+00> : vector<1xf32>
    %reduce_sum3A_1857 = vector.multi_reduction <add>, %reduce_sum3A_1855, %reduce_sum3A_1856 [1, 2] : vector<1x128x1xf32> to vector<1xf32>
    %reduce_sum3A_1858 = vector.shape_cast %reduce_sum3A_1857 : vector<1xf32> to vector<1x1x1xf32>
    %reduce_sum3A_1859 = vector.extract %reduce_sum3A_1858[0, 0, 0] : f32 from vector<1x1x1xf32>
    %add3A_1860 = arith.addf %add3A_1758, %reduce_sum3A_1859 : f32
    %slice3A_1861 = vector.extract_strided_slice %broadcast_in_dim3A {offsets = [2304, 0], sizes = [128, 1], strides = [1, 1]} : vector<4096x1xf32> to vector<128x1xf32>
    %broadcast_in_dim3A_1862 = vector.shape_cast %slice3A_1861 : vector<128x1xf32> to vector<128x1xf32>
    %broadcast_in_dim3A_1863 = vector.broadcast %broadcast_in_dim3A_1862 : vector<128x1xf32> to vector<128x128xf32>
    %slice3A_1864 = vector.extract_strided_slice %dot_general3A_8 {offsets = [2304, 0], sizes = [128, 128], strides = [1, 1]} : vector<4096x1024xf32> to vector<128x128xf32>
    %sub3A_1865 = arith.subf %broadcast_in_dim3A_1863, %slice3A_1864 : vector<128x128xf32>
    %get3A_1866 = arith.constant 0 : index
    %get3A_1867 = arith.constant 0 : index
    %get3A_1868 = vector.load %arg3[%get3A_1866, %get3A_1867] : memref<1x1024xf32, #tpu.memory_space<vmem>>, vector<1x128xf32>
    %add3A_1869 = vector.broadcast %get3A_1868 : vector<1x128xf32> to vector<128x128xf32>
    %add3A_1870 = arith.addf %sub3A_1865, %add3A_1869 : vector<128x128xf32>
    %slice3A_1871 = vector.extract_strided_slice %dot_general3A_8 {offsets = [2304, 128], sizes = [128, 128], strides = [1, 1]} : vector<4096x1024xf32> to vector<128x128xf32>
    %sub3A_1872 = arith.subf %broadcast_in_dim3A_1863, %slice3A_1871 : vector<128x128xf32>
    %get3A_1873 = arith.constant 0 : index
    %get3A_1874 = arith.constant 128 : index
    %get3A_1875 = vector.load %arg3[%get3A_1873, %get3A_1874] : memref<1x1024xf32, #tpu.memory_space<vmem>>, vector<1x128xf32>
    %add3A_1876 = vector.broadcast %get3A_1875 : vector<1x128xf32> to vector<128x128xf32>
    %add3A_1877 = arith.addf %sub3A_1872, %add3A_1876 : vector<128x128xf32>
    %lt3A_1878 = arith.cmpf olt, %add3A_1877, %add3A_1870 : vector<128x128xf32>
    %select_n3A_1879 = arith.select %lt3A_1878, %add3A_1877, %add3A_1870 : vector<128x128xi1>, vector<128x128xf32>
    %select_n3A_1880 = arith.select %lt3A_1878, %add3A_13, %add3A_10 : vector<128x128xi1>, vector<128x128xi32>
    %slice3A_1881 = vector.extract_strided_slice %dot_general3A_8 {offsets = [2304, 256], sizes = [128, 128], strides = [1, 1]} : vector<4096x1024xf32> to vector<128x128xf32>
    %sub3A_1882 = arith.subf %broadcast_in_dim3A_1863, %slice3A_1881 : vector<128x128xf32>
    %get3A_1883 = arith.constant 0 : index
    %get3A_1884 = arith.constant 256 : index
    %get3A_1885 = vector.load %arg3[%get3A_1883, %get3A_1884] : memref<1x1024xf32, #tpu.memory_space<vmem>>, vector<1x128xf32>
    %add3A_1886 = vector.broadcast %get3A_1885 : vector<1x128xf32> to vector<128x128xf32>
    %add3A_1887 = arith.addf %sub3A_1882, %add3A_1886 : vector<128x128xf32>
    %lt3A_1888 = arith.cmpf olt, %add3A_1887, %select_n3A_1879 : vector<128x128xf32>
    %select_n3A_1889 = arith.select %lt3A_1888, %add3A_1887, %select_n3A_1879 : vector<128x128xi1>, vector<128x128xf32>
    %select_n3A_1890 = arith.select %lt3A_1888, %add3A_16, %select_n3A_1880 : vector<128x128xi1>, vector<128x128xi32>
    %slice3A_1891 = vector.extract_strided_slice %dot_general3A_8 {offsets = [2304, 384], sizes = [128, 128], strides = [1, 1]} : vector<4096x1024xf32> to vector<128x128xf32>
    %sub3A_1892 = arith.subf %broadcast_in_dim3A_1863, %slice3A_1891 : vector<128x128xf32>
    %get3A_1893 = arith.constant 0 : index
    %get3A_1894 = arith.constant 384 : index
    %get3A_1895 = vector.load %arg3[%get3A_1893, %get3A_1894] : memref<1x1024xf32, #tpu.memory_space<vmem>>, vector<1x128xf32>
    %add3A_1896 = vector.broadcast %get3A_1895 : vector<1x128xf32> to vector<128x128xf32>
    %add3A_1897 = arith.addf %sub3A_1892, %add3A_1896 : vector<128x128xf32>
    %lt3A_1898 = arith.cmpf olt, %add3A_1897, %select_n3A_1889 : vector<128x128xf32>
    %select_n3A_1899 = arith.select %lt3A_1898, %add3A_1897, %select_n3A_1889 : vector<128x128xi1>, vector<128x128xf32>
    %select_n3A_1900 = arith.select %lt3A_1898, %add3A_19, %select_n3A_1890 : vector<128x128xi1>, vector<128x128xi32>
    %slice3A_1901 = vector.extract_strided_slice %dot_general3A_8 {offsets = [2304, 512], sizes = [128, 128], strides = [1, 1]} : vector<4096x1024xf32> to vector<128x128xf32>
    %sub3A_1902 = arith.subf %broadcast_in_dim3A_1863, %slice3A_1901 : vector<128x128xf32>
    %get3A_1903 = arith.constant 0 : index
    %get3A_1904 = arith.constant 512 : index
    %get3A_1905 = vector.load %arg3[%get3A_1903, %get3A_1904] : memref<1x1024xf32, #tpu.memory_space<vmem>>, vector<1x128xf32>
    %add3A_1906 = vector.broadcast %get3A_1905 : vector<1x128xf32> to vector<128x128xf32>
    %add3A_1907 = arith.addf %sub3A_1902, %add3A_1906 : vector<128x128xf32>
    %lt3A_1908 = arith.cmpf olt, %add3A_1907, %select_n3A_1899 : vector<128x128xf32>
    %select_n3A_1909 = arith.select %lt3A_1908, %add3A_1907, %select_n3A_1899 : vector<128x128xi1>, vector<128x128xf32>
    %select_n3A_1910 = arith.select %lt3A_1908, %add3A_22, %select_n3A_1900 : vector<128x128xi1>, vector<128x128xi32>
    %slice3A_1911 = vector.extract_strided_slice %dot_general3A_8 {offsets = [2304, 640], sizes = [128, 128], strides = [1, 1]} : vector<4096x1024xf32> to vector<128x128xf32>
    %sub3A_1912 = arith.subf %broadcast_in_dim3A_1863, %slice3A_1911 : vector<128x128xf32>
    %get3A_1913 = arith.constant 0 : index
    %get3A_1914 = arith.constant 640 : index
    %get3A_1915 = vector.load %arg3[%get3A_1913, %get3A_1914] : memref<1x1024xf32, #tpu.memory_space<vmem>>, vector<1x128xf32>
    %add3A_1916 = vector.broadcast %get3A_1915 : vector<1x128xf32> to vector<128x128xf32>
    %add3A_1917 = arith.addf %sub3A_1912, %add3A_1916 : vector<128x128xf32>
    %lt3A_1918 = arith.cmpf olt, %add3A_1917, %select_n3A_1909 : vector<128x128xf32>
    %select_n3A_1919 = arith.select %lt3A_1918, %add3A_1917, %select_n3A_1909 : vector<128x128xi1>, vector<128x128xf32>
    %select_n3A_1920 = arith.select %lt3A_1918, %add3A_25, %select_n3A_1910 : vector<128x128xi1>, vector<128x128xi32>
    %slice3A_1921 = vector.extract_strided_slice %dot_general3A_8 {offsets = [2304, 768], sizes = [128, 128], strides = [1, 1]} : vector<4096x1024xf32> to vector<128x128xf32>
    %sub3A_1922 = arith.subf %broadcast_in_dim3A_1863, %slice3A_1921 : vector<128x128xf32>
    %get3A_1923 = arith.constant 0 : index
    %get3A_1924 = arith.constant 768 : index
    %get3A_1925 = vector.load %arg3[%get3A_1923, %get3A_1924] : memref<1x1024xf32, #tpu.memory_space<vmem>>, vector<1x128xf32>
    %add3A_1926 = vector.broadcast %get3A_1925 : vector<1x128xf32> to vector<128x128xf32>
    %add3A_1927 = arith.addf %sub3A_1922, %add3A_1926 : vector<128x128xf32>
    %lt3A_1928 = arith.cmpf olt, %add3A_1927, %select_n3A_1919 : vector<128x128xf32>
    %select_n3A_1929 = arith.select %lt3A_1928, %add3A_1927, %select_n3A_1919 : vector<128x128xi1>, vector<128x128xf32>
    %select_n3A_1930 = arith.select %lt3A_1928, %add3A_28, %select_n3A_1920 : vector<128x128xi1>, vector<128x128xi32>
    %slice3A_1931 = vector.extract_strided_slice %dot_general3A_8 {offsets = [2304, 896], sizes = [128, 128], strides = [1, 1]} : vector<4096x1024xf32> to vector<128x128xf32>
    %sub3A_1932 = arith.subf %broadcast_in_dim3A_1863, %slice3A_1931 : vector<128x128xf32>
    %get3A_1933 = arith.constant 0 : index
    %get3A_1934 = arith.constant 896 : index
    %get3A_1935 = vector.load %arg3[%get3A_1933, %get3A_1934] : memref<1x1024xf32, #tpu.memory_space<vmem>>, vector<1x128xf32>
    %add3A_1936 = vector.broadcast %get3A_1935 : vector<1x128xf32> to vector<128x128xf32>
    %add3A_1937 = arith.addf %sub3A_1932, %add3A_1936 : vector<128x128xf32>
    %lt3A_1938 = arith.cmpf olt, %add3A_1937, %select_n3A_1929 : vector<128x128xf32>
    %select_n3A_1939 = arith.select %lt3A_1938, %add3A_1937, %select_n3A_1929 : vector<128x128xi1>, vector<128x128xf32>
    %select_n3A_1940 = arith.select %lt3A_1938, %add3A_31, %select_n3A_1930 : vector<128x128xi1>, vector<128x128xi32>
    %reduce_min3A_1941 = arith.constant dense<0x7F800000> : vector<128xf32>
    %reduce_min3A_1942 = vector.multi_reduction <minimumf>, %select_n3A_1939, %reduce_min3A_1941 [1] : vector<128x128xf32> to vector<128xf32>
    %broadcast_in_dim3A_1943 = vector.shape_cast %reduce_min3A_1942 : vector<128xf32> to vector<128x1xf32>
    %eq3A_1944 = vector.broadcast %broadcast_in_dim3A_1943 : vector<128x1xf32> to vector<128x128xf32>
    %eq3A_1945 = arith.cmpf oeq, %select_n3A_1939, %eq3A_1944 : vector<128x128xf32>
    %jit3A_1946 = arith.constant 1024 : i32
    %broadcast_in_dim3A_1947 = vector.broadcast %jit3A_1946 : i32 to vector<128x128xi32>
    %select_n3A_1948 = arith.select %eq3A_1945, %select_n3A_1940, %broadcast_in_dim3A_1947 : vector<128x128xi1>, vector<128x128xi32>
    %reduce_min3A_1949 = arith.constant dense<2147483647> : vector<128xi32>
    %reduce_min3A_1950 = vector.multi_reduction <minsi>, %select_n3A_1948, %reduce_min3A_1949 [1] : vector<128x128xi32> to vector<128xi32>
    %swap3A_1951 = arith.constant 0 : index
    %swap3A_1952 = arith.constant 0 : index
    %swap3A_1953 = arith.constant 2304 : index
    %swap3A_1954 = vector.load %arg4[%swap3A_1951, %swap3A_1952, %swap3A_1953] : memref<1x1x4096xi32, #tpu.memory_space<vmem>>, vector<1x1x128xi32>
    %swap3A_1955 = vector.shape_cast %swap3A_1954 : vector<1x1x128xi32> to vector<128xi32>
    %swap3A_1956 = vector.shape_cast %reduce_min3A_1950 : vector<128xi32> to vector<1x1x128xi32>
    tpu.vector_store %arg4[%swap3A_1951, %swap3A_1952, %swap3A_1953], %swap3A_1956 {strides = array<i32>} : memref<1x1x4096xi32, #tpu.memory_space<vmem>>, vector<1x1x128xi32>,
    %reduce_sum3A_1957 = vector.shape_cast %broadcast_in_dim3A_1943 : vector<128x1xf32> to vector<1x128x1xf32>
    %reduce_sum3A_1958 = arith.constant dense<0.000000e+00> : vector<1xf32>
    %reduce_sum3A_1959 = vector.multi_reduction <add>, %reduce_sum3A_1957, %reduce_sum3A_1958 [1, 2] : vector<1x128x1xf32> to vector<1xf32>
    %reduce_sum3A_1960 = vector.shape_cast %reduce_sum3A_1959 : vector<1xf32> to vector<1x1x1xf32>
    %reduce_sum3A_1961 = vector.extract %reduce_sum3A_1960[0, 0, 0] : f32 from vector<1x1x1xf32>
    %add3A_1962 = arith.addf %add3A_1860, %reduce_sum3A_1961 : f32
    %slice3A_1963 = vector.extract_strided_slice %broadcast_in_dim3A {offsets = [2432, 0], sizes = [128, 1], strides = [1, 1]} : vector<4096x1xf32> to vector<128x1xf32>
    %broadcast_in_dim3A_1964 = vector.shape_cast %slice3A_1963 : vector<128x1xf32> to vector<128x1xf32>
    %broadcast_in_dim3A_1965 = vector.broadcast %broadcast_in_dim3A_1964 : vector<128x1xf32> to vector<128x128xf32>
    %slice3A_1966 = vector.extract_strided_slice %dot_general3A_8 {offsets = [2432, 0], sizes = [128, 128], strides = [1, 1]} : vector<4096x1024xf32> to vector<128x128xf32>
    %sub3A_1967 = arith.subf %broadcast_in_dim3A_1965, %slice3A_1966 : vector<128x128xf32>
    %get3A_1968 = arith.constant 0 : index
    %get3A_1969 = arith.constant 0 : index
    %get3A_1970 = vector.load %arg3[%get3A_1968, %get3A_1969] : memref<1x1024xf32, #tpu.memory_space<vmem>>, vector<1x128xf32>
    %add3A_1971 = vector.broadcast %get3A_1970 : vector<1x128xf32> to vector<128x128xf32>
    %add3A_1972 = arith.addf %sub3A_1967, %add3A_1971 : vector<128x128xf32>
    %slice3A_1973 = vector.extract_strided_slice %dot_general3A_8 {offsets = [2432, 128], sizes = [128, 128], strides = [1, 1]} : vector<4096x1024xf32> to vector<128x128xf32>
    %sub3A_1974 = arith.subf %broadcast_in_dim3A_1965, %slice3A_1973 : vector<128x128xf32>
    %get3A_1975 = arith.constant 0 : index
    %get3A_1976 = arith.constant 128 : index
    %get3A_1977 = vector.load %arg3[%get3A_1975, %get3A_1976] : memref<1x1024xf32, #tpu.memory_space<vmem>>, vector<1x128xf32>
    %add3A_1978 = vector.broadcast %get3A_1977 : vector<1x128xf32> to vector<128x128xf32>
    %add3A_1979 = arith.addf %sub3A_1974, %add3A_1978 : vector<128x128xf32>
    %lt3A_1980 = arith.cmpf olt, %add3A_1979, %add3A_1972 : vector<128x128xf32>
    %select_n3A_1981 = arith.select %lt3A_1980, %add3A_1979, %add3A_1972 : vector<128x128xi1>, vector<128x128xf32>
    %select_n3A_1982 = arith.select %lt3A_1980, %add3A_13, %add3A_10 : vector<128x128xi1>, vector<128x128xi32>
    %slice3A_1983 = vector.extract_strided_slice %dot_general3A_8 {offsets = [2432, 256], sizes = [128, 128], strides = [1, 1]} : vector<4096x1024xf32> to vector<128x128xf32>
    %sub3A_1984 = arith.subf %broadcast_in_dim3A_1965, %slice3A_1983 : vector<128x128xf32>
    %get3A_1985 = arith.constant 0 : index
    %get3A_1986 = arith.constant 256 : index
    %get3A_1987 = vector.load %arg3[%get3A_1985, %get3A_1986] : memref<1x1024xf32, #tpu.memory_space<vmem>>, vector<1x128xf32>
    %add3A_1988 = vector.broadcast %get3A_1987 : vector<1x128xf32> to vector<128x128xf32>
    %add3A_1989 = arith.addf %sub3A_1984, %add3A_1988 : vector<128x128xf32>
    %lt3A_1990 = arith.cmpf olt, %add3A_1989, %select_n3A_1981 : vector<128x128xf32>
    %select_n3A_1991 = arith.select %lt3A_1990, %add3A_1989, %select_n3A_1981 : vector<128x128xi1>, vector<128x128xf32>
    %select_n3A_1992 = arith.select %lt3A_1990, %add3A_16, %select_n3A_1982 : vector<128x128xi1>, vector<128x128xi32>
    %slice3A_1993 = vector.extract_strided_slice %dot_general3A_8 {offsets = [2432, 384], sizes = [128, 128], strides = [1, 1]} : vector<4096x1024xf32> to vector<128x128xf32>
    %sub3A_1994 = arith.subf %broadcast_in_dim3A_1965, %slice3A_1993 : vector<128x128xf32>
    %get3A_1995 = arith.constant 0 : index
    %get3A_1996 = arith.constant 384 : index
    %get3A_1997 = vector.load %arg3[%get3A_1995, %get3A_1996] : memref<1x1024xf32, #tpu.memory_space<vmem>>, vector<1x128xf32>
    %add3A_1998 = vector.broadcast %get3A_1997 : vector<1x128xf32> to vector<128x128xf32>
    %add3A_1999 = arith.addf %sub3A_1994, %add3A_1998 : vector<128x128xf32>
    %lt3A_2000 = arith.cmpf olt, %add3A_1999, %select_n3A_1991 : vector<128x128xf32>
    %select_n3A_2001 = arith.select %lt3A_2000, %add3A_1999, %select_n3A_1991 : vector<128x128xi1>, vector<128x128xf32>
    %select_n3A_2002 = arith.select %lt3A_2000, %add3A_19, %select_n3A_1992 : vector<128x128xi1>, vector<128x128xi32>
    %slice3A_2003 = vector.extract_strided_slice %dot_general3A_8 {offsets = [2432, 512], sizes = [128, 128], strides = [1, 1]} : vector<4096x1024xf32> to vector<128x128xf32>
    %sub3A_2004 = arith.subf %broadcast_in_dim3A_1965, %slice3A_2003 : vector<128x128xf32>
    %get3A_2005 = arith.constant 0 : index
    %get3A_2006 = arith.constant 512 : index
    %get3A_2007 = vector.load %arg3[%get3A_2005, %get3A_2006] : memref<1x1024xf32, #tpu.memory_space<vmem>>, vector<1x128xf32>
    %add3A_2008 = vector.broadcast %get3A_2007 : vector<1x128xf32> to vector<128x128xf32>
    %add3A_2009 = arith.addf %sub3A_2004, %add3A_2008 : vector<128x128xf32>
    %lt3A_2010 = arith.cmpf olt, %add3A_2009, %select_n3A_2001 : vector<128x128xf32>
    %select_n3A_2011 = arith.select %lt3A_2010, %add3A_2009, %select_n3A_2001 : vector<128x128xi1>, vector<128x128xf32>
    %select_n3A_2012 = arith.select %lt3A_2010, %add3A_22, %select_n3A_2002 : vector<128x128xi1>, vector<128x128xi32>
    %slice3A_2013 = vector.extract_strided_slice %dot_general3A_8 {offsets = [2432, 640], sizes = [128, 128], strides = [1, 1]} : vector<4096x1024xf32> to vector<128x128xf32>
    %sub3A_2014 = arith.subf %broadcast_in_dim3A_1965, %slice3A_2013 : vector<128x128xf32>
    %get3A_2015 = arith.constant 0 : index
    %get3A_2016 = arith.constant 640 : index
    %get3A_2017 = vector.load %arg3[%get3A_2015, %get3A_2016] : memref<1x1024xf32, #tpu.memory_space<vmem>>, vector<1x128xf32>
    %add3A_2018 = vector.broadcast %get3A_2017 : vector<1x128xf32> to vector<128x128xf32>
    %add3A_2019 = arith.addf %sub3A_2014, %add3A_2018 : vector<128x128xf32>
    %lt3A_2020 = arith.cmpf olt, %add3A_2019, %select_n3A_2011 : vector<128x128xf32>
    %select_n3A_2021 = arith.select %lt3A_2020, %add3A_2019, %select_n3A_2011 : vector<128x128xi1>, vector<128x128xf32>
    %select_n3A_2022 = arith.select %lt3A_2020, %add3A_25, %select_n3A_2012 : vector<128x128xi1>, vector<128x128xi32>
    %slice3A_2023 = vector.extract_strided_slice %dot_general3A_8 {offsets = [2432, 768], sizes = [128, 128], strides = [1, 1]} : vector<4096x1024xf32> to vector<128x128xf32>
    %sub3A_2024 = arith.subf %broadcast_in_dim3A_1965, %slice3A_2023 : vector<128x128xf32>
    %get3A_2025 = arith.constant 0 : index
    %get3A_2026 = arith.constant 768 : index
    %get3A_2027 = vector.load %arg3[%get3A_2025, %get3A_2026] : memref<1x1024xf32, #tpu.memory_space<vmem>>, vector<1x128xf32>
    %add3A_2028 = vector.broadcast %get3A_2027 : vector<1x128xf32> to vector<128x128xf32>
    %add3A_2029 = arith.addf %sub3A_2024, %add3A_2028 : vector<128x128xf32>
    %lt3A_2030 = arith.cmpf olt, %add3A_2029, %select_n3A_2021 : vector<128x128xf32>
    %select_n3A_2031 = arith.select %lt3A_2030, %add3A_2029, %select_n3A_2021 : vector<128x128xi1>, vector<128x128xf32>
    %select_n3A_2032 = arith.select %lt3A_2030, %add3A_28, %select_n3A_2022 : vector<128x128xi1>, vector<128x128xi32>
    %slice3A_2033 = vector.extract_strided_slice %dot_general3A_8 {offsets = [2432, 896], sizes = [128, 128], strides = [1, 1]} : vector<4096x1024xf32> to vector<128x128xf32>
    %sub3A_2034 = arith.subf %broadcast_in_dim3A_1965, %slice3A_2033 : vector<128x128xf32>
    %get3A_2035 = arith.constant 0 : index
    %get3A_2036 = arith.constant 896 : index
    %get3A_2037 = vector.load %arg3[%get3A_2035, %get3A_2036] : memref<1x1024xf32, #tpu.memory_space<vmem>>, vector<1x128xf32>
    %add3A_2038 = vector.broadcast %get3A_2037 : vector<1x128xf32> to vector<128x128xf32>
    %add3A_2039 = arith.addf %sub3A_2034, %add3A_2038 : vector<128x128xf32>
    %lt3A_2040 = arith.cmpf olt, %add3A_2039, %select_n3A_2031 : vector<128x128xf32>
    %select_n3A_2041 = arith.select %lt3A_2040, %add3A_2039, %select_n3A_2031 : vector<128x128xi1>, vector<128x128xf32>
    %select_n3A_2042 = arith.select %lt3A_2040, %add3A_31, %select_n3A_2032 : vector<128x128xi1>, vector<128x128xi32>
    %reduce_min3A_2043 = arith.constant dense<0x7F800000> : vector<128xf32>
    %reduce_min3A_2044 = vector.multi_reduction <minimumf>, %select_n3A_2041, %reduce_min3A_2043 [1] : vector<128x128xf32> to vector<128xf32>
    %broadcast_in_dim3A_2045 = vector.shape_cast %reduce_min3A_2044 : vector<128xf32> to vector<128x1xf32>
    %eq3A_2046 = vector.broadcast %broadcast_in_dim3A_2045 : vector<128x1xf32> to vector<128x128xf32>
    %eq3A_2047 = arith.cmpf oeq, %select_n3A_2041, %eq3A_2046 : vector<128x128xf32>
    %jit3A_2048 = arith.constant 1024 : i32
    %broadcast_in_dim3A_2049 = vector.broadcast %jit3A_2048 : i32 to vector<128x128xi32>
    %select_n3A_2050 = arith.select %eq3A_2047, %select_n3A_2042, %broadcast_in_dim3A_2049 : vector<128x128xi1>, vector<128x128xi32>
    %reduce_min3A_2051 = arith.constant dense<2147483647> : vector<128xi32>
    %reduce_min3A_2052 = vector.multi_reduction <minsi>, %select_n3A_2050, %reduce_min3A_2051 [1] : vector<128x128xi32> to vector<128xi32>
    %swap3A_2053 = arith.constant 0 : index
    %swap3A_2054 = arith.constant 0 : index
    %swap3A_2055 = arith.constant 2432 : index
    %swap3A_2056 = vector.load %arg4[%swap3A_2053, %swap3A_2054, %swap3A_2055] : memref<1x1x4096xi32, #tpu.memory_space<vmem>>, vector<1x1x128xi32>
    %swap3A_2057 = vector.shape_cast %swap3A_2056 : vector<1x1x128xi32> to vector<128xi32>
    %swap3A_2058 = vector.shape_cast %reduce_min3A_2052 : vector<128xi32> to vector<1x1x128xi32>
    tpu.vector_store %arg4[%swap3A_2053, %swap3A_2054, %swap3A_2055], %swap3A_2058 {strides = array<i32>} : memref<1x1x4096xi32, #tpu.memory_space<vmem>>, vector<1x1x128xi32>,
    %reduce_sum3A_2059 = vector.shape_cast %broadcast_in_dim3A_2045 : vector<128x1xf32> to vector<1x128x1xf32>
    %reduce_sum3A_2060 = arith.constant dense<0.000000e+00> : vector<1xf32>
    %reduce_sum3A_2061 = vector.multi_reduction <add>, %reduce_sum3A_2059, %reduce_sum3A_2060 [1, 2] : vector<1x128x1xf32> to vector<1xf32>
    %reduce_sum3A_2062 = vector.shape_cast %reduce_sum3A_2061 : vector<1xf32> to vector<1x1x1xf32>
    %reduce_sum3A_2063 = vector.extract %reduce_sum3A_2062[0, 0, 0] : f32 from vector<1x1x1xf32>
    %add3A_2064 = arith.addf %add3A_1962, %reduce_sum3A_2063 : f32
    %slice3A_2065 = vector.extract_strided_slice %broadcast_in_dim3A {offsets = [2560, 0], sizes = [128, 1], strides = [1, 1]} : vector<4096x1xf32> to vector<128x1xf32>
    %broadcast_in_dim3A_2066 = vector.shape_cast %slice3A_2065 : vector<128x1xf32> to vector<128x1xf32>
    %broadcast_in_dim3A_2067 = vector.broadcast %broadcast_in_dim3A_2066 : vector<128x1xf32> to vector<128x128xf32>
    %slice3A_2068 = vector.extract_strided_slice %dot_general3A_8 {offsets = [2560, 0], sizes = [128, 128], strides = [1, 1]} : vector<4096x1024xf32> to vector<128x128xf32>
    %sub3A_2069 = arith.subf %broadcast_in_dim3A_2067, %slice3A_2068 : vector<128x128xf32>
    %get3A_2070 = arith.constant 0 : index
    %get3A_2071 = arith.constant 0 : index
    %get3A_2072 = vector.load %arg3[%get3A_2070, %get3A_2071] : memref<1x1024xf32, #tpu.memory_space<vmem>>, vector<1x128xf32>
    %add3A_2073 = vector.broadcast %get3A_2072 : vector<1x128xf32> to vector<128x128xf32>
    %add3A_2074 = arith.addf %sub3A_2069, %add3A_2073 : vector<128x128xf32>
    %slice3A_2075 = vector.extract_strided_slice %dot_general3A_8 {offsets = [2560, 128], sizes = [128, 128], strides = [1, 1]} : vector<4096x1024xf32> to vector<128x128xf32>
    %sub3A_2076 = arith.subf %broadcast_in_dim3A_2067, %slice3A_2075 : vector<128x128xf32>
    %get3A_2077 = arith.constant 0 : index
    %get3A_2078 = arith.constant 128 : index
    %get3A_2079 = vector.load %arg3[%get3A_2077, %get3A_2078] : memref<1x1024xf32, #tpu.memory_space<vmem>>, vector<1x128xf32>
    %add3A_2080 = vector.broadcast %get3A_2079 : vector<1x128xf32> to vector<128x128xf32>
    %add3A_2081 = arith.addf %sub3A_2076, %add3A_2080 : vector<128x128xf32>
    %lt3A_2082 = arith.cmpf olt, %add3A_2081, %add3A_2074 : vector<128x128xf32>
    %select_n3A_2083 = arith.select %lt3A_2082, %add3A_2081, %add3A_2074 : vector<128x128xi1>, vector<128x128xf32>
    %select_n3A_2084 = arith.select %lt3A_2082, %add3A_13, %add3A_10 : vector<128x128xi1>, vector<128x128xi32>
    %slice3A_2085 = vector.extract_strided_slice %dot_general3A_8 {offsets = [2560, 256], sizes = [128, 128], strides = [1, 1]} : vector<4096x1024xf32> to vector<128x128xf32>
    %sub3A_2086 = arith.subf %broadcast_in_dim3A_2067, %slice3A_2085 : vector<128x128xf32>
    %get3A_2087 = arith.constant 0 : index
    %get3A_2088 = arith.constant 256 : index
    %get3A_2089 = vector.load %arg3[%get3A_2087, %get3A_2088] : memref<1x1024xf32, #tpu.memory_space<vmem>>, vector<1x128xf32>
    %add3A_2090 = vector.broadcast %get3A_2089 : vector<1x128xf32> to vector<128x128xf32>
    %add3A_2091 = arith.addf %sub3A_2086, %add3A_2090 : vector<128x128xf32>
    %lt3A_2092 = arith.cmpf olt, %add3A_2091, %select_n3A_2083 : vector<128x128xf32>
    %select_n3A_2093 = arith.select %lt3A_2092, %add3A_2091, %select_n3A_2083 : vector<128x128xi1>, vector<128x128xf32>
    %select_n3A_2094 = arith.select %lt3A_2092, %add3A_16, %select_n3A_2084 : vector<128x128xi1>, vector<128x128xi32>
    %slice3A_2095 = vector.extract_strided_slice %dot_general3A_8 {offsets = [2560, 384], sizes = [128, 128], strides = [1, 1]} : vector<4096x1024xf32> to vector<128x128xf32>
    %sub3A_2096 = arith.subf %broadcast_in_dim3A_2067, %slice3A_2095 : vector<128x128xf32>
    %get3A_2097 = arith.constant 0 : index
    %get3A_2098 = arith.constant 384 : index
    %get3A_2099 = vector.load %arg3[%get3A_2097, %get3A_2098] : memref<1x1024xf32, #tpu.memory_space<vmem>>, vector<1x128xf32>
    %add3A_2100 = vector.broadcast %get3A_2099 : vector<1x128xf32> to vector<128x128xf32>
    %add3A_2101 = arith.addf %sub3A_2096, %add3A_2100 : vector<128x128xf32>
    %lt3A_2102 = arith.cmpf olt, %add3A_2101, %select_n3A_2093 : vector<128x128xf32>
    %select_n3A_2103 = arith.select %lt3A_2102, %add3A_2101, %select_n3A_2093 : vector<128x128xi1>, vector<128x128xf32>
    %select_n3A_2104 = arith.select %lt3A_2102, %add3A_19, %select_n3A_2094 : vector<128x128xi1>, vector<128x128xi32>
    %slice3A_2105 = vector.extract_strided_slice %dot_general3A_8 {offsets = [2560, 512], sizes = [128, 128], strides = [1, 1]} : vector<4096x1024xf32> to vector<128x128xf32>
    %sub3A_2106 = arith.subf %broadcast_in_dim3A_2067, %slice3A_2105 : vector<128x128xf32>
    %get3A_2107 = arith.constant 0 : index
    %get3A_2108 = arith.constant 512 : index
    %get3A_2109 = vector.load %arg3[%get3A_2107, %get3A_2108] : memref<1x1024xf32, #tpu.memory_space<vmem>>, vector<1x128xf32>
    %add3A_2110 = vector.broadcast %get3A_2109 : vector<1x128xf32> to vector<128x128xf32>
    %add3A_2111 = arith.addf %sub3A_2106, %add3A_2110 : vector<128x128xf32>
    %lt3A_2112 = arith.cmpf olt, %add3A_2111, %select_n3A_2103 : vector<128x128xf32>
    %select_n3A_2113 = arith.select %lt3A_2112, %add3A_2111, %select_n3A_2103 : vector<128x128xi1>, vector<128x128xf32>
    %select_n3A_2114 = arith.select %lt3A_2112, %add3A_22, %select_n3A_2104 : vector<128x128xi1>, vector<128x128xi32>
    %slice3A_2115 = vector.extract_strided_slice %dot_general3A_8 {offsets = [2560, 640], sizes = [128, 128], strides = [1, 1]} : vector<4096x1024xf32> to vector<128x128xf32>
    %sub3A_2116 = arith.subf %broadcast_in_dim3A_2067, %slice3A_2115 : vector<128x128xf32>
    %get3A_2117 = arith.constant 0 : index
    %get3A_2118 = arith.constant 640 : index
    %get3A_2119 = vector.load %arg3[%get3A_2117, %get3A_2118] : memref<1x1024xf32, #tpu.memory_space<vmem>>, vector<1x128xf32>
    %add3A_2120 = vector.broadcast %get3A_2119 : vector<1x128xf32> to vector<128x128xf32>
    %add3A_2121 = arith.addf %sub3A_2116, %add3A_2120 : vector<128x128xf32>
    %lt3A_2122 = arith.cmpf olt, %add3A_2121, %select_n3A_2113 : vector<128x128xf32>
    %select_n3A_2123 = arith.select %lt3A_2122, %add3A_2121, %select_n3A_2113 : vector<128x128xi1>, vector<128x128xf32>
    %select_n3A_2124 = arith.select %lt3A_2122, %add3A_25, %select_n3A_2114 : vector<128x128xi1>, vector<128x128xi32>
    %slice3A_2125 = vector.extract_strided_slice %dot_general3A_8 {offsets = [2560, 768], sizes = [128, 128], strides = [1, 1]} : vector<4096x1024xf32> to vector<128x128xf32>
    %sub3A_2126 = arith.subf %broadcast_in_dim3A_2067, %slice3A_2125 : vector<128x128xf32>
    %get3A_2127 = arith.constant 0 : index
    %get3A_2128 = arith.constant 768 : index
    %get3A_2129 = vector.load %arg3[%get3A_2127, %get3A_2128] : memref<1x1024xf32, #tpu.memory_space<vmem>>, vector<1x128xf32>
    %add3A_2130 = vector.broadcast %get3A_2129 : vector<1x128xf32> to vector<128x128xf32>
    %add3A_2131 = arith.addf %sub3A_2126, %add3A_2130 : vector<128x128xf32>
    %lt3A_2132 = arith.cmpf olt, %add3A_2131, %select_n3A_2123 : vector<128x128xf32>
    %select_n3A_2133 = arith.select %lt3A_2132, %add3A_2131, %select_n3A_2123 : vector<128x128xi1>, vector<128x128xf32>
    %select_n3A_2134 = arith.select %lt3A_2132, %add3A_28, %select_n3A_2124 : vector<128x128xi1>, vector<128x128xi32>
    %slice3A_2135 = vector.extract_strided_slice %dot_general3A_8 {offsets = [2560, 896], sizes = [128, 128], strides = [1, 1]} : vector<4096x1024xf32> to vector<128x128xf32>
    %sub3A_2136 = arith.subf %broadcast_in_dim3A_2067, %slice3A_2135 : vector<128x128xf32>
    %get3A_2137 = arith.constant 0 : index
    %get3A_2138 = arith.constant 896 : index
    %get3A_2139 = vector.load %arg3[%get3A_2137, %get3A_2138] : memref<1x1024xf32, #tpu.memory_space<vmem>>, vector<1x128xf32>
    %add3A_2140 = vector.broadcast %get3A_2139 : vector<1x128xf32> to vector<128x128xf32>
    %add3A_2141 = arith.addf %sub3A_2136, %add3A_2140 : vector<128x128xf32>
    %lt3A_2142 = arith.cmpf olt, %add3A_2141, %select_n3A_2133 : vector<128x128xf32>
    %select_n3A_2143 = arith.select %lt3A_2142, %add3A_2141, %select_n3A_2133 : vector<128x128xi1>, vector<128x128xf32>
    %select_n3A_2144 = arith.select %lt3A_2142, %add3A_31, %select_n3A_2134 : vector<128x128xi1>, vector<128x128xi32>
    %reduce_min3A_2145 = arith.constant dense<0x7F800000> : vector<128xf32>
    %reduce_min3A_2146 = vector.multi_reduction <minimumf>, %select_n3A_2143, %reduce_min3A_2145 [1] : vector<128x128xf32> to vector<128xf32>
    %broadcast_in_dim3A_2147 = vector.shape_cast %reduce_min3A_2146 : vector<128xf32> to vector<128x1xf32>
    %eq3A_2148 = vector.broadcast %broadcast_in_dim3A_2147 : vector<128x1xf32> to vector<128x128xf32>
    %eq3A_2149 = arith.cmpf oeq, %select_n3A_2143, %eq3A_2148 : vector<128x128xf32>
    %jit3A_2150 = arith.constant 1024 : i32
    %broadcast_in_dim3A_2151 = vector.broadcast %jit3A_2150 : i32 to vector<128x128xi32>
    %select_n3A_2152 = arith.select %eq3A_2149, %select_n3A_2144, %broadcast_in_dim3A_2151 : vector<128x128xi1>, vector<128x128xi32>
    %reduce_min3A_2153 = arith.constant dense<2147483647> : vector<128xi32>
    %reduce_min3A_2154 = vector.multi_reduction <minsi>, %select_n3A_2152, %reduce_min3A_2153 [1] : vector<128x128xi32> to vector<128xi32>
    %swap3A_2155 = arith.constant 0 : index
    %swap3A_2156 = arith.constant 0 : index
    %swap3A_2157 = arith.constant 2560 : index
    %swap3A_2158 = vector.load %arg4[%swap3A_2155, %swap3A_2156, %swap3A_2157] : memref<1x1x4096xi32, #tpu.memory_space<vmem>>, vector<1x1x128xi32>
    %swap3A_2159 = vector.shape_cast %swap3A_2158 : vector<1x1x128xi32> to vector<128xi32>
    %swap3A_2160 = vector.shape_cast %reduce_min3A_2154 : vector<128xi32> to vector<1x1x128xi32>
    tpu.vector_store %arg4[%swap3A_2155, %swap3A_2156, %swap3A_2157], %swap3A_2160 {strides = array<i32>} : memref<1x1x4096xi32, #tpu.memory_space<vmem>>, vector<1x1x128xi32>,
    %reduce_sum3A_2161 = vector.shape_cast %broadcast_in_dim3A_2147 : vector<128x1xf32> to vector<1x128x1xf32>
    %reduce_sum3A_2162 = arith.constant dense<0.000000e+00> : vector<1xf32>
    %reduce_sum3A_2163 = vector.multi_reduction <add>, %reduce_sum3A_2161, %reduce_sum3A_2162 [1, 2] : vector<1x128x1xf32> to vector<1xf32>
    %reduce_sum3A_2164 = vector.shape_cast %reduce_sum3A_2163 : vector<1xf32> to vector<1x1x1xf32>
    %reduce_sum3A_2165 = vector.extract %reduce_sum3A_2164[0, 0, 0] : f32 from vector<1x1x1xf32>
    %add3A_2166 = arith.addf %add3A_2064, %reduce_sum3A_2165 : f32
    %slice3A_2167 = vector.extract_strided_slice %broadcast_in_dim3A {offsets = [2688, 0], sizes = [128, 1], strides = [1, 1]} : vector<4096x1xf32> to vector<128x1xf32>
    %broadcast_in_dim3A_2168 = vector.shape_cast %slice3A_2167 : vector<128x1xf32> to vector<128x1xf32>
    %broadcast_in_dim3A_2169 = vector.broadcast %broadcast_in_dim3A_2168 : vector<128x1xf32> to vector<128x128xf32>
    %slice3A_2170 = vector.extract_strided_slice %dot_general3A_8 {offsets = [2688, 0], sizes = [128, 128], strides = [1, 1]} : vector<4096x1024xf32> to vector<128x128xf32>
    %sub3A_2171 = arith.subf %broadcast_in_dim3A_2169, %slice3A_2170 : vector<128x128xf32>
    %get3A_2172 = arith.constant 0 : index
    %get3A_2173 = arith.constant 0 : index
    %get3A_2174 = vector.load %arg3[%get3A_2172, %get3A_2173] : memref<1x1024xf32, #tpu.memory_space<vmem>>, vector<1x128xf32>
    %add3A_2175 = vector.broadcast %get3A_2174 : vector<1x128xf32> to vector<128x128xf32>
    %add3A_2176 = arith.addf %sub3A_2171, %add3A_2175 : vector<128x128xf32>
    %slice3A_2177 = vector.extract_strided_slice %dot_general3A_8 {offsets = [2688, 128], sizes = [128, 128], strides = [1, 1]} : vector<4096x1024xf32> to vector<128x128xf32>
    %sub3A_2178 = arith.subf %broadcast_in_dim3A_2169, %slice3A_2177 : vector<128x128xf32>
    %get3A_2179 = arith.constant 0 : index
    %get3A_2180 = arith.constant 128 : index
    %get3A_2181 = vector.load %arg3[%get3A_2179, %get3A_2180] : memref<1x1024xf32, #tpu.memory_space<vmem>>, vector<1x128xf32>
    %add3A_2182 = vector.broadcast %get3A_2181 : vector<1x128xf32> to vector<128x128xf32>
    %add3A_2183 = arith.addf %sub3A_2178, %add3A_2182 : vector<128x128xf32>
    %lt3A_2184 = arith.cmpf olt, %add3A_2183, %add3A_2176 : vector<128x128xf32>
    %select_n3A_2185 = arith.select %lt3A_2184, %add3A_2183, %add3A_2176 : vector<128x128xi1>, vector<128x128xf32>
    %select_n3A_2186 = arith.select %lt3A_2184, %add3A_13, %add3A_10 : vector<128x128xi1>, vector<128x128xi32>
    %slice3A_2187 = vector.extract_strided_slice %dot_general3A_8 {offsets = [2688, 256], sizes = [128, 128], strides = [1, 1]} : vector<4096x1024xf32> to vector<128x128xf32>
    %sub3A_2188 = arith.subf %broadcast_in_dim3A_2169, %slice3A_2187 : vector<128x128xf32>
    %get3A_2189 = arith.constant 0 : index
    %get3A_2190 = arith.constant 256 : index
    %get3A_2191 = vector.load %arg3[%get3A_2189, %get3A_2190] : memref<1x1024xf32, #tpu.memory_space<vmem>>, vector<1x128xf32>
    %add3A_2192 = vector.broadcast %get3A_2191 : vector<1x128xf32> to vector<128x128xf32>
    %add3A_2193 = arith.addf %sub3A_2188, %add3A_2192 : vector<128x128xf32>
    %lt3A_2194 = arith.cmpf olt, %add3A_2193, %select_n3A_2185 : vector<128x128xf32>
    %select_n3A_2195 = arith.select %lt3A_2194, %add3A_2193, %select_n3A_2185 : vector<128x128xi1>, vector<128x128xf32>
    %select_n3A_2196 = arith.select %lt3A_2194, %add3A_16, %select_n3A_2186 : vector<128x128xi1>, vector<128x128xi32>
    %slice3A_2197 = vector.extract_strided_slice %dot_general3A_8 {offsets = [2688, 384], sizes = [128, 128], strides = [1, 1]} : vector<4096x1024xf32> to vector<128x128xf32>
    %sub3A_2198 = arith.subf %broadcast_in_dim3A_2169, %slice3A_2197 : vector<128x128xf32>
    %get3A_2199 = arith.constant 0 : index
    %get3A_2200 = arith.constant 384 : index
    %get3A_2201 = vector.load %arg3[%get3A_2199, %get3A_2200] : memref<1x1024xf32, #tpu.memory_space<vmem>>, vector<1x128xf32>
    %add3A_2202 = vector.broadcast %get3A_2201 : vector<1x128xf32> to vector<128x128xf32>
    %add3A_2203 = arith.addf %sub3A_2198, %add3A_2202 : vector<128x128xf32>
    %lt3A_2204 = arith.cmpf olt, %add3A_2203, %select_n3A_2195 : vector<128x128xf32>
    %select_n3A_2205 = arith.select %lt3A_2204, %add3A_2203, %select_n3A_2195 : vector<128x128xi1>, vector<128x128xf32>
    %select_n3A_2206 = arith.select %lt3A_2204, %add3A_19, %select_n3A_2196 : vector<128x128xi1>, vector<128x128xi32>
    %slice3A_2207 = vector.extract_strided_slice %dot_general3A_8 {offsets = [2688, 512], sizes = [128, 128], strides = [1, 1]} : vector<4096x1024xf32> to vector<128x128xf32>
    %sub3A_2208 = arith.subf %broadcast_in_dim3A_2169, %slice3A_2207 : vector<128x128xf32>
    %get3A_2209 = arith.constant 0 : index
    %get3A_2210 = arith.constant 512 : index
    %get3A_2211 = vector.load %arg3[%get3A_2209, %get3A_2210] : memref<1x1024xf32, #tpu.memory_space<vmem>>, vector<1x128xf32>
    %add3A_2212 = vector.broadcast %get3A_2211 : vector<1x128xf32> to vector<128x128xf32>
    %add3A_2213 = arith.addf %sub3A_2208, %add3A_2212 : vector<128x128xf32>
    %lt3A_2214 = arith.cmpf olt, %add3A_2213, %select_n3A_2205 : vector<128x128xf32>
    %select_n3A_2215 = arith.select %lt3A_2214, %add3A_2213, %select_n3A_2205 : vector<128x128xi1>, vector<128x128xf32>
    %select_n3A_2216 = arith.select %lt3A_2214, %add3A_22, %select_n3A_2206 : vector<128x128xi1>, vector<128x128xi32>
    %slice3A_2217 = vector.extract_strided_slice %dot_general3A_8 {offsets = [2688, 640], sizes = [128, 128], strides = [1, 1]} : vector<4096x1024xf32> to vector<128x128xf32>
    %sub3A_2218 = arith.subf %broadcast_in_dim3A_2169, %slice3A_2217 : vector<128x128xf32>
    %get3A_2219 = arith.constant 0 : index
    %get3A_2220 = arith.constant 640 : index
    %get3A_2221 = vector.load %arg3[%get3A_2219, %get3A_2220] : memref<1x1024xf32, #tpu.memory_space<vmem>>, vector<1x128xf32>
    %add3A_2222 = vector.broadcast %get3A_2221 : vector<1x128xf32> to vector<128x128xf32>
    %add3A_2223 = arith.addf %sub3A_2218, %add3A_2222 : vector<128x128xf32>
    %lt3A_2224 = arith.cmpf olt, %add3A_2223, %select_n3A_2215 : vector<128x128xf32>
    %select_n3A_2225 = arith.select %lt3A_2224, %add3A_2223, %select_n3A_2215 : vector<128x128xi1>, vector<128x128xf32>
    %select_n3A_2226 = arith.select %lt3A_2224, %add3A_25, %select_n3A_2216 : vector<128x128xi1>, vector<128x128xi32>
    %slice3A_2227 = vector.extract_strided_slice %dot_general3A_8 {offsets = [2688, 768], sizes = [128, 128], strides = [1, 1]} : vector<4096x1024xf32> to vector<128x128xf32>
    %sub3A_2228 = arith.subf %broadcast_in_dim3A_2169, %slice3A_2227 : vector<128x128xf32>
    %get3A_2229 = arith.constant 0 : index
    %get3A_2230 = arith.constant 768 : index
    %get3A_2231 = vector.load %arg3[%get3A_2229, %get3A_2230] : memref<1x1024xf32, #tpu.memory_space<vmem>>, vector<1x128xf32>
    %add3A_2232 = vector.broadcast %get3A_2231 : vector<1x128xf32> to vector<128x128xf32>
    %add3A_2233 = arith.addf %sub3A_2228, %add3A_2232 : vector<128x128xf32>
    %lt3A_2234 = arith.cmpf olt, %add3A_2233, %select_n3A_2225 : vector<128x128xf32>
    %select_n3A_2235 = arith.select %lt3A_2234, %add3A_2233, %select_n3A_2225 : vector<128x128xi1>, vector<128x128xf32>
    %select_n3A_2236 = arith.select %lt3A_2234, %add3A_28, %select_n3A_2226 : vector<128x128xi1>, vector<128x128xi32>
    %slice3A_2237 = vector.extract_strided_slice %dot_general3A_8 {offsets = [2688, 896], sizes = [128, 128], strides = [1, 1]} : vector<4096x1024xf32> to vector<128x128xf32>
    %sub3A_2238 = arith.subf %broadcast_in_dim3A_2169, %slice3A_2237 : vector<128x128xf32>
    %get3A_2239 = arith.constant 0 : index
    %get3A_2240 = arith.constant 896 : index
    %get3A_2241 = vector.load %arg3[%get3A_2239, %get3A_2240] : memref<1x1024xf32, #tpu.memory_space<vmem>>, vector<1x128xf32>
    %add3A_2242 = vector.broadcast %get3A_2241 : vector<1x128xf32> to vector<128x128xf32>
    %add3A_2243 = arith.addf %sub3A_2238, %add3A_2242 : vector<128x128xf32>
    %lt3A_2244 = arith.cmpf olt, %add3A_2243, %select_n3A_2235 : vector<128x128xf32>
    %select_n3A_2245 = arith.select %lt3A_2244, %add3A_2243, %select_n3A_2235 : vector<128x128xi1>, vector<128x128xf32>
    %select_n3A_2246 = arith.select %lt3A_2244, %add3A_31, %select_n3A_2236 : vector<128x128xi1>, vector<128x128xi32>
    %reduce_min3A_2247 = arith.constant dense<0x7F800000> : vector<128xf32>
    %reduce_min3A_2248 = vector.multi_reduction <minimumf>, %select_n3A_2245, %reduce_min3A_2247 [1] : vector<128x128xf32> to vector<128xf32>
    %broadcast_in_dim3A_2249 = vector.shape_cast %reduce_min3A_2248 : vector<128xf32> to vector<128x1xf32>
    %eq3A_2250 = vector.broadcast %broadcast_in_dim3A_2249 : vector<128x1xf32> to vector<128x128xf32>
    %eq3A_2251 = arith.cmpf oeq, %select_n3A_2245, %eq3A_2250 : vector<128x128xf32>
    %jit3A_2252 = arith.constant 1024 : i32
    %broadcast_in_dim3A_2253 = vector.broadcast %jit3A_2252 : i32 to vector<128x128xi32>
    %select_n3A_2254 = arith.select %eq3A_2251, %select_n3A_2246, %broadcast_in_dim3A_2253 : vector<128x128xi1>, vector<128x128xi32>
    %reduce_min3A_2255 = arith.constant dense<2147483647> : vector<128xi32>
    %reduce_min3A_2256 = vector.multi_reduction <minsi>, %select_n3A_2254, %reduce_min3A_2255 [1] : vector<128x128xi32> to vector<128xi32>
    %swap3A_2257 = arith.constant 0 : index
    %swap3A_2258 = arith.constant 0 : index
    %swap3A_2259 = arith.constant 2688 : index
    %swap3A_2260 = vector.load %arg4[%swap3A_2257, %swap3A_2258, %swap3A_2259] : memref<1x1x4096xi32, #tpu.memory_space<vmem>>, vector<1x1x128xi32>
    %swap3A_2261 = vector.shape_cast %swap3A_2260 : vector<1x1x128xi32> to vector<128xi32>
    %swap3A_2262 = vector.shape_cast %reduce_min3A_2256 : vector<128xi32> to vector<1x1x128xi32>
    tpu.vector_store %arg4[%swap3A_2257, %swap3A_2258, %swap3A_2259], %swap3A_2262 {strides = array<i32>} : memref<1x1x4096xi32, #tpu.memory_space<vmem>>, vector<1x1x128xi32>,
    %reduce_sum3A_2263 = vector.shape_cast %broadcast_in_dim3A_2249 : vector<128x1xf32> to vector<1x128x1xf32>
    %reduce_sum3A_2264 = arith.constant dense<0.000000e+00> : vector<1xf32>
    %reduce_sum3A_2265 = vector.multi_reduction <add>, %reduce_sum3A_2263, %reduce_sum3A_2264 [1, 2] : vector<1x128x1xf32> to vector<1xf32>
    %reduce_sum3A_2266 = vector.shape_cast %reduce_sum3A_2265 : vector<1xf32> to vector<1x1x1xf32>
    %reduce_sum3A_2267 = vector.extract %reduce_sum3A_2266[0, 0, 0] : f32 from vector<1x1x1xf32>
    %add3A_2268 = arith.addf %add3A_2166, %reduce_sum3A_2267 : f32
    %slice3A_2269 = vector.extract_strided_slice %broadcast_in_dim3A {offsets = [2816, 0], sizes = [128, 1], strides = [1, 1]} : vector<4096x1xf32> to vector<128x1xf32>
    %broadcast_in_dim3A_2270 = vector.shape_cast %slice3A_2269 : vector<128x1xf32> to vector<128x1xf32>
    %broadcast_in_dim3A_2271 = vector.broadcast %broadcast_in_dim3A_2270 : vector<128x1xf32> to vector<128x128xf32>
    %slice3A_2272 = vector.extract_strided_slice %dot_general3A_8 {offsets = [2816, 0], sizes = [128, 128], strides = [1, 1]} : vector<4096x1024xf32> to vector<128x128xf32>
    %sub3A_2273 = arith.subf %broadcast_in_dim3A_2271, %slice3A_2272 : vector<128x128xf32>
    %get3A_2274 = arith.constant 0 : index
    %get3A_2275 = arith.constant 0 : index
    %get3A_2276 = vector.load %arg3[%get3A_2274, %get3A_2275] : memref<1x1024xf32, #tpu.memory_space<vmem>>, vector<1x128xf32>
    %add3A_2277 = vector.broadcast %get3A_2276 : vector<1x128xf32> to vector<128x128xf32>
    %add3A_2278 = arith.addf %sub3A_2273, %add3A_2277 : vector<128x128xf32>
    %slice3A_2279 = vector.extract_strided_slice %dot_general3A_8 {offsets = [2816, 128], sizes = [128, 128], strides = [1, 1]} : vector<4096x1024xf32> to vector<128x128xf32>
    %sub3A_2280 = arith.subf %broadcast_in_dim3A_2271, %slice3A_2279 : vector<128x128xf32>
    %get3A_2281 = arith.constant 0 : index
    %get3A_2282 = arith.constant 128 : index
    %get3A_2283 = vector.load %arg3[%get3A_2281, %get3A_2282] : memref<1x1024xf32, #tpu.memory_space<vmem>>, vector<1x128xf32>
    %add3A_2284 = vector.broadcast %get3A_2283 : vector<1x128xf32> to vector<128x128xf32>
    %add3A_2285 = arith.addf %sub3A_2280, %add3A_2284 : vector<128x128xf32>
    %lt3A_2286 = arith.cmpf olt, %add3A_2285, %add3A_2278 : vector<128x128xf32>
    %select_n3A_2287 = arith.select %lt3A_2286, %add3A_2285, %add3A_2278 : vector<128x128xi1>, vector<128x128xf32>
    %select_n3A_2288 = arith.select %lt3A_2286, %add3A_13, %add3A_10 : vector<128x128xi1>, vector<128x128xi32>
    %slice3A_2289 = vector.extract_strided_slice %dot_general3A_8 {offsets = [2816, 256], sizes = [128, 128], strides = [1, 1]} : vector<4096x1024xf32> to vector<128x128xf32>
    %sub3A_2290 = arith.subf %broadcast_in_dim3A_2271, %slice3A_2289 : vector<128x128xf32>
    %get3A_2291 = arith.constant 0 : index
    %get3A_2292 = arith.constant 256 : index
    %get3A_2293 = vector.load %arg3[%get3A_2291, %get3A_2292] : memref<1x1024xf32, #tpu.memory_space<vmem>>, vector<1x128xf32>
    %add3A_2294 = vector.broadcast %get3A_2293 : vector<1x128xf32> to vector<128x128xf32>
    %add3A_2295 = arith.addf %sub3A_2290, %add3A_2294 : vector<128x128xf32>
    %lt3A_2296 = arith.cmpf olt, %add3A_2295, %select_n3A_2287 : vector<128x128xf32>
    %select_n3A_2297 = arith.select %lt3A_2296, %add3A_2295, %select_n3A_2287 : vector<128x128xi1>, vector<128x128xf32>
    %select_n3A_2298 = arith.select %lt3A_2296, %add3A_16, %select_n3A_2288 : vector<128x128xi1>, vector<128x128xi32>
    %slice3A_2299 = vector.extract_strided_slice %dot_general3A_8 {offsets = [2816, 384], sizes = [128, 128], strides = [1, 1]} : vector<4096x1024xf32> to vector<128x128xf32>
    %sub3A_2300 = arith.subf %broadcast_in_dim3A_2271, %slice3A_2299 : vector<128x128xf32>
    %get3A_2301 = arith.constant 0 : index
    %get3A_2302 = arith.constant 384 : index
    %get3A_2303 = vector.load %arg3[%get3A_2301, %get3A_2302] : memref<1x1024xf32, #tpu.memory_space<vmem>>, vector<1x128xf32>
    %add3A_2304 = vector.broadcast %get3A_2303 : vector<1x128xf32> to vector<128x128xf32>
    %add3A_2305 = arith.addf %sub3A_2300, %add3A_2304 : vector<128x128xf32>
    %lt3A_2306 = arith.cmpf olt, %add3A_2305, %select_n3A_2297 : vector<128x128xf32>
    %select_n3A_2307 = arith.select %lt3A_2306, %add3A_2305, %select_n3A_2297 : vector<128x128xi1>, vector<128x128xf32>
    %select_n3A_2308 = arith.select %lt3A_2306, %add3A_19, %select_n3A_2298 : vector<128x128xi1>, vector<128x128xi32>
    %slice3A_2309 = vector.extract_strided_slice %dot_general3A_8 {offsets = [2816, 512], sizes = [128, 128], strides = [1, 1]} : vector<4096x1024xf32> to vector<128x128xf32>
    %sub3A_2310 = arith.subf %broadcast_in_dim3A_2271, %slice3A_2309 : vector<128x128xf32>
    %get3A_2311 = arith.constant 0 : index
    %get3A_2312 = arith.constant 512 : index
    %get3A_2313 = vector.load %arg3[%get3A_2311, %get3A_2312] : memref<1x1024xf32, #tpu.memory_space<vmem>>, vector<1x128xf32>
    %add3A_2314 = vector.broadcast %get3A_2313 : vector<1x128xf32> to vector<128x128xf32>
    %add3A_2315 = arith.addf %sub3A_2310, %add3A_2314 : vector<128x128xf32>
    %lt3A_2316 = arith.cmpf olt, %add3A_2315, %select_n3A_2307 : vector<128x128xf32>
    %select_n3A_2317 = arith.select %lt3A_2316, %add3A_2315, %select_n3A_2307 : vector<128x128xi1>, vector<128x128xf32>
    %select_n3A_2318 = arith.select %lt3A_2316, %add3A_22, %select_n3A_2308 : vector<128x128xi1>, vector<128x128xi32>
    %slice3A_2319 = vector.extract_strided_slice %dot_general3A_8 {offsets = [2816, 640], sizes = [128, 128], strides = [1, 1]} : vector<4096x1024xf32> to vector<128x128xf32>
    %sub3A_2320 = arith.subf %broadcast_in_dim3A_2271, %slice3A_2319 : vector<128x128xf32>
    %get3A_2321 = arith.constant 0 : index
    %get3A_2322 = arith.constant 640 : index
    %get3A_2323 = vector.load %arg3[%get3A_2321, %get3A_2322] : memref<1x1024xf32, #tpu.memory_space<vmem>>, vector<1x128xf32>
    %add3A_2324 = vector.broadcast %get3A_2323 : vector<1x128xf32> to vector<128x128xf32>
    %add3A_2325 = arith.addf %sub3A_2320, %add3A_2324 : vector<128x128xf32>
    %lt3A_2326 = arith.cmpf olt, %add3A_2325, %select_n3A_2317 : vector<128x128xf32>
    %select_n3A_2327 = arith.select %lt3A_2326, %add3A_2325, %select_n3A_2317 : vector<128x128xi1>, vector<128x128xf32>
    %select_n3A_2328 = arith.select %lt3A_2326, %add3A_25, %select_n3A_2318 : vector<128x128xi1>, vector<128x128xi32>
    %slice3A_2329 = vector.extract_strided_slice %dot_general3A_8 {offsets = [2816, 768], sizes = [128, 128], strides = [1, 1]} : vector<4096x1024xf32> to vector<128x128xf32>
    %sub3A_2330 = arith.subf %broadcast_in_dim3A_2271, %slice3A_2329 : vector<128x128xf32>
    %get3A_2331 = arith.constant 0 : index
    %get3A_2332 = arith.constant 768 : index
    %get3A_2333 = vector.load %arg3[%get3A_2331, %get3A_2332] : memref<1x1024xf32, #tpu.memory_space<vmem>>, vector<1x128xf32>
    %add3A_2334 = vector.broadcast %get3A_2333 : vector<1x128xf32> to vector<128x128xf32>
    %add3A_2335 = arith.addf %sub3A_2330, %add3A_2334 : vector<128x128xf32>
    %lt3A_2336 = arith.cmpf olt, %add3A_2335, %select_n3A_2327 : vector<128x128xf32>
    %select_n3A_2337 = arith.select %lt3A_2336, %add3A_2335, %select_n3A_2327 : vector<128x128xi1>, vector<128x128xf32>
    %select_n3A_2338 = arith.select %lt3A_2336, %add3A_28, %select_n3A_2328 : vector<128x128xi1>, vector<128x128xi32>
    %slice3A_2339 = vector.extract_strided_slice %dot_general3A_8 {offsets = [2816, 896], sizes = [128, 128], strides = [1, 1]} : vector<4096x1024xf32> to vector<128x128xf32>
    %sub3A_2340 = arith.subf %broadcast_in_dim3A_2271, %slice3A_2339 : vector<128x128xf32>
    %get3A_2341 = arith.constant 0 : index
    %get3A_2342 = arith.constant 896 : index
    %get3A_2343 = vector.load %arg3[%get3A_2341, %get3A_2342] : memref<1x1024xf32, #tpu.memory_space<vmem>>, vector<1x128xf32>
    %add3A_2344 = vector.broadcast %get3A_2343 : vector<1x128xf32> to vector<128x128xf32>
    %add3A_2345 = arith.addf %sub3A_2340, %add3A_2344 : vector<128x128xf32>
    %lt3A_2346 = arith.cmpf olt, %add3A_2345, %select_n3A_2337 : vector<128x128xf32>
    %select_n3A_2347 = arith.select %lt3A_2346, %add3A_2345, %select_n3A_2337 : vector<128x128xi1>, vector<128x128xf32>
    %select_n3A_2348 = arith.select %lt3A_2346, %add3A_31, %select_n3A_2338 : vector<128x128xi1>, vector<128x128xi32>
    %reduce_min3A_2349 = arith.constant dense<0x7F800000> : vector<128xf32>
    %reduce_min3A_2350 = vector.multi_reduction <minimumf>, %select_n3A_2347, %reduce_min3A_2349 [1] : vector<128x128xf32> to vector<128xf32>
    %broadcast_in_dim3A_2351 = vector.shape_cast %reduce_min3A_2350 : vector<128xf32> to vector<128x1xf32>
    %eq3A_2352 = vector.broadcast %broadcast_in_dim3A_2351 : vector<128x1xf32> to vector<128x128xf32>
    %eq3A_2353 = arith.cmpf oeq, %select_n3A_2347, %eq3A_2352 : vector<128x128xf32>
    %jit3A_2354 = arith.constant 1024 : i32
    %broadcast_in_dim3A_2355 = vector.broadcast %jit3A_2354 : i32 to vector<128x128xi32>
    %select_n3A_2356 = arith.select %eq3A_2353, %select_n3A_2348, %broadcast_in_dim3A_2355 : vector<128x128xi1>, vector<128x128xi32>
    %reduce_min3A_2357 = arith.constant dense<2147483647> : vector<128xi32>
    %reduce_min3A_2358 = vector.multi_reduction <minsi>, %select_n3A_2356, %reduce_min3A_2357 [1] : vector<128x128xi32> to vector<128xi32>
    %swap3A_2359 = arith.constant 0 : index
    %swap3A_2360 = arith.constant 0 : index
    %swap3A_2361 = arith.constant 2816 : index
    %swap3A_2362 = vector.load %arg4[%swap3A_2359, %swap3A_2360, %swap3A_2361] : memref<1x1x4096xi32, #tpu.memory_space<vmem>>, vector<1x1x128xi32>
    %swap3A_2363 = vector.shape_cast %swap3A_2362 : vector<1x1x128xi32> to vector<128xi32>
    %swap3A_2364 = vector.shape_cast %reduce_min3A_2358 : vector<128xi32> to vector<1x1x128xi32>
    tpu.vector_store %arg4[%swap3A_2359, %swap3A_2360, %swap3A_2361], %swap3A_2364 {strides = array<i32>} : memref<1x1x4096xi32, #tpu.memory_space<vmem>>, vector<1x1x128xi32>,
    %reduce_sum3A_2365 = vector.shape_cast %broadcast_in_dim3A_2351 : vector<128x1xf32> to vector<1x128x1xf32>
    %reduce_sum3A_2366 = arith.constant dense<0.000000e+00> : vector<1xf32>
    %reduce_sum3A_2367 = vector.multi_reduction <add>, %reduce_sum3A_2365, %reduce_sum3A_2366 [1, 2] : vector<1x128x1xf32> to vector<1xf32>
    %reduce_sum3A_2368 = vector.shape_cast %reduce_sum3A_2367 : vector<1xf32> to vector<1x1x1xf32>
    %reduce_sum3A_2369 = vector.extract %reduce_sum3A_2368[0, 0, 0] : f32 from vector<1x1x1xf32>
    %add3A_2370 = arith.addf %add3A_2268, %reduce_sum3A_2369 : f32
    %slice3A_2371 = vector.extract_strided_slice %broadcast_in_dim3A {offsets = [2944, 0], sizes = [128, 1], strides = [1, 1]} : vector<4096x1xf32> to vector<128x1xf32>
    %broadcast_in_dim3A_2372 = vector.shape_cast %slice3A_2371 : vector<128x1xf32> to vector<128x1xf32>
    %broadcast_in_dim3A_2373 = vector.broadcast %broadcast_in_dim3A_2372 : vector<128x1xf32> to vector<128x128xf32>
    %slice3A_2374 = vector.extract_strided_slice %dot_general3A_8 {offsets = [2944, 0], sizes = [128, 128], strides = [1, 1]} : vector<4096x1024xf32> to vector<128x128xf32>
    %sub3A_2375 = arith.subf %broadcast_in_dim3A_2373, %slice3A_2374 : vector<128x128xf32>
    %get3A_2376 = arith.constant 0 : index
    %get3A_2377 = arith.constant 0 : index
    %get3A_2378 = vector.load %arg3[%get3A_2376, %get3A_2377] : memref<1x1024xf32, #tpu.memory_space<vmem>>, vector<1x128xf32>
    %add3A_2379 = vector.broadcast %get3A_2378 : vector<1x128xf32> to vector<128x128xf32>
    %add3A_2380 = arith.addf %sub3A_2375, %add3A_2379 : vector<128x128xf32>
    %slice3A_2381 = vector.extract_strided_slice %dot_general3A_8 {offsets = [2944, 128], sizes = [128, 128], strides = [1, 1]} : vector<4096x1024xf32> to vector<128x128xf32>
    %sub3A_2382 = arith.subf %broadcast_in_dim3A_2373, %slice3A_2381 : vector<128x128xf32>
    %get3A_2383 = arith.constant 0 : index
    %get3A_2384 = arith.constant 128 : index
    %get3A_2385 = vector.load %arg3[%get3A_2383, %get3A_2384] : memref<1x1024xf32, #tpu.memory_space<vmem>>, vector<1x128xf32>
    %add3A_2386 = vector.broadcast %get3A_2385 : vector<1x128xf32> to vector<128x128xf32>
    %add3A_2387 = arith.addf %sub3A_2382, %add3A_2386 : vector<128x128xf32>
    %lt3A_2388 = arith.cmpf olt, %add3A_2387, %add3A_2380 : vector<128x128xf32>
    %select_n3A_2389 = arith.select %lt3A_2388, %add3A_2387, %add3A_2380 : vector<128x128xi1>, vector<128x128xf32>
    %select_n3A_2390 = arith.select %lt3A_2388, %add3A_13, %add3A_10 : vector<128x128xi1>, vector<128x128xi32>
    %slice3A_2391 = vector.extract_strided_slice %dot_general3A_8 {offsets = [2944, 256], sizes = [128, 128], strides = [1, 1]} : vector<4096x1024xf32> to vector<128x128xf32>
    %sub3A_2392 = arith.subf %broadcast_in_dim3A_2373, %slice3A_2391 : vector<128x128xf32>
    %get3A_2393 = arith.constant 0 : index
    %get3A_2394 = arith.constant 256 : index
    %get3A_2395 = vector.load %arg3[%get3A_2393, %get3A_2394] : memref<1x1024xf32, #tpu.memory_space<vmem>>, vector<1x128xf32>
    %add3A_2396 = vector.broadcast %get3A_2395 : vector<1x128xf32> to vector<128x128xf32>
    %add3A_2397 = arith.addf %sub3A_2392, %add3A_2396 : vector<128x128xf32>
    %lt3A_2398 = arith.cmpf olt, %add3A_2397, %select_n3A_2389 : vector<128x128xf32>
    %select_n3A_2399 = arith.select %lt3A_2398, %add3A_2397, %select_n3A_2389 : vector<128x128xi1>, vector<128x128xf32>
    %select_n3A_2400 = arith.select %lt3A_2398, %add3A_16, %select_n3A_2390 : vector<128x128xi1>, vector<128x128xi32>
    %slice3A_2401 = vector.extract_strided_slice %dot_general3A_8 {offsets = [2944, 384], sizes = [128, 128], strides = [1, 1]} : vector<4096x1024xf32> to vector<128x128xf32>
    %sub3A_2402 = arith.subf %broadcast_in_dim3A_2373, %slice3A_2401 : vector<128x128xf32>
    %get3A_2403 = arith.constant 0 : index
    %get3A_2404 = arith.constant 384 : index
    %get3A_2405 = vector.load %arg3[%get3A_2403, %get3A_2404] : memref<1x1024xf32, #tpu.memory_space<vmem>>, vector<1x128xf32>
    %add3A_2406 = vector.broadcast %get3A_2405 : vector<1x128xf32> to vector<128x128xf32>
    %add3A_2407 = arith.addf %sub3A_2402, %add3A_2406 : vector<128x128xf32>
    %lt3A_2408 = arith.cmpf olt, %add3A_2407, %select_n3A_2399 : vector<128x128xf32>
    %select_n3A_2409 = arith.select %lt3A_2408, %add3A_2407, %select_n3A_2399 : vector<128x128xi1>, vector<128x128xf32>
    %select_n3A_2410 = arith.select %lt3A_2408, %add3A_19, %select_n3A_2400 : vector<128x128xi1>, vector<128x128xi32>
    %slice3A_2411 = vector.extract_strided_slice %dot_general3A_8 {offsets = [2944, 512], sizes = [128, 128], strides = [1, 1]} : vector<4096x1024xf32> to vector<128x128xf32>
    %sub3A_2412 = arith.subf %broadcast_in_dim3A_2373, %slice3A_2411 : vector<128x128xf32>
    %get3A_2413 = arith.constant 0 : index
    %get3A_2414 = arith.constant 512 : index
    %get3A_2415 = vector.load %arg3[%get3A_2413, %get3A_2414] : memref<1x1024xf32, #tpu.memory_space<vmem>>, vector<1x128xf32>
    %add3A_2416 = vector.broadcast %get3A_2415 : vector<1x128xf32> to vector<128x128xf32>
    %add3A_2417 = arith.addf %sub3A_2412, %add3A_2416 : vector<128x128xf32>
    %lt3A_2418 = arith.cmpf olt, %add3A_2417, %select_n3A_2409 : vector<128x128xf32>
    %select_n3A_2419 = arith.select %lt3A_2418, %add3A_2417, %select_n3A_2409 : vector<128x128xi1>, vector<128x128xf32>
    %select_n3A_2420 = arith.select %lt3A_2418, %add3A_22, %select_n3A_2410 : vector<128x128xi1>, vector<128x128xi32>
    %slice3A_2421 = vector.extract_strided_slice %dot_general3A_8 {offsets = [2944, 640], sizes = [128, 128], strides = [1, 1]} : vector<4096x1024xf32> to vector<128x128xf32>
    %sub3A_2422 = arith.subf %broadcast_in_dim3A_2373, %slice3A_2421 : vector<128x128xf32>
    %get3A_2423 = arith.constant 0 : index
    %get3A_2424 = arith.constant 640 : index
    %get3A_2425 = vector.load %arg3[%get3A_2423, %get3A_2424] : memref<1x1024xf32, #tpu.memory_space<vmem>>, vector<1x128xf32>
    %add3A_2426 = vector.broadcast %get3A_2425 : vector<1x128xf32> to vector<128x128xf32>
    %add3A_2427 = arith.addf %sub3A_2422, %add3A_2426 : vector<128x128xf32>
    %lt3A_2428 = arith.cmpf olt, %add3A_2427, %select_n3A_2419 : vector<128x128xf32>
    %select_n3A_2429 = arith.select %lt3A_2428, %add3A_2427, %select_n3A_2419 : vector<128x128xi1>, vector<128x128xf32>
    %select_n3A_2430 = arith.select %lt3A_2428, %add3A_25, %select_n3A_2420 : vector<128x128xi1>, vector<128x128xi32>
    %slice3A_2431 = vector.extract_strided_slice %dot_general3A_8 {offsets = [2944, 768], sizes = [128, 128], strides = [1, 1]} : vector<4096x1024xf32> to vector<128x128xf32>
    %sub3A_2432 = arith.subf %broadcast_in_dim3A_2373, %slice3A_2431 : vector<128x128xf32>
    %get3A_2433 = arith.constant 0 : index
    %get3A_2434 = arith.constant 768 : index
    %get3A_2435 = vector.load %arg3[%get3A_2433, %get3A_2434] : memref<1x1024xf32, #tpu.memory_space<vmem>>, vector<1x128xf32>
    %add3A_2436 = vector.broadcast %get3A_2435 : vector<1x128xf32> to vector<128x128xf32>
    %add3A_2437 = arith.addf %sub3A_2432, %add3A_2436 : vector<128x128xf32>
    %lt3A_2438 = arith.cmpf olt, %add3A_2437, %select_n3A_2429 : vector<128x128xf32>
    %select_n3A_2439 = arith.select %lt3A_2438, %add3A_2437, %select_n3A_2429 : vector<128x128xi1>, vector<128x128xf32>
    %select_n3A_2440 = arith.select %lt3A_2438, %add3A_28, %select_n3A_2430 : vector<128x128xi1>, vector<128x128xi32>
    %slice3A_2441 = vector.extract_strided_slice %dot_general3A_8 {offsets = [2944, 896], sizes = [128, 128], strides = [1, 1]} : vector<4096x1024xf32> to vector<128x128xf32>
    %sub3A_2442 = arith.subf %broadcast_in_dim3A_2373, %slice3A_2441 : vector<128x128xf32>
    %get3A_2443 = arith.constant 0 : index
    %get3A_2444 = arith.constant 896 : index
    %get3A_2445 = vector.load %arg3[%get3A_2443, %get3A_2444] : memref<1x1024xf32, #tpu.memory_space<vmem>>, vector<1x128xf32>
    %add3A_2446 = vector.broadcast %get3A_2445 : vector<1x128xf32> to vector<128x128xf32>
    %add3A_2447 = arith.addf %sub3A_2442, %add3A_2446 : vector<128x128xf32>
    %lt3A_2448 = arith.cmpf olt, %add3A_2447, %select_n3A_2439 : vector<128x128xf32>
    %select_n3A_2449 = arith.select %lt3A_2448, %add3A_2447, %select_n3A_2439 : vector<128x128xi1>, vector<128x128xf32>
    %select_n3A_2450 = arith.select %lt3A_2448, %add3A_31, %select_n3A_2440 : vector<128x128xi1>, vector<128x128xi32>
    %reduce_min3A_2451 = arith.constant dense<0x7F800000> : vector<128xf32>
    %reduce_min3A_2452 = vector.multi_reduction <minimumf>, %select_n3A_2449, %reduce_min3A_2451 [1] : vector<128x128xf32> to vector<128xf32>
    %broadcast_in_dim3A_2453 = vector.shape_cast %reduce_min3A_2452 : vector<128xf32> to vector<128x1xf32>
    %eq3A_2454 = vector.broadcast %broadcast_in_dim3A_2453 : vector<128x1xf32> to vector<128x128xf32>
    %eq3A_2455 = arith.cmpf oeq, %select_n3A_2449, %eq3A_2454 : vector<128x128xf32>
    %jit3A_2456 = arith.constant 1024 : i32
    %broadcast_in_dim3A_2457 = vector.broadcast %jit3A_2456 : i32 to vector<128x128xi32>
    %select_n3A_2458 = arith.select %eq3A_2455, %select_n3A_2450, %broadcast_in_dim3A_2457 : vector<128x128xi1>, vector<128x128xi32>
    %reduce_min3A_2459 = arith.constant dense<2147483647> : vector<128xi32>
    %reduce_min3A_2460 = vector.multi_reduction <minsi>, %select_n3A_2458, %reduce_min3A_2459 [1] : vector<128x128xi32> to vector<128xi32>
    %swap3A_2461 = arith.constant 0 : index
    %swap3A_2462 = arith.constant 0 : index
    %swap3A_2463 = arith.constant 2944 : index
    %swap3A_2464 = vector.load %arg4[%swap3A_2461, %swap3A_2462, %swap3A_2463] : memref<1x1x4096xi32, #tpu.memory_space<vmem>>, vector<1x1x128xi32>
    %swap3A_2465 = vector.shape_cast %swap3A_2464 : vector<1x1x128xi32> to vector<128xi32>
    %swap3A_2466 = vector.shape_cast %reduce_min3A_2460 : vector<128xi32> to vector<1x1x128xi32>
    tpu.vector_store %arg4[%swap3A_2461, %swap3A_2462, %swap3A_2463], %swap3A_2466 {strides = array<i32>} : memref<1x1x4096xi32, #tpu.memory_space<vmem>>, vector<1x1x128xi32>,
    %reduce_sum3A_2467 = vector.shape_cast %broadcast_in_dim3A_2453 : vector<128x1xf32> to vector<1x128x1xf32>
    %reduce_sum3A_2468 = arith.constant dense<0.000000e+00> : vector<1xf32>
    %reduce_sum3A_2469 = vector.multi_reduction <add>, %reduce_sum3A_2467, %reduce_sum3A_2468 [1, 2] : vector<1x128x1xf32> to vector<1xf32>
    %reduce_sum3A_2470 = vector.shape_cast %reduce_sum3A_2469 : vector<1xf32> to vector<1x1x1xf32>
    %reduce_sum3A_2471 = vector.extract %reduce_sum3A_2470[0, 0, 0] : f32 from vector<1x1x1xf32>
    %add3A_2472 = arith.addf %add3A_2370, %reduce_sum3A_2471 : f32
    %slice3A_2473 = vector.extract_strided_slice %broadcast_in_dim3A {offsets = [3072, 0], sizes = [128, 1], strides = [1, 1]} : vector<4096x1xf32> to vector<128x1xf32>
    %broadcast_in_dim3A_2474 = vector.shape_cast %slice3A_2473 : vector<128x1xf32> to vector<128x1xf32>
    %broadcast_in_dim3A_2475 = vector.broadcast %broadcast_in_dim3A_2474 : vector<128x1xf32> to vector<128x128xf32>
    %slice3A_2476 = vector.extract_strided_slice %dot_general3A_8 {offsets = [3072, 0], sizes = [128, 128], strides = [1, 1]} : vector<4096x1024xf32> to vector<128x128xf32>
    %sub3A_2477 = arith.subf %broadcast_in_dim3A_2475, %slice3A_2476 : vector<128x128xf32>
    %get3A_2478 = arith.constant 0 : index
    %get3A_2479 = arith.constant 0 : index
    %get3A_2480 = vector.load %arg3[%get3A_2478, %get3A_2479] : memref<1x1024xf32, #tpu.memory_space<vmem>>, vector<1x128xf32>
    %add3A_2481 = vector.broadcast %get3A_2480 : vector<1x128xf32> to vector<128x128xf32>
    %add3A_2482 = arith.addf %sub3A_2477, %add3A_2481 : vector<128x128xf32>
    %slice3A_2483 = vector.extract_strided_slice %dot_general3A_8 {offsets = [3072, 128], sizes = [128, 128], strides = [1, 1]} : vector<4096x1024xf32> to vector<128x128xf32>
    %sub3A_2484 = arith.subf %broadcast_in_dim3A_2475, %slice3A_2483 : vector<128x128xf32>
    %get3A_2485 = arith.constant 0 : index
    %get3A_2486 = arith.constant 128 : index
    %get3A_2487 = vector.load %arg3[%get3A_2485, %get3A_2486] : memref<1x1024xf32, #tpu.memory_space<vmem>>, vector<1x128xf32>
    %add3A_2488 = vector.broadcast %get3A_2487 : vector<1x128xf32> to vector<128x128xf32>
    %add3A_2489 = arith.addf %sub3A_2484, %add3A_2488 : vector<128x128xf32>
    %lt3A_2490 = arith.cmpf olt, %add3A_2489, %add3A_2482 : vector<128x128xf32>
    %select_n3A_2491 = arith.select %lt3A_2490, %add3A_2489, %add3A_2482 : vector<128x128xi1>, vector<128x128xf32>
    %select_n3A_2492 = arith.select %lt3A_2490, %add3A_13, %add3A_10 : vector<128x128xi1>, vector<128x128xi32>
    %slice3A_2493 = vector.extract_strided_slice %dot_general3A_8 {offsets = [3072, 256], sizes = [128, 128], strides = [1, 1]} : vector<4096x1024xf32> to vector<128x128xf32>
    %sub3A_2494 = arith.subf %broadcast_in_dim3A_2475, %slice3A_2493 : vector<128x128xf32>
    %get3A_2495 = arith.constant 0 : index
    %get3A_2496 = arith.constant 256 : index
    %get3A_2497 = vector.load %arg3[%get3A_2495, %get3A_2496] : memref<1x1024xf32, #tpu.memory_space<vmem>>, vector<1x128xf32>
    %add3A_2498 = vector.broadcast %get3A_2497 : vector<1x128xf32> to vector<128x128xf32>
    %add3A_2499 = arith.addf %sub3A_2494, %add3A_2498 : vector<128x128xf32>
    %lt3A_2500 = arith.cmpf olt, %add3A_2499, %select_n3A_2491 : vector<128x128xf32>
    %select_n3A_2501 = arith.select %lt3A_2500, %add3A_2499, %select_n3A_2491 : vector<128x128xi1>, vector<128x128xf32>
    %select_n3A_2502 = arith.select %lt3A_2500, %add3A_16, %select_n3A_2492 : vector<128x128xi1>, vector<128x128xi32>
    %slice3A_2503 = vector.extract_strided_slice %dot_general3A_8 {offsets = [3072, 384], sizes = [128, 128], strides = [1, 1]} : vector<4096x1024xf32> to vector<128x128xf32>
    %sub3A_2504 = arith.subf %broadcast_in_dim3A_2475, %slice3A_2503 : vector<128x128xf32>
    %get3A_2505 = arith.constant 0 : index
    %get3A_2506 = arith.constant 384 : index
    %get3A_2507 = vector.load %arg3[%get3A_2505, %get3A_2506] : memref<1x1024xf32, #tpu.memory_space<vmem>>, vector<1x128xf32>
    %add3A_2508 = vector.broadcast %get3A_2507 : vector<1x128xf32> to vector<128x128xf32>
    %add3A_2509 = arith.addf %sub3A_2504, %add3A_2508 : vector<128x128xf32>
    %lt3A_2510 = arith.cmpf olt, %add3A_2509, %select_n3A_2501 : vector<128x128xf32>
    %select_n3A_2511 = arith.select %lt3A_2510, %add3A_2509, %select_n3A_2501 : vector<128x128xi1>, vector<128x128xf32>
    %select_n3A_2512 = arith.select %lt3A_2510, %add3A_19, %select_n3A_2502 : vector<128x128xi1>, vector<128x128xi32>
    %slice3A_2513 = vector.extract_strided_slice %dot_general3A_8 {offsets = [3072, 512], sizes = [128, 128], strides = [1, 1]} : vector<4096x1024xf32> to vector<128x128xf32>
    %sub3A_2514 = arith.subf %broadcast_in_dim3A_2475, %slice3A_2513 : vector<128x128xf32>
    %get3A_2515 = arith.constant 0 : index
    %get3A_2516 = arith.constant 512 : index
    %get3A_2517 = vector.load %arg3[%get3A_2515, %get3A_2516] : memref<1x1024xf32, #tpu.memory_space<vmem>>, vector<1x128xf32>
    %add3A_2518 = vector.broadcast %get3A_2517 : vector<1x128xf32> to vector<128x128xf32>
    %add3A_2519 = arith.addf %sub3A_2514, %add3A_2518 : vector<128x128xf32>
    %lt3A_2520 = arith.cmpf olt, %add3A_2519, %select_n3A_2511 : vector<128x128xf32>
    %select_n3A_2521 = arith.select %lt3A_2520, %add3A_2519, %select_n3A_2511 : vector<128x128xi1>, vector<128x128xf32>
    %select_n3A_2522 = arith.select %lt3A_2520, %add3A_22, %select_n3A_2512 : vector<128x128xi1>, vector<128x128xi32>
    %slice3A_2523 = vector.extract_strided_slice %dot_general3A_8 {offsets = [3072, 640], sizes = [128, 128], strides = [1, 1]} : vector<4096x1024xf32> to vector<128x128xf32>
    %sub3A_2524 = arith.subf %broadcast_in_dim3A_2475, %slice3A_2523 : vector<128x128xf32>
    %get3A_2525 = arith.constant 0 : index
    %get3A_2526 = arith.constant 640 : index
    %get3A_2527 = vector.load %arg3[%get3A_2525, %get3A_2526] : memref<1x1024xf32, #tpu.memory_space<vmem>>, vector<1x128xf32>
    %add3A_2528 = vector.broadcast %get3A_2527 : vector<1x128xf32> to vector<128x128xf32>
    %add3A_2529 = arith.addf %sub3A_2524, %add3A_2528 : vector<128x128xf32>
    %lt3A_2530 = arith.cmpf olt, %add3A_2529, %select_n3A_2521 : vector<128x128xf32>
    %select_n3A_2531 = arith.select %lt3A_2530, %add3A_2529, %select_n3A_2521 : vector<128x128xi1>, vector<128x128xf32>
    %select_n3A_2532 = arith.select %lt3A_2530, %add3A_25, %select_n3A_2522 : vector<128x128xi1>, vector<128x128xi32>
    %slice3A_2533 = vector.extract_strided_slice %dot_general3A_8 {offsets = [3072, 768], sizes = [128, 128], strides = [1, 1]} : vector<4096x1024xf32> to vector<128x128xf32>
    %sub3A_2534 = arith.subf %broadcast_in_dim3A_2475, %slice3A_2533 : vector<128x128xf32>
    %get3A_2535 = arith.constant 0 : index
    %get3A_2536 = arith.constant 768 : index
    %get3A_2537 = vector.load %arg3[%get3A_2535, %get3A_2536] : memref<1x1024xf32, #tpu.memory_space<vmem>>, vector<1x128xf32>
    %add3A_2538 = vector.broadcast %get3A_2537 : vector<1x128xf32> to vector<128x128xf32>
    %add3A_2539 = arith.addf %sub3A_2534, %add3A_2538 : vector<128x128xf32>
    %lt3A_2540 = arith.cmpf olt, %add3A_2539, %select_n3A_2531 : vector<128x128xf32>
    %select_n3A_2541 = arith.select %lt3A_2540, %add3A_2539, %select_n3A_2531 : vector<128x128xi1>, vector<128x128xf32>
    %select_n3A_2542 = arith.select %lt3A_2540, %add3A_28, %select_n3A_2532 : vector<128x128xi1>, vector<128x128xi32>
    %slice3A_2543 = vector.extract_strided_slice %dot_general3A_8 {offsets = [3072, 896], sizes = [128, 128], strides = [1, 1]} : vector<4096x1024xf32> to vector<128x128xf32>
    %sub3A_2544 = arith.subf %broadcast_in_dim3A_2475, %slice3A_2543 : vector<128x128xf32>
    %get3A_2545 = arith.constant 0 : index
    %get3A_2546 = arith.constant 896 : index
    %get3A_2547 = vector.load %arg3[%get3A_2545, %get3A_2546] : memref<1x1024xf32, #tpu.memory_space<vmem>>, vector<1x128xf32>
    %add3A_2548 = vector.broadcast %get3A_2547 : vector<1x128xf32> to vector<128x128xf32>
    %add3A_2549 = arith.addf %sub3A_2544, %add3A_2548 : vector<128x128xf32>
    %lt3A_2550 = arith.cmpf olt, %add3A_2549, %select_n3A_2541 : vector<128x128xf32>
    %select_n3A_2551 = arith.select %lt3A_2550, %add3A_2549, %select_n3A_2541 : vector<128x128xi1>, vector<128x128xf32>
    %select_n3A_2552 = arith.select %lt3A_2550, %add3A_31, %select_n3A_2542 : vector<128x128xi1>, vector<128x128xi32>
    %reduce_min3A_2553 = arith.constant dense<0x7F800000> : vector<128xf32>
    %reduce_min3A_2554 = vector.multi_reduction <minimumf>, %select_n3A_2551, %reduce_min3A_2553 [1] : vector<128x128xf32> to vector<128xf32>
    %broadcast_in_dim3A_2555 = vector.shape_cast %reduce_min3A_2554 : vector<128xf32> to vector<128x1xf32>
    %eq3A_2556 = vector.broadcast %broadcast_in_dim3A_2555 : vector<128x1xf32> to vector<128x128xf32>
    %eq3A_2557 = arith.cmpf oeq, %select_n3A_2551, %eq3A_2556 : vector<128x128xf32>
    %jit3A_2558 = arith.constant 1024 : i32
    %broadcast_in_dim3A_2559 = vector.broadcast %jit3A_2558 : i32 to vector<128x128xi32>
    %select_n3A_2560 = arith.select %eq3A_2557, %select_n3A_2552, %broadcast_in_dim3A_2559 : vector<128x128xi1>, vector<128x128xi32>
    %reduce_min3A_2561 = arith.constant dense<2147483647> : vector<128xi32>
    %reduce_min3A_2562 = vector.multi_reduction <minsi>, %select_n3A_2560, %reduce_min3A_2561 [1] : vector<128x128xi32> to vector<128xi32>
    %swap3A_2563 = arith.constant 0 : index
    %swap3A_2564 = arith.constant 0 : index
    %swap3A_2565 = arith.constant 3072 : index
    %swap3A_2566 = vector.load %arg4[%swap3A_2563, %swap3A_2564, %swap3A_2565] : memref<1x1x4096xi32, #tpu.memory_space<vmem>>, vector<1x1x128xi32>
    %swap3A_2567 = vector.shape_cast %swap3A_2566 : vector<1x1x128xi32> to vector<128xi32>
    %swap3A_2568 = vector.shape_cast %reduce_min3A_2562 : vector<128xi32> to vector<1x1x128xi32>
    tpu.vector_store %arg4[%swap3A_2563, %swap3A_2564, %swap3A_2565], %swap3A_2568 {strides = array<i32>} : memref<1x1x4096xi32, #tpu.memory_space<vmem>>, vector<1x1x128xi32>,
    %reduce_sum3A_2569 = vector.shape_cast %broadcast_in_dim3A_2555 : vector<128x1xf32> to vector<1x128x1xf32>
    %reduce_sum3A_2570 = arith.constant dense<0.000000e+00> : vector<1xf32>
    %reduce_sum3A_2571 = vector.multi_reduction <add>, %reduce_sum3A_2569, %reduce_sum3A_2570 [1, 2] : vector<1x128x1xf32> to vector<1xf32>
    %reduce_sum3A_2572 = vector.shape_cast %reduce_sum3A_2571 : vector<1xf32> to vector<1x1x1xf32>
    %reduce_sum3A_2573 = vector.extract %reduce_sum3A_2572[0, 0, 0] : f32 from vector<1x1x1xf32>
    %add3A_2574 = arith.addf %add3A_2472, %reduce_sum3A_2573 : f32
    %slice3A_2575 = vector.extract_strided_slice %broadcast_in_dim3A {offsets = [3200, 0], sizes = [128, 1], strides = [1, 1]} : vector<4096x1xf32> to vector<128x1xf32>
    %broadcast_in_dim3A_2576 = vector.shape_cast %slice3A_2575 : vector<128x1xf32> to vector<128x1xf32>
    %broadcast_in_dim3A_2577 = vector.broadcast %broadcast_in_dim3A_2576 : vector<128x1xf32> to vector<128x128xf32>
    %slice3A_2578 = vector.extract_strided_slice %dot_general3A_8 {offsets = [3200, 0], sizes = [128, 128], strides = [1, 1]} : vector<4096x1024xf32> to vector<128x128xf32>
    %sub3A_2579 = arith.subf %broadcast_in_dim3A_2577, %slice3A_2578 : vector<128x128xf32>
    %get3A_2580 = arith.constant 0 : index
    %get3A_2581 = arith.constant 0 : index
    %get3A_2582 = vector.load %arg3[%get3A_2580, %get3A_2581] : memref<1x1024xf32, #tpu.memory_space<vmem>>, vector<1x128xf32>
    %add3A_2583 = vector.broadcast %get3A_2582 : vector<1x128xf32> to vector<128x128xf32>
    %add3A_2584 = arith.addf %sub3A_2579, %add3A_2583 : vector<128x128xf32>
    %slice3A_2585 = vector.extract_strided_slice %dot_general3A_8 {offsets = [3200, 128], sizes = [128, 128], strides = [1, 1]} : vector<4096x1024xf32> to vector<128x128xf32>
    %sub3A_2586 = arith.subf %broadcast_in_dim3A_2577, %slice3A_2585 : vector<128x128xf32>
    %get3A_2587 = arith.constant 0 : index
    %get3A_2588 = arith.constant 128 : index
    %get3A_2589 = vector.load %arg3[%get3A_2587, %get3A_2588] : memref<1x1024xf32, #tpu.memory_space<vmem>>, vector<1x128xf32>
    %add3A_2590 = vector.broadcast %get3A_2589 : vector<1x128xf32> to vector<128x128xf32>
    %add3A_2591 = arith.addf %sub3A_2586, %add3A_2590 : vector<128x128xf32>
    %lt3A_2592 = arith.cmpf olt, %add3A_2591, %add3A_2584 : vector<128x128xf32>
    %select_n3A_2593 = arith.select %lt3A_2592, %add3A_2591, %add3A_2584 : vector<128x128xi1>, vector<128x128xf32>
    %select_n3A_2594 = arith.select %lt3A_2592, %add3A_13, %add3A_10 : vector<128x128xi1>, vector<128x128xi32>
    %slice3A_2595 = vector.extract_strided_slice %dot_general3A_8 {offsets = [3200, 256], sizes = [128, 128], strides = [1, 1]} : vector<4096x1024xf32> to vector<128x128xf32>
    %sub3A_2596 = arith.subf %broadcast_in_dim3A_2577, %slice3A_2595 : vector<128x128xf32>
    %get3A_2597 = arith.constant 0 : index
    %get3A_2598 = arith.constant 256 : index
    %get3A_2599 = vector.load %arg3[%get3A_2597, %get3A_2598] : memref<1x1024xf32, #tpu.memory_space<vmem>>, vector<1x128xf32>
    %add3A_2600 = vector.broadcast %get3A_2599 : vector<1x128xf32> to vector<128x128xf32>
    %add3A_2601 = arith.addf %sub3A_2596, %add3A_2600 : vector<128x128xf32>
    %lt3A_2602 = arith.cmpf olt, %add3A_2601, %select_n3A_2593 : vector<128x128xf32>
    %select_n3A_2603 = arith.select %lt3A_2602, %add3A_2601, %select_n3A_2593 : vector<128x128xi1>, vector<128x128xf32>
    %select_n3A_2604 = arith.select %lt3A_2602, %add3A_16, %select_n3A_2594 : vector<128x128xi1>, vector<128x128xi32>
    %slice3A_2605 = vector.extract_strided_slice %dot_general3A_8 {offsets = [3200, 384], sizes = [128, 128], strides = [1, 1]} : vector<4096x1024xf32> to vector<128x128xf32>
    %sub3A_2606 = arith.subf %broadcast_in_dim3A_2577, %slice3A_2605 : vector<128x128xf32>
    %get3A_2607 = arith.constant 0 : index
    %get3A_2608 = arith.constant 384 : index
    %get3A_2609 = vector.load %arg3[%get3A_2607, %get3A_2608] : memref<1x1024xf32, #tpu.memory_space<vmem>>, vector<1x128xf32>
    %add3A_2610 = vector.broadcast %get3A_2609 : vector<1x128xf32> to vector<128x128xf32>
    %add3A_2611 = arith.addf %sub3A_2606, %add3A_2610 : vector<128x128xf32>
    %lt3A_2612 = arith.cmpf olt, %add3A_2611, %select_n3A_2603 : vector<128x128xf32>
    %select_n3A_2613 = arith.select %lt3A_2612, %add3A_2611, %select_n3A_2603 : vector<128x128xi1>, vector<128x128xf32>
    %select_n3A_2614 = arith.select %lt3A_2612, %add3A_19, %select_n3A_2604 : vector<128x128xi1>, vector<128x128xi32>
    %slice3A_2615 = vector.extract_strided_slice %dot_general3A_8 {offsets = [3200, 512], sizes = [128, 128], strides = [1, 1]} : vector<4096x1024xf32> to vector<128x128xf32>
    %sub3A_2616 = arith.subf %broadcast_in_dim3A_2577, %slice3A_2615 : vector<128x128xf32>
    %get3A_2617 = arith.constant 0 : index
    %get3A_2618 = arith.constant 512 : index
    %get3A_2619 = vector.load %arg3[%get3A_2617, %get3A_2618] : memref<1x1024xf32, #tpu.memory_space<vmem>>, vector<1x128xf32>
    %add3A_2620 = vector.broadcast %get3A_2619 : vector<1x128xf32> to vector<128x128xf32>
    %add3A_2621 = arith.addf %sub3A_2616, %add3A_2620 : vector<128x128xf32>
    %lt3A_2622 = arith.cmpf olt, %add3A_2621, %select_n3A_2613 : vector<128x128xf32>
    %select_n3A_2623 = arith.select %lt3A_2622, %add3A_2621, %select_n3A_2613 : vector<128x128xi1>, vector<128x128xf32>
    %select_n3A_2624 = arith.select %lt3A_2622, %add3A_22, %select_n3A_2614 : vector<128x128xi1>, vector<128x128xi32>
    %slice3A_2625 = vector.extract_strided_slice %dot_general3A_8 {offsets = [3200, 640], sizes = [128, 128], strides = [1, 1]} : vector<4096x1024xf32> to vector<128x128xf32>
    %sub3A_2626 = arith.subf %broadcast_in_dim3A_2577, %slice3A_2625 : vector<128x128xf32>
    %get3A_2627 = arith.constant 0 : index
    %get3A_2628 = arith.constant 640 : index
    %get3A_2629 = vector.load %arg3[%get3A_2627, %get3A_2628] : memref<1x1024xf32, #tpu.memory_space<vmem>>, vector<1x128xf32>
    %add3A_2630 = vector.broadcast %get3A_2629 : vector<1x128xf32> to vector<128x128xf32>
    %add3A_2631 = arith.addf %sub3A_2626, %add3A_2630 : vector<128x128xf32>
    %lt3A_2632 = arith.cmpf olt, %add3A_2631, %select_n3A_2623 : vector<128x128xf32>
    %select_n3A_2633 = arith.select %lt3A_2632, %add3A_2631, %select_n3A_2623 : vector<128x128xi1>, vector<128x128xf32>
    %select_n3A_2634 = arith.select %lt3A_2632, %add3A_25, %select_n3A_2624 : vector<128x128xi1>, vector<128x128xi32>
    %slice3A_2635 = vector.extract_strided_slice %dot_general3A_8 {offsets = [3200, 768], sizes = [128, 128], strides = [1, 1]} : vector<4096x1024xf32> to vector<128x128xf32>
    %sub3A_2636 = arith.subf %broadcast_in_dim3A_2577, %slice3A_2635 : vector<128x128xf32>
    %get3A_2637 = arith.constant 0 : index
    %get3A_2638 = arith.constant 768 : index
    %get3A_2639 = vector.load %arg3[%get3A_2637, %get3A_2638] : memref<1x1024xf32, #tpu.memory_space<vmem>>, vector<1x128xf32>
    %add3A_2640 = vector.broadcast %get3A_2639 : vector<1x128xf32> to vector<128x128xf32>
    %add3A_2641 = arith.addf %sub3A_2636, %add3A_2640 : vector<128x128xf32>
    %lt3A_2642 = arith.cmpf olt, %add3A_2641, %select_n3A_2633 : vector<128x128xf32>
    %select_n3A_2643 = arith.select %lt3A_2642, %add3A_2641, %select_n3A_2633 : vector<128x128xi1>, vector<128x128xf32>
    %select_n3A_2644 = arith.select %lt3A_2642, %add3A_28, %select_n3A_2634 : vector<128x128xi1>, vector<128x128xi32>
    %slice3A_2645 = vector.extract_strided_slice %dot_general3A_8 {offsets = [3200, 896], sizes = [128, 128], strides = [1, 1]} : vector<4096x1024xf32> to vector<128x128xf32>
    %sub3A_2646 = arith.subf %broadcast_in_dim3A_2577, %slice3A_2645 : vector<128x128xf32>
    %get3A_2647 = arith.constant 0 : index
    %get3A_2648 = arith.constant 896 : index
    %get3A_2649 = vector.load %arg3[%get3A_2647, %get3A_2648] : memref<1x1024xf32, #tpu.memory_space<vmem>>, vector<1x128xf32>
    %add3A_2650 = vector.broadcast %get3A_2649 : vector<1x128xf32> to vector<128x128xf32>
    %add3A_2651 = arith.addf %sub3A_2646, %add3A_2650 : vector<128x128xf32>
    %lt3A_2652 = arith.cmpf olt, %add3A_2651, %select_n3A_2643 : vector<128x128xf32>
    %select_n3A_2653 = arith.select %lt3A_2652, %add3A_2651, %select_n3A_2643 : vector<128x128xi1>, vector<128x128xf32>
    %select_n3A_2654 = arith.select %lt3A_2652, %add3A_31, %select_n3A_2644 : vector<128x128xi1>, vector<128x128xi32>
    %reduce_min3A_2655 = arith.constant dense<0x7F800000> : vector<128xf32>
    %reduce_min3A_2656 = vector.multi_reduction <minimumf>, %select_n3A_2653, %reduce_min3A_2655 [1] : vector<128x128xf32> to vector<128xf32>
    %broadcast_in_dim3A_2657 = vector.shape_cast %reduce_min3A_2656 : vector<128xf32> to vector<128x1xf32>
    %eq3A_2658 = vector.broadcast %broadcast_in_dim3A_2657 : vector<128x1xf32> to vector<128x128xf32>
    %eq3A_2659 = arith.cmpf oeq, %select_n3A_2653, %eq3A_2658 : vector<128x128xf32>
    %jit3A_2660 = arith.constant 1024 : i32
    %broadcast_in_dim3A_2661 = vector.broadcast %jit3A_2660 : i32 to vector<128x128xi32>
    %select_n3A_2662 = arith.select %eq3A_2659, %select_n3A_2654, %broadcast_in_dim3A_2661 : vector<128x128xi1>, vector<128x128xi32>
    %reduce_min3A_2663 = arith.constant dense<2147483647> : vector<128xi32>
    %reduce_min3A_2664 = vector.multi_reduction <minsi>, %select_n3A_2662, %reduce_min3A_2663 [1] : vector<128x128xi32> to vector<128xi32>
    %swap3A_2665 = arith.constant 0 : index
    %swap3A_2666 = arith.constant 0 : index
    %swap3A_2667 = arith.constant 3200 : index
    %swap3A_2668 = vector.load %arg4[%swap3A_2665, %swap3A_2666, %swap3A_2667] : memref<1x1x4096xi32, #tpu.memory_space<vmem>>, vector<1x1x128xi32>
    %swap3A_2669 = vector.shape_cast %swap3A_2668 : vector<1x1x128xi32> to vector<128xi32>
    %swap3A_2670 = vector.shape_cast %reduce_min3A_2664 : vector<128xi32> to vector<1x1x128xi32>
    tpu.vector_store %arg4[%swap3A_2665, %swap3A_2666, %swap3A_2667], %swap3A_2670 {strides = array<i32>} : memref<1x1x4096xi32, #tpu.memory_space<vmem>>, vector<1x1x128xi32>,
    %reduce_sum3A_2671 = vector.shape_cast %broadcast_in_dim3A_2657 : vector<128x1xf32> to vector<1x128x1xf32>
    %reduce_sum3A_2672 = arith.constant dense<0.000000e+00> : vector<1xf32>
    %reduce_sum3A_2673 = vector.multi_reduction <add>, %reduce_sum3A_2671, %reduce_sum3A_2672 [1, 2] : vector<1x128x1xf32> to vector<1xf32>
    %reduce_sum3A_2674 = vector.shape_cast %reduce_sum3A_2673 : vector<1xf32> to vector<1x1x1xf32>
    %reduce_sum3A_2675 = vector.extract %reduce_sum3A_2674[0, 0, 0] : f32 from vector<1x1x1xf32>
    %add3A_2676 = arith.addf %add3A_2574, %reduce_sum3A_2675 : f32
    %slice3A_2677 = vector.extract_strided_slice %broadcast_in_dim3A {offsets = [3328, 0], sizes = [128, 1], strides = [1, 1]} : vector<4096x1xf32> to vector<128x1xf32>
    %broadcast_in_dim3A_2678 = vector.shape_cast %slice3A_2677 : vector<128x1xf32> to vector<128x1xf32>
    %broadcast_in_dim3A_2679 = vector.broadcast %broadcast_in_dim3A_2678 : vector<128x1xf32> to vector<128x128xf32>
    %slice3A_2680 = vector.extract_strided_slice %dot_general3A_8 {offsets = [3328, 0], sizes = [128, 128], strides = [1, 1]} : vector<4096x1024xf32> to vector<128x128xf32>
    %sub3A_2681 = arith.subf %broadcast_in_dim3A_2679, %slice3A_2680 : vector<128x128xf32>
    %get3A_2682 = arith.constant 0 : index
    %get3A_2683 = arith.constant 0 : index
    %get3A_2684 = vector.load %arg3[%get3A_2682, %get3A_2683] : memref<1x1024xf32, #tpu.memory_space<vmem>>, vector<1x128xf32>
    %add3A_2685 = vector.broadcast %get3A_2684 : vector<1x128xf32> to vector<128x128xf32>
    %add3A_2686 = arith.addf %sub3A_2681, %add3A_2685 : vector<128x128xf32>
    %slice3A_2687 = vector.extract_strided_slice %dot_general3A_8 {offsets = [3328, 128], sizes = [128, 128], strides = [1, 1]} : vector<4096x1024xf32> to vector<128x128xf32>
    %sub3A_2688 = arith.subf %broadcast_in_dim3A_2679, %slice3A_2687 : vector<128x128xf32>
    %get3A_2689 = arith.constant 0 : index
    %get3A_2690 = arith.constant 128 : index
    %get3A_2691 = vector.load %arg3[%get3A_2689, %get3A_2690] : memref<1x1024xf32, #tpu.memory_space<vmem>>, vector<1x128xf32>
    %add3A_2692 = vector.broadcast %get3A_2691 : vector<1x128xf32> to vector<128x128xf32>
    %add3A_2693 = arith.addf %sub3A_2688, %add3A_2692 : vector<128x128xf32>
    %lt3A_2694 = arith.cmpf olt, %add3A_2693, %add3A_2686 : vector<128x128xf32>
    %select_n3A_2695 = arith.select %lt3A_2694, %add3A_2693, %add3A_2686 : vector<128x128xi1>, vector<128x128xf32>
    %select_n3A_2696 = arith.select %lt3A_2694, %add3A_13, %add3A_10 : vector<128x128xi1>, vector<128x128xi32>
    %slice3A_2697 = vector.extract_strided_slice %dot_general3A_8 {offsets = [3328, 256], sizes = [128, 128], strides = [1, 1]} : vector<4096x1024xf32> to vector<128x128xf32>
    %sub3A_2698 = arith.subf %broadcast_in_dim3A_2679, %slice3A_2697 : vector<128x128xf32>
    %get3A_2699 = arith.constant 0 : index
    %get3A_2700 = arith.constant 256 : index
    %get3A_2701 = vector.load %arg3[%get3A_2699, %get3A_2700] : memref<1x1024xf32, #tpu.memory_space<vmem>>, vector<1x128xf32>
    %add3A_2702 = vector.broadcast %get3A_2701 : vector<1x128xf32> to vector<128x128xf32>
    %add3A_2703 = arith.addf %sub3A_2698, %add3A_2702 : vector<128x128xf32>
    %lt3A_2704 = arith.cmpf olt, %add3A_2703, %select_n3A_2695 : vector<128x128xf32>
    %select_n3A_2705 = arith.select %lt3A_2704, %add3A_2703, %select_n3A_2695 : vector<128x128xi1>, vector<128x128xf32>
    %select_n3A_2706 = arith.select %lt3A_2704, %add3A_16, %select_n3A_2696 : vector<128x128xi1>, vector<128x128xi32>
    %slice3A_2707 = vector.extract_strided_slice %dot_general3A_8 {offsets = [3328, 384], sizes = [128, 128], strides = [1, 1]} : vector<4096x1024xf32> to vector<128x128xf32>
    %sub3A_2708 = arith.subf %broadcast_in_dim3A_2679, %slice3A_2707 : vector<128x128xf32>
    %get3A_2709 = arith.constant 0 : index
    %get3A_2710 = arith.constant 384 : index
    %get3A_2711 = vector.load %arg3[%get3A_2709, %get3A_2710] : memref<1x1024xf32, #tpu.memory_space<vmem>>, vector<1x128xf32>
    %add3A_2712 = vector.broadcast %get3A_2711 : vector<1x128xf32> to vector<128x128xf32>
    %add3A_2713 = arith.addf %sub3A_2708, %add3A_2712 : vector<128x128xf32>
    %lt3A_2714 = arith.cmpf olt, %add3A_2713, %select_n3A_2705 : vector<128x128xf32>
    %select_n3A_2715 = arith.select %lt3A_2714, %add3A_2713, %select_n3A_2705 : vector<128x128xi1>, vector<128x128xf32>
    %select_n3A_2716 = arith.select %lt3A_2714, %add3A_19, %select_n3A_2706 : vector<128x128xi1>, vector<128x128xi32>
    %slice3A_2717 = vector.extract_strided_slice %dot_general3A_8 {offsets = [3328, 512], sizes = [128, 128], strides = [1, 1]} : vector<4096x1024xf32> to vector<128x128xf32>
    %sub3A_2718 = arith.subf %broadcast_in_dim3A_2679, %slice3A_2717 : vector<128x128xf32>
    %get3A_2719 = arith.constant 0 : index
    %get3A_2720 = arith.constant 512 : index
    %get3A_2721 = vector.load %arg3[%get3A_2719, %get3A_2720] : memref<1x1024xf32, #tpu.memory_space<vmem>>, vector<1x128xf32>
    %add3A_2722 = vector.broadcast %get3A_2721 : vector<1x128xf32> to vector<128x128xf32>
    %add3A_2723 = arith.addf %sub3A_2718, %add3A_2722 : vector<128x128xf32>
    %lt3A_2724 = arith.cmpf olt, %add3A_2723, %select_n3A_2715 : vector<128x128xf32>
    %select_n3A_2725 = arith.select %lt3A_2724, %add3A_2723, %select_n3A_2715 : vector<128x128xi1>, vector<128x128xf32>
    %select_n3A_2726 = arith.select %lt3A_2724, %add3A_22, %select_n3A_2716 : vector<128x128xi1>, vector<128x128xi32>
    %slice3A_2727 = vector.extract_strided_slice %dot_general3A_8 {offsets = [3328, 640], sizes = [128, 128], strides = [1, 1]} : vector<4096x1024xf32> to vector<128x128xf32>
    %sub3A_2728 = arith.subf %broadcast_in_dim3A_2679, %slice3A_2727 : vector<128x128xf32>
    %get3A_2729 = arith.constant 0 : index
    %get3A_2730 = arith.constant 640 : index
    %get3A_2731 = vector.load %arg3[%get3A_2729, %get3A_2730] : memref<1x1024xf32, #tpu.memory_space<vmem>>, vector<1x128xf32>
    %add3A_2732 = vector.broadcast %get3A_2731 : vector<1x128xf32> to vector<128x128xf32>
    %add3A_2733 = arith.addf %sub3A_2728, %add3A_2732 : vector<128x128xf32>
    %lt3A_2734 = arith.cmpf olt, %add3A_2733, %select_n3A_2725 : vector<128x128xf32>
    %select_n3A_2735 = arith.select %lt3A_2734, %add3A_2733, %select_n3A_2725 : vector<128x128xi1>, vector<128x128xf32>
    %select_n3A_2736 = arith.select %lt3A_2734, %add3A_25, %select_n3A_2726 : vector<128x128xi1>, vector<128x128xi32>
    %slice3A_2737 = vector.extract_strided_slice %dot_general3A_8 {offsets = [3328, 768], sizes = [128, 128], strides = [1, 1]} : vector<4096x1024xf32> to vector<128x128xf32>
    %sub3A_2738 = arith.subf %broadcast_in_dim3A_2679, %slice3A_2737 : vector<128x128xf32>
    %get3A_2739 = arith.constant 0 : index
    %get3A_2740 = arith.constant 768 : index
    %get3A_2741 = vector.load %arg3[%get3A_2739, %get3A_2740] : memref<1x1024xf32, #tpu.memory_space<vmem>>, vector<1x128xf32>
    %add3A_2742 = vector.broadcast %get3A_2741 : vector<1x128xf32> to vector<128x128xf32>
    %add3A_2743 = arith.addf %sub3A_2738, %add3A_2742 : vector<128x128xf32>
    %lt3A_2744 = arith.cmpf olt, %add3A_2743, %select_n3A_2735 : vector<128x128xf32>
    %select_n3A_2745 = arith.select %lt3A_2744, %add3A_2743, %select_n3A_2735 : vector<128x128xi1>, vector<128x128xf32>
    %select_n3A_2746 = arith.select %lt3A_2744, %add3A_28, %select_n3A_2736 : vector<128x128xi1>, vector<128x128xi32>
    %slice3A_2747 = vector.extract_strided_slice %dot_general3A_8 {offsets = [3328, 896], sizes = [128, 128], strides = [1, 1]} : vector<4096x1024xf32> to vector<128x128xf32>
    %sub3A_2748 = arith.subf %broadcast_in_dim3A_2679, %slice3A_2747 : vector<128x128xf32>
    %get3A_2749 = arith.constant 0 : index
    %get3A_2750 = arith.constant 896 : index
    %get3A_2751 = vector.load %arg3[%get3A_2749, %get3A_2750] : memref<1x1024xf32, #tpu.memory_space<vmem>>, vector<1x128xf32>
    %add3A_2752 = vector.broadcast %get3A_2751 : vector<1x128xf32> to vector<128x128xf32>
    %add3A_2753 = arith.addf %sub3A_2748, %add3A_2752 : vector<128x128xf32>
    %lt3A_2754 = arith.cmpf olt, %add3A_2753, %select_n3A_2745 : vector<128x128xf32>
    %select_n3A_2755 = arith.select %lt3A_2754, %add3A_2753, %select_n3A_2745 : vector<128x128xi1>, vector<128x128xf32>
    %select_n3A_2756 = arith.select %lt3A_2754, %add3A_31, %select_n3A_2746 : vector<128x128xi1>, vector<128x128xi32>
    %reduce_min3A_2757 = arith.constant dense<0x7F800000> : vector<128xf32>
    %reduce_min3A_2758 = vector.multi_reduction <minimumf>, %select_n3A_2755, %reduce_min3A_2757 [1] : vector<128x128xf32> to vector<128xf32>
    %broadcast_in_dim3A_2759 = vector.shape_cast %reduce_min3A_2758 : vector<128xf32> to vector<128x1xf32>
    %eq3A_2760 = vector.broadcast %broadcast_in_dim3A_2759 : vector<128x1xf32> to vector<128x128xf32>
    %eq3A_2761 = arith.cmpf oeq, %select_n3A_2755, %eq3A_2760 : vector<128x128xf32>
    %jit3A_2762 = arith.constant 1024 : i32
    %broadcast_in_dim3A_2763 = vector.broadcast %jit3A_2762 : i32 to vector<128x128xi32>
    %select_n3A_2764 = arith.select %eq3A_2761, %select_n3A_2756, %broadcast_in_dim3A_2763 : vector<128x128xi1>, vector<128x128xi32>
    %reduce_min3A_2765 = arith.constant dense<2147483647> : vector<128xi32>
    %reduce_min3A_2766 = vector.multi_reduction <minsi>, %select_n3A_2764, %reduce_min3A_2765 [1] : vector<128x128xi32> to vector<128xi32>
    %swap3A_2767 = arith.constant 0 : index
    %swap3A_2768 = arith.constant 0 : index
    %swap3A_2769 = arith.constant 3328 : index
    %swap3A_2770 = vector.load %arg4[%swap3A_2767, %swap3A_2768, %swap3A_2769] : memref<1x1x4096xi32, #tpu.memory_space<vmem>>, vector<1x1x128xi32>
    %swap3A_2771 = vector.shape_cast %swap3A_2770 : vector<1x1x128xi32> to vector<128xi32>
    %swap3A_2772 = vector.shape_cast %reduce_min3A_2766 : vector<128xi32> to vector<1x1x128xi32>
    tpu.vector_store %arg4[%swap3A_2767, %swap3A_2768, %swap3A_2769], %swap3A_2772 {strides = array<i32>} : memref<1x1x4096xi32, #tpu.memory_space<vmem>>, vector<1x1x128xi32>,
    %reduce_sum3A_2773 = vector.shape_cast %broadcast_in_dim3A_2759 : vector<128x1xf32> to vector<1x128x1xf32>
    %reduce_sum3A_2774 = arith.constant dense<0.000000e+00> : vector<1xf32>
    %reduce_sum3A_2775 = vector.multi_reduction <add>, %reduce_sum3A_2773, %reduce_sum3A_2774 [1, 2] : vector<1x128x1xf32> to vector<1xf32>
    %reduce_sum3A_2776 = vector.shape_cast %reduce_sum3A_2775 : vector<1xf32> to vector<1x1x1xf32>
    %reduce_sum3A_2777 = vector.extract %reduce_sum3A_2776[0, 0, 0] : f32 from vector<1x1x1xf32>
    %add3A_2778 = arith.addf %add3A_2676, %reduce_sum3A_2777 : f32
    %slice3A_2779 = vector.extract_strided_slice %broadcast_in_dim3A {offsets = [3456, 0], sizes = [128, 1], strides = [1, 1]} : vector<4096x1xf32> to vector<128x1xf32>
    %broadcast_in_dim3A_2780 = vector.shape_cast %slice3A_2779 : vector<128x1xf32> to vector<128x1xf32>
    %broadcast_in_dim3A_2781 = vector.broadcast %broadcast_in_dim3A_2780 : vector<128x1xf32> to vector<128x128xf32>
    %slice3A_2782 = vector.extract_strided_slice %dot_general3A_8 {offsets = [3456, 0], sizes = [128, 128], strides = [1, 1]} : vector<4096x1024xf32> to vector<128x128xf32>
    %sub3A_2783 = arith.subf %broadcast_in_dim3A_2781, %slice3A_2782 : vector<128x128xf32>
    %get3A_2784 = arith.constant 0 : index
    %get3A_2785 = arith.constant 0 : index
    %get3A_2786 = vector.load %arg3[%get3A_2784, %get3A_2785] : memref<1x1024xf32, #tpu.memory_space<vmem>>, vector<1x128xf32>
    %add3A_2787 = vector.broadcast %get3A_2786 : vector<1x128xf32> to vector<128x128xf32>
    %add3A_2788 = arith.addf %sub3A_2783, %add3A_2787 : vector<128x128xf32>
    %slice3A_2789 = vector.extract_strided_slice %dot_general3A_8 {offsets = [3456, 128], sizes = [128, 128], strides = [1, 1]} : vector<4096x1024xf32> to vector<128x128xf32>
    %sub3A_2790 = arith.subf %broadcast_in_dim3A_2781, %slice3A_2789 : vector<128x128xf32>
    %get3A_2791 = arith.constant 0 : index
    %get3A_2792 = arith.constant 128 : index
    %get3A_2793 = vector.load %arg3[%get3A_2791, %get3A_2792] : memref<1x1024xf32, #tpu.memory_space<vmem>>, vector<1x128xf32>
    %add3A_2794 = vector.broadcast %get3A_2793 : vector<1x128xf32> to vector<128x128xf32>
    %add3A_2795 = arith.addf %sub3A_2790, %add3A_2794 : vector<128x128xf32>
    %lt3A_2796 = arith.cmpf olt, %add3A_2795, %add3A_2788 : vector<128x128xf32>
    %select_n3A_2797 = arith.select %lt3A_2796, %add3A_2795, %add3A_2788 : vector<128x128xi1>, vector<128x128xf32>
    %select_n3A_2798 = arith.select %lt3A_2796, %add3A_13, %add3A_10 : vector<128x128xi1>, vector<128x128xi32>
    %slice3A_2799 = vector.extract_strided_slice %dot_general3A_8 {offsets = [3456, 256], sizes = [128, 128], strides = [1, 1]} : vector<4096x1024xf32> to vector<128x128xf32>
    %sub3A_2800 = arith.subf %broadcast_in_dim3A_2781, %slice3A_2799 : vector<128x128xf32>
    %get3A_2801 = arith.constant 0 : index
    %get3A_2802 = arith.constant 256 : index
    %get3A_2803 = vector.load %arg3[%get3A_2801, %get3A_2802] : memref<1x1024xf32, #tpu.memory_space<vmem>>, vector<1x128xf32>
    %add3A_2804 = vector.broadcast %get3A_2803 : vector<1x128xf32> to vector<128x128xf32>
    %add3A_2805 = arith.addf %sub3A_2800, %add3A_2804 : vector<128x128xf32>
    %lt3A_2806 = arith.cmpf olt, %add3A_2805, %select_n3A_2797 : vector<128x128xf32>
    %select_n3A_2807 = arith.select %lt3A_2806, %add3A_2805, %select_n3A_2797 : vector<128x128xi1>, vector<128x128xf32>
    %select_n3A_2808 = arith.select %lt3A_2806, %add3A_16, %select_n3A_2798 : vector<128x128xi1>, vector<128x128xi32>
    %slice3A_2809 = vector.extract_strided_slice %dot_general3A_8 {offsets = [3456, 384], sizes = [128, 128], strides = [1, 1]} : vector<4096x1024xf32> to vector<128x128xf32>
    %sub3A_2810 = arith.subf %broadcast_in_dim3A_2781, %slice3A_2809 : vector<128x128xf32>
    %get3A_2811 = arith.constant 0 : index
    %get3A_2812 = arith.constant 384 : index
    %get3A_2813 = vector.load %arg3[%get3A_2811, %get3A_2812] : memref<1x1024xf32, #tpu.memory_space<vmem>>, vector<1x128xf32>
    %add3A_2814 = vector.broadcast %get3A_2813 : vector<1x128xf32> to vector<128x128xf32>
    %add3A_2815 = arith.addf %sub3A_2810, %add3A_2814 : vector<128x128xf32>
    %lt3A_2816 = arith.cmpf olt, %add3A_2815, %select_n3A_2807 : vector<128x128xf32>
    %select_n3A_2817 = arith.select %lt3A_2816, %add3A_2815, %select_n3A_2807 : vector<128x128xi1>, vector<128x128xf32>
    %select_n3A_2818 = arith.select %lt3A_2816, %add3A_19, %select_n3A_2808 : vector<128x128xi1>, vector<128x128xi32>
    %slice3A_2819 = vector.extract_strided_slice %dot_general3A_8 {offsets = [3456, 512], sizes = [128, 128], strides = [1, 1]} : vector<4096x1024xf32> to vector<128x128xf32>
    %sub3A_2820 = arith.subf %broadcast_in_dim3A_2781, %slice3A_2819 : vector<128x128xf32>
    %get3A_2821 = arith.constant 0 : index
    %get3A_2822 = arith.constant 512 : index
    %get3A_2823 = vector.load %arg3[%get3A_2821, %get3A_2822] : memref<1x1024xf32, #tpu.memory_space<vmem>>, vector<1x128xf32>
    %add3A_2824 = vector.broadcast %get3A_2823 : vector<1x128xf32> to vector<128x128xf32>
    %add3A_2825 = arith.addf %sub3A_2820, %add3A_2824 : vector<128x128xf32>
    %lt3A_2826 = arith.cmpf olt, %add3A_2825, %select_n3A_2817 : vector<128x128xf32>
    %select_n3A_2827 = arith.select %lt3A_2826, %add3A_2825, %select_n3A_2817 : vector<128x128xi1>, vector<128x128xf32>
    %select_n3A_2828 = arith.select %lt3A_2826, %add3A_22, %select_n3A_2818 : vector<128x128xi1>, vector<128x128xi32>
    %slice3A_2829 = vector.extract_strided_slice %dot_general3A_8 {offsets = [3456, 640], sizes = [128, 128], strides = [1, 1]} : vector<4096x1024xf32> to vector<128x128xf32>
    %sub3A_2830 = arith.subf %broadcast_in_dim3A_2781, %slice3A_2829 : vector<128x128xf32>
    %get3A_2831 = arith.constant 0 : index
    %get3A_2832 = arith.constant 640 : index
    %get3A_2833 = vector.load %arg3[%get3A_2831, %get3A_2832] : memref<1x1024xf32, #tpu.memory_space<vmem>>, vector<1x128xf32>
    %add3A_2834 = vector.broadcast %get3A_2833 : vector<1x128xf32> to vector<128x128xf32>
    %add3A_2835 = arith.addf %sub3A_2830, %add3A_2834 : vector<128x128xf32>
    %lt3A_2836 = arith.cmpf olt, %add3A_2835, %select_n3A_2827 : vector<128x128xf32>
    %select_n3A_2837 = arith.select %lt3A_2836, %add3A_2835, %select_n3A_2827 : vector<128x128xi1>, vector<128x128xf32>
    %select_n3A_2838 = arith.select %lt3A_2836, %add3A_25, %select_n3A_2828 : vector<128x128xi1>, vector<128x128xi32>
    %slice3A_2839 = vector.extract_strided_slice %dot_general3A_8 {offsets = [3456, 768], sizes = [128, 128], strides = [1, 1]} : vector<4096x1024xf32> to vector<128x128xf32>
    %sub3A_2840 = arith.subf %broadcast_in_dim3A_2781, %slice3A_2839 : vector<128x128xf32>
    %get3A_2841 = arith.constant 0 : index
    %get3A_2842 = arith.constant 768 : index
    %get3A_2843 = vector.load %arg3[%get3A_2841, %get3A_2842] : memref<1x1024xf32, #tpu.memory_space<vmem>>, vector<1x128xf32>
    %add3A_2844 = vector.broadcast %get3A_2843 : vector<1x128xf32> to vector<128x128xf32>
    %add3A_2845 = arith.addf %sub3A_2840, %add3A_2844 : vector<128x128xf32>
    %lt3A_2846 = arith.cmpf olt, %add3A_2845, %select_n3A_2837 : vector<128x128xf32>
    %select_n3A_2847 = arith.select %lt3A_2846, %add3A_2845, %select_n3A_2837 : vector<128x128xi1>, vector<128x128xf32>
    %select_n3A_2848 = arith.select %lt3A_2846, %add3A_28, %select_n3A_2838 : vector<128x128xi1>, vector<128x128xi32>
    %slice3A_2849 = vector.extract_strided_slice %dot_general3A_8 {offsets = [3456, 896], sizes = [128, 128], strides = [1, 1]} : vector<4096x1024xf32> to vector<128x128xf32>
    %sub3A_2850 = arith.subf %broadcast_in_dim3A_2781, %slice3A_2849 : vector<128x128xf32>
    %get3A_2851 = arith.constant 0 : index
    %get3A_2852 = arith.constant 896 : index
    %get3A_2853 = vector.load %arg3[%get3A_2851, %get3A_2852] : memref<1x1024xf32, #tpu.memory_space<vmem>>, vector<1x128xf32>
    %add3A_2854 = vector.broadcast %get3A_2853 : vector<1x128xf32> to vector<128x128xf32>
    %add3A_2855 = arith.addf %sub3A_2850, %add3A_2854 : vector<128x128xf32>
    %lt3A_2856 = arith.cmpf olt, %add3A_2855, %select_n3A_2847 : vector<128x128xf32>
    %select_n3A_2857 = arith.select %lt3A_2856, %add3A_2855, %select_n3A_2847 : vector<128x128xi1>, vector<128x128xf32>
    %select_n3A_2858 = arith.select %lt3A_2856, %add3A_31, %select_n3A_2848 : vector<128x128xi1>, vector<128x128xi32>
    %reduce_min3A_2859 = arith.constant dense<0x7F800000> : vector<128xf32>
    %reduce_min3A_2860 = vector.multi_reduction <minimumf>, %select_n3A_2857, %reduce_min3A_2859 [1] : vector<128x128xf32> to vector<128xf32>
    %broadcast_in_dim3A_2861 = vector.shape_cast %reduce_min3A_2860 : vector<128xf32> to vector<128x1xf32>
    %eq3A_2862 = vector.broadcast %broadcast_in_dim3A_2861 : vector<128x1xf32> to vector<128x128xf32>
    %eq3A_2863 = arith.cmpf oeq, %select_n3A_2857, %eq3A_2862 : vector<128x128xf32>
    %jit3A_2864 = arith.constant 1024 : i32
    %broadcast_in_dim3A_2865 = vector.broadcast %jit3A_2864 : i32 to vector<128x128xi32>
    %select_n3A_2866 = arith.select %eq3A_2863, %select_n3A_2858, %broadcast_in_dim3A_2865 : vector<128x128xi1>, vector<128x128xi32>
    %reduce_min3A_2867 = arith.constant dense<2147483647> : vector<128xi32>
    %reduce_min3A_2868 = vector.multi_reduction <minsi>, %select_n3A_2866, %reduce_min3A_2867 [1] : vector<128x128xi32> to vector<128xi32>
    %swap3A_2869 = arith.constant 0 : index
    %swap3A_2870 = arith.constant 0 : index
    %swap3A_2871 = arith.constant 3456 : index
    %swap3A_2872 = vector.load %arg4[%swap3A_2869, %swap3A_2870, %swap3A_2871] : memref<1x1x4096xi32, #tpu.memory_space<vmem>>, vector<1x1x128xi32>
    %swap3A_2873 = vector.shape_cast %swap3A_2872 : vector<1x1x128xi32> to vector<128xi32>
    %swap3A_2874 = vector.shape_cast %reduce_min3A_2868 : vector<128xi32> to vector<1x1x128xi32>
    tpu.vector_store %arg4[%swap3A_2869, %swap3A_2870, %swap3A_2871], %swap3A_2874 {strides = array<i32>} : memref<1x1x4096xi32, #tpu.memory_space<vmem>>, vector<1x1x128xi32>,
    %reduce_sum3A_2875 = vector.shape_cast %broadcast_in_dim3A_2861 : vector<128x1xf32> to vector<1x128x1xf32>
    %reduce_sum3A_2876 = arith.constant dense<0.000000e+00> : vector<1xf32>
    %reduce_sum3A_2877 = vector.multi_reduction <add>, %reduce_sum3A_2875, %reduce_sum3A_2876 [1, 2] : vector<1x128x1xf32> to vector<1xf32>
    %reduce_sum3A_2878 = vector.shape_cast %reduce_sum3A_2877 : vector<1xf32> to vector<1x1x1xf32>
    %reduce_sum3A_2879 = vector.extract %reduce_sum3A_2878[0, 0, 0] : f32 from vector<1x1x1xf32>
    %add3A_2880 = arith.addf %add3A_2778, %reduce_sum3A_2879 : f32
    %slice3A_2881 = vector.extract_strided_slice %broadcast_in_dim3A {offsets = [3584, 0], sizes = [128, 1], strides = [1, 1]} : vector<4096x1xf32> to vector<128x1xf32>
    %broadcast_in_dim3A_2882 = vector.shape_cast %slice3A_2881 : vector<128x1xf32> to vector<128x1xf32>
    %broadcast_in_dim3A_2883 = vector.broadcast %broadcast_in_dim3A_2882 : vector<128x1xf32> to vector<128x128xf32>
    %slice3A_2884 = vector.extract_strided_slice %dot_general3A_8 {offsets = [3584, 0], sizes = [128, 128], strides = [1, 1]} : vector<4096x1024xf32> to vector<128x128xf32>
    %sub3A_2885 = arith.subf %broadcast_in_dim3A_2883, %slice3A_2884 : vector<128x128xf32>
    %get3A_2886 = arith.constant 0 : index
    %get3A_2887 = arith.constant 0 : index
    %get3A_2888 = vector.load %arg3[%get3A_2886, %get3A_2887] : memref<1x1024xf32, #tpu.memory_space<vmem>>, vector<1x128xf32>
    %add3A_2889 = vector.broadcast %get3A_2888 : vector<1x128xf32> to vector<128x128xf32>
    %add3A_2890 = arith.addf %sub3A_2885, %add3A_2889 : vector<128x128xf32>
    %slice3A_2891 = vector.extract_strided_slice %dot_general3A_8 {offsets = [3584, 128], sizes = [128, 128], strides = [1, 1]} : vector<4096x1024xf32> to vector<128x128xf32>
    %sub3A_2892 = arith.subf %broadcast_in_dim3A_2883, %slice3A_2891 : vector<128x128xf32>
    %get3A_2893 = arith.constant 0 : index
    %get3A_2894 = arith.constant 128 : index
    %get3A_2895 = vector.load %arg3[%get3A_2893, %get3A_2894] : memref<1x1024xf32, #tpu.memory_space<vmem>>, vector<1x128xf32>
    %add3A_2896 = vector.broadcast %get3A_2895 : vector<1x128xf32> to vector<128x128xf32>
    %add3A_2897 = arith.addf %sub3A_2892, %add3A_2896 : vector<128x128xf32>
    %lt3A_2898 = arith.cmpf olt, %add3A_2897, %add3A_2890 : vector<128x128xf32>
    %select_n3A_2899 = arith.select %lt3A_2898, %add3A_2897, %add3A_2890 : vector<128x128xi1>, vector<128x128xf32>
    %select_n3A_2900 = arith.select %lt3A_2898, %add3A_13, %add3A_10 : vector<128x128xi1>, vector<128x128xi32>
    %slice3A_2901 = vector.extract_strided_slice %dot_general3A_8 {offsets = [3584, 256], sizes = [128, 128], strides = [1, 1]} : vector<4096x1024xf32> to vector<128x128xf32>
    %sub3A_2902 = arith.subf %broadcast_in_dim3A_2883, %slice3A_2901 : vector<128x128xf32>
    %get3A_2903 = arith.constant 0 : index
    %get3A_2904 = arith.constant 256 : index
    %get3A_2905 = vector.load %arg3[%get3A_2903, %get3A_2904] : memref<1x1024xf32, #tpu.memory_space<vmem>>, vector<1x128xf32>
    %add3A_2906 = vector.broadcast %get3A_2905 : vector<1x128xf32> to vector<128x128xf32>
    %add3A_2907 = arith.addf %sub3A_2902, %add3A_2906 : vector<128x128xf32>
    %lt3A_2908 = arith.cmpf olt, %add3A_2907, %select_n3A_2899 : vector<128x128xf32>
    %select_n3A_2909 = arith.select %lt3A_2908, %add3A_2907, %select_n3A_2899 : vector<128x128xi1>, vector<128x128xf32>
    %select_n3A_2910 = arith.select %lt3A_2908, %add3A_16, %select_n3A_2900 : vector<128x128xi1>, vector<128x128xi32>
    %slice3A_2911 = vector.extract_strided_slice %dot_general3A_8 {offsets = [3584, 384], sizes = [128, 128], strides = [1, 1]} : vector<4096x1024xf32> to vector<128x128xf32>
    %sub3A_2912 = arith.subf %broadcast_in_dim3A_2883, %slice3A_2911 : vector<128x128xf32>
    %get3A_2913 = arith.constant 0 : index
    %get3A_2914 = arith.constant 384 : index
    %get3A_2915 = vector.load %arg3[%get3A_2913, %get3A_2914] : memref<1x1024xf32, #tpu.memory_space<vmem>>, vector<1x128xf32>
    %add3A_2916 = vector.broadcast %get3A_2915 : vector<1x128xf32> to vector<128x128xf32>
    %add3A_2917 = arith.addf %sub3A_2912, %add3A_2916 : vector<128x128xf32>
    %lt3A_2918 = arith.cmpf olt, %add3A_2917, %select_n3A_2909 : vector<128x128xf32>
    %select_n3A_2919 = arith.select %lt3A_2918, %add3A_2917, %select_n3A_2909 : vector<128x128xi1>, vector<128x128xf32>
    %select_n3A_2920 = arith.select %lt3A_2918, %add3A_19, %select_n3A_2910 : vector<128x128xi1>, vector<128x128xi32>
    %slice3A_2921 = vector.extract_strided_slice %dot_general3A_8 {offsets = [3584, 512], sizes = [128, 128], strides = [1, 1]} : vector<4096x1024xf32> to vector<128x128xf32>
    %sub3A_2922 = arith.subf %broadcast_in_dim3A_2883, %slice3A_2921 : vector<128x128xf32>
    %get3A_2923 = arith.constant 0 : index
    %get3A_2924 = arith.constant 512 : index
    %get3A_2925 = vector.load %arg3[%get3A_2923, %get3A_2924] : memref<1x1024xf32, #tpu.memory_space<vmem>>, vector<1x128xf32>
    %add3A_2926 = vector.broadcast %get3A_2925 : vector<1x128xf32> to vector<128x128xf32>
    %add3A_2927 = arith.addf %sub3A_2922, %add3A_2926 : vector<128x128xf32>
    %lt3A_2928 = arith.cmpf olt, %add3A_2927, %select_n3A_2919 : vector<128x128xf32>
    %select_n3A_2929 = arith.select %lt3A_2928, %add3A_2927, %select_n3A_2919 : vector<128x128xi1>, vector<128x128xf32>
    %select_n3A_2930 = arith.select %lt3A_2928, %add3A_22, %select_n3A_2920 : vector<128x128xi1>, vector<128x128xi32>
    %slice3A_2931 = vector.extract_strided_slice %dot_general3A_8 {offsets = [3584, 640], sizes = [128, 128], strides = [1, 1]} : vector<4096x1024xf32> to vector<128x128xf32>
    %sub3A_2932 = arith.subf %broadcast_in_dim3A_2883, %slice3A_2931 : vector<128x128xf32>
    %get3A_2933 = arith.constant 0 : index
    %get3A_2934 = arith.constant 640 : index
    %get3A_2935 = vector.load %arg3[%get3A_2933, %get3A_2934] : memref<1x1024xf32, #tpu.memory_space<vmem>>, vector<1x128xf32>
    %add3A_2936 = vector.broadcast %get3A_2935 : vector<1x128xf32> to vector<128x128xf32>
    %add3A_2937 = arith.addf %sub3A_2932, %add3A_2936 : vector<128x128xf32>
    %lt3A_2938 = arith.cmpf olt, %add3A_2937, %select_n3A_2929 : vector<128x128xf32>
    %select_n3A_2939 = arith.select %lt3A_2938, %add3A_2937, %select_n3A_2929 : vector<128x128xi1>, vector<128x128xf32>
    %select_n3A_2940 = arith.select %lt3A_2938, %add3A_25, %select_n3A_2930 : vector<128x128xi1>, vector<128x128xi32>
    %slice3A_2941 = vector.extract_strided_slice %dot_general3A_8 {offsets = [3584, 768], sizes = [128, 128], strides = [1, 1]} : vector<4096x1024xf32> to vector<128x128xf32>
    %sub3A_2942 = arith.subf %broadcast_in_dim3A_2883, %slice3A_2941 : vector<128x128xf32>
    %get3A_2943 = arith.constant 0 : index
    %get3A_2944 = arith.constant 768 : index
    %get3A_2945 = vector.load %arg3[%get3A_2943, %get3A_2944] : memref<1x1024xf32, #tpu.memory_space<vmem>>, vector<1x128xf32>
    %add3A_2946 = vector.broadcast %get3A_2945 : vector<1x128xf32> to vector<128x128xf32>
    %add3A_2947 = arith.addf %sub3A_2942, %add3A_2946 : vector<128x128xf32>
    %lt3A_2948 = arith.cmpf olt, %add3A_2947, %select_n3A_2939 : vector<128x128xf32>
    %select_n3A_2949 = arith.select %lt3A_2948, %add3A_2947, %select_n3A_2939 : vector<128x128xi1>, vector<128x128xf32>
    %select_n3A_2950 = arith.select %lt3A_2948, %add3A_28, %select_n3A_2940 : vector<128x128xi1>, vector<128x128xi32>
    %slice3A_2951 = vector.extract_strided_slice %dot_general3A_8 {offsets = [3584, 896], sizes = [128, 128], strides = [1, 1]} : vector<4096x1024xf32> to vector<128x128xf32>
    %sub3A_2952 = arith.subf %broadcast_in_dim3A_2883, %slice3A_2951 : vector<128x128xf32>
    %get3A_2953 = arith.constant 0 : index
    %get3A_2954 = arith.constant 896 : index
    %get3A_2955 = vector.load %arg3[%get3A_2953, %get3A_2954] : memref<1x1024xf32, #tpu.memory_space<vmem>>, vector<1x128xf32>
    %add3A_2956 = vector.broadcast %get3A_2955 : vector<1x128xf32> to vector<128x128xf32>
    %add3A_2957 = arith.addf %sub3A_2952, %add3A_2956 : vector<128x128xf32>
    %lt3A_2958 = arith.cmpf olt, %add3A_2957, %select_n3A_2949 : vector<128x128xf32>
    %select_n3A_2959 = arith.select %lt3A_2958, %add3A_2957, %select_n3A_2949 : vector<128x128xi1>, vector<128x128xf32>
    %select_n3A_2960 = arith.select %lt3A_2958, %add3A_31, %select_n3A_2950 : vector<128x128xi1>, vector<128x128xi32>
    %reduce_min3A_2961 = arith.constant dense<0x7F800000> : vector<128xf32>
    %reduce_min3A_2962 = vector.multi_reduction <minimumf>, %select_n3A_2959, %reduce_min3A_2961 [1] : vector<128x128xf32> to vector<128xf32>
    %broadcast_in_dim3A_2963 = vector.shape_cast %reduce_min3A_2962 : vector<128xf32> to vector<128x1xf32>
    %eq3A_2964 = vector.broadcast %broadcast_in_dim3A_2963 : vector<128x1xf32> to vector<128x128xf32>
    %eq3A_2965 = arith.cmpf oeq, %select_n3A_2959, %eq3A_2964 : vector<128x128xf32>
    %jit3A_2966 = arith.constant 1024 : i32
    %broadcast_in_dim3A_2967 = vector.broadcast %jit3A_2966 : i32 to vector<128x128xi32>
    %select_n3A_2968 = arith.select %eq3A_2965, %select_n3A_2960, %broadcast_in_dim3A_2967 : vector<128x128xi1>, vector<128x128xi32>
    %reduce_min3A_2969 = arith.constant dense<2147483647> : vector<128xi32>
    %reduce_min3A_2970 = vector.multi_reduction <minsi>, %select_n3A_2968, %reduce_min3A_2969 [1] : vector<128x128xi32> to vector<128xi32>
    %swap3A_2971 = arith.constant 0 : index
    %swap3A_2972 = arith.constant 0 : index
    %swap3A_2973 = arith.constant 3584 : index
    %swap3A_2974 = vector.load %arg4[%swap3A_2971, %swap3A_2972, %swap3A_2973] : memref<1x1x4096xi32, #tpu.memory_space<vmem>>, vector<1x1x128xi32>
    %swap3A_2975 = vector.shape_cast %swap3A_2974 : vector<1x1x128xi32> to vector<128xi32>
    %swap3A_2976 = vector.shape_cast %reduce_min3A_2970 : vector<128xi32> to vector<1x1x128xi32>
    tpu.vector_store %arg4[%swap3A_2971, %swap3A_2972, %swap3A_2973], %swap3A_2976 {strides = array<i32>} : memref<1x1x4096xi32, #tpu.memory_space<vmem>>, vector<1x1x128xi32>,
    %reduce_sum3A_2977 = vector.shape_cast %broadcast_in_dim3A_2963 : vector<128x1xf32> to vector<1x128x1xf32>
    %reduce_sum3A_2978 = arith.constant dense<0.000000e+00> : vector<1xf32>
    %reduce_sum3A_2979 = vector.multi_reduction <add>, %reduce_sum3A_2977, %reduce_sum3A_2978 [1, 2] : vector<1x128x1xf32> to vector<1xf32>
    %reduce_sum3A_2980 = vector.shape_cast %reduce_sum3A_2979 : vector<1xf32> to vector<1x1x1xf32>
    %reduce_sum3A_2981 = vector.extract %reduce_sum3A_2980[0, 0, 0] : f32 from vector<1x1x1xf32>
    %add3A_2982 = arith.addf %add3A_2880, %reduce_sum3A_2981 : f32
    %slice3A_2983 = vector.extract_strided_slice %broadcast_in_dim3A {offsets = [3712, 0], sizes = [128, 1], strides = [1, 1]} : vector<4096x1xf32> to vector<128x1xf32>
    %broadcast_in_dim3A_2984 = vector.shape_cast %slice3A_2983 : vector<128x1xf32> to vector<128x1xf32>
    %broadcast_in_dim3A_2985 = vector.broadcast %broadcast_in_dim3A_2984 : vector<128x1xf32> to vector<128x128xf32>
    %slice3A_2986 = vector.extract_strided_slice %dot_general3A_8 {offsets = [3712, 0], sizes = [128, 128], strides = [1, 1]} : vector<4096x1024xf32> to vector<128x128xf32>
    %sub3A_2987 = arith.subf %broadcast_in_dim3A_2985, %slice3A_2986 : vector<128x128xf32>
    %get3A_2988 = arith.constant 0 : index
    %get3A_2989 = arith.constant 0 : index
    %get3A_2990 = vector.load %arg3[%get3A_2988, %get3A_2989] : memref<1x1024xf32, #tpu.memory_space<vmem>>, vector<1x128xf32>
    %add3A_2991 = vector.broadcast %get3A_2990 : vector<1x128xf32> to vector<128x128xf32>
    %add3A_2992 = arith.addf %sub3A_2987, %add3A_2991 : vector<128x128xf32>
    %slice3A_2993 = vector.extract_strided_slice %dot_general3A_8 {offsets = [3712, 128], sizes = [128, 128], strides = [1, 1]} : vector<4096x1024xf32> to vector<128x128xf32>
    %sub3A_2994 = arith.subf %broadcast_in_dim3A_2985, %slice3A_2993 : vector<128x128xf32>
    %get3A_2995 = arith.constant 0 : index
    %get3A_2996 = arith.constant 128 : index
    %get3A_2997 = vector.load %arg3[%get3A_2995, %get3A_2996] : memref<1x1024xf32, #tpu.memory_space<vmem>>, vector<1x128xf32>
    %add3A_2998 = vector.broadcast %get3A_2997 : vector<1x128xf32> to vector<128x128xf32>
    %add3A_2999 = arith.addf %sub3A_2994, %add3A_2998 : vector<128x128xf32>
    %lt3A_3000 = arith.cmpf olt, %add3A_2999, %add3A_2992 : vector<128x128xf32>
    %select_n3A_3001 = arith.select %lt3A_3000, %add3A_2999, %add3A_2992 : vector<128x128xi1>, vector<128x128xf32>
    %select_n3A_3002 = arith.select %lt3A_3000, %add3A_13, %add3A_10 : vector<128x128xi1>, vector<128x128xi32>
    %slice3A_3003 = vector.extract_strided_slice %dot_general3A_8 {offsets = [3712, 256], sizes = [128, 128], strides = [1, 1]} : vector<4096x1024xf32> to vector<128x128xf32>
    %sub3A_3004 = arith.subf %broadcast_in_dim3A_2985, %slice3A_3003 : vector<128x128xf32>
    %get3A_3005 = arith.constant 0 : index
    %get3A_3006 = arith.constant 256 : index
    %get3A_3007 = vector.load %arg3[%get3A_3005, %get3A_3006] : memref<1x1024xf32, #tpu.memory_space<vmem>>, vector<1x128xf32>
    %add3A_3008 = vector.broadcast %get3A_3007 : vector<1x128xf32> to vector<128x128xf32>
    %add3A_3009 = arith.addf %sub3A_3004, %add3A_3008 : vector<128x128xf32>
    %lt3A_3010 = arith.cmpf olt, %add3A_3009, %select_n3A_3001 : vector<128x128xf32>
    %select_n3A_3011 = arith.select %lt3A_3010, %add3A_3009, %select_n3A_3001 : vector<128x128xi1>, vector<128x128xf32>
    %select_n3A_3012 = arith.select %lt3A_3010, %add3A_16, %select_n3A_3002 : vector<128x128xi1>, vector<128x128xi32>
    %slice3A_3013 = vector.extract_strided_slice %dot_general3A_8 {offsets = [3712, 384], sizes = [128, 128], strides = [1, 1]} : vector<4096x1024xf32> to vector<128x128xf32>
    %sub3A_3014 = arith.subf %broadcast_in_dim3A_2985, %slice3A_3013 : vector<128x128xf32>
    %get3A_3015 = arith.constant 0 : index
    %get3A_3016 = arith.constant 384 : index
    %get3A_3017 = vector.load %arg3[%get3A_3015, %get3A_3016] : memref<1x1024xf32, #tpu.memory_space<vmem>>, vector<1x128xf32>
    %add3A_3018 = vector.broadcast %get3A_3017 : vector<1x128xf32> to vector<128x128xf32>
    %add3A_3019 = arith.addf %sub3A_3014, %add3A_3018 : vector<128x128xf32>
    %lt3A_3020 = arith.cmpf olt, %add3A_3019, %select_n3A_3011 : vector<128x128xf32>
    %select_n3A_3021 = arith.select %lt3A_3020, %add3A_3019, %select_n3A_3011 : vector<128x128xi1>, vector<128x128xf32>
    %select_n3A_3022 = arith.select %lt3A_3020, %add3A_19, %select_n3A_3012 : vector<128x128xi1>, vector<128x128xi32>
    %slice3A_3023 = vector.extract_strided_slice %dot_general3A_8 {offsets = [3712, 512], sizes = [128, 128], strides = [1, 1]} : vector<4096x1024xf32> to vector<128x128xf32>
    %sub3A_3024 = arith.subf %broadcast_in_dim3A_2985, %slice3A_3023 : vector<128x128xf32>
    %get3A_3025 = arith.constant 0 : index
    %get3A_3026 = arith.constant 512 : index
    %get3A_3027 = vector.load %arg3[%get3A_3025, %get3A_3026] : memref<1x1024xf32, #tpu.memory_space<vmem>>, vector<1x128xf32>
    %add3A_3028 = vector.broadcast %get3A_3027 : vector<1x128xf32> to vector<128x128xf32>
    %add3A_3029 = arith.addf %sub3A_3024, %add3A_3028 : vector<128x128xf32>
    %lt3A_3030 = arith.cmpf olt, %add3A_3029, %select_n3A_3021 : vector<128x128xf32>
    %select_n3A_3031 = arith.select %lt3A_3030, %add3A_3029, %select_n3A_3021 : vector<128x128xi1>, vector<128x128xf32>
    %select_n3A_3032 = arith.select %lt3A_3030, %add3A_22, %select_n3A_3022 : vector<128x128xi1>, vector<128x128xi32>
    %slice3A_3033 = vector.extract_strided_slice %dot_general3A_8 {offsets = [3712, 640], sizes = [128, 128], strides = [1, 1]} : vector<4096x1024xf32> to vector<128x128xf32>
    %sub3A_3034 = arith.subf %broadcast_in_dim3A_2985, %slice3A_3033 : vector<128x128xf32>
    %get3A_3035 = arith.constant 0 : index
    %get3A_3036 = arith.constant 640 : index
    %get3A_3037 = vector.load %arg3[%get3A_3035, %get3A_3036] : memref<1x1024xf32, #tpu.memory_space<vmem>>, vector<1x128xf32>
    %add3A_3038 = vector.broadcast %get3A_3037 : vector<1x128xf32> to vector<128x128xf32>
    %add3A_3039 = arith.addf %sub3A_3034, %add3A_3038 : vector<128x128xf32>
    %lt3A_3040 = arith.cmpf olt, %add3A_3039, %select_n3A_3031 : vector<128x128xf32>
    %select_n3A_3041 = arith.select %lt3A_3040, %add3A_3039, %select_n3A_3031 : vector<128x128xi1>, vector<128x128xf32>
    %select_n3A_3042 = arith.select %lt3A_3040, %add3A_25, %select_n3A_3032 : vector<128x128xi1>, vector<128x128xi32>
    %slice3A_3043 = vector.extract_strided_slice %dot_general3A_8 {offsets = [3712, 768], sizes = [128, 128], strides = [1, 1]} : vector<4096x1024xf32> to vector<128x128xf32>
    %sub3A_3044 = arith.subf %broadcast_in_dim3A_2985, %slice3A_3043 : vector<128x128xf32>
    %get3A_3045 = arith.constant 0 : index
    %get3A_3046 = arith.constant 768 : index
    %get3A_3047 = vector.load %arg3[%get3A_3045, %get3A_3046] : memref<1x1024xf32, #tpu.memory_space<vmem>>, vector<1x128xf32>
    %add3A_3048 = vector.broadcast %get3A_3047 : vector<1x128xf32> to vector<128x128xf32>
    %add3A_3049 = arith.addf %sub3A_3044, %add3A_3048 : vector<128x128xf32>
    %lt3A_3050 = arith.cmpf olt, %add3A_3049, %select_n3A_3041 : vector<128x128xf32>
    %select_n3A_3051 = arith.select %lt3A_3050, %add3A_3049, %select_n3A_3041 : vector<128x128xi1>, vector<128x128xf32>
    %select_n3A_3052 = arith.select %lt3A_3050, %add3A_28, %select_n3A_3042 : vector<128x128xi1>, vector<128x128xi32>
    %slice3A_3053 = vector.extract_strided_slice %dot_general3A_8 {offsets = [3712, 896], sizes = [128, 128], strides = [1, 1]} : vector<4096x1024xf32> to vector<128x128xf32>
    %sub3A_3054 = arith.subf %broadcast_in_dim3A_2985, %slice3A_3053 : vector<128x128xf32>
    %get3A_3055 = arith.constant 0 : index
    %get3A_3056 = arith.constant 896 : index
    %get3A_3057 = vector.load %arg3[%get3A_3055, %get3A_3056] : memref<1x1024xf32, #tpu.memory_space<vmem>>, vector<1x128xf32>
    %add3A_3058 = vector.broadcast %get3A_3057 : vector<1x128xf32> to vector<128x128xf32>
    %add3A_3059 = arith.addf %sub3A_3054, %add3A_3058 : vector<128x128xf32>
    %lt3A_3060 = arith.cmpf olt, %add3A_3059, %select_n3A_3051 : vector<128x128xf32>
    %select_n3A_3061 = arith.select %lt3A_3060, %add3A_3059, %select_n3A_3051 : vector<128x128xi1>, vector<128x128xf32>
    %select_n3A_3062 = arith.select %lt3A_3060, %add3A_31, %select_n3A_3052 : vector<128x128xi1>, vector<128x128xi32>
    %reduce_min3A_3063 = arith.constant dense<0x7F800000> : vector<128xf32>
    %reduce_min3A_3064 = vector.multi_reduction <minimumf>, %select_n3A_3061, %reduce_min3A_3063 [1] : vector<128x128xf32> to vector<128xf32>
    %broadcast_in_dim3A_3065 = vector.shape_cast %reduce_min3A_3064 : vector<128xf32> to vector<128x1xf32>
    %eq3A_3066 = vector.broadcast %broadcast_in_dim3A_3065 : vector<128x1xf32> to vector<128x128xf32>
    %eq3A_3067 = arith.cmpf oeq, %select_n3A_3061, %eq3A_3066 : vector<128x128xf32>
    %jit3A_3068 = arith.constant 1024 : i32
    %broadcast_in_dim3A_3069 = vector.broadcast %jit3A_3068 : i32 to vector<128x128xi32>
    %select_n3A_3070 = arith.select %eq3A_3067, %select_n3A_3062, %broadcast_in_dim3A_3069 : vector<128x128xi1>, vector<128x128xi32>
    %reduce_min3A_3071 = arith.constant dense<2147483647> : vector<128xi32>
    %reduce_min3A_3072 = vector.multi_reduction <minsi>, %select_n3A_3070, %reduce_min3A_3071 [1] : vector<128x128xi32> to vector<128xi32>
    %swap3A_3073 = arith.constant 0 : index
    %swap3A_3074 = arith.constant 0 : index
    %swap3A_3075 = arith.constant 3712 : index
    %swap3A_3076 = vector.load %arg4[%swap3A_3073, %swap3A_3074, %swap3A_3075] : memref<1x1x4096xi32, #tpu.memory_space<vmem>>, vector<1x1x128xi32>
    %swap3A_3077 = vector.shape_cast %swap3A_3076 : vector<1x1x128xi32> to vector<128xi32>
    %swap3A_3078 = vector.shape_cast %reduce_min3A_3072 : vector<128xi32> to vector<1x1x128xi32>
    tpu.vector_store %arg4[%swap3A_3073, %swap3A_3074, %swap3A_3075], %swap3A_3078 {strides = array<i32>} : memref<1x1x4096xi32, #tpu.memory_space<vmem>>, vector<1x1x128xi32>,
    %reduce_sum3A_3079 = vector.shape_cast %broadcast_in_dim3A_3065 : vector<128x1xf32> to vector<1x128x1xf32>
    %reduce_sum3A_3080 = arith.constant dense<0.000000e+00> : vector<1xf32>
    %reduce_sum3A_3081 = vector.multi_reduction <add>, %reduce_sum3A_3079, %reduce_sum3A_3080 [1, 2] : vector<1x128x1xf32> to vector<1xf32>
    %reduce_sum3A_3082 = vector.shape_cast %reduce_sum3A_3081 : vector<1xf32> to vector<1x1x1xf32>
    %reduce_sum3A_3083 = vector.extract %reduce_sum3A_3082[0, 0, 0] : f32 from vector<1x1x1xf32>
    %add3A_3084 = arith.addf %add3A_2982, %reduce_sum3A_3083 : f32
    %slice3A_3085 = vector.extract_strided_slice %broadcast_in_dim3A {offsets = [3840, 0], sizes = [128, 1], strides = [1, 1]} : vector<4096x1xf32> to vector<128x1xf32>
    %broadcast_in_dim3A_3086 = vector.shape_cast %slice3A_3085 : vector<128x1xf32> to vector<128x1xf32>
    %broadcast_in_dim3A_3087 = vector.broadcast %broadcast_in_dim3A_3086 : vector<128x1xf32> to vector<128x128xf32>
    %slice3A_3088 = vector.extract_strided_slice %dot_general3A_8 {offsets = [3840, 0], sizes = [128, 128], strides = [1, 1]} : vector<4096x1024xf32> to vector<128x128xf32>
    %sub3A_3089 = arith.subf %broadcast_in_dim3A_3087, %slice3A_3088 : vector<128x128xf32>
    %get3A_3090 = arith.constant 0 : index
    %get3A_3091 = arith.constant 0 : index
    %get3A_3092 = vector.load %arg3[%get3A_3090, %get3A_3091] : memref<1x1024xf32, #tpu.memory_space<vmem>>, vector<1x128xf32>
    %add3A_3093 = vector.broadcast %get3A_3092 : vector<1x128xf32> to vector<128x128xf32>
    %add3A_3094 = arith.addf %sub3A_3089, %add3A_3093 : vector<128x128xf32>
    %slice3A_3095 = vector.extract_strided_slice %dot_general3A_8 {offsets = [3840, 128], sizes = [128, 128], strides = [1, 1]} : vector<4096x1024xf32> to vector<128x128xf32>
    %sub3A_3096 = arith.subf %broadcast_in_dim3A_3087, %slice3A_3095 : vector<128x128xf32>
    %get3A_3097 = arith.constant 0 : index
    %get3A_3098 = arith.constant 128 : index
    %get3A_3099 = vector.load %arg3[%get3A_3097, %get3A_3098] : memref<1x1024xf32, #tpu.memory_space<vmem>>, vector<1x128xf32>
    %add3A_3100 = vector.broadcast %get3A_3099 : vector<1x128xf32> to vector<128x128xf32>
    %add3A_3101 = arith.addf %sub3A_3096, %add3A_3100 : vector<128x128xf32>
    %lt3A_3102 = arith.cmpf olt, %add3A_3101, %add3A_3094 : vector<128x128xf32>
    %select_n3A_3103 = arith.select %lt3A_3102, %add3A_3101, %add3A_3094 : vector<128x128xi1>, vector<128x128xf32>
    %select_n3A_3104 = arith.select %lt3A_3102, %add3A_13, %add3A_10 : vector<128x128xi1>, vector<128x128xi32>
    %slice3A_3105 = vector.extract_strided_slice %dot_general3A_8 {offsets = [3840, 256], sizes = [128, 128], strides = [1, 1]} : vector<4096x1024xf32> to vector<128x128xf32>
    %sub3A_3106 = arith.subf %broadcast_in_dim3A_3087, %slice3A_3105 : vector<128x128xf32>
    %get3A_3107 = arith.constant 0 : index
    %get3A_3108 = arith.constant 256 : index
    %get3A_3109 = vector.load %arg3[%get3A_3107, %get3A_3108] : memref<1x1024xf32, #tpu.memory_space<vmem>>, vector<1x128xf32>
    %add3A_3110 = vector.broadcast %get3A_3109 : vector<1x128xf32> to vector<128x128xf32>
    %add3A_3111 = arith.addf %sub3A_3106, %add3A_3110 : vector<128x128xf32>
    %lt3A_3112 = arith.cmpf olt, %add3A_3111, %select_n3A_3103 : vector<128x128xf32>
    %select_n3A_3113 = arith.select %lt3A_3112, %add3A_3111, %select_n3A_3103 : vector<128x128xi1>, vector<128x128xf32>
    %select_n3A_3114 = arith.select %lt3A_3112, %add3A_16, %select_n3A_3104 : vector<128x128xi1>, vector<128x128xi32>
    %slice3A_3115 = vector.extract_strided_slice %dot_general3A_8 {offsets = [3840, 384], sizes = [128, 128], strides = [1, 1]} : vector<4096x1024xf32> to vector<128x128xf32>
    %sub3A_3116 = arith.subf %broadcast_in_dim3A_3087, %slice3A_3115 : vector<128x128xf32>
    %get3A_3117 = arith.constant 0 : index
    %get3A_3118 = arith.constant 384 : index
    %get3A_3119 = vector.load %arg3[%get3A_3117, %get3A_3118] : memref<1x1024xf32, #tpu.memory_space<vmem>>, vector<1x128xf32>
    %add3A_3120 = vector.broadcast %get3A_3119 : vector<1x128xf32> to vector<128x128xf32>
    %add3A_3121 = arith.addf %sub3A_3116, %add3A_3120 : vector<128x128xf32>
    %lt3A_3122 = arith.cmpf olt, %add3A_3121, %select_n3A_3113 : vector<128x128xf32>
    %select_n3A_3123 = arith.select %lt3A_3122, %add3A_3121, %select_n3A_3113 : vector<128x128xi1>, vector<128x128xf32>
    %select_n3A_3124 = arith.select %lt3A_3122, %add3A_19, %select_n3A_3114 : vector<128x128xi1>, vector<128x128xi32>
    %slice3A_3125 = vector.extract_strided_slice %dot_general3A_8 {offsets = [3840, 512], sizes = [128, 128], strides = [1, 1]} : vector<4096x1024xf32> to vector<128x128xf32>
    %sub3A_3126 = arith.subf %broadcast_in_dim3A_3087, %slice3A_3125 : vector<128x128xf32>
    %get3A_3127 = arith.constant 0 : index
    %get3A_3128 = arith.constant 512 : index
    %get3A_3129 = vector.load %arg3[%get3A_3127, %get3A_3128] : memref<1x1024xf32, #tpu.memory_space<vmem>>, vector<1x128xf32>
    %add3A_3130 = vector.broadcast %get3A_3129 : vector<1x128xf32> to vector<128x128xf32>
    %add3A_3131 = arith.addf %sub3A_3126, %add3A_3130 : vector<128x128xf32>
    %lt3A_3132 = arith.cmpf olt, %add3A_3131, %select_n3A_3123 : vector<128x128xf32>
    %select_n3A_3133 = arith.select %lt3A_3132, %add3A_3131, %select_n3A_3123 : vector<128x128xi1>, vector<128x128xf32>
    %select_n3A_3134 = arith.select %lt3A_3132, %add3A_22, %select_n3A_3124 : vector<128x128xi1>, vector<128x128xi32>
    %slice3A_3135 = vector.extract_strided_slice %dot_general3A_8 {offsets = [3840, 640], sizes = [128, 128], strides = [1, 1]} : vector<4096x1024xf32> to vector<128x128xf32>
    %sub3A_3136 = arith.subf %broadcast_in_dim3A_3087, %slice3A_3135 : vector<128x128xf32>
    %get3A_3137 = arith.constant 0 : index
    %get3A_3138 = arith.constant 640 : index
    %get3A_3139 = vector.load %arg3[%get3A_3137, %get3A_3138] : memref<1x1024xf32, #tpu.memory_space<vmem>>, vector<1x128xf32>
    %add3A_3140 = vector.broadcast %get3A_3139 : vector<1x128xf32> to vector<128x128xf32>
    %add3A_3141 = arith.addf %sub3A_3136, %add3A_3140 : vector<128x128xf32>
    %lt3A_3142 = arith.cmpf olt, %add3A_3141, %select_n3A_3133 : vector<128x128xf32>
    %select_n3A_3143 = arith.select %lt3A_3142, %add3A_3141, %select_n3A_3133 : vector<128x128xi1>, vector<128x128xf32>
    %select_n3A_3144 = arith.select %lt3A_3142, %add3A_25, %select_n3A_3134 : vector<128x128xi1>, vector<128x128xi32>
    %slice3A_3145 = vector.extract_strided_slice %dot_general3A_8 {offsets = [3840, 768], sizes = [128, 128], strides = [1, 1]} : vector<4096x1024xf32> to vector<128x128xf32>
    %sub3A_3146 = arith.subf %broadcast_in_dim3A_3087, %slice3A_3145 : vector<128x128xf32>
    %get3A_3147 = arith.constant 0 : index
    %get3A_3148 = arith.constant 768 : index
    %get3A_3149 = vector.load %arg3[%get3A_3147, %get3A_3148] : memref<1x1024xf32, #tpu.memory_space<vmem>>, vector<1x128xf32>
    %add3A_3150 = vector.broadcast %get3A_3149 : vector<1x128xf32> to vector<128x128xf32>
    %add3A_3151 = arith.addf %sub3A_3146, %add3A_3150 : vector<128x128xf32>
    %lt3A_3152 = arith.cmpf olt, %add3A_3151, %select_n3A_3143 : vector<128x128xf32>
    %select_n3A_3153 = arith.select %lt3A_3152, %add3A_3151, %select_n3A_3143 : vector<128x128xi1>, vector<128x128xf32>
    %select_n3A_3154 = arith.select %lt3A_3152, %add3A_28, %select_n3A_3144 : vector<128x128xi1>, vector<128x128xi32>
    %slice3A_3155 = vector.extract_strided_slice %dot_general3A_8 {offsets = [3840, 896], sizes = [128, 128], strides = [1, 1]} : vector<4096x1024xf32> to vector<128x128xf32>
    %sub3A_3156 = arith.subf %broadcast_in_dim3A_3087, %slice3A_3155 : vector<128x128xf32>
    %get3A_3157 = arith.constant 0 : index
    %get3A_3158 = arith.constant 896 : index
    %get3A_3159 = vector.load %arg3[%get3A_3157, %get3A_3158] : memref<1x1024xf32, #tpu.memory_space<vmem>>, vector<1x128xf32>
    %add3A_3160 = vector.broadcast %get3A_3159 : vector<1x128xf32> to vector<128x128xf32>
    %add3A_3161 = arith.addf %sub3A_3156, %add3A_3160 : vector<128x128xf32>
    %lt3A_3162 = arith.cmpf olt, %add3A_3161, %select_n3A_3153 : vector<128x128xf32>
    %select_n3A_3163 = arith.select %lt3A_3162, %add3A_3161, %select_n3A_3153 : vector<128x128xi1>, vector<128x128xf32>
    %select_n3A_3164 = arith.select %lt3A_3162, %add3A_31, %select_n3A_3154 : vector<128x128xi1>, vector<128x128xi32>
    %reduce_min3A_3165 = arith.constant dense<0x7F800000> : vector<128xf32>
    %reduce_min3A_3166 = vector.multi_reduction <minimumf>, %select_n3A_3163, %reduce_min3A_3165 [1] : vector<128x128xf32> to vector<128xf32>
    %broadcast_in_dim3A_3167 = vector.shape_cast %reduce_min3A_3166 : vector<128xf32> to vector<128x1xf32>
    %eq3A_3168 = vector.broadcast %broadcast_in_dim3A_3167 : vector<128x1xf32> to vector<128x128xf32>
    %eq3A_3169 = arith.cmpf oeq, %select_n3A_3163, %eq3A_3168 : vector<128x128xf32>
    %jit3A_3170 = arith.constant 1024 : i32
    %broadcast_in_dim3A_3171 = vector.broadcast %jit3A_3170 : i32 to vector<128x128xi32>
    %select_n3A_3172 = arith.select %eq3A_3169, %select_n3A_3164, %broadcast_in_dim3A_3171 : vector<128x128xi1>, vector<128x128xi32>
    %reduce_min3A_3173 = arith.constant dense<2147483647> : vector<128xi32>
    %reduce_min3A_3174 = vector.multi_reduction <minsi>, %select_n3A_3172, %reduce_min3A_3173 [1] : vector<128x128xi32> to vector<128xi32>
    %swap3A_3175 = arith.constant 0 : index
    %swap3A_3176 = arith.constant 0 : index
    %swap3A_3177 = arith.constant 3840 : index
    %swap3A_3178 = vector.load %arg4[%swap3A_3175, %swap3A_3176, %swap3A_3177] : memref<1x1x4096xi32, #tpu.memory_space<vmem>>, vector<1x1x128xi32>
    %swap3A_3179 = vector.shape_cast %swap3A_3178 : vector<1x1x128xi32> to vector<128xi32>
    %swap3A_3180 = vector.shape_cast %reduce_min3A_3174 : vector<128xi32> to vector<1x1x128xi32>
    tpu.vector_store %arg4[%swap3A_3175, %swap3A_3176, %swap3A_3177], %swap3A_3180 {strides = array<i32>} : memref<1x1x4096xi32, #tpu.memory_space<vmem>>, vector<1x1x128xi32>,
    %reduce_sum3A_3181 = vector.shape_cast %broadcast_in_dim3A_3167 : vector<128x1xf32> to vector<1x128x1xf32>
    %reduce_sum3A_3182 = arith.constant dense<0.000000e+00> : vector<1xf32>
    %reduce_sum3A_3183 = vector.multi_reduction <add>, %reduce_sum3A_3181, %reduce_sum3A_3182 [1, 2] : vector<1x128x1xf32> to vector<1xf32>
    %reduce_sum3A_3184 = vector.shape_cast %reduce_sum3A_3183 : vector<1xf32> to vector<1x1x1xf32>
    %reduce_sum3A_3185 = vector.extract %reduce_sum3A_3184[0, 0, 0] : f32 from vector<1x1x1xf32>
    %add3A_3186 = arith.addf %add3A_3084, %reduce_sum3A_3185 : f32
    %slice3A_3187 = vector.extract_strided_slice %broadcast_in_dim3A {offsets = [3968, 0], sizes = [128, 1], strides = [1, 1]} : vector<4096x1xf32> to vector<128x1xf32>
    %broadcast_in_dim3A_3188 = vector.shape_cast %slice3A_3187 : vector<128x1xf32> to vector<128x1xf32>
    %broadcast_in_dim3A_3189 = vector.broadcast %broadcast_in_dim3A_3188 : vector<128x1xf32> to vector<128x128xf32>
    %slice3A_3190 = vector.extract_strided_slice %dot_general3A_8 {offsets = [3968, 0], sizes = [128, 128], strides = [1, 1]} : vector<4096x1024xf32> to vector<128x128xf32>
    %sub3A_3191 = arith.subf %broadcast_in_dim3A_3189, %slice3A_3190 : vector<128x128xf32>
    %get3A_3192 = arith.constant 0 : index
    %get3A_3193 = arith.constant 0 : index
    %get3A_3194 = vector.load %arg3[%get3A_3192, %get3A_3193] : memref<1x1024xf32, #tpu.memory_space<vmem>>, vector<1x128xf32>
    %add3A_3195 = vector.broadcast %get3A_3194 : vector<1x128xf32> to vector<128x128xf32>
    %add3A_3196 = arith.addf %sub3A_3191, %add3A_3195 : vector<128x128xf32>
    %slice3A_3197 = vector.extract_strided_slice %dot_general3A_8 {offsets = [3968, 128], sizes = [128, 128], strides = [1, 1]} : vector<4096x1024xf32> to vector<128x128xf32>
    %sub3A_3198 = arith.subf %broadcast_in_dim3A_3189, %slice3A_3197 : vector<128x128xf32>
    %get3A_3199 = arith.constant 0 : index
    %get3A_3200 = arith.constant 128 : index
    %get3A_3201 = vector.load %arg3[%get3A_3199, %get3A_3200] : memref<1x1024xf32, #tpu.memory_space<vmem>>, vector<1x128xf32>
    %add3A_3202 = vector.broadcast %get3A_3201 : vector<1x128xf32> to vector<128x128xf32>
    %add3A_3203 = arith.addf %sub3A_3198, %add3A_3202 : vector<128x128xf32>
    %lt3A_3204 = arith.cmpf olt, %add3A_3203, %add3A_3196 : vector<128x128xf32>
    %select_n3A_3205 = arith.select %lt3A_3204, %add3A_3203, %add3A_3196 : vector<128x128xi1>, vector<128x128xf32>
    %select_n3A_3206 = arith.select %lt3A_3204, %add3A_13, %add3A_10 : vector<128x128xi1>, vector<128x128xi32>
    %slice3A_3207 = vector.extract_strided_slice %dot_general3A_8 {offsets = [3968, 256], sizes = [128, 128], strides = [1, 1]} : vector<4096x1024xf32> to vector<128x128xf32>
    %sub3A_3208 = arith.subf %broadcast_in_dim3A_3189, %slice3A_3207 : vector<128x128xf32>
    %get3A_3209 = arith.constant 0 : index
    %get3A_3210 = arith.constant 256 : index
    %get3A_3211 = vector.load %arg3[%get3A_3209, %get3A_3210] : memref<1x1024xf32, #tpu.memory_space<vmem>>, vector<1x128xf32>
    %add3A_3212 = vector.broadcast %get3A_3211 : vector<1x128xf32> to vector<128x128xf32>
    %add3A_3213 = arith.addf %sub3A_3208, %add3A_3212 : vector<128x128xf32>
    %lt3A_3214 = arith.cmpf olt, %add3A_3213, %select_n3A_3205 : vector<128x128xf32>
    %select_n3A_3215 = arith.select %lt3A_3214, %add3A_3213, %select_n3A_3205 : vector<128x128xi1>, vector<128x128xf32>
    %select_n3A_3216 = arith.select %lt3A_3214, %add3A_16, %select_n3A_3206 : vector<128x128xi1>, vector<128x128xi32>
    %slice3A_3217 = vector.extract_strided_slice %dot_general3A_8 {offsets = [3968, 384], sizes = [128, 128], strides = [1, 1]} : vector<4096x1024xf32> to vector<128x128xf32>
    %sub3A_3218 = arith.subf %broadcast_in_dim3A_3189, %slice3A_3217 : vector<128x128xf32>
    %get3A_3219 = arith.constant 0 : index
    %get3A_3220 = arith.constant 384 : index
    %get3A_3221 = vector.load %arg3[%get3A_3219, %get3A_3220] : memref<1x1024xf32, #tpu.memory_space<vmem>>, vector<1x128xf32>
    %add3A_3222 = vector.broadcast %get3A_3221 : vector<1x128xf32> to vector<128x128xf32>
    %add3A_3223 = arith.addf %sub3A_3218, %add3A_3222 : vector<128x128xf32>
    %lt3A_3224 = arith.cmpf olt, %add3A_3223, %select_n3A_3215 : vector<128x128xf32>
    %select_n3A_3225 = arith.select %lt3A_3224, %add3A_3223, %select_n3A_3215 : vector<128x128xi1>, vector<128x128xf32>
    %select_n3A_3226 = arith.select %lt3A_3224, %add3A_19, %select_n3A_3216 : vector<128x128xi1>, vector<128x128xi32>
    %slice3A_3227 = vector.extract_strided_slice %dot_general3A_8 {offsets = [3968, 512], sizes = [128, 128], strides = [1, 1]} : vector<4096x1024xf32> to vector<128x128xf32>
    %sub3A_3228 = arith.subf %broadcast_in_dim3A_3189, %slice3A_3227 : vector<128x128xf32>
    %get3A_3229 = arith.constant 0 : index
    %get3A_3230 = arith.constant 512 : index
    %get3A_3231 = vector.load %arg3[%get3A_3229, %get3A_3230] : memref<1x1024xf32, #tpu.memory_space<vmem>>, vector<1x128xf32>
    %add3A_3232 = vector.broadcast %get3A_3231 : vector<1x128xf32> to vector<128x128xf32>
    %add3A_3233 = arith.addf %sub3A_3228, %add3A_3232 : vector<128x128xf32>
    %lt3A_3234 = arith.cmpf olt, %add3A_3233, %select_n3A_3225 : vector<128x128xf32>
    %select_n3A_3235 = arith.select %lt3A_3234, %add3A_3233, %select_n3A_3225 : vector<128x128xi1>, vector<128x128xf32>
    %select_n3A_3236 = arith.select %lt3A_3234, %add3A_22, %select_n3A_3226 : vector<128x128xi1>, vector<128x128xi32>
    %slice3A_3237 = vector.extract_strided_slice %dot_general3A_8 {offsets = [3968, 640], sizes = [128, 128], strides = [1, 1]} : vector<4096x1024xf32> to vector<128x128xf32>
    %sub3A_3238 = arith.subf %broadcast_in_dim3A_3189, %slice3A_3237 : vector<128x128xf32>
    %get3A_3239 = arith.constant 0 : index
    %get3A_3240 = arith.constant 640 : index
    %get3A_3241 = vector.load %arg3[%get3A_3239, %get3A_3240] : memref<1x1024xf32, #tpu.memory_space<vmem>>, vector<1x128xf32>
    %add3A_3242 = vector.broadcast %get3A_3241 : vector<1x128xf32> to vector<128x128xf32>
    %add3A_3243 = arith.addf %sub3A_3238, %add3A_3242 : vector<128x128xf32>
    %lt3A_3244 = arith.cmpf olt, %add3A_3243, %select_n3A_3235 : vector<128x128xf32>
    %select_n3A_3245 = arith.select %lt3A_3244, %add3A_3243, %select_n3A_3235 : vector<128x128xi1>, vector<128x128xf32>
    %select_n3A_3246 = arith.select %lt3A_3244, %add3A_25, %select_n3A_3236 : vector<128x128xi1>, vector<128x128xi32>
    %slice3A_3247 = vector.extract_strided_slice %dot_general3A_8 {offsets = [3968, 768], sizes = [128, 128], strides = [1, 1]} : vector<4096x1024xf32> to vector<128x128xf32>
    %sub3A_3248 = arith.subf %broadcast_in_dim3A_3189, %slice3A_3247 : vector<128x128xf32>
    %get3A_3249 = arith.constant 0 : index
    %get3A_3250 = arith.constant 768 : index
    %get3A_3251 = vector.load %arg3[%get3A_3249, %get3A_3250] : memref<1x1024xf32, #tpu.memory_space<vmem>>, vector<1x128xf32>
    %add3A_3252 = vector.broadcast %get3A_3251 : vector<1x128xf32> to vector<128x128xf32>
    %add3A_3253 = arith.addf %sub3A_3248, %add3A_3252 : vector<128x128xf32>
    %lt3A_3254 = arith.cmpf olt, %add3A_3253, %select_n3A_3245 : vector<128x128xf32>
    %select_n3A_3255 = arith.select %lt3A_3254, %add3A_3253, %select_n3A_3245 : vector<128x128xi1>, vector<128x128xf32>
    %select_n3A_3256 = arith.select %lt3A_3254, %add3A_28, %select_n3A_3246 : vector<128x128xi1>, vector<128x128xi32>
    %slice3A_3257 = vector.extract_strided_slice %dot_general3A_8 {offsets = [3968, 896], sizes = [128, 128], strides = [1, 1]} : vector<4096x1024xf32> to vector<128x128xf32>
    %sub3A_3258 = arith.subf %broadcast_in_dim3A_3189, %slice3A_3257 : vector<128x128xf32>
    %get3A_3259 = arith.constant 0 : index
    %get3A_3260 = arith.constant 896 : index
    %get3A_3261 = vector.load %arg3[%get3A_3259, %get3A_3260] : memref<1x1024xf32, #tpu.memory_space<vmem>>, vector<1x128xf32>
    %add3A_3262 = vector.broadcast %get3A_3261 : vector<1x128xf32> to vector<128x128xf32>
    %add3A_3263 = arith.addf %sub3A_3258, %add3A_3262 : vector<128x128xf32>
    %lt3A_3264 = arith.cmpf olt, %add3A_3263, %select_n3A_3255 : vector<128x128xf32>
    %select_n3A_3265 = arith.select %lt3A_3264, %add3A_3263, %select_n3A_3255 : vector<128x128xi1>, vector<128x128xf32>
    %select_n3A_3266 = arith.select %lt3A_3264, %add3A_31, %select_n3A_3256 : vector<128x128xi1>, vector<128x128xi32>
    %reduce_min3A_3267 = arith.constant dense<0x7F800000> : vector<128xf32>
    %reduce_min3A_3268 = vector.multi_reduction <minimumf>, %select_n3A_3265, %reduce_min3A_3267 [1] : vector<128x128xf32> to vector<128xf32>
    %broadcast_in_dim3A_3269 = vector.shape_cast %reduce_min3A_3268 : vector<128xf32> to vector<128x1xf32>
    %eq3A_3270 = vector.broadcast %broadcast_in_dim3A_3269 : vector<128x1xf32> to vector<128x128xf32>
    %eq3A_3271 = arith.cmpf oeq, %select_n3A_3265, %eq3A_3270 : vector<128x128xf32>
    %jit3A_3272 = arith.constant 1024 : i32
    %broadcast_in_dim3A_3273 = vector.broadcast %jit3A_3272 : i32 to vector<128x128xi32>
    %select_n3A_3274 = arith.select %eq3A_3271, %select_n3A_3266, %broadcast_in_dim3A_3273 : vector<128x128xi1>, vector<128x128xi32>
    %reduce_min3A_3275 = arith.constant dense<2147483647> : vector<128xi32>
    %reduce_min3A_3276 = vector.multi_reduction <minsi>, %select_n3A_3274, %reduce_min3A_3275 [1] : vector<128x128xi32> to vector<128xi32>
    %swap3A_3277 = arith.constant 0 : index
    %swap3A_3278 = arith.constant 0 : index
    %swap3A_3279 = arith.constant 3968 : index
    %swap3A_3280 = vector.load %arg4[%swap3A_3277, %swap3A_3278, %swap3A_3279] : memref<1x1x4096xi32, #tpu.memory_space<vmem>>, vector<1x1x128xi32>
    %swap3A_3281 = vector.shape_cast %swap3A_3280 : vector<1x1x128xi32> to vector<128xi32>
    %swap3A_3282 = vector.shape_cast %reduce_min3A_3276 : vector<128xi32> to vector<1x1x128xi32>
    tpu.vector_store %arg4[%swap3A_3277, %swap3A_3278, %swap3A_3279], %swap3A_3282 {strides = array<i32>} : memref<1x1x4096xi32, #tpu.memory_space<vmem>>, vector<1x1x128xi32>,
    %reduce_sum3A_3283 = vector.shape_cast %broadcast_in_dim3A_3269 : vector<128x1xf32> to vector<1x128x1xf32>
    %reduce_sum3A_3284 = arith.constant dense<0.000000e+00> : vector<1xf32>
    %reduce_sum3A_3285 = vector.multi_reduction <add>, %reduce_sum3A_3283, %reduce_sum3A_3284 [1, 2] : vector<1x128x1xf32> to vector<1xf32>
    %reduce_sum3A_3286 = vector.shape_cast %reduce_sum3A_3285 : vector<1xf32> to vector<1x1x1xf32>
    %reduce_sum3A_3287 = vector.extract %reduce_sum3A_3286[0, 0, 0] : f32 from vector<1x1x1xf32>
    %add3A_3288 = arith.addf %add3A_3186, %reduce_sum3A_3287 : f32
    %eq3A_3289 = arith.constant 0 : i32
    %eq3A_3290 = arith.cmpi eq, %arg0, %eq3A_3289 : i32
    %convert_element_type3A = arith.extui %eq3A_3290 : i1 to i32
    %cond3A = arith.constant 0 : i32
    %cond3A_3291 = arith.cmpi ne, %convert_element_type3A, %cond3A : i32
    scf.if %cond3A_3291 {
      %swap3A_3299 = arith.constant 0.000000e+00 : f32
      %swap3A_3300 = arith.constant 0 : index
      %swap3A_3301 = arith.constant 0 : index
      %swap3A_3302 = memref.load %arg5[%swap3A_3300, %swap3A_3301] : memref<1x1xf32, #tpu.memory_space<smem>>
      memref.store %swap3A_3299, %arg5[%swap3A_3300, %swap3A_3301] : memref<1x1xf32, #tpu.memory_space<smem>>
    } else {
    }
    %get3A_3292 = arith.constant 0 : index
    %get3A_3293 = arith.constant 0 : index
    %get3A_3294 = memref.load %arg5[%get3A_3292, %get3A_3293] : memref<1x1xf32, #tpu.memory_space<smem>>
    %add3A_3295 = arith.addf %get3A_3294, %add3A_3288 : f32
    %swap3A_3296 = arith.constant 0 : index
    %swap3A_3297 = arith.constant 0 : index
    %swap3A_3298 = memref.load %arg5[%swap3A_3296, %swap3A_3297] : memref<1x1xf32, #tpu.memory_space<smem>>
    memref.store %add3A_3295, %arg5[%swap3A_3296, %swap3A_3297] : memref<1x1xf32, #tpu.memory_space<smem>>
    return
  }
  func.func @transform_0(%arg0: i32) -> (i32, i32) {
    %c0_i32 = arith.constant 0 : i32
    %c0_i32_0 = arith.constant 0 : i32
    return %arg0, %c0_i32 : i32, i32
  }
  func.func @transform_1(%arg0: i32) -> (i32, i32) {
    %c0_i32 = arith.constant 0 : i32
    %c0_i32_0 = arith.constant 0 : i32
    %c0_i32_1 = arith.constant 0 : i32
    return %c0_i32, %c0_i32_0 : i32, i32
  }
  func.func @transform_2(%arg0: i32) -> (i32, i32) {
    %c0_i32 = arith.constant 0 : i32
    %c0_i32_0 = arith.constant 0 : i32
    %c0_i32_1 = arith.constant 0 : i32
    return %c0_i32, %c0_i32_0 : i32, i32
  }
  func.func @transform_3(%arg0: i32) -> (i32, i32, i32) {
    %c0_i32 = arith.constant 0 : i32
    %c0_i32_0 = arith.constant 0 : i32
    %c0_i32_1 = arith.constant 0 : i32
    return %arg0, %c0_i32, %c0_i32_0 : i32, i32, i32
  }
  func.func @transform_4(%arg0: i32) -> (i32, i32) {
    %c0_i32 = arith.constant 0 : i32
    %c0_i32_0 = arith.constant 0 : i32
    %c0_i32_1 = arith.constant 0 : i32
    return %c0_i32, %c0_i32_0 : i32, i32
  }
}

</mosaic_0001>

<sc_bundles>
// kernel: kernel.4.cloned.1.call-start
scs
__scs_entry_jumppad:
0x0: {  	(pc) =	sbr.rel $0x88, $3  }
0x1: {  	(tag) =	ssettag $0x0;
	lr =	simm.s32 $0x1  }
0x2: {  	[smem:$0x3F9F] =	sst lr;
	_ =	strace $0xD0000000  }
0x3: {  	_ = 	snop  }
0x4: {  	_ = 	snop  }
0x5: {  	_ = 	snop  }
0x6: {  	_ = 	snop  }
0x7: {  	_ = 	snop  }
__scs_overlays_trampoline_lowered:
0x8: {  	[smem:$0x3FAE] =	sst s0  }
0x9: {  	[smem:$0x3FAF] =	sst s1  }
0xa: {  	[smem:$0x3FB0] =	sst s2  }
0xb: {  	[smem:$0x3FB1] =	sst s3  }
0xc: {  	[smem:$0x3FB2] =	sst s4  }
0xd: {  	[smem:$0x3FB3] =	sst s5  }
0xe: {  	[smem:$0x3FB4] =	sst s6  }
0xf: {  	[smem:$0x3FB5] =	sst s7  }
0x10: {  	[smem:$0x3FB6] =	sst s8  }
0x11: {  	[smem:$0x3FB7] =	sst s9;
	s0 =	simm.s32 @!p0 $0x0  }
0x12: {  	s1 =	sld [smem:$0x3F9D];
	s0 =	simm.s32 @p0 $0x1  }
0x13: {  	[smem:$0x3FB8] =	sst s0;
	s0 =	simm.s32 @!p1 $0x0  }
0x14: {  	s2 =	sld [smem:$0x3F9C];
	s0 =	simm.s32 @p1 $0x1  }
0x15: {  	[smem:$0x3FB9] =	sst s0;
	s0 =	simm.s32 @!p2 $0x0  }
0x16: {  	s3 =	sld [smem:$0x3FDB];
	s0 =	simm.s32 @p2 $0x1  }
0x17: {  	s4 =	simm.s32 $0x1BF5;
	[smem:$0x3FBB] =	sst s0  }
0x18: {  	s0 =	sld [smem:$0x3F9E];
	_ =	swait.ge [sflag:s4], $0x0  }
0x19: {  	s7 =	sld [smem:$0x3F9F]  }
0x1a: {  	s8 =	sadd.s32 $0xFFFFE003, lr  }
0x1b: {  	s9 =	sadd.s32 $0xFFFFFEF7, lr;
	s5 =	simm.s32 $0xFFFFFFFF;
	p2 =	slt.u32 s8, $0xFFFFF086  }
0x1c: {  	p1 =	slt.u32 s9, $0xF7A;
	s5 =	simm.s32 @!p2 $0x0  }
0x1d: {  	s5 =	simm.s32 @p1 $0x1;
	p0 =	seq.s32 s7, s2  }
0x1e: {  	s7 =	smul.u32 @!p0 $0xF7A, s2;
	p2 =	seq.s32 @!p0 s5, $0x0  }
0x1f: {  	s9 =	smul.u32 $0xF7A, s1;
	s8 =	simm.s32 @!p0 $0x1BF5;
	p2 =	por !p2, p0  }
0x20: {  	[sflag:s8] =	ssyncset.s32 @!p0 $0xFFFFF086;
	s6 =	sadd.s32 @!p0 s3, s7;
	s7 =	simm.s32 @!p0 $0x108  }
0x21: {  	s3 =	sadd.s32 s3, s9;
	s6 =	sadd.s32 @!p0 $0x88, s6;
	s7 =	simm.s32 @p2 $0x1082  }
0x22: {  	[simem:s7], [sflag:s8] =	dma.local @!p0 [hbm:s6], $0xF7A  }
0x23: {  	s9 =	sor.u32 $0xD0000000, s2;
	s6 =	simm.s32 $0x108;
	_ =	swait.ge @!p0 [sflag:s8], $0x0  }
0x24: {  	s3 =	sadd.s32 $0x88, s3;
	s6 =	simm.s32 @!p1 $0x1082;
	[sflag:s4] =	ssyncset.s32 $0xFFFFF086  }
0x25: {  	[simem:s6], [sflag:s4] =	dma.local [hbm:s3], $0xF7A  }
0x26: {  	[smem:$0x3F9F] =	sst s1;
	(tag) =	ssettag s2;
	_ =	strace s9  }
0x27: {  	s1 =	sld [smem:$0x3FAF]  }
0x28: {  	s2 =	sld [smem:$0x3FB0]  }
0x29: {  	s4 =	sld [smem:$0x3FB2]  }
0x2a: {  	p0 =	seq.s32 s5, $0x0;
	s5 =	sld [smem:$0x3FB3]  }
0x2b: {  	s6 =	sld [smem:$0x3FB4]  }
0x2c: {  	s7 =	sld [smem:$0x3FB5]  }
0x2d: {  	s3 =	simm.s32 $0x108;
	s8 =	sld [smem:$0x3FB6]  }
0x2e: {  	s3 =	simm.s32 @!p0 $0x1082;
	s9 =	sld [smem:$0x3FB7]  }
0x2f: {  	lr =	sadd.s32 s0, s3;
	s0 =	sld [smem:$0x3FAE]  }
0x30: {  	s3 =	sld [smem:$0x3FB1]  }
0x31: {  	[smem:$0x3FBA] =	sst s10  }
0x32: {  	s10 =	sld [smem:$0x3FB8];
	_ =	sdelay $0x3  }
0x33: {  	p0 =	seq.s32 s10, $0x1;
	s10 =	sld [smem:$0x3FBA];
	_ =	sdelay $0x3  }
0x34: {  	[smem:$0x3FBA] =	sst s10  }
0x35: {  	s10 =	sld [smem:$0x3FB9];
	_ =	sdelay $0x3  }
0x36: {  	p1 =	seq.s32 s10, $0x1;
	s10 =	sld [smem:$0x3FBA];
	_ =	sdelay $0x3  }
0x37: {  	[smem:$0x3FBA] =	sst s10  }
0x38: {  	s10 =	sld [smem:$0x3FBB]  }
0x39: {  	_ = 	snop;
	(pc) =	sbr.ind lr, $3  }
0x3a: {  	_ = 	snop  }
0x3b: {  	_ = 	snop  }
0x3c: {  	p2 =	seq.s32 s10, $0x1;
	s10 =	sld [smem:$0x3FBA]  }
0x3d: {  	_ =	shalt  }
0x3e: {  	_ =	shalt  }
0x3f: {  	_ =	shalt  }
0x40: {  	_ =	shalt  }
0x41: {  	_ =	shalt  }
0x42: {  	_ =	shalt  }
0x43: {  	_ =	shalt  }
0x44: {  	_ =	shalt  }
0x45: {  	_ =	shalt  }
0x46: {  	_ =	shalt  }
0x47: {  	_ =	shalt  }
0x48: {  	_ =	shalt  }
0x49: {  	_ =	shalt  }
0x4a: {  	_ =	shalt  }
0x4b: {  	_ =	shalt  }
0x4c: {  	_ =	shalt  }
0x4d: {  	_ =	shalt  }
0x4e: {  	_ =	shalt  }
0x4f: {  	_ =	shalt  }
0x50: {  	_ =	shalt  }
0x51: {  	_ =	shalt  }
0x52: {  	_ =	shalt  }
0x53: {  	_ =	shalt  }
0x54: {  	_ =	shalt  }
0x55: {  	_ =	shalt  }
0x56: {  	_ =	shalt  }
0x57: {  	_ =	shalt  }
0x58: {  	_ =	shalt  }
0x59: {  	_ =	shalt  }
0x5a: {  	_ =	shalt  }
0x5b: {  	_ =	shalt  }
0x5c: {  	_ =	shalt  }
0x5d: {  	_ =	shalt  }
0x5e: {  	_ =	shalt  }
0x5f: {  	_ =	shalt  }
0x60: {  	_ =	shalt  }
0x61: {  	_ =	shalt  }
0x62: {  	_ =	shalt  }
0x63: {  	_ =	shalt  }
0x64: {  	_ =	shalt  }
0x65: {  	_ =	shalt  }
0x66: {  	_ =	shalt  }
0x67: {  	_ =	shalt  }
0x68: {  	_ =	shalt  }
0x69: {  	_ =	shalt  }
0x6a: {  	_ =	shalt  }
0x6b: {  	_ =	shalt  }
0x6c: {  	_ =	shalt  }
0x6d: {  	_ =	shalt  }
0x6e: {  	_ =	shalt  }
0x6f: {  	_ =	shalt  }
0x70: {  	_ =	shalt  }
0x71: {  	_ =	shalt  }
0x72: {  	_ =	shalt  }
0x73: {  	_ =	shalt  }
0x74: {  	_ =	shalt  }
0x75: {  	_ =	shalt  }
0x76: {  	_ =	shalt  }
0x77: {  	_ =	shalt  }
0x78: {  	_ =	shalt  }
0x79: {  	_ =	shalt  }
0x7a: {  	_ =	shalt  }
0x7b: {  	_ =	shalt  }
0x7c: {  	_ =	shalt  }
0x7d: {  	_ =	shalt  }
0x7e: {  	_ =	shalt  }
0x7f: {  	_ =	shalt  }
0x80: {  	_ =	shalt  }
0x81: {  	_ =	shalt  }
0x82: {  	_ =	shalt  }
0x83: {  	_ =	shalt  }
0x84: {  	_ =	shalt  }
0x85: {  	_ =	shalt  }
0x86: {  	_ =	shalt  }
0x87: {  	_ =	shalt  }
.Lfunc_end0:
.L_simem_size_0:
called_computation_lowered:
.L_overlay_start_0:
0x88: {  	s2 =	sld [smem:$0x3FD9]  }
0x89: {  	s3 =	sld [smem:$0x3FFE];
	_ =	sdelay $0x1  }
0x8a: {  	s1 =	srdreg.scid  }
0x8b: {  	s0 =	sand.u32 $0x1, s1  }
0x8c: {  	s14 =	sshll.u32 s0, $0xA;
	s2 =	sadd.s32 s3, s2  }
0x8d: {  	s2 =	sadd.s32 s2, s14  }
0x8e: {  	[smem:$0x3FC6] =	sst s2  }
0x8f: {  	_ = 	snop  }
0x90: {  	s2 =	sld [smem:$0x3FD0];
	_ =	sdelay $0x2  }
0x91: {  	s15 =	simm.s32 $0xA;
	s4 =	simm.s32 $0x10  }
0x92: {  	[smem:s4], [sflag:s15] =	dma.local [hbm:s2], $0x1  }
0x93: {  	_ =	swait.eq [sflag:s15], $0x1  }
0x94: {  	[sflag:s15] =	ssyncset.done $0x0  }
0x95: {  	[sflag:s15] =	ssyncadd.s32 $0xFFFFFFFF  }
0x96: {  	s16 =	sld [smem:$0x10];
	(tm) =	ssettm $0x1  }
0x97: {  	s17 =	sld [smem:$0x3FFB];
	_ =	sdelay $0x3  }
0x98: {  	_ =	strace s17  }
0x99: {  	s3 =	sld [smem:$0x3FFC];
	_ =	sdelay $0x3  }
0x9a: {  	_ =	strace s3  }
0x9b: {  	s3 =	sld [smem:$0x3FFD];
	_ =	sdelay $0x3  }
0x9c: {  	_ =	strace s3  }
0x9d: {  	_ =	strace $0x8FFFFFFF  }
0x9e: {  	s18 =	sld [smem:$0x3FDB];
	_ =	sdelay $0x1  }
0x9f: {  	s19 =	simm.s32 $_scs_section_size  }
0xa0: {  	s5 =	simm.s32 $_size__tile_overlayer_lowered;
	s6 =	simm.s32 $_tile_overlayer_lowered  }
0xa1: {  	s22 =	simm.s32 $0x1BFF;
	s21 =	sshll.u32 s6, $0x1;
	s3 =	sadd.s32 s19, s18  }
0xa2: {  	s7 =	simm.s32 $0x0;
	s20 =	sshll.u32 s5, $0x1;
	s5 =	sadd.s32 s21, s3  }
0xa3: {  	[timem:s7], [sflag:s22] =	dma.local [hbm:s5], s20  }
0xa4: {  	_ =	swait.ge [sflag:s22], s20  }
0xa5: {  	s4 =	ssub.s32 $0x0, s20;
	[sflag:s22] =	ssyncset.done $0x0  }
0xa6: {  	[sflag:s22] =	ssyncadd.s32 s4;
	_ =	sdelay $0x1  }
0xa7: {  	s23 =	simm.s32 $0x1B8B  }
0xa8: {  	_ =	swait.ge [sflag:s23], $0x1  }
0xa9: {  	[sflag:s23] =	ssyncset.done $0x0  }
0xaa: {  	s25 =	simm.s32 $0x1B8E;
	s24 =	sld [smem:$0x3FFE];
	[sflag:s23] =	ssyncadd.s32 $0xFFFFFFFF  }
0xab: {  	s26 =	simm.s32 $execute0_lowered;
	[smem:$0x3FD2] =	sst s25  }
0xac: {  	s5 =	sshll.u32 s26, $0x1;
	_ =	strace $0x80000046;
	[dreg:$0x1] =	wrdreg $0xFFFFFFFF  }
0xad: {  	s28 =	simm.s32 $_size_execute0_lowered;
	s3 =	sadd.s32 s3, s5;
	[dreg:$0x0] =	wrdreg $0x0  }
0xae: {  	s5 =	sshll.u32 s28, $0x1;
	[dreg:$0x2] =	wrdreg s3  }
0xaf: {  	[dreg:$0x3] =	wrdreg s5  }
0xb0: {  	[dreg:$0x4] =	wrdreg $0xC0  }
0xb1: {  	_ =	task [dreg:s7], $0x5FFFF  }
0xb2: {  	[dreg:$0x1] =	wrdreg $0xFFFFFFFF  }
0xb3: {  	[dreg:$0x0] =	wrdreg $0x60  }
0xb4: {  	[dreg:$0x2] =	wrdreg s24  }
0xb5: {  	[dreg:$0x3] =	wrdreg s16  }
0xb6: {  	[dreg:$0x4] =	wrdreg $0x9  }
0xb7: {  	_ =	task.clear_ibuf [dreg:s7], $0x5FFFF;
	_ =	strace $0x90000046  }
0xb8: {  	s29 =	simm.s32 $0x9;
	_ =	strace $0x80000048  }
0xb9: {  	_ =	swait.ge [sflag:s29], $0x1  }
0xba: {  	[sflag:s29] =	ssyncadd.s32 $0xFFFFFFFF  }
0xbb: {  	_ =	strace $0x90000048  }
0xbc: {  	_ =	sfence  }
0xbd: {  	s30 =	sld [smem:$0x0];
	_ =	sdelay $0x2  }
0xbe: {  	s31 =	sshll.u32 s1, $0xD;
	s1 =	sshrl.u32 s1, $0x2  }
0xbf: {  	s3 =	sand.u32 $0x4000, s31;
	s1 =	sadd.s32 s1, s30  }
0xc0: {  	s0 =	sor.u32 s3, s0;
	s1 =	sshll.u32 s1, $0x11  }
0xc1: {  	s0 =	sor.u32 s1, s0  }
0xc2: {  	s0 =	sadd.s32 $0x8F2B, s0  }
0xc3: {  	[sflag:s0] =	ssyncadd.remote.s32 $0x1  }
0xc4: {  	_ =	sfence.sel $0xFFFF  }
0xc5: {  	[dreg:$0x0] =	wrdreg $0xFFFFFFFF;
	(pc) =	sbr.abs _section_cstart, $3  }
0xc6: {  	[dreg:$0x1] =	wrdreg $0xFFFFFFFF  }
0xc7: {  	_ =	task.clear_ibuf [dreg:s7], $0x2FFFF;
	_ =	strace $0x9FFFFFFF  }
0xc8: {  	(tm) =	ssettm $0x7FFFFFFF  }
0xc9: {  	_ =	shalt  }
tec
execute0_lowered:
.L_overlay_start_1:
0x0: {  	(tag) =	ssettag $0x1  }
0x1: {  	s1 =	srdreg.scid  }
0x2: {  	s5 =	rddreg [dreg:$0x0];
	s0 =	stileid.u32;
	s15 =	sand.u32 $0x1, s1  }
0x3: {  	s14 =	rddreg [dreg:$0x1];
	s3 =	sshll.u32 s0, $0xA;
	s4 =	sshll.u32 s15, $0x9  }
0x4: {  	s2 =	simm.s32 $0x0;
	s1 =	rddreg [dreg:$0x2];
	s13 =	sor.u32 s4, s3  }
0x5: {  	[smem:$0x7FF] =	sst s2;
	s16 =	sadd.s32 $0x4800, s5;
	s3 =	sshrl.u32 s13, $0x3  }
0x6: {  	_ =	strace $0x80000047;
	s4 =	sadd.s32 s16, s3;
	s3 =	simm.s32 $0x2  }
0x7: {  	[tilespmem:s2], [sflag:$0x2] =	stream.linear.gather [hbm4b:s4+s2], $0x80, $0x38;
	[tilespmem:$0x4080] =	vst v63  }
0x8: {  	_ =	swait.ge [sflag:s3], $0x80  }
0x9: {  	s6 =	simm.s32 $0x80;
	[sflag:s3] =	ssyncset.done $0x0  }
0xa: {  	s7 =	simm.s32 $0x1;
	s5 =	sadd.s32 $0x800, s5;
	[sflag:s3] =	ssyncadd.s32 $0xFFFFFF80  }
0xb: {  	[tilespmem:s6], [sflag:$0x1] =	stream.indirect.gather [hbm4b:s5+s6], $0x80, s2, s6, $0xb8;
	[tilespmem:$0x4080] =	vst v63  }
0xc: {  	_ =	swait.ge [sflag:s7], $0x4000  }
0xd: {  	s8 =	sshll.u32 s13, $0x4;
	[sflag:s7] =	ssyncset.done $0x0  }
0xe: {  	s8 =	sadd.s32 s14, s8;
	[sflag:s7] =	ssyncadd.s32 $0xFFFFC000  }
0xf: {  	[hbm4b:s8+s2] =	stream.linear.scatter [tilespmem:s6], [sflag:$0x2], $0x4000, $0x38;
	[tilespmem:$0x4080] =	vst v63  }
0x10: {  	s10 =	sor.u32 $0x80, s13;
	_ =	swait.ge [sflag:s3], $0x4000  }
0x11: {  	s9 =	sshrl.u32 s10, $0x3;
	[sflag:s3] =	ssyncset.done $0x0  }
0x12: {  	s9 =	sadd.s32 s16, s9;
	[sflag:s3] =	ssyncadd.s32 $0xFFFFC000  }
0x13: {  	[tilespmem:s2], [sflag:$0x2] =	stream.linear.gather [hbm4b:s9+s2], $0x80, $0x38;
	[tilespmem:$0x4080] =	vst v63  }
0x14: {  	_ =	swait.ge [sflag:s3], $0x80  }
0x15: {  	[sflag:s3] =	ssyncset.done $0x0  }
0x16: {  	[sflag:s3] =	ssyncadd.s32 $0xFFFFFF80  }
0x17: {  	[tilespmem:s6], [sflag:$0x1] =	stream.indirect.gather [hbm4b:s5+s6], $0x80, s2, s6, $0xb8;
	[tilespmem:$0x4080] =	vst v63  }
0x18: {  	_ =	swait.ge [sflag:s7], $0x4000  }
0x19: {  	s10 =	sshll.u32 s10, $0x4;
	[sflag:s7] =	ssyncset.done $0x0  }
0x1a: {  	s10 =	sadd.s32 s14, s10;
	[sflag:s7] =	ssyncadd.s32 $0xFFFFC000  }
0x1b: {  	[hbm4b:s10+s2] =	stream.linear.scatter [tilespmem:s6], [sflag:$0x2], $0x4000, $0x38;
	[tilespmem:$0x4080] =	vst v63  }
0x1c: {  	s12 =	sor.u32 $0x100, s13;
	_ =	swait.ge [sflag:s3], $0x4000  }
0x1d: {  	s11 =	sshrl.u32 s12, $0x3;
	[sflag:s3] =	ssyncset.done $0x0  }
0x1e: {  	s11 =	sadd.s32 s16, s11;
	[sflag:s3] =	ssyncadd.s32 $0xFFFFC000  }
0x1f: {  	[tilespmem:s2], [sflag:$0x2] =	stream.linear.gather [hbm4b:s11+s2], $0x80, $0x38;
	[tilespmem:$0x4080] =	vst v63  }
0x20: {  	_ =	swait.ge [sflag:s3], $0x80  }
0x21: {  	[sflag:s3] =	ssyncset.done $0x0  }
0x22: {  	[sflag:s3] =	ssyncadd.s32 $0xFFFFFF80  }
0x23: {  	[tilespmem:s6], [sflag:$0x1] =	stream.indirect.gather [hbm4b:s5+s6], $0x80, s2, s6, $0xb8;
	[tilespmem:$0x4080] =	vst v63  }
0x24: {  	_ =	swait.ge [sflag:s7], $0x4000  }
0x25: {  	s12 =	sshll.u32 s12, $0x4;
	[sflag:s7] =	ssyncset.done $0x0  }
0x26: {  	s12 =	sadd.s32 s14, s12;
	[sflag:s7] =	ssyncadd.s32 $0xFFFFC000  }
0x27: {  	[hbm4b:s12+s2] =	stream.linear.scatter [tilespmem:s6], [sflag:$0x2], $0x4000, $0x38;
	[tilespmem:$0x4080] =	vst v63  }
0x28: {  	s17 =	sor.u32 $0x180, s13;
	_ =	swait.ge [sflag:s3], $0x4000  }
0x29: {  	s13 =	sshrl.u32 s17, $0x3;
	[sflag:s3] =	ssyncset.done $0x0  }
0x2a: {  	s15 =	ssub.s32 $0x2, s15;
	s13 =	sadd.s32 s16, s13;
	[sflag:s3] =	ssyncadd.s32 $0xFFFFC000  }
0x2b: {  	[tilespmem:s2], [sflag:$0x2] =	stream.linear.gather [hbm4b:s13+s2], $0x80, $0x38;
	[tilespmem:$0x4080] =	vst v63  }
0x2c: {  	s30 =	sshrl.u32 s15, $0x1;
	_ =	swait.ge [sflag:s3], $0x80  }
0x2d: {  	s15 =	ssub.s32 s15, s30;
	[sflag:s3] =	ssyncset.done $0x0  }
0x2e: {  	s15 =	smax.u32 s15, $0x1;
	[sflag:s3] =	ssyncadd.s32 $0xFFFFFF80  }
0x2f: {  	[tilespmem:s6], [sflag:$0x1] =	stream.indirect.gather [hbm4b:s5+s6], $0x80, s2, s6, $0xb8;
	[tilespmem:$0x4080] =	vst v63  }
0x30: {  	p0 =	sne.s32 s15, $0x1;
	_ =	swait.ge [sflag:s7], $0x4000  }
.Ltmp0:
0x31: {  	s31 =	sshll.u32 s17, $0x4;
	[sflag:s7] =	ssyncset.done $0x0;
	(pc) =	sbr.rel @!p0 .LBB2_2-.Ltmp0, $4  }
0x32: {  	s14 =	sadd.s32 s14, s31;
	[sflag:s7] =	ssyncadd.s32 $0xFFFFC000  }
0x33: {  	[hbm4b:s14+s2] =	stream.linear.scatter [tilespmem:s6], [sflag:$0x2], $0x4000, $0x38;
	[tilespmem:$0x4080] =	vst v63  }
0x34: {  	_ =	swait.ge [sflag:s3], $0x4000  }
0x35: {  	s15 =	sadd.s32 $0xFFFFFFFF, s15;
	[sflag:s3] =	ssyncset.done $0x0  }
.LBB2_1:
0x36: {  	p0 =	sne.s32 s15, $0x1;
	s15 =	sadd.s32 $0xFFFFFFFF, s15;
	[sflag:s3] =	ssyncadd.s32 $0xFFFFC000  }
0x37: {  	[tilespmem:s2], [sflag:$0x2] =	stream.linear.gather [hbm4b:s4+s2], $0x80, $0x38;
	[tilespmem:$0x4080] =	vst v63  }
0x38: {  	_ =	swait.ge [sflag:s3], $0x80  }
0x39: {  	[sflag:s3] =	ssyncset.done $0x0  }
0x3a: {  	[sflag:s3] =	ssyncadd.s32 $0xFFFFFF80  }
0x3b: {  	[tilespmem:s6], [sflag:$0x1] =	stream.indirect.gather [hbm4b:s5+s6], $0x80, s2, s6, $0xb8;
	[tilespmem:$0x4080] =	vst v63  }
0x3c: {  	_ =	swait.ge [sflag:s7], $0x4000  }
0x3d: {  	[sflag:s7] =	ssyncset.done $0x0  }
0x3e: {  	[sflag:s7] =	ssyncadd.s32 $0xFFFFC000  }
0x3f: {  	[hbm4b:s8+s2] =	stream.linear.scatter [tilespmem:s6], [sflag:$0x2], $0x4000, $0x38;
	[tilespmem:$0x4080] =	vst v63  }
0x40: {  	_ =	swait.ge [sflag:s3], $0x4000  }
0x41: {  	[sflag:s3] =	ssyncset.done $0x0  }
0x42: {  	[sflag:s3] =	ssyncadd.s32 $0xFFFFC000  }
0x43: {  	[tilespmem:s2], [sflag:$0x2] =	stream.linear.gather [hbm4b:s9+s2], $0x80, $0x38;
	[tilespmem:$0x4080] =	vst v63  }
0x44: {  	_ =	swait.ge [sflag:s3], $0x80  }
0x45: {  	[sflag:s3] =	ssyncset.done $0x0  }
0x46: {  	[sflag:s3] =	ssyncadd.s32 $0xFFFFFF80  }
0x47: {  	[tilespmem:s6], [sflag:$0x1] =	stream.indirect.gather [hbm4b:s5+s6], $0x80, s2, s6, $0xb8;
	[tilespmem:$0x4080] =	vst v63  }
0x48: {  	_ =	swait.ge [sflag:s7], $0x4000  }
0x49: {  	[sflag:s7] =	ssyncset.done $0x0  }
0x4a: {  	[sflag:s7] =	ssyncadd.s32 $0xFFFFC000  }
0x4b: {  	[hbm4b:s10+s2] =	stream.linear.scatter [tilespmem:s6], [sflag:$0x2], $0x4000, $0x38;
	[tilespmem:$0x4080] =	vst v63  }
0x4c: {  	_ =	swait.ge [sflag:s3], $0x4000  }
0x4d: {  	[sflag:s3] =	ssyncset.done $0x0  }
0x4e: {  	[sflag:s3] =	ssyncadd.s32 $0xFFFFC000  }
0x4f: {  	[tilespmem:s2], [sflag:$0x2] =	stream.linear.gather [hbm4b:s11+s2], $0x80, $0x38;
	[tilespmem:$0x4080] =	vst v63  }
0x50: {  	_ =	swait.ge [sflag:s3], $0x80  }
0x51: {  	[sflag:s3] =	ssyncset.done $0x0  }
0x52: {  	[sflag:s3] =	ssyncadd.s32 $0xFFFFFF80  }
0x53: {  	[tilespmem:s6], [sflag:$0x1] =	stream.indirect.gather [hbm4b:s5+s6], $0x80, s2, s6, $0xb8;
	[tilespmem:$0x4080] =	vst v63  }
0x54: {  	_ =	swait.ge [sflag:s7], $0x4000  }
0x55: {  	[sflag:s7] =	ssyncset.done $0x0  }
0x56: {  	[sflag:s7] =	ssyncadd.s32 $0xFFFFC000  }
0x57: {  	[hbm4b:s12+s2] =	stream.linear.scatter [tilespmem:s6], [sflag:$0x2], $0x4000, $0x38;
	[tilespmem:$0x4080] =	vst v63  }
0x58: {  	_ =	swait.ge [sflag:s3], $0x4000  }
0x59: {  	[sflag:s3] =	ssyncset.done $0x0  }
0x5a: {  	[sflag:s3] =	ssyncadd.s32 $0xFFFFC000  }
0x5b: {  	[tilespmem:s2], [sflag:$0x2] =	stream.linear.gather [hbm4b:s13+s2], $0x80, $0x38;
	[tilespmem:$0x4080] =	vst v63  }
0x5c: {  	_ =	swait.ge [sflag:s3], $0x80  }
0x5d: {  	[sflag:s3] =	ssyncset.done $0x0  }
0x5e: {  	[sflag:s3] =	ssyncadd.s32 $0xFFFFFF80  }
0x5f: {  	[tilespmem:s6], [sflag:$0x1] =	stream.indirect.gather [hbm4b:s5+s6], $0x80, s2, s6, $0xb8;
	[tilespmem:$0x4080] =	vst v63  }
0x60: {  	_ =	swait.ge [sflag:s7], $0x4000  }
.Ltmp1:
0x61: {  	[sflag:s7] =	ssyncset.done $0x0;
	(pc) =	sbr.rel @p0 .LBB2_1-.Ltmp1, $4  }
0x62: {  	[sflag:s7] =	ssyncadd.s32 $0xFFFFC000  }
0x63: {  	[hbm4b:s14+s2] =	stream.linear.scatter [tilespmem:s6], [sflag:$0x2], $0x4000, $0x38;
	[tilespmem:$0x4080] =	vst v63  }
0x64: {  	_ =	swait.ge [sflag:s3], $0x4000  }
0x65: {  	[sflag:s3] =	ssyncset.done $0x0  }
.LBB2_2:
0x66: {  	[sflag:s3] =	ssyncadd.s32 $0xFFFFC000  }
0x67: {  	_ =	sfence.sel $0x180000  }
0x68: {  	[bflag:$0x0] =	sbarrier.arrive $0xFFFF  }
0x69: {  	p0 =	sne.s32 s0, $0x0;
	_ =	strace $0x90000047  }
0x6a: {  	s0 =	sadd.s32 @!p0 $0x100000, s1;
	[bflag:$0x2] =	sbarrier.arrive $0xFFFF  }
0x6b: {  	[sflag:s0] =	ssyncadd.tile.s32 @!p0 $0x1;
	_ =	shalt  }
.Lfunc_end2:
_tile_overlayer_lowered:
.L_overlay_start_2:
0x6c: {  	(tag) =	ssettag $0x2  }
0x6d: {  	s0 =	rddreg [dreg:$0x0];
	s2 =	stileid.u32  }
0x6e: {  	s1 =	rddreg [dreg:$0x1];
	p0 =	sne.s32 s2, $0x0  }
0x6f: {  	s3 =	rddreg [dreg:$0x2];
	[bflag:$0x3] =	sbarrier.arrive $0xFFFF;
	s2 =	simm.s32 @!p0 $0x1C02  }
0x70: {  	[timem:s3], [sflag:s2] =	dma.local @!p0 [hbm:s0], s1  }
0x71: {  	s0 =	simm.s32 @!p0 $0x2  }
0x72: {  	_ =	swait.ge @!p0 [sflag:s0], s1  }
0x73: {  	s1 =	ssub.s32 @!p0 $0x0, s1;
	[sflag:s0] =	ssyncset.done @!p0 $0x0  }
0x74: {  	[sflag:s0] =	ssyncadd.s32 @!p0 s1  }
0x75: {  	[bflag:$0x3] =	sbarrier.arrive $0xFFFF  }
0x76: {  	_ =	shalt  }

</sc_bundles>
